<compile_context>
chip_gen: v7x
topology: tpu7x:2x2x1
jax: 0.10.2.dev20260603
libtpu: 0.0.44.dev20260713+nightly
codegen_flags: <defaults>
</compile_context>

<pallas_src>
import functools

import jax
import jax.numpy as jnp
from jax import lax
from jax.experimental import pallas as pl
from jax.experimental.pallas import tpu as pltpu
from jax.experimental.pallas import tpu_sc as plsc

_BATCH = 16384
_A = 1024
_SIZE = 64
_RANGE = 4.0
_H = 2.0 * _RANGE / (_SIZE - 1)
_INVH = 1.0 / _H

_NC = 2
_NS = 16
_NSTRIP = 8
_NGRP = 4
_AW = _A // _NSTRIP
_ROWS = _BATCH // _NGRP
_NB = 128
_NCHUNK = _ROWS // _NB
_NTAB = _AW * _SIZE
_TSTRIDE = _SIZE - 1

_mesh = plsc.VectorSubcoreMesh(core_axis_name="c", subcore_axis_name="s")


@functools.partial(
    pl.kernel,
    out_type=(
        jax.ShapeDtypeStruct((_BATCH, _A), jnp.float32),
        jax.ShapeDtypeStruct((_A, _BATCH), jnp.float32),
    ),
    mesh=_mesh,
    scratch_types=[
        pltpu.VMEM((_NTAB,), jnp.float32),
        pltpu.VMEM((_AW * _TSTRIDE,), jnp.float32),
        pltpu.VMEM((_AW * _TSTRIDE,), jnp.float32),
        pltpu.VMEM((_NB, _AW), jnp.float32),
        pltpu.VMEM((_NB, _AW), jnp.float32),
        pltpu.VMEM((_NB, _AW), jnp.float32),
        pltpu.VMEM((_NB, _AW), jnp.float32),
        pltpu.VMEM((_AW, _NB), jnp.float32),
        pltpu.VMEM((_AW, _NB), jnp.float32),
        pltpu.VMEM((_AW // 16 * 16 * 17,), jnp.float32),
        pltpu.SemaphoreType.DMA,
        pltpu.SemaphoreType.DMA,
        pltpu.SemaphoreType.DMA,
    ],
    compiler_params=pltpu.CompilerParams(needs_layout_passes=False),
)
def _spline_sc(x_hbm, cv_hbm, out_hbm, grad_hbm, ctab, atab, btab, xb0, xb1,
               ob0, ob1, gb0, gb1, sbuf, sem_x, sem_o0, sem_o1):
    wid = lax.axis_index("s") * _NC + lax.axis_index("c")
    s_col = wid % _NSTRIP
    g_row = wid // _NSTRIP
    a0 = s_col * _AW
    r0 = g_row * _ROWS
    xb = (xb0, xb1)
    ob = (ob0, ob1)
    gb = (gb0, gb1)
    sem_o = (sem_o0, sem_o1)

    def xsrc(ci):
        return x_hbm.at[pl.ds(r0 + ci * _NB, _NB), pl.ds(a0, _AW)]

    def odst(ci):
        return out_hbm.at[pl.ds(r0 + ci * _NB, _NB), pl.ds(a0, _AW)]

    def gdst(ci):
        return grad_hbm.at[pl.ds(a0, _AW), pl.ds(r0 + ci * _NB, _NB)]

    pltpu.async_copy(xsrc(0), xb0, sem_x)
    pltpu.sync_copy(cv_hbm.at[pl.ds(a0 * _SIZE, _NTAB)], ctab)

    iota = lax.iota(jnp.int32, 16)
    bases = [iota * _TSTRIDE + 16 * h * _TSTRIDE for h in range(_AW // 16)]
    iota17 = iota * 17

    @plsc.parallel_loop(0, _NTAB, 16, unroll=4)
    def _prep(k):
        c0 = ctab[pl.ds(k, 16)]
        kv = iota + k
        c1 = plsc.load_gather(ctab, [jnp.minimum(kv + 1, _NTAB - 1)])
        beta = (c1 - c0) * _INVH
        lane = kv & (_SIZE - 1)
        knot = lane.astype(jnp.float32) * _H - _RANGE
        dst = iota + (k - (k >> 6))
        msk = lane < (_SIZE - 1)
        plsc.store_scatter(btab, [dst], beta, mask=msk)
        plsc.store_scatter(atab, [dst], c0 - beta * knot, mask=msk)

    def pair_body(i, carry):
        for ph in range(2):
            ci = 2 * i + ph
            xb_c, ob_c, gb_c = xb[ph], ob[ph], gb[ph]
            pltpu.make_async_copy(xsrc(ci), xb_c, sem_x).wait()

            @pl.when(ci < _NCHUNK - 1)
            def _prefetch():
                pltpu.async_copy(xsrc(ci + 1), xb[1 - ph], sem_x)

            @pl.when(ci >= 2)
            def _drain():
                pltpu.make_async_copy(ob_c, odst(ci - 2), sem_o[ph]).wait()
                pltpu.make_async_copy(gb_c, gdst(ci - 2), sem_o[ph]).wait()

            def rb_body(rb, c2):
                rbase = rb * 16

                @plsc.parallel_loop(0, 16, 1, unroll=4)
                def _p1(r):
                    rr = rbase + r
                    sboff = r * 17
                    for h in range(_AW // 16):
                        v = xb_c[rr, pl.ds(16 * h, 16)]
                        t = v * _INVH + (_RANGE * _INVH)
                        t = jnp.minimum(jnp.maximum(t, 0.0), float(_SIZE - 2))
                        idx = t.astype(jnp.int32) + bases[h]
                        beta = plsc.load_gather(btab, [idx])
                        alpha = plsc.load_gather(atab, [idx])
                        ob_c[rr, pl.ds(16 * h, 16)] = alpha + beta * v
                        sbuf[pl.ds(h * 272 + sboff, 16)] = beta

                @plsc.parallel_loop(0, 16, 1, unroll=4)
                def _p2(c):
                    idx_c = iota17 + c
                    for h in range(_AW // 16):
                        col = plsc.load_gather(
                            sbuf.at[pl.ds(h * 272, 272)], [idx_c])
                        gb_c[16 * h + c, pl.ds(rbase, 16)] = col
                return c2

            lax.fori_loop(0, _NB // 16, rb_body, 0)

            pltpu.async_copy(ob_c, odst(ci), sem_o[ph])
            pltpu.async_copy(gb_c, gdst(ci), sem_o[ph])
        return carry

    lax.fori_loop(0, _NCHUNK // 2, pair_body, 0)
    for ci in (_NCHUNK - 2, _NCHUNK - 1):
        ph = ci % 2
        pltpu.make_async_copy(ob[ph], odst(ci), sem_o[ph]).wait()
        pltpu.make_async_copy(gb[ph], gdst(ci), sem_o[ph]).wait()


def kernel(x, coefficients_vect, nodal_val_loc_tensor, zero_knot_indexes):
    del nodal_val_loc_tensor, zero_knot_indexes
    return _spline_sc(x, coefficients_vect)

# --- scband reference (transcript-rebuilt; emitter-appended) ---
"""Pipeline reference for scband-linear-spline-slope-constrained-26714696581137 (READ-ONLY COPY).

The authoritative reference and input builder live on the scoring server;
editing this copy changes nothing except your own understanding.
"""

import jax, jax.numpy as jnp
import numpy as np

BATCH = 16384
NUM_ACT = 1024
SIZE = 64
RANGE = 4.0


def setup_inputs(seed: int = 0) -> dict:
    key = jax.random.key(seed)
    kx, = jax.random.split(key, 1)
    x = jax.random.normal(kx, (BATCH, NUM_ACT), dtype=jnp.float32)
    # uniform grid buffer: nodal value locations, shared across activations
    nodal_row = jnp.linspace(-RANGE, RANGE, SIZE, dtype=jnp.float32)
    nodal_val_loc_tensor = jnp.broadcast_to(nodal_row, (NUM_ACT, SIZE))
    # init == 'relu': coefficients = relu(nodal values), flattened parameter vector
    coefficients_vect = jax.nn.relu(nodal_val_loc_tensor).reshape(-1)
    # zero_knot_indexes: offset of each activation's block in the flat coeff vector
    zero_knot_indexes = (jnp.arange(NUM_ACT, dtype=jnp.int32) * SIZE)
    return {
        "x": x,
        "coefficients_vect": coefficients_vect,
        "nodal_val_loc_tensor": nodal_val_loc_tensor,
        "zero_knot_indexes": zero_knot_indexes,
    }


def reference(x, coefficients_vect, nodal_val_loc_tensor, zero_knot_indexes):
    # x: [B, A] (fc mode); transpose to [A, B] like x.squeeze(-1).squeeze(-1).transpose(0,1)
    xt = jnp.transpose(x, (1, 0))
    # torch.searchsorted(nodal, x) - 1, per activation row (default side='left')
    left_indices = jax.vmap(lambda a, v: jnp.searchsorted(a, v))(nodal_val_loc_tensor, xt) - 1
    left_indices = jnp.clip(left_indices, 0, SIZE - 2)
    left_values = jnp.take_along_axis(nodal_val_loc_tensor, left_indices, axis=1)
    right_values = jnp.take_along_axis(nodal_val_loc_tensor, left_indices + 1, axis=1)
    left_basis = (right_values - xt) / (right_values - left_values)
    index_coeffs = left_indices + zero_knot_indexes[:, None]
    activation_output = (coefficients_vect[index_coeffs] * left_basis
                         + coefficients_vect[index_coeffs + 1] * (1.0 - left_basis))
    activation_output = jnp.transpose(activation_output, (1, 0)).reshape(x.shape)
    grad_x_temp = ((coefficients_vect[index_coeffs + 1] - coefficients_vect[index_coeffs])
                   / (right_values - left_values))
    return (activation_output, grad_x_temp)

if __name__ == "__main__":
    import jax
    _d = setup_inputs()
    print(jax.jit(kernel)(*tuple(_d.values())))

</pallas_src>

<mosaic_0001>
#map = affine_map<(d0, d1) -> (0, 0)>
#map1 = affine_map<(d0, d1) -> (0)>
module attributes {stable_mosaic.version = 14 : i64} {
  func.func @_spline_sc(%arg0: i32, %arg1: i32, %arg2: memref<16384x1024xf32, #tpu.memory_space<hbm>>, %arg3: memref<65536xf32, #tpu.memory_space<hbm>>, %arg4: memref<16384x1024xf32, #tpu.memory_space<hbm>>, %arg5: memref<1024x16384xf32, #tpu.memory_space<hbm>>, %arg6: memref<8192xf32, #tpu.memory_space<vmem>>, %arg7: memref<8064xf32, #tpu.memory_space<vmem>>, %arg8: memref<8064xf32, #tpu.memory_space<vmem>>, %arg9: memref<128x128xf32, #tpu.memory_space<vmem>>, %arg10: memref<128x128xf32, #tpu.memory_space<vmem>>, %arg11: memref<128x128xf32, #tpu.memory_space<vmem>>, %arg12: memref<128x128xf32, #tpu.memory_space<vmem>>, %arg13: memref<128x128xf32, #tpu.memory_space<vmem>>, %arg14: memref<128x128xf32, #tpu.memory_space<vmem>>, %arg15: memref<2176xf32, #tpu.memory_space<vmem>>, %arg16: memref<!tpu.dma_semaphore, #tpu.memory_space<semaphore_mem>>, %arg17: memref<!tpu.dma_semaphore, #tpu.memory_space<semaphore_mem>>, %arg18: memref<!tpu.dma_semaphore, #tpu.memory_space<semaphore_mem>>) attributes {dimension_semantics = [#tpu.dimension_semantics<core_parallel>, #tpu.dimension_semantics<subcore_parallel>], iteration_bounds = array<i64: 2, 16>, scalar_prefetch = 0 : i64, scratch_operands = 13 : i64, tpu.core_type = #tpu.core_type<sc_vector_subcore>, window_params = [{transform_indices = #map}, {transform_indices = #map1}, {transform_indices = #map}, {transform_indices = #map}]} {
    %mul3A = arith.constant 2 : i32
    %mul3A_0 = arith.muli %arg1, %mul3A : i32
    %add3A = arith.addi %mul3A_0, %arg0 : i32
    %jit3A = arith.constant 8 : i32
    %eq3A = arith.constant 0 : i32
    %eq3A_1 = arith.cmpi eq, %jit3A, %eq3A : i32
    %jit3A_2 = arith.constant 1 : i32
    %select_n3A = arith.select %eq3A_1, %jit3A_2, %jit3A : i32
    %rem3A = arith.remsi %add3A, %select_n3A : i32
    %ne3A = arith.constant 0 : i32
    %ne3A_3 = arith.cmpi ne, %rem3A, %ne3A : i32
    %lt3A = arith.constant 0 : i32
    %lt3A_4 = arith.cmpi slt, %rem3A, %lt3A : i32
    %lt3A_5 = arith.constant 0 : i32
    %lt3A_6 = arith.cmpi slt, %select_n3A, %lt3A_5 : i32
    %ne3A_7 = arith.xori %lt3A_4, %lt3A_6 : i1
    %and3A = arith.andi %ne3A_7, %ne3A_3 : i1
    %add3A_8 = arith.addi %rem3A, %select_n3A : i32
    %select_n3A_9 = arith.select %and3A, %add3A_8, %rem3A : i32
    %jit3A_10 = arith.constant 8 : i32
    %div3A = arith.divsi %add3A, %jit3A_10 : i32
    %sign3A = arith.constant 0 : i32
    %sign3A_11 = arith.cmpi sgt, %add3A, %sign3A : i32
    %sign3A_12 = arith.extui %sign3A_11 : i1 to i32
    %sign3A_13 = arith.constant 0 : i32
    %sign3A_14 = arith.cmpi slt, %add3A, %sign3A_13 : i32
    %sign3A_15 = arith.extui %sign3A_14 : i1 to i32
    %sign3A_16 = arith.subi %sign3A_12, %sign3A_15 : i32
    %sign3A_17 = arith.constant 0 : i32
    %sign3A_18 = arith.cmpi sgt, %jit3A_10, %sign3A_17 : i32
    %sign3A_19 = arith.extui %sign3A_18 : i1 to i32
    %sign3A_20 = arith.constant 0 : i32
    %sign3A_21 = arith.cmpi slt, %jit3A_10, %sign3A_20 : i32
    %sign3A_22 = arith.extui %sign3A_21 : i1 to i32
    %sign3A_23 = arith.subi %sign3A_19, %sign3A_22 : i32
    %ne3A_24 = arith.cmpi ne, %sign3A_16, %sign3A_23 : i32
    %rem3A_25 = arith.remsi %add3A, %jit3A_10 : i32
    %ne3A_26 = arith.constant 0 : i32
    %ne3A_27 = arith.cmpi ne, %rem3A_25, %ne3A_26 : i32
    %and3A_28 = arith.andi %ne3A_24, %ne3A_27 : i1
    %sub3A = arith.constant 1 : i32
    %sub3A_29 = arith.subi %div3A, %sub3A : i32
    %select_n3A_30 = arith.select %and3A_28, %sub3A_29, %div3A : i32
    %mul3A_31 = arith.constant 128 : i32
    %mul3A_32 = arith.muli %select_n3A_9, %mul3A_31 : i32
    %mul3A_33 = arith.constant 4096 : i32
    %mul3A_34 = arith.muli %select_n3A_30, %mul3A_33 : i32
    %add3A_35 = arith.constant 0 : i32
    %add3A_36 = arith.addi %mul3A_34, %add3A_35 : i32
    %dma_start3A = tpu.memref_slice %arg2[%add3A_36, %mul3A_32] : memref<16384x1024xf32, #tpu.memory_space<hbm>> -> memref<128x128xf32, #tpu.memory_space<hbm>>
    %dma_start3A_37 = tpu.memref_slice %arg2[%add3A_36, %mul3A_32] : memref<16384x1024xf32, #tpu.memory_space<hbm>> -> memref<128x128xf32, #tpu.memory_space<hbm>>
    tpu.enqueue_dma source(%dma_start3A_37 : memref<128x128xf32, #tpu.memory_space<hbm>>) target(%arg9 : memref<128x128xf32, #tpu.memory_space<vmem>>) target_semaphore(%arg16 : memref<!tpu.dma_semaphore, #tpu.memory_space<semaphore_mem>>)
    %mul3A_38 = arith.constant 64 : i32
    %mul3A_39 = arith.muli %mul3A_32, %mul3A_38 : i32
    "tpu.region"() ({
      %run_scoped3A = tpu.sem_alloc : memref<!tpu.dma_semaphore, #tpu.memory_space<semaphore_mem>>
      %dma_start3A_113 = tpu.memref_slice %arg3[%mul3A_39] : memref<65536xf32, #tpu.memory_space<hbm>> -> memref<8192xf32, #tpu.memory_space<hbm>>
      %dma_start3A_114 = tpu.memref_slice %arg3[%mul3A_39] : memref<65536xf32, #tpu.memory_space<hbm>> -> memref<8192xf32, #tpu.memory_space<hbm>>
      tpu.enqueue_dma source(%dma_start3A_114 : memref<8192xf32, #tpu.memory_space<hbm>>) target(%arg6 : memref<8192xf32, #tpu.memory_space<vmem>>) target_semaphore(%run_scoped3A : memref<!tpu.dma_semaphore, #tpu.memory_space<semaphore_mem>>)
      %dma_wait3A_115 = tpu.memref_slice %arg3[%mul3A_39] : memref<65536xf32, #tpu.memory_space<hbm>> -> memref<8192xf32, #tpu.memory_space<hbm>>
      %dma_wait3A_116 = tpu.memref_slice %arg3[%mul3A_39] : memref<65536xf32, #tpu.memory_space<hbm>> -> memref<8192xf32, #tpu.memory_space<hbm>>
      tpu.wait_dma2 semaphore(%run_scoped3A : memref<!tpu.dma_semaphore, #tpu.memory_space<semaphore_mem>>) src(%dma_wait3A_116 : memref<8192xf32, #tpu.memory_space<hbm>>) dst(%arg6 : memref<8192xf32, #tpu.memory_space<vmem>>)
      tpu.yield
    }) : () -> ()
    %iota3A = tpu.iota {dimensions = array<i32: 0>} : vector<16xi32>
    %mul3A_40 = arith.constant 63 : i32
    %mul3A_41 = vector.broadcast %mul3A_40 : i32 to vector<16xi32>
    %mul3A_42 = arith.muli %iota3A, %mul3A_41 : vector<16xi32>
    %add3A_43 = arith.constant 0 : i32
    %add3A_44 = vector.broadcast %add3A_43 : i32 to vector<16xi32>
    %add3A_45 = arith.addi %mul3A_42, %add3A_44 : vector<16xi32>
    %mul3A_46 = arith.constant 63 : i32
    %mul3A_47 = vector.broadcast %mul3A_46 : i32 to vector<16xi32>
    %mul3A_48 = arith.muli %iota3A, %mul3A_47 : vector<16xi32>
    %add3A_49 = arith.constant 1008 : i32
    %add3A_50 = vector.broadcast %add3A_49 : i32 to vector<16xi32>
    %add3A_51 = arith.addi %mul3A_48, %add3A_50 : vector<16xi32>
    %mul3A_52 = arith.constant 63 : i32
    %mul3A_53 = vector.broadcast %mul3A_52 : i32 to vector<16xi32>
    %mul3A_54 = arith.muli %iota3A, %mul3A_53 : vector<16xi32>
    %add3A_55 = arith.constant 2016 : i32
    %add3A_56 = vector.broadcast %add3A_55 : i32 to vector<16xi32>
    %add3A_57 = arith.addi %mul3A_54, %add3A_56 : vector<16xi32>
    %mul3A_58 = arith.constant 63 : i32
    %mul3A_59 = vector.broadcast %mul3A_58 : i32 to vector<16xi32>
    %mul3A_60 = arith.muli %iota3A, %mul3A_59 : vector<16xi32>
    %add3A_61 = arith.constant 3024 : i32
    %add3A_62 = vector.broadcast %add3A_61 : i32 to vector<16xi32>
    %add3A_63 = arith.addi %mul3A_60, %add3A_62 : vector<16xi32>
    %mul3A_64 = arith.constant 63 : i32
    %mul3A_65 = vector.broadcast %mul3A_64 : i32 to vector<16xi32>
    %mul3A_66 = arith.muli %iota3A, %mul3A_65 : vector<16xi32>
    %add3A_67 = arith.constant 4032 : i32
    %add3A_68 = vector.broadcast %add3A_67 : i32 to vector<16xi32>
    %add3A_69 = arith.addi %mul3A_66, %add3A_68 : vector<16xi32>
    %mul3A_70 = arith.constant 63 : i32
    %mul3A_71 = vector.broadcast %mul3A_70 : i32 to vector<16xi32>
    %mul3A_72 = arith.muli %iota3A, %mul3A_71 : vector<16xi32>
    %add3A_73 = arith.constant 5040 : i32
    %add3A_74 = vector.broadcast %add3A_73 : i32 to vector<16xi32>
    %add3A_75 = arith.addi %mul3A_72, %add3A_74 : vector<16xi32>
    %mul3A_76 = arith.constant 63 : i32
    %mul3A_77 = vector.broadcast %mul3A_76 : i32 to vector<16xi32>
    %mul3A_78 = arith.muli %iota3A, %mul3A_77 : vector<16xi32>
    %add3A_79 = arith.constant 6048 : i32
    %add3A_80 = vector.broadcast %add3A_79 : i32 to vector<16xi32>
    %add3A_81 = arith.addi %mul3A_78, %add3A_80 : vector<16xi32>
    %mul3A_82 = arith.constant 63 : i32
    %mul3A_83 = vector.broadcast %mul3A_82 : i32 to vector<16xi32>
    %mul3A_84 = arith.muli %iota3A, %mul3A_83 : vector<16xi32>
    %add3A_85 = arith.constant 7056 : i32
    %add3A_86 = vector.broadcast %add3A_85 : i32 to vector<16xi32>
    %add3A_87 = arith.addi %mul3A_84, %add3A_86 : vector<16xi32>
    %mul3A_88 = arith.constant 17 : i32
    %mul3A_89 = vector.broadcast %mul3A_88 : i32 to vector<16xi32>
    %mul3A_90 = arith.muli %iota3A, %mul3A_89 : vector<16xi32>
    %parallel_loop3A = arith.constant 0 : i32
    %parallel_loop3A_91 = arith.constant 8192 : i32
    %parallel_loop3A_92 = arith.constant 16 : i32
    scf.for %parallel_loop3A_113 = %parallel_loop3A to %parallel_loop3A_91 step %parallel_loop3A_92  : i32 {
      %parallel_loop3A_114 = arith.index_cast %parallel_loop3A_113 : i32 to index
      %parallel_loop3A_115 = tpu.vector_load %arg6[%parallel_loop3A_114] {strides = array<i32>} : memref<8192xf32, #tpu.memory_space<vmem>>, vector<16xf32>,
      %parallel_loop3A_116 = vector.broadcast %parallel_loop3A_113 : i32 to vector<16xi32>
      %parallel_loop3A_117 = arith.addi %iota3A, %parallel_loop3A_116 : vector<16xi32>
      %parallel_loop3A_118 = arith.constant 1 : i32
      %parallel_loop3A_119 = vector.broadcast %parallel_loop3A_118 : i32 to vector<16xi32>
      %parallel_loop3A_120 = arith.addi %parallel_loop3A_117, %parallel_loop3A_119 : vector<16xi32>
      %parallel_loop3A_121 = arith.constant 8191 : i32
      %parallel_loop3A_122 = vector.broadcast %parallel_loop3A_121 : i32 to vector<16xi32>
      %parallel_loop3A_123 = arith.minsi %parallel_loop3A_120, %parallel_loop3A_122 : vector<16xi32>
      %parallel_loop3A_124 = tpu.vector_load_idx %arg6[%parallel_loop3A_123] : memref<8192xf32, #tpu.memory_space<vmem>>[vector<16xi32>], vector<16xf32>,
      %parallel_loop3A_125 = arith.subf %parallel_loop3A_124, %parallel_loop3A_115 : vector<16xf32>
      %parallel_loop3A_126 = arith.constant 7.875000e+00 : f32
      %parallel_loop3A_127 = vector.broadcast %parallel_loop3A_126 : f32 to vector<16xf32>
      %parallel_loop3A_128 = arith.mulf %parallel_loop3A_125, %parallel_loop3A_127 : vector<16xf32>
      %parallel_loop3A_129 = arith.constant 63 : i32
      %parallel_loop3A_130 = vector.broadcast %parallel_loop3A_129 : i32 to vector<16xi32>
      %parallel_loop3A_131 = arith.andi %parallel_loop3A_117, %parallel_loop3A_130 : vector<16xi32>
      %parallel_loop3A_132 = arith.sitofp %parallel_loop3A_131 : vector<16xi32> to vector<16xf32>
      %parallel_loop3A_133 = arith.constant 0.126984134 : f32
      %parallel_loop3A_134 = vector.broadcast %parallel_loop3A_133 : f32 to vector<16xf32>
      %parallel_loop3A_135 = arith.mulf %parallel_loop3A_132, %parallel_loop3A_134 : vector<16xf32>
      %parallel_loop3A_136 = arith.constant 4.000000e+00 : f32
      %parallel_loop3A_137 = vector.broadcast %parallel_loop3A_136 : f32 to vector<16xf32>
      %parallel_loop3A_138 = arith.subf %parallel_loop3A_135, %parallel_loop3A_137 : vector<16xf32>
      %parallel_loop3A_139 = arith.constant 6 : i32
      %parallel_loop3A_140 = arith.shrsi %parallel_loop3A_113, %parallel_loop3A_139 : i32
      %parallel_loop3A_141 = arith.subi %parallel_loop3A_113, %parallel_loop3A_140 : i32
      %parallel_loop3A_142 = vector.broadcast %parallel_loop3A_141 : i32 to vector<16xi32>
      %parallel_loop3A_143 = arith.addi %iota3A, %parallel_loop3A_142 : vector<16xi32>
      %parallel_loop3A_144 = arith.constant 63 : i32
      %parallel_loop3A_145 = vector.broadcast %parallel_loop3A_144 : i32 to vector<16xi32>
      %parallel_loop3A_146 = arith.cmpi slt, %parallel_loop3A_131, %parallel_loop3A_145 : vector<16xi32>
      tpu.vector_store_idx %arg8[%parallel_loop3A_143], %parallel_loop3A_128 masked %parallel_loop3A_146 : memref<8064xf32, #tpu.memory_space<vmem>>[vector<16xi32>], vector<16xf32>, vector<16xi1>
      %parallel_loop3A_147 = arith.mulf %parallel_loop3A_128, %parallel_loop3A_138 : vector<16xf32>
      %parallel_loop3A_148 = arith.subf %parallel_loop3A_115, %parallel_loop3A_147 : vector<16xf32>
      tpu.vector_store_idx %arg7[%parallel_loop3A_143], %parallel_loop3A_148 masked %parallel_loop3A_146 : memref<8064xf32, #tpu.memory_space<vmem>>[vector<16xi32>], vector<16xf32>, vector<16xi1>
    } {sc.loop_unroll_factor = 4 : i64, sc.parallel_access}
    %scan3A = arith.constant 0 : i32
    %scan3A_93 = arith.constant 0 : i32
    %scan3A_94 = arith.constant 16 : i32
    %scan3A_95 = arith.addi %scan3A_93, %scan3A_94 : i32
    %scan3A_96 = arith.constant 1 : i32
    scf.for %scan3A_113 = %scan3A_93 to %scan3A_95 step %scan3A_96  : i32 {
      %mul3A_114 = arith.constant 2 : i32
      %mul3A_115 = arith.muli %mul3A_114, %scan3A_113 : i32
      %add3A_116 = arith.constant 0 : i32
      %add3A_117 = arith.addi %mul3A_115, %add3A_116 : i32
      %mul3A_118 = arith.constant 128 : i32
      %mul3A_119 = arith.muli %add3A_117, %mul3A_118 : i32
      %add3A_120 = arith.addi %mul3A_34, %mul3A_119 : i32
      %dma_wait3A_121 = tpu.memref_slice %arg2[%add3A_120, %mul3A_32] : memref<16384x1024xf32, #tpu.memory_space<hbm>> -> memref<128x128xf32, #tpu.memory_space<hbm>>
      %dma_wait3A_122 = tpu.memref_slice %arg2[%add3A_120, %mul3A_32] : memref<16384x1024xf32, #tpu.memory_space<hbm>> -> memref<128x128xf32, #tpu.memory_space<hbm>>
      tpu.wait_dma2 semaphore(%arg16 : memref<!tpu.dma_semaphore, #tpu.memory_space<semaphore_mem>>) src(%dma_wait3A_122 : memref<128x128xf32, #tpu.memory_space<hbm>>) dst(%arg9 : memref<128x128xf32, #tpu.memory_space<vmem>>)
      %lt3A_123 = arith.constant 31 : i32
      %lt3A_124 = arith.cmpi slt, %add3A_117, %lt3A_123 : i32
      %convert_element_type3A = arith.extui %lt3A_124 : i1 to i32
      %cond3A = arith.constant 0 : i32
      %cond3A_125 = arith.cmpi ne, %convert_element_type3A, %cond3A : i32
      scf.if %cond3A_125 {
        %add3A_181 = arith.constant 1 : i32
        %add3A_182 = arith.addi %add3A_117, %add3A_181 : i32
        %mul3A_183 = arith.constant 128 : i32
        %mul3A_184 = arith.muli %add3A_182, %mul3A_183 : i32
        %add3A_185 = arith.addi %mul3A_34, %mul3A_184 : i32
        %dma_start3A_186 = tpu.memref_slice %arg2[%add3A_185, %mul3A_32] : memref<16384x1024xf32, #tpu.memory_space<hbm>> -> memref<128x128xf32, #tpu.memory_space<hbm>>
        %dma_start3A_187 = tpu.memref_slice %arg2[%add3A_185, %mul3A_32] : memref<16384x1024xf32, #tpu.memory_space<hbm>> -> memref<128x128xf32, #tpu.memory_space<hbm>>
        tpu.enqueue_dma source(%dma_start3A_187 : memref<128x128xf32, #tpu.memory_space<hbm>>) target(%arg10 : memref<128x128xf32, #tpu.memory_space<vmem>>) target_semaphore(%arg16 : memref<!tpu.dma_semaphore, #tpu.memory_space<semaphore_mem>>)
      } else {
      }
      %ge3A = arith.constant 2 : i32
      %ge3A_126 = arith.cmpi sge, %add3A_117, %ge3A : i32
      %convert_element_type3A_127 = arith.extui %ge3A_126 : i1 to i32
      %cond3A_128 = arith.constant 0 : i32
      %cond3A_129 = arith.cmpi ne, %convert_element_type3A_127, %cond3A_128 : i32
      scf.if %cond3A_129 {
        %sub3A_181 = arith.constant 2 : i32
        %sub3A_182 = arith.subi %add3A_117, %sub3A_181 : i32
        %mul3A_183 = arith.constant 128 : i32
        %mul3A_184 = arith.muli %sub3A_182, %mul3A_183 : i32
        %add3A_185 = arith.addi %mul3A_34, %mul3A_184 : i32
        %dma_wait3A_186 = tpu.memref_slice %arg4[%add3A_185, %mul3A_32] : memref<16384x1024xf32, #tpu.memory_space<hbm>> -> memref<128x128xf32, #tpu.memory_space<hbm>>
        %dma_wait3A_187 = tpu.memref_slice %arg4[%add3A_185, %mul3A_32] : memref<16384x1024xf32, #tpu.memory_space<hbm>> -> memref<128x128xf32, #tpu.memory_space<hbm>>
        tpu.wait_dma2 semaphore(%arg17 : memref<!tpu.dma_semaphore, #tpu.memory_space<semaphore_mem>>) src(%arg11 : memref<128x128xf32, #tpu.memory_space<vmem>>) dst(%dma_wait3A_187 : memref<128x128xf32, #tpu.memory_space<hbm>>)
        %sub3A_188 = arith.constant 2 : i32
        %sub3A_189 = arith.subi %add3A_117, %sub3A_188 : i32
        %mul3A_190 = arith.constant 128 : i32
        %mul3A_191 = arith.muli %sub3A_189, %mul3A_190 : i32
        %add3A_192 = arith.addi %mul3A_34, %mul3A_191 : i32
        %dma_wait3A_193 = tpu.memref_slice %arg5[%mul3A_32, %add3A_192] : memref<1024x16384xf32, #tpu.memory_space<hbm>> -> memref<128x128xf32, #tpu.memory_space<hbm>>
        %dma_wait3A_194 = tpu.memref_slice %arg5[%mul3A_32, %add3A_192] : memref<1024x16384xf32, #tpu.memory_space<hbm>> -> memref<128x128xf32, #tpu.memory_space<hbm>>
        tpu.wait_dma2 semaphore(%arg17 : memref<!tpu.dma_semaphore, #tpu.memory_space<semaphore_mem>>) src(%arg13 : memref<128x128xf32, #tpu.memory_space<vmem>>) dst(%dma_wait3A_194 : memref<128x128xf32, #tpu.memory_space<hbm>>)
      } else {
      }
      %scan3A_130 = arith.constant 0 : i32
      %scan3A_131 = arith.constant 0 : i32
      %scan3A_132 = arith.constant 8 : i32
      %scan3A_133 = arith.addi %scan3A_131, %scan3A_132 : i32
      %scan3A_134 = arith.constant 1 : i32
      scf.for %scan3A_181 = %scan3A_131 to %scan3A_133 step %scan3A_134  : i32 {
        %mul3A_182 = arith.constant 16 : i32
        %mul3A_183 = arith.muli %scan3A_181, %mul3A_182 : i32
        %parallel_loop3A_184 = arith.constant 0 : i32
        %parallel_loop3A_185 = arith.constant 16 : i32
        %parallel_loop3A_186 = arith.constant 1 : i32
        scf.for %parallel_loop3A_190 = %parallel_loop3A_184 to %parallel_loop3A_185 step %parallel_loop3A_186  : i32 {
          %parallel_loop3A_191 = arith.addi %mul3A_183, %parallel_loop3A_190 : i32
          %parallel_loop3A_192 = arith.constant 17 : i32
          %parallel_loop3A_193 = arith.muli %parallel_loop3A_190, %parallel_loop3A_192 : i32
          %parallel_loop3A_194 = arith.index_cast %parallel_loop3A_191 : i32 to index
          %parallel_loop3A_195 = arith.constant 0 : index
          %parallel_loop3A_196 = tpu.vector_load %arg9[%parallel_loop3A_194, %parallel_loop3A_195] {strides = array<i32>} : memref<128x128xf32, #tpu.memory_space<vmem>>, vector<16xf32>,
          %parallel_loop3A_197 = arith.constant 7.875000e+00 : f32
          %parallel_loop3A_198 = vector.broadcast %parallel_loop3A_197 : f32 to vector<16xf32>
          %parallel_loop3A_199 = arith.mulf %parallel_loop3A_196, %parallel_loop3A_198 : vector<16xf32>
          %parallel_loop3A_200 = arith.constant 3.150000e+01 : f32
          %parallel_loop3A_201 = vector.broadcast %parallel_loop3A_200 : f32 to vector<16xf32>
          %parallel_loop3A_202 = arith.addf %parallel_loop3A_199, %parallel_loop3A_201 : vector<16xf32>
          %parallel_loop3A_203 = arith.constant 0.000000e+00 : f32
          %parallel_loop3A_204 = vector.broadcast %parallel_loop3A_203 : f32 to vector<16xf32>
          %parallel_loop3A_205 = arith.maximumf %parallel_loop3A_202, %parallel_loop3A_204 : vector<16xf32>
          %parallel_loop3A_206 = arith.constant 6.200000e+01 : f32
          %parallel_loop3A_207 = vector.broadcast %parallel_loop3A_206 : f32 to vector<16xf32>
          %parallel_loop3A_208 = arith.minimumf %parallel_loop3A_205, %parallel_loop3A_207 : vector<16xf32>
          %parallel_loop3A_209 = arith.fptosi %parallel_loop3A_208 : vector<16xf32> to vector<16xi32>
          %parallel_loop3A_210 = arith.addi %parallel_loop3A_209, %add3A_45 : vector<16xi32>
          %parallel_loop3A_211 = tpu.vector_load_idx %arg8[%parallel_loop3A_210] : memref<8064xf32, #tpu.memory_space<vmem>>[vector<16xi32>], vector<16xf32>,
          %parallel_loop3A_212 = tpu.vector_load_idx %arg7[%parallel_loop3A_210] : memref<8064xf32, #tpu.memory_space<vmem>>[vector<16xi32>], vector<16xf32>,
          %parallel_loop3A_213 = arith.mulf %parallel_loop3A_211, %parallel_loop3A_196 : vector<16xf32>
          %parallel_loop3A_214 = arith.addf %parallel_loop3A_212, %parallel_loop3A_213 : vector<16xf32>
          %parallel_loop3A_215 = arith.index_cast %parallel_loop3A_191 : i32 to index
          %parallel_loop3A_216 = arith.constant 0 : index
          %parallel_loop3A_217 = tpu.vector_load %arg11[%parallel_loop3A_215, %parallel_loop3A_216] {strides = array<i32>} : memref<128x128xf32, #tpu.memory_space<vmem>>, vector<16xf32>,
          tpu.vector_store %arg11[%parallel_loop3A_215, %parallel_loop3A_216], %parallel_loop3A_214 {strides = array<i32>} : memref<128x128xf32, #tpu.memory_space<vmem>>, vector<16xf32>,
          %parallel_loop3A_218 = arith.constant 0 : i32
          %parallel_loop3A_219 = arith.addi %parallel_loop3A_218, %parallel_loop3A_193 : i32
          %parallel_loop3A_220 = arith.index_cast %parallel_loop3A_219 : i32 to index
          %parallel_loop3A_221 = tpu.vector_load %arg15[%parallel_loop3A_220] {strides = array<i32>} : memref<2176xf32, #tpu.memory_space<vmem>>, vector<16xf32>,
          tpu.vector_store %arg15[%parallel_loop3A_220], %parallel_loop3A_211 {strides = array<i32>} : memref<2176xf32, #tpu.memory_space<vmem>>, vector<16xf32>,
          %parallel_loop3A_222 = arith.index_cast %parallel_loop3A_191 : i32 to index
          %parallel_loop3A_223 = arith.constant 16 : index
          %parallel_loop3A_224 = tpu.vector_load %arg9[%parallel_loop3A_222, %parallel_loop3A_223] {strides = array<i32>} : memref<128x128xf32, #tpu.memory_space<vmem>>, vector<16xf32>,
          %parallel_loop3A_225 = arith.constant 7.875000e+00 : f32
          %parallel_loop3A_226 = vector.broadcast %parallel_loop3A_225 : f32 to vector<16xf32>
          %parallel_loop3A_227 = arith.mulf %parallel_loop3A_224, %parallel_loop3A_226 : vector<16xf32>
          %parallel_loop3A_228 = arith.constant 3.150000e+01 : f32
          %parallel_loop3A_229 = vector.broadcast %parallel_loop3A_228 : f32 to vector<16xf32>
          %parallel_loop3A_230 = arith.addf %parallel_loop3A_227, %parallel_loop3A_229 : vector<16xf32>
          %parallel_loop3A_231 = arith.constant 0.000000e+00 : f32
          %parallel_loop3A_232 = vector.broadcast %parallel_loop3A_231 : f32 to vector<16xf32>
          %parallel_loop3A_233 = arith.maximumf %parallel_loop3A_230, %parallel_loop3A_232 : vector<16xf32>
          %parallel_loop3A_234 = arith.constant 6.200000e+01 : f32
          %parallel_loop3A_235 = vector.broadcast %parallel_loop3A_234 : f32 to vector<16xf32>
          %parallel_loop3A_236 = arith.minimumf %parallel_loop3A_233, %parallel_loop3A_235 : vector<16xf32>
          %parallel_loop3A_237 = arith.fptosi %parallel_loop3A_236 : vector<16xf32> to vector<16xi32>
          %parallel_loop3A_238 = arith.addi %parallel_loop3A_237, %add3A_51 : vector<16xi32>
          %parallel_loop3A_239 = tpu.vector_load_idx %arg8[%parallel_loop3A_238] : memref<8064xf32, #tpu.memory_space<vmem>>[vector<16xi32>], vector<16xf32>,
          %parallel_loop3A_240 = tpu.vector_load_idx %arg7[%parallel_loop3A_238] : memref<8064xf32, #tpu.memory_space<vmem>>[vector<16xi32>], vector<16xf32>,
          %parallel_loop3A_241 = arith.mulf %parallel_loop3A_239, %parallel_loop3A_224 : vector<16xf32>
          %parallel_loop3A_242 = arith.addf %parallel_loop3A_240, %parallel_loop3A_241 : vector<16xf32>
          %parallel_loop3A_243 = arith.index_cast %parallel_loop3A_191 : i32 to index
          %parallel_loop3A_244 = arith.constant 16 : index
          %parallel_loop3A_245 = tpu.vector_load %arg11[%parallel_loop3A_243, %parallel_loop3A_244] {strides = array<i32>} : memref<128x128xf32, #tpu.memory_space<vmem>>, vector<16xf32>,
          tpu.vector_store %arg11[%parallel_loop3A_243, %parallel_loop3A_244], %parallel_loop3A_242 {strides = array<i32>} : memref<128x128xf32, #tpu.memory_space<vmem>>, vector<16xf32>,
          %parallel_loop3A_246 = arith.constant 272 : i32
          %parallel_loop3A_247 = arith.addi %parallel_loop3A_246, %parallel_loop3A_193 : i32
          %parallel_loop3A_248 = arith.index_cast %parallel_loop3A_247 : i32 to index
          %parallel_loop3A_249 = tpu.vector_load %arg15[%parallel_loop3A_248] {strides = array<i32>} : memref<2176xf32, #tpu.memory_space<vmem>>, vector<16xf32>,
          tpu.vector_store %arg15[%parallel_loop3A_248], %parallel_loop3A_239 {strides = array<i32>} : memref<2176xf32, #tpu.memory_space<vmem>>, vector<16xf32>,
          %parallel_loop3A_250 = arith.index_cast %parallel_loop3A_191 : i32 to index
          %parallel_loop3A_251 = arith.constant 32 : index
          %parallel_loop3A_252 = tpu.vector_load %arg9[%parallel_loop3A_250, %parallel_loop3A_251] {strides = array<i32>} : memref<128x128xf32, #tpu.memory_space<vmem>>, vector<16xf32>,
          %parallel_loop3A_253 = arith.constant 7.875000e+00 : f32
          %parallel_loop3A_254 = vector.broadcast %parallel_loop3A_253 : f32 to vector<16xf32>
          %parallel_loop3A_255 = arith.mulf %parallel_loop3A_252, %parallel_loop3A_254 : vector<16xf32>
          %parallel_loop3A_256 = arith.constant 3.150000e+01 : f32
          %parallel_loop3A_257 = vector.broadcast %parallel_loop3A_256 : f32 to vector<16xf32>
          %parallel_loop3A_258 = arith.addf %parallel_loop3A_255, %parallel_loop3A_257 : vector<16xf32>
          %parallel_loop3A_259 = arith.constant 0.000000e+00 : f32
          %parallel_loop3A_260 = vector.broadcast %parallel_loop3A_259 : f32 to vector<16xf32>
          %parallel_loop3A_261 = arith.maximumf %parallel_loop3A_258, %parallel_loop3A_260 : vector<16xf32>
          %parallel_loop3A_262 = arith.constant 6.200000e+01 : f32
          %parallel_loop3A_263 = vector.broadcast %parallel_loop3A_262 : f32 to vector<16xf32>
          %parallel_loop3A_264 = arith.minimumf %parallel_loop3A_261, %parallel_loop3A_263 : vector<16xf32>
          %parallel_loop3A_265 = arith.fptosi %parallel_loop3A_264 : vector<16xf32> to vector<16xi32>
          %parallel_loop3A_266 = arith.addi %parallel_loop3A_265, %add3A_57 : vector<16xi32>
          %parallel_loop3A_267 = tpu.vector_load_idx %arg8[%parallel_loop3A_266] : memref<8064xf32, #tpu.memory_space<vmem>>[vector<16xi32>], vector<16xf32>,
          %parallel_loop3A_268 = tpu.vector_load_idx %arg7[%parallel_loop3A_266] : memref<8064xf32, #tpu.memory_space<vmem>>[vector<16xi32>], vector<16xf32>,
          %parallel_loop3A_269 = arith.mulf %parallel_loop3A_267, %parallel_loop3A_252 : vector<16xf32>
          %parallel_loop3A_270 = arith.addf %parallel_loop3A_268, %parallel_loop3A_269 : vector<16xf32>
          %parallel_loop3A_271 = arith.index_cast %parallel_loop3A_191 : i32 to index
          %parallel_loop3A_272 = arith.constant 32 : index
          %parallel_loop3A_273 = tpu.vector_load %arg11[%parallel_loop3A_271, %parallel_loop3A_272] {strides = array<i32>} : memref<128x128xf32, #tpu.memory_space<vmem>>, vector<16xf32>,
          tpu.vector_store %arg11[%parallel_loop3A_271, %parallel_loop3A_272], %parallel_loop3A_270 {strides = array<i32>} : memref<128x128xf32, #tpu.memory_space<vmem>>, vector<16xf32>,
          %parallel_loop3A_274 = arith.constant 544 : i32
          %parallel_loop3A_275 = arith.addi %parallel_loop3A_274, %parallel_loop3A_193 : i32
          %parallel_loop3A_276 = arith.index_cast %parallel_loop3A_275 : i32 to index
          %parallel_loop3A_277 = tpu.vector_load %arg15[%parallel_loop3A_276] {strides = array<i32>} : memref<2176xf32, #tpu.memory_space<vmem>>, vector<16xf32>,
          tpu.vector_store %arg15[%parallel_loop3A_276], %parallel_loop3A_267 {strides = array<i32>} : memref<2176xf32, #tpu.memory_space<vmem>>, vector<16xf32>,
          %parallel_loop3A_278 = arith.index_cast %parallel_loop3A_191 : i32 to index
          %parallel_loop3A_279 = arith.constant 48 : index
          %parallel_loop3A_280 = tpu.vector_load %arg9[%parallel_loop3A_278, %parallel_loop3A_279] {strides = array<i32>} : memref<128x128xf32, #tpu.memory_space<vmem>>, vector<16xf32>,
          %parallel_loop3A_281 = arith.constant 7.875000e+00 : f32
          %parallel_loop3A_282 = vector.broadcast %parallel_loop3A_281 : f32 to vector<16xf32>
          %parallel_loop3A_283 = arith.mulf %parallel_loop3A_280, %parallel_loop3A_282 : vector<16xf32>
          %parallel_loop3A_284 = arith.constant 3.150000e+01 : f32
          %parallel_loop3A_285 = vector.broadcast %parallel_loop3A_284 : f32 to vector<16xf32>
          %parallel_loop3A_286 = arith.addf %parallel_loop3A_283, %parallel_loop3A_285 : vector<16xf32>
          %parallel_loop3A_287 = arith.constant 0.000000e+00 : f32
          %parallel_loop3A_288 = vector.broadcast %parallel_loop3A_287 : f32 to vector<16xf32>
          %parallel_loop3A_289 = arith.maximumf %parallel_loop3A_286, %parallel_loop3A_288 : vector<16xf32>
          %parallel_loop3A_290 = arith.constant 6.200000e+01 : f32
          %parallel_loop3A_291 = vector.broadcast %parallel_loop3A_290 : f32 to vector<16xf32>
          %parallel_loop3A_292 = arith.minimumf %parallel_loop3A_289, %parallel_loop3A_291 : vector<16xf32>
          %parallel_loop3A_293 = arith.fptosi %parallel_loop3A_292 : vector<16xf32> to vector<16xi32>
          %parallel_loop3A_294 = arith.addi %parallel_loop3A_293, %add3A_63 : vector<16xi32>
          %parallel_loop3A_295 = tpu.vector_load_idx %arg8[%parallel_loop3A_294] : memref<8064xf32, #tpu.memory_space<vmem>>[vector<16xi32>], vector<16xf32>,
          %parallel_loop3A_296 = tpu.vector_load_idx %arg7[%parallel_loop3A_294] : memref<8064xf32, #tpu.memory_space<vmem>>[vector<16xi32>], vector<16xf32>,
          %parallel_loop3A_297 = arith.mulf %parallel_loop3A_295, %parallel_loop3A_280 : vector<16xf32>
          %parallel_loop3A_298 = arith.addf %parallel_loop3A_296, %parallel_loop3A_297 : vector<16xf32>
          %parallel_loop3A_299 = arith.index_cast %parallel_loop3A_191 : i32 to index
          %parallel_loop3A_300 = arith.constant 48 : index
          %parallel_loop3A_301 = tpu.vector_load %arg11[%parallel_loop3A_299, %parallel_loop3A_300] {strides = array<i32>} : memref<128x128xf32, #tpu.memory_space<vmem>>, vector<16xf32>,
          tpu.vector_store %arg11[%parallel_loop3A_299, %parallel_loop3A_300], %parallel_loop3A_298 {strides = array<i32>} : memref<128x128xf32, #tpu.memory_space<vmem>>, vector<16xf32>,
          %parallel_loop3A_302 = arith.constant 816 : i32
          %parallel_loop3A_303 = arith.addi %parallel_loop3A_302, %parallel_loop3A_193 : i32
          %parallel_loop3A_304 = arith.index_cast %parallel_loop3A_303 : i32 to index
          %parallel_loop3A_305 = tpu.vector_load %arg15[%parallel_loop3A_304] {strides = array<i32>} : memref<2176xf32, #tpu.memory_space<vmem>>, vector<16xf32>,
          tpu.vector_store %arg15[%parallel_loop3A_304], %parallel_loop3A_295 {strides = array<i32>} : memref<2176xf32, #tpu.memory_space<vmem>>, vector<16xf32>,
          %parallel_loop3A_306 = arith.index_cast %parallel_loop3A_191 : i32 to index
          %parallel_loop3A_307 = arith.constant 64 : index
          %parallel_loop3A_308 = tpu.vector_load %arg9[%parallel_loop3A_306, %parallel_loop3A_307] {strides = array<i32>} : memref<128x128xf32, #tpu.memory_space<vmem>>, vector<16xf32>,
          %parallel_loop3A_309 = arith.constant 7.875000e+00 : f32
          %parallel_loop3A_310 = vector.broadcast %parallel_loop3A_309 : f32 to vector<16xf32>
          %parallel_loop3A_311 = arith.mulf %parallel_loop3A_308, %parallel_loop3A_310 : vector<16xf32>
          %parallel_loop3A_312 = arith.constant 3.150000e+01 : f32
          %parallel_loop3A_313 = vector.broadcast %parallel_loop3A_312 : f32 to vector<16xf32>
          %parallel_loop3A_314 = arith.addf %parallel_loop3A_311, %parallel_loop3A_313 : vector<16xf32>
          %parallel_loop3A_315 = arith.constant 0.000000e+00 : f32
          %parallel_loop3A_316 = vector.broadcast %parallel_loop3A_315 : f32 to vector<16xf32>
          %parallel_loop3A_317 = arith.maximumf %parallel_loop3A_314, %parallel_loop3A_316 : vector<16xf32>
          %parallel_loop3A_318 = arith.constant 6.200000e+01 : f32
          %parallel_loop3A_319 = vector.broadcast %parallel_loop3A_318 : f32 to vector<16xf32>
          %parallel_loop3A_320 = arith.minimumf %parallel_loop3A_317, %parallel_loop3A_319 : vector<16xf32>
          %parallel_loop3A_321 = arith.fptosi %parallel_loop3A_320 : vector<16xf32> to vector<16xi32>
          %parallel_loop3A_322 = arith.addi %parallel_loop3A_321, %add3A_69 : vector<16xi32>
          %parallel_loop3A_323 = tpu.vector_load_idx %arg8[%parallel_loop3A_322] : memref<8064xf32, #tpu.memory_space<vmem>>[vector<16xi32>], vector<16xf32>,
          %parallel_loop3A_324 = tpu.vector_load_idx %arg7[%parallel_loop3A_322] : memref<8064xf32, #tpu.memory_space<vmem>>[vector<16xi32>], vector<16xf32>,
          %parallel_loop3A_325 = arith.mulf %parallel_loop3A_323, %parallel_loop3A_308 : vector<16xf32>
          %parallel_loop3A_326 = arith.addf %parallel_loop3A_324, %parallel_loop3A_325 : vector<16xf32>
          %parallel_loop3A_327 = arith.index_cast %parallel_loop3A_191 : i32 to index
          %parallel_loop3A_328 = arith.constant 64 : index
          %parallel_loop3A_329 = tpu.vector_load %arg11[%parallel_loop3A_327, %parallel_loop3A_328] {strides = array<i32>} : memref<128x128xf32, #tpu.memory_space<vmem>>, vector<16xf32>,
          tpu.vector_store %arg11[%parallel_loop3A_327, %parallel_loop3A_328], %parallel_loop3A_326 {strides = array<i32>} : memref<128x128xf32, #tpu.memory_space<vmem>>, vector<16xf32>,
          %parallel_loop3A_330 = arith.constant 1088 : i32
          %parallel_loop3A_331 = arith.addi %parallel_loop3A_330, %parallel_loop3A_193 : i32
          %parallel_loop3A_332 = arith.index_cast %parallel_loop3A_331 : i32 to index
          %parallel_loop3A_333 = tpu.vector_load %arg15[%parallel_loop3A_332] {strides = array<i32>} : memref<2176xf32, #tpu.memory_space<vmem>>, vector<16xf32>,
          tpu.vector_store %arg15[%parallel_loop3A_332], %parallel_loop3A_323 {strides = array<i32>} : memref<2176xf32, #tpu.memory_space<vmem>>, vector<16xf32>,
          %parallel_loop3A_334 = arith.index_cast %parallel_loop3A_191 : i32 to index
          %parallel_loop3A_335 = arith.constant 80 : index
          %parallel_loop3A_336 = tpu.vector_load %arg9[%parallel_loop3A_334, %parallel_loop3A_335] {strides = array<i32>} : memref<128x128xf32, #tpu.memory_space<vmem>>, vector<16xf32>,
          %parallel_loop3A_337 = arith.constant 7.875000e+00 : f32
          %parallel_loop3A_338 = vector.broadcast %parallel_loop3A_337 : f32 to vector<16xf32>
          %parallel_loop3A_339 = arith.mulf %parallel_loop3A_336, %parallel_loop3A_338 : vector<16xf32>
          %parallel_loop3A_340 = arith.constant 3.150000e+01 : f32
          %parallel_loop3A_341 = vector.broadcast %parallel_loop3A_340 : f32 to vector<16xf32>
          %parallel_loop3A_342 = arith.addf %parallel_loop3A_339, %parallel_loop3A_341 : vector<16xf32>
          %parallel_loop3A_343 = arith.constant 0.000000e+00 : f32
          %parallel_loop3A_344 = vector.broadcast %parallel_loop3A_343 : f32 to vector<16xf32>
          %parallel_loop3A_345 = arith.maximumf %parallel_loop3A_342, %parallel_loop3A_344 : vector<16xf32>
          %parallel_loop3A_346 = arith.constant 6.200000e+01 : f32
          %parallel_loop3A_347 = vector.broadcast %parallel_loop3A_346 : f32 to vector<16xf32>
          %parallel_loop3A_348 = arith.minimumf %parallel_loop3A_345, %parallel_loop3A_347 : vector<16xf32>
          %parallel_loop3A_349 = arith.fptosi %parallel_loop3A_348 : vector<16xf32> to vector<16xi32>
          %parallel_loop3A_350 = arith.addi %parallel_loop3A_349, %add3A_75 : vector<16xi32>
          %parallel_loop3A_351 = tpu.vector_load_idx %arg8[%parallel_loop3A_350] : memref<8064xf32, #tpu.memory_space<vmem>>[vector<16xi32>], vector<16xf32>,
          %parallel_loop3A_352 = tpu.vector_load_idx %arg7[%parallel_loop3A_350] : memref<8064xf32, #tpu.memory_space<vmem>>[vector<16xi32>], vector<16xf32>,
          %parallel_loop3A_353 = arith.mulf %parallel_loop3A_351, %parallel_loop3A_336 : vector<16xf32>
          %parallel_loop3A_354 = arith.addf %parallel_loop3A_352, %parallel_loop3A_353 : vector<16xf32>
          %parallel_loop3A_355 = arith.index_cast %parallel_loop3A_191 : i32 to index
          %parallel_loop3A_356 = arith.constant 80 : index
          %parallel_loop3A_357 = tpu.vector_load %arg11[%parallel_loop3A_355, %parallel_loop3A_356] {strides = array<i32>} : memref<128x128xf32, #tpu.memory_space<vmem>>, vector<16xf32>,
          tpu.vector_store %arg11[%parallel_loop3A_355, %parallel_loop3A_356], %parallel_loop3A_354 {strides = array<i32>} : memref<128x128xf32, #tpu.memory_space<vmem>>, vector<16xf32>,
          %parallel_loop3A_358 = arith.constant 1360 : i32
          %parallel_loop3A_359 = arith.addi %parallel_loop3A_358, %parallel_loop3A_193 : i32
          %parallel_loop3A_360 = arith.index_cast %parallel_loop3A_359 : i32 to index
          %parallel_loop3A_361 = tpu.vector_load %arg15[%parallel_loop3A_360] {strides = array<i32>} : memref<2176xf32, #tpu.memory_space<vmem>>, vector<16xf32>,
          tpu.vector_store %arg15[%parallel_loop3A_360], %parallel_loop3A_351 {strides = array<i32>} : memref<2176xf32, #tpu.memory_space<vmem>>, vector<16xf32>,
          %parallel_loop3A_362 = arith.index_cast %parallel_loop3A_191 : i32 to index
          %parallel_loop3A_363 = arith.constant 96 : index
          %parallel_loop3A_364 = tpu.vector_load %arg9[%parallel_loop3A_362, %parallel_loop3A_363] {strides = array<i32>} : memref<128x128xf32, #tpu.memory_space<vmem>>, vector<16xf32>,
          %parallel_loop3A_365 = arith.constant 7.875000e+00 : f32
          %parallel_loop3A_366 = vector.broadcast %parallel_loop3A_365 : f32 to vector<16xf32>
          %parallel_loop3A_367 = arith.mulf %parallel_loop3A_364, %parallel_loop3A_366 : vector<16xf32>
          %parallel_loop3A_368 = arith.constant 3.150000e+01 : f32
          %parallel_loop3A_369 = vector.broadcast %parallel_loop3A_368 : f32 to vector<16xf32>
          %parallel_loop3A_370 = arith.addf %parallel_loop3A_367, %parallel_loop3A_369 : vector<16xf32>
          %parallel_loop3A_371 = arith.constant 0.000000e+00 : f32
          %parallel_loop3A_372 = vector.broadcast %parallel_loop3A_371 : f32 to vector<16xf32>
          %parallel_loop3A_373 = arith.maximumf %parallel_loop3A_370, %parallel_loop3A_372 : vector<16xf32>
          %parallel_loop3A_374 = arith.constant 6.200000e+01 : f32
          %parallel_loop3A_375 = vector.broadcast %parallel_loop3A_374 : f32 to vector<16xf32>
          %parallel_loop3A_376 = arith.minimumf %parallel_loop3A_373, %parallel_loop3A_375 : vector<16xf32>
          %parallel_loop3A_377 = arith.fptosi %parallel_loop3A_376 : vector<16xf32> to vector<16xi32>
          %parallel_loop3A_378 = arith.addi %parallel_loop3A_377, %add3A_81 : vector<16xi32>
          %parallel_loop3A_379 = tpu.vector_load_idx %arg8[%parallel_loop3A_378] : memref<8064xf32, #tpu.memory_space<vmem>>[vector<16xi32>], vector<16xf32>,
          %parallel_loop3A_380 = tpu.vector_load_idx %arg7[%parallel_loop3A_378] : memref<8064xf32, #tpu.memory_space<vmem>>[vector<16xi32>], vector<16xf32>,
          %parallel_loop3A_381 = arith.mulf %parallel_loop3A_379, %parallel_loop3A_364 : vector<16xf32>
          %parallel_loop3A_382 = arith.addf %parallel_loop3A_380, %parallel_loop3A_381 : vector<16xf32>
          %parallel_loop3A_383 = arith.index_cast %parallel_loop3A_191 : i32 to index
          %parallel_loop3A_384 = arith.constant 96 : index
          %parallel_loop3A_385 = tpu.vector_load %arg11[%parallel_loop3A_383, %parallel_loop3A_384] {strides = array<i32>} : memref<128x128xf32, #tpu.memory_space<vmem>>, vector<16xf32>,
          tpu.vector_store %arg11[%parallel_loop3A_383, %parallel_loop3A_384], %parallel_loop3A_382 {strides = array<i32>} : memref<128x128xf32, #tpu.memory_space<vmem>>, vector<16xf32>,
          %parallel_loop3A_386 = arith.constant 1632 : i32
          %parallel_loop3A_387 = arith.addi %parallel_loop3A_386, %parallel_loop3A_193 : i32
          %parallel_loop3A_388 = arith.index_cast %parallel_loop3A_387 : i32 to index
          %parallel_loop3A_389 = tpu.vector_load %arg15[%parallel_loop3A_388] {strides = array<i32>} : memref<2176xf32, #tpu.memory_space<vmem>>, vector<16xf32>,
          tpu.vector_store %arg15[%parallel_loop3A_388], %parallel_loop3A_379 {strides = array<i32>} : memref<2176xf32, #tpu.memory_space<vmem>>, vector<16xf32>,
          %parallel_loop3A_390 = arith.index_cast %parallel_loop3A_191 : i32 to index
          %parallel_loop3A_391 = arith.constant 112 : index
          %parallel_loop3A_392 = tpu.vector_load %arg9[%parallel_loop3A_390, %parallel_loop3A_391] {strides = array<i32>} : memref<128x128xf32, #tpu.memory_space<vmem>>, vector<16xf32>,
          %parallel_loop3A_393 = arith.constant 7.875000e+00 : f32
          %parallel_loop3A_394 = vector.broadcast %parallel_loop3A_393 : f32 to vector<16xf32>
          %parallel_loop3A_395 = arith.mulf %parallel_loop3A_392, %parallel_loop3A_394 : vector<16xf32>
          %parallel_loop3A_396 = arith.constant 3.150000e+01 : f32
          %parallel_loop3A_397 = vector.broadcast %parallel_loop3A_396 : f32 to vector<16xf32>
          %parallel_loop3A_398 = arith.addf %parallel_loop3A_395, %parallel_loop3A_397 : vector<16xf32>
          %parallel_loop3A_399 = arith.constant 0.000000e+00 : f32
          %parallel_loop3A_400 = vector.broadcast %parallel_loop3A_399 : f32 to vector<16xf32>
          %parallel_loop3A_401 = arith.maximumf %parallel_loop3A_398, %parallel_loop3A_400 : vector<16xf32>
          %parallel_loop3A_402 = arith.constant 6.200000e+01 : f32
          %parallel_loop3A_403 = vector.broadcast %parallel_loop3A_402 : f32 to vector<16xf32>
          %parallel_loop3A_404 = arith.minimumf %parallel_loop3A_401, %parallel_loop3A_403 : vector<16xf32>
          %parallel_loop3A_405 = arith.fptosi %parallel_loop3A_404 : vector<16xf32> to vector<16xi32>
          %parallel_loop3A_406 = arith.addi %parallel_loop3A_405, %add3A_87 : vector<16xi32>
          %parallel_loop3A_407 = tpu.vector_load_idx %arg8[%parallel_loop3A_406] : memref<8064xf32, #tpu.memory_space<vmem>>[vector<16xi32>], vector<16xf32>,
          %parallel_loop3A_408 = tpu.vector_load_idx %arg7[%parallel_loop3A_406] : memref<8064xf32, #tpu.memory_space<vmem>>[vector<16xi32>], vector<16xf32>,
          %parallel_loop3A_409 = arith.mulf %parallel_loop3A_407, %parallel_loop3A_392 : vector<16xf32>
          %parallel_loop3A_410 = arith.addf %parallel_loop3A_408, %parallel_loop3A_409 : vector<16xf32>
          %parallel_loop3A_411 = arith.index_cast %parallel_loop3A_191 : i32 to index
          %parallel_loop3A_412 = arith.constant 112 : index
          %parallel_loop3A_413 = tpu.vector_load %arg11[%parallel_loop3A_411, %parallel_loop3A_412] {strides = array<i32>} : memref<128x128xf32, #tpu.memory_space<vmem>>, vector<16xf32>,
          tpu.vector_store %arg11[%parallel_loop3A_411, %parallel_loop3A_412], %parallel_loop3A_410 {strides = array<i32>} : memref<128x128xf32, #tpu.memory_space<vmem>>, vector<16xf32>,
          %parallel_loop3A_414 = arith.constant 1904 : i32
          %parallel_loop3A_415 = arith.addi %parallel_loop3A_414, %parallel_loop3A_193 : i32
          %parallel_loop3A_416 = arith.index_cast %parallel_loop3A_415 : i32 to index
          %parallel_loop3A_417 = tpu.vector_load %arg15[%parallel_loop3A_416] {strides = array<i32>} : memref<2176xf32, #tpu.memory_space<vmem>>, vector<16xf32>,
          tpu.vector_store %arg15[%parallel_loop3A_416], %parallel_loop3A_407 {strides = array<i32>} : memref<2176xf32, #tpu.memory_space<vmem>>, vector<16xf32>,
        } {sc.loop_unroll_factor = 4 : i64, sc.parallel_access}
        %parallel_loop3A_187 = arith.constant 0 : i32
        %parallel_loop3A_188 = arith.constant 16 : i32
        %parallel_loop3A_189 = arith.constant 1 : i32
        scf.for %parallel_loop3A_190 = %parallel_loop3A_187 to %parallel_loop3A_188 step %parallel_loop3A_189  : i32 {
          %parallel_loop3A_191 = vector.broadcast %parallel_loop3A_190 : i32 to vector<16xi32>
          %parallel_loop3A_192 = arith.addi %mul3A_90, %parallel_loop3A_191 : vector<16xi32>
          %parallel_loop3A_193 = arith.constant 0 : i32
          %parallel_loop3A_194 = tpu.memref_slice %arg15[%parallel_loop3A_193] : memref<2176xf32, #tpu.memory_space<vmem>> -> memref<272xf32, #tpu.memory_space<vmem>>
          %parallel_loop3A_195 = tpu.vector_load_idx %parallel_loop3A_194[%parallel_loop3A_192] : memref<272xf32, #tpu.memory_space<vmem>>[vector<16xi32>], vector<16xf32>,
          %parallel_loop3A_196 = arith.constant 0 : i32
          %parallel_loop3A_197 = arith.addi %parallel_loop3A_196, %parallel_loop3A_190 : i32
          %parallel_loop3A_198 = arith.index_cast %parallel_loop3A_197 : i32 to index
          %parallel_loop3A_199 = arith.index_cast %mul3A_183 : i32 to index
          %parallel_loop3A_200 = tpu.vector_load %arg13[%parallel_loop3A_198, %parallel_loop3A_199] {strides = array<i32>} : memref<128x128xf32, #tpu.memory_space<vmem>>, vector<16xf32>,
          tpu.vector_store %arg13[%parallel_loop3A_198, %parallel_loop3A_199], %parallel_loop3A_195 {strides = array<i32>} : memref<128x128xf32, #tpu.memory_space<vmem>>, vector<16xf32>,
          %parallel_loop3A_201 = arith.constant 272 : i32
          %parallel_loop3A_202 = tpu.memref_slice %arg15[%parallel_loop3A_201] : memref<2176xf32, #tpu.memory_space<vmem>> -> memref<272xf32, #tpu.memory_space<vmem>>
          %parallel_loop3A_203 = tpu.vector_load_idx %parallel_loop3A_202[%parallel_loop3A_192] : memref<272xf32, #tpu.memory_space<vmem>>[vector<16xi32>], vector<16xf32>,
          %parallel_loop3A_204 = arith.constant 16 : i32
          %parallel_loop3A_205 = arith.addi %parallel_loop3A_204, %parallel_loop3A_190 : i32
          %parallel_loop3A_206 = arith.index_cast %parallel_loop3A_205 : i32 to index
          %parallel_loop3A_207 = arith.index_cast %mul3A_183 : i32 to index
          %parallel_loop3A_208 = tpu.vector_load %arg13[%parallel_loop3A_206, %parallel_loop3A_207] {strides = array<i32>} : memref<128x128xf32, #tpu.memory_space<vmem>>, vector<16xf32>,
          tpu.vector_store %arg13[%parallel_loop3A_206, %parallel_loop3A_207], %parallel_loop3A_203 {strides = array<i32>} : memref<128x128xf32, #tpu.memory_space<vmem>>, vector<16xf32>,
          %parallel_loop3A_209 = arith.constant 544 : i32
          %parallel_loop3A_210 = tpu.memref_slice %arg15[%parallel_loop3A_209] : memref<2176xf32, #tpu.memory_space<vmem>> -> memref<272xf32, #tpu.memory_space<vmem>>
          %parallel_loop3A_211 = tpu.vector_load_idx %parallel_loop3A_210[%parallel_loop3A_192] : memref<272xf32, #tpu.memory_space<vmem>>[vector<16xi32>], vector<16xf32>,
          %parallel_loop3A_212 = arith.constant 32 : i32
          %parallel_loop3A_213 = arith.addi %parallel_loop3A_212, %parallel_loop3A_190 : i32
          %parallel_loop3A_214 = arith.index_cast %parallel_loop3A_213 : i32 to index
          %parallel_loop3A_215 = arith.index_cast %mul3A_183 : i32 to index
          %parallel_loop3A_216 = tpu.vector_load %arg13[%parallel_loop3A_214, %parallel_loop3A_215] {strides = array<i32>} : memref<128x128xf32, #tpu.memory_space<vmem>>, vector<16xf32>,
          tpu.vector_store %arg13[%parallel_loop3A_214, %parallel_loop3A_215], %parallel_loop3A_211 {strides = array<i32>} : memref<128x128xf32, #tpu.memory_space<vmem>>, vector<16xf32>,
          %parallel_loop3A_217 = arith.constant 816 : i32
          %parallel_loop3A_218 = tpu.memref_slice %arg15[%parallel_loop3A_217] : memref<2176xf32, #tpu.memory_space<vmem>> -> memref<272xf32, #tpu.memory_space<vmem>>
          %parallel_loop3A_219 = tpu.vector_load_idx %parallel_loop3A_218[%parallel_loop3A_192] : memref<272xf32, #tpu.memory_space<vmem>>[vector<16xi32>], vector<16xf32>,
          %parallel_loop3A_220 = arith.constant 48 : i32
          %parallel_loop3A_221 = arith.addi %parallel_loop3A_220, %parallel_loop3A_190 : i32
          %parallel_loop3A_222 = arith.index_cast %parallel_loop3A_221 : i32 to index
          %parallel_loop3A_223 = arith.index_cast %mul3A_183 : i32 to index
          %parallel_loop3A_224 = tpu.vector_load %arg13[%parallel_loop3A_222, %parallel_loop3A_223] {strides = array<i32>} : memref<128x128xf32, #tpu.memory_space<vmem>>, vector<16xf32>,
          tpu.vector_store %arg13[%parallel_loop3A_222, %parallel_loop3A_223], %parallel_loop3A_219 {strides = array<i32>} : memref<128x128xf32, #tpu.memory_space<vmem>>, vector<16xf32>,
          %parallel_loop3A_225 = arith.constant 1088 : i32
          %parallel_loop3A_226 = tpu.memref_slice %arg15[%parallel_loop3A_225] : memref<2176xf32, #tpu.memory_space<vmem>> -> memref<272xf32, #tpu.memory_space<vmem>>
          %parallel_loop3A_227 = tpu.vector_load_idx %parallel_loop3A_226[%parallel_loop3A_192] : memref<272xf32, #tpu.memory_space<vmem>>[vector<16xi32>], vector<16xf32>,
          %parallel_loop3A_228 = arith.constant 64 : i32
          %parallel_loop3A_229 = arith.addi %parallel_loop3A_228, %parallel_loop3A_190 : i32
          %parallel_loop3A_230 = arith.index_cast %parallel_loop3A_229 : i32 to index
          %parallel_loop3A_231 = arith.index_cast %mul3A_183 : i32 to index
          %parallel_loop3A_232 = tpu.vector_load %arg13[%parallel_loop3A_230, %parallel_loop3A_231] {strides = array<i32>} : memref<128x128xf32, #tpu.memory_space<vmem>>, vector<16xf32>,
          tpu.vector_store %arg13[%parallel_loop3A_230, %parallel_loop3A_231], %parallel_loop3A_227 {strides = array<i32>} : memref<128x128xf32, #tpu.memory_space<vmem>>, vector<16xf32>,
          %parallel_loop3A_233 = arith.constant 1360 : i32
          %parallel_loop3A_234 = tpu.memref_slice %arg15[%parallel_loop3A_233] : memref<2176xf32, #tpu.memory_space<vmem>> -> memref<272xf32, #tpu.memory_space<vmem>>
          %parallel_loop3A_235 = tpu.vector_load_idx %parallel_loop3A_234[%parallel_loop3A_192] : memref<272xf32, #tpu.memory_space<vmem>>[vector<16xi32>], vector<16xf32>,
          %parallel_loop3A_236 = arith.constant 80 : i32
          %parallel_loop3A_237 = arith.addi %parallel_loop3A_236, %parallel_loop3A_190 : i32
          %parallel_loop3A_238 = arith.index_cast %parallel_loop3A_237 : i32 to index
          %parallel_loop3A_239 = arith.index_cast %mul3A_183 : i32 to index
          %parallel_loop3A_240 = tpu.vector_load %arg13[%parallel_loop3A_238, %parallel_loop3A_239] {strides = array<i32>} : memref<128x128xf32, #tpu.memory_space<vmem>>, vector<16xf32>,
          tpu.vector_store %arg13[%parallel_loop3A_238, %parallel_loop3A_239], %parallel_loop3A_235 {strides = array<i32>} : memref<128x128xf32, #tpu.memory_space<vmem>>, vector<16xf32>,
          %parallel_loop3A_241 = arith.constant 1632 : i32
          %parallel_loop3A_242 = tpu.memref_slice %arg15[%parallel_loop3A_241] : memref<2176xf32, #tpu.memory_space<vmem>> -> memref<272xf32, #tpu.memory_space<vmem>>
          %parallel_loop3A_243 = tpu.vector_load_idx %parallel_loop3A_242[%parallel_loop3A_192] : memref<272xf32, #tpu.memory_space<vmem>>[vector<16xi32>], vector<16xf32>,
          %parallel_loop3A_244 = arith.constant 96 : i32
          %parallel_loop3A_245 = arith.addi %parallel_loop3A_244, %parallel_loop3A_190 : i32
          %parallel_loop3A_246 = arith.index_cast %parallel_loop3A_245 : i32 to index
          %parallel_loop3A_247 = arith.index_cast %mul3A_183 : i32 to index
          %parallel_loop3A_248 = tpu.vector_load %arg13[%parallel_loop3A_246, %parallel_loop3A_247] {strides = array<i32>} : memref<128x128xf32, #tpu.memory_space<vmem>>, vector<16xf32>,
          tpu.vector_store %arg13[%parallel_loop3A_246, %parallel_loop3A_247], %parallel_loop3A_243 {strides = array<i32>} : memref<128x128xf32, #tpu.memory_space<vmem>>, vector<16xf32>,
          %parallel_loop3A_249 = arith.constant 1904 : i32
          %parallel_loop3A_250 = tpu.memref_slice %arg15[%parallel_loop3A_249] : memref<2176xf32, #tpu.memory_space<vmem>> -> memref<272xf32, #tpu.memory_space<vmem>>
          %parallel_loop3A_251 = tpu.vector_load_idx %parallel_loop3A_250[%parallel_loop3A_192] : memref<272xf32, #tpu.memory_space<vmem>>[vector<16xi32>], vector<16xf32>,
          %parallel_loop3A_252 = arith.constant 112 : i32
          %parallel_loop3A_253 = arith.addi %parallel_loop3A_252, %parallel_loop3A_190 : i32
          %parallel_loop3A_254 = arith.index_cast %parallel_loop3A_253 : i32 to index
          %parallel_loop3A_255 = arith.index_cast %mul3A_183 : i32 to index
          %parallel_loop3A_256 = tpu.vector_load %arg13[%parallel_loop3A_254, %parallel_loop3A_255] {strides = array<i32>} : memref<128x128xf32, #tpu.memory_space<vmem>>, vector<16xf32>,
          tpu.vector_store %arg13[%parallel_loop3A_254, %parallel_loop3A_255], %parallel_loop3A_251 {strides = array<i32>} : memref<128x128xf32, #tpu.memory_space<vmem>>, vector<16xf32>,
        } {sc.loop_unroll_factor = 4 : i64, sc.parallel_access}
      }
      %scan3A_135 = arith.constant 8 : i32
      %mul3A_136 = arith.constant 128 : i32
      %mul3A_137 = arith.muli %add3A_117, %mul3A_136 : i32
      %add3A_138 = arith.addi %mul3A_34, %mul3A_137 : i32
      %dma_start3A_139 = tpu.memref_slice %arg4[%add3A_138, %mul3A_32] : memref<16384x1024xf32, #tpu.memory_space<hbm>> -> memref<128x128xf32, #tpu.memory_space<hbm>>
      %dma_start3A_140 = tpu.memref_slice %arg4[%add3A_138, %mul3A_32] : memref<16384x1024xf32, #tpu.memory_space<hbm>> -> memref<128x128xf32, #tpu.memory_space<hbm>>
      tpu.enqueue_dma source(%arg11 : memref<128x128xf32, #tpu.memory_space<vmem>>) target(%dma_start3A_140 : memref<128x128xf32, #tpu.memory_space<hbm>>) target_semaphore(%arg17 : memref<!tpu.dma_semaphore, #tpu.memory_space<semaphore_mem>>)
      %mul3A_141 = arith.constant 128 : i32
      %mul3A_142 = arith.muli %add3A_117, %mul3A_141 : i32
      %add3A_143 = arith.addi %mul3A_34, %mul3A_142 : i32
      %dma_start3A_144 = tpu.memref_slice %arg5[%mul3A_32, %add3A_143] : memref<1024x16384xf32, #tpu.memory_space<hbm>> -> memref<128x128xf32, #tpu.memory_space<hbm>>
      %dma_start3A_145 = tpu.memref_slice %arg5[%mul3A_32, %add3A_143] : memref<1024x16384xf32, #tpu.memory_space<hbm>> -> memref<128x128xf32, #tpu.memory_space<hbm>>
      tpu.enqueue_dma source(%arg13 : memref<128x128xf32, #tpu.memory_space<vmem>>) target(%dma_start3A_145 : memref<128x128xf32, #tpu.memory_space<hbm>>) target_semaphore(%arg17 : memref<!tpu.dma_semaphore, #tpu.memory_space<semaphore_mem>>)
      %mul3A_146 = arith.constant 2 : i32
      %mul3A_147 = arith.muli %mul3A_146, %scan3A_113 : i32
      %add3A_148 = arith.constant 1 : i32
      %add3A_149 = arith.addi %mul3A_147, %add3A_148 : i32
      %mul3A_150 = arith.constant 128 : i32
      %mul3A_151 = arith.muli %add3A_149, %mul3A_150 : i32
      %add3A_152 = arith.addi %mul3A_34, %mul3A_151 : i32
      %dma_wait3A_153 = tpu.memref_slice %arg2[%add3A_152, %mul3A_32] : memref<16384x1024xf32, #tpu.memory_space<hbm>> -> memref<128x128xf32, #tpu.memory_space<hbm>>
      %dma_wait3A_154 = tpu.memref_slice %arg2[%add3A_152, %mul3A_32] : memref<16384x1024xf32, #tpu.memory_space<hbm>> -> memref<128x128xf32, #tpu.memory_space<hbm>>
      tpu.wait_dma2 semaphore(%arg16 : memref<!tpu.dma_semaphore, #tpu.memory_space<semaphore_mem>>) src(%dma_wait3A_154 : memref<128x128xf32, #tpu.memory_space<hbm>>) dst(%arg10 : memref<128x128xf32, #tpu.memory_space<vmem>>)
      %lt3A_155 = arith.constant 31 : i32
      %lt3A_156 = arith.cmpi slt, %add3A_149, %lt3A_155 : i32
      %convert_element_type3A_157 = arith.extui %lt3A_156 : i1 to i32
      %cond3A_158 = arith.constant 0 : i32
      %cond3A_159 = arith.cmpi ne, %convert_element_type3A_157, %cond3A_158 : i32
      scf.if %cond3A_159 {
        %add3A_181 = arith.constant 1 : i32
        %add3A_182 = arith.addi %add3A_149, %add3A_181 : i32
        %mul3A_183 = arith.constant 128 : i32
        %mul3A_184 = arith.muli %add3A_182, %mul3A_183 : i32
        %add3A_185 = arith.addi %mul3A_34, %mul3A_184 : i32
        %dma_start3A_186 = tpu.memref_slice %arg2[%add3A_185, %mul3A_32] : memref<16384x1024xf32, #tpu.memory_space<hbm>> -> memref<128x128xf32, #tpu.memory_space<hbm>>
        %dma_start3A_187 = tpu.memref_slice %arg2[%add3A_185, %mul3A_32] : memref<16384x1024xf32, #tpu.memory_space<hbm>> -> memref<128x128xf32, #tpu.memory_space<hbm>>
        tpu.enqueue_dma source(%dma_start3A_187 : memref<128x128xf32, #tpu.memory_space<hbm>>) target(%arg9 : memref<128x128xf32, #tpu.memory_space<vmem>>) target_semaphore(%arg16 : memref<!tpu.dma_semaphore, #tpu.memory_space<semaphore_mem>>)
      } else {
      }
      %ge3A_160 = arith.constant 2 : i32
      %ge3A_161 = arith.cmpi sge, %add3A_149, %ge3A_160 : i32
      %convert_element_type3A_162 = arith.extui %ge3A_161 : i1 to i32
      %cond3A_163 = arith.constant 0 : i32
      %cond3A_164 = arith.cmpi ne, %convert_element_type3A_162, %cond3A_163 : i32
      scf.if %cond3A_164 {
        %sub3A_181 = arith.constant 2 : i32
        %sub3A_182 = arith.subi %add3A_149, %sub3A_181 : i32
        %mul3A_183 = arith.constant 128 : i32
        %mul3A_184 = arith.muli %sub3A_182, %mul3A_183 : i32
        %add3A_185 = arith.addi %mul3A_34, %mul3A_184 : i32
        %dma_wait3A_186 = tpu.memref_slice %arg4[%add3A_185, %mul3A_32] : memref<16384x1024xf32, #tpu.memory_space<hbm>> -> memref<128x128xf32, #tpu.memory_space<hbm>>
        %dma_wait3A_187 = tpu.memref_slice %arg4[%add3A_185, %mul3A_32] : memref<16384x1024xf32, #tpu.memory_space<hbm>> -> memref<128x128xf32, #tpu.memory_space<hbm>>
        tpu.wait_dma2 semaphore(%arg18 : memref<!tpu.dma_semaphore, #tpu.memory_space<semaphore_mem>>) src(%arg12 : memref<128x128xf32, #tpu.memory_space<vmem>>) dst(%dma_wait3A_187 : memref<128x128xf32, #tpu.memory_space<hbm>>)
        %sub3A_188 = arith.constant 2 : i32
        %sub3A_189 = arith.subi %add3A_149, %sub3A_188 : i32
        %mul3A_190 = arith.constant 128 : i32
        %mul3A_191 = arith.muli %sub3A_189, %mul3A_190 : i32
        %add3A_192 = arith.addi %mul3A_34, %mul3A_191 : i32
        %dma_wait3A_193 = tpu.memref_slice %arg5[%mul3A_32, %add3A_192] : memref<1024x16384xf32, #tpu.memory_space<hbm>> -> memref<128x128xf32, #tpu.memory_space<hbm>>
        %dma_wait3A_194 = tpu.memref_slice %arg5[%mul3A_32, %add3A_192] : memref<1024x16384xf32, #tpu.memory_space<hbm>> -> memref<128x128xf32, #tpu.memory_space<hbm>>
        tpu.wait_dma2 semaphore(%arg18 : memref<!tpu.dma_semaphore, #tpu.memory_space<semaphore_mem>>) src(%arg14 : memref<128x128xf32, #tpu.memory_space<vmem>>) dst(%dma_wait3A_194 : memref<128x128xf32, #tpu.memory_space<hbm>>)
      } else {
      }
      %scan3A_165 = arith.constant 0 : i32
      %scan3A_166 = arith.constant 0 : i32
      %scan3A_167 = arith.constant 8 : i32
      %scan3A_168 = arith.addi %scan3A_166, %scan3A_167 : i32
      %scan3A_169 = arith.constant 1 : i32
      scf.for %scan3A_181 = %scan3A_166 to %scan3A_168 step %scan3A_169  : i32 {
        %mul3A_182 = arith.constant 16 : i32
        %mul3A_183 = arith.muli %scan3A_181, %mul3A_182 : i32
        %parallel_loop3A_184 = arith.constant 0 : i32
        %parallel_loop3A_185 = arith.constant 16 : i32
        %parallel_loop3A_186 = arith.constant 1 : i32
        scf.for %parallel_loop3A_190 = %parallel_loop3A_184 to %parallel_loop3A_185 step %parallel_loop3A_186  : i32 {
          %parallel_loop3A_191 = arith.addi %mul3A_183, %parallel_loop3A_190 : i32
          %parallel_loop3A_192 = arith.constant 17 : i32
          %parallel_loop3A_193 = arith.muli %parallel_loop3A_190, %parallel_loop3A_192 : i32
          %parallel_loop3A_194 = arith.index_cast %parallel_loop3A_191 : i32 to index
          %parallel_loop3A_195 = arith.constant 0 : index
          %parallel_loop3A_196 = tpu.vector_load %arg10[%parallel_loop3A_194, %parallel_loop3A_195] {strides = array<i32>} : memref<128x128xf32, #tpu.memory_space<vmem>>, vector<16xf32>,
          %parallel_loop3A_197 = arith.constant 7.875000e+00 : f32
          %parallel_loop3A_198 = vector.broadcast %parallel_loop3A_197 : f32 to vector<16xf32>
          %parallel_loop3A_199 = arith.mulf %parallel_loop3A_196, %parallel_loop3A_198 : vector<16xf32>
          %parallel_loop3A_200 = arith.constant 3.150000e+01 : f32
          %parallel_loop3A_201 = vector.broadcast %parallel_loop3A_200 : f32 to vector<16xf32>
          %parallel_loop3A_202 = arith.addf %parallel_loop3A_199, %parallel_loop3A_201 : vector<16xf32>
          %parallel_loop3A_203 = arith.constant 0.000000e+00 : f32
          %parallel_loop3A_204 = vector.broadcast %parallel_loop3A_203 : f32 to vector<16xf32>
          %parallel_loop3A_205 = arith.maximumf %parallel_loop3A_202, %parallel_loop3A_204 : vector<16xf32>
          %parallel_loop3A_206 = arith.constant 6.200000e+01 : f32
          %parallel_loop3A_207 = vector.broadcast %parallel_loop3A_206 : f32 to vector<16xf32>
          %parallel_loop3A_208 = arith.minimumf %parallel_loop3A_205, %parallel_loop3A_207 : vector<16xf32>
          %parallel_loop3A_209 = arith.fptosi %parallel_loop3A_208 : vector<16xf32> to vector<16xi32>
          %parallel_loop3A_210 = arith.addi %parallel_loop3A_209, %add3A_45 : vector<16xi32>
          %parallel_loop3A_211 = tpu.vector_load_idx %arg8[%parallel_loop3A_210] : memref<8064xf32, #tpu.memory_space<vmem>>[vector<16xi32>], vector<16xf32>,
          %parallel_loop3A_212 = tpu.vector_load_idx %arg7[%parallel_loop3A_210] : memref<8064xf32, #tpu.memory_space<vmem>>[vector<16xi32>], vector<16xf32>,
          %parallel_loop3A_213 = arith.mulf %parallel_loop3A_211, %parallel_loop3A_196 : vector<16xf32>
          %parallel_loop3A_214 = arith.addf %parallel_loop3A_212, %parallel_loop3A_213 : vector<16xf32>
          %parallel_loop3A_215 = arith.index_cast %parallel_loop3A_191 : i32 to index
          %parallel_loop3A_216 = arith.constant 0 : index
          %parallel_loop3A_217 = tpu.vector_load %arg12[%parallel_loop3A_215, %parallel_loop3A_216] {strides = array<i32>} : memref<128x128xf32, #tpu.memory_space<vmem>>, vector<16xf32>,
          tpu.vector_store %arg12[%parallel_loop3A_215, %parallel_loop3A_216], %parallel_loop3A_214 {strides = array<i32>} : memref<128x128xf32, #tpu.memory_space<vmem>>, vector<16xf32>,
          %parallel_loop3A_218 = arith.constant 0 : i32
          %parallel_loop3A_219 = arith.addi %parallel_loop3A_218, %parallel_loop3A_193 : i32
          %parallel_loop3A_220 = arith.index_cast %parallel_loop3A_219 : i32 to index
          %parallel_loop3A_221 = tpu.vector_load %arg15[%parallel_loop3A_220] {strides = array<i32>} : memref<2176xf32, #tpu.memory_space<vmem>>, vector<16xf32>,
          tpu.vector_store %arg15[%parallel_loop3A_220], %parallel_loop3A_211 {strides = array<i32>} : memref<2176xf32, #tpu.memory_space<vmem>>, vector<16xf32>,
          %parallel_loop3A_222 = arith.index_cast %parallel_loop3A_191 : i32 to index
          %parallel_loop3A_223 = arith.constant 16 : index
          %parallel_loop3A_224 = tpu.vector_load %arg10[%parallel_loop3A_222, %parallel_loop3A_223] {strides = array<i32>} : memref<128x128xf32, #tpu.memory_space<vmem>>, vector<16xf32>,
          %parallel_loop3A_225 = arith.constant 7.875000e+00 : f32
          %parallel_loop3A_226 = vector.broadcast %parallel_loop3A_225 : f32 to vector<16xf32>
          %parallel_loop3A_227 = arith.mulf %parallel_loop3A_224, %parallel_loop3A_226 : vector<16xf32>
          %parallel_loop3A_228 = arith.constant 3.150000e+01 : f32
          %parallel_loop3A_229 = vector.broadcast %parallel_loop3A_228 : f32 to vector<16xf32>
          %parallel_loop3A_230 = arith.addf %parallel_loop3A_227, %parallel_loop3A_229 : vector<16xf32>
          %parallel_loop3A_231 = arith.constant 0.000000e+00 : f32
          %parallel_loop3A_232 = vector.broadcast %parallel_loop3A_231 : f32 to vector<16xf32>
          %parallel_loop3A_233 = arith.maximumf %parallel_loop3A_230, %parallel_loop3A_232 : vector<16xf32>
          %parallel_loop3A_234 = arith.constant 6.200000e+01 : f32
          %parallel_loop3A_235 = vector.broadcast %parallel_loop3A_234 : f32 to vector<16xf32>
          %parallel_loop3A_236 = arith.minimumf %parallel_loop3A_233, %parallel_loop3A_235 : vector<16xf32>
          %parallel_loop3A_237 = arith.fptosi %parallel_loop3A_236 : vector<16xf32> to vector<16xi32>
          %parallel_loop3A_238 = arith.addi %parallel_loop3A_237, %add3A_51 : vector<16xi32>
          %parallel_loop3A_239 = tpu.vector_load_idx %arg8[%parallel_loop3A_238] : memref<8064xf32, #tpu.memory_space<vmem>>[vector<16xi32>], vector<16xf32>,
          %parallel_loop3A_240 = tpu.vector_load_idx %arg7[%parallel_loop3A_238] : memref<8064xf32, #tpu.memory_space<vmem>>[vector<16xi32>], vector<16xf32>,
          %parallel_loop3A_241 = arith.mulf %parallel_loop3A_239, %parallel_loop3A_224 : vector<16xf32>
          %parallel_loop3A_242 = arith.addf %parallel_loop3A_240, %parallel_loop3A_241 : vector<16xf32>
          %parallel_loop3A_243 = arith.index_cast %parallel_loop3A_191 : i32 to index
          %parallel_loop3A_244 = arith.constant 16 : index
          %parallel_loop3A_245 = tpu.vector_load %arg12[%parallel_loop3A_243, %parallel_loop3A_244] {strides = array<i32>} : memref<128x128xf32, #tpu.memory_space<vmem>>, vector<16xf32>,
          tpu.vector_store %arg12[%parallel_loop3A_243, %parallel_loop3A_244], %parallel_loop3A_242 {strides = array<i32>} : memref<128x128xf32, #tpu.memory_space<vmem>>, vector<16xf32>,
          %parallel_loop3A_246 = arith.constant 272 : i32
          %parallel_loop3A_247 = arith.addi %parallel_loop3A_246, %parallel_loop3A_193 : i32
          %parallel_loop3A_248 = arith.index_cast %parallel_loop3A_247 : i32 to index
          %parallel_loop3A_249 = tpu.vector_load %arg15[%parallel_loop3A_248] {strides = array<i32>} : memref<2176xf32, #tpu.memory_space<vmem>>, vector<16xf32>,
          tpu.vector_store %arg15[%parallel_loop3A_248], %parallel_loop3A_239 {strides = array<i32>} : memref<2176xf32, #tpu.memory_space<vmem>>, vector<16xf32>,
          %parallel_loop3A_250 = arith.index_cast %parallel_loop3A_191 : i32 to index
          %parallel_loop3A_251 = arith.constant 32 : index
          %parallel_loop3A_252 = tpu.vector_load %arg10[%parallel_loop3A_250, %parallel_loop3A_251] {strides = array<i32>} : memref<128x128xf32, #tpu.memory_space<vmem>>, vector<16xf32>,
          %parallel_loop3A_253 = arith.constant 7.875000e+00 : f32
          %parallel_loop3A_254 = vector.broadcast %parallel_loop3A_253 : f32 to vector<16xf32>
          %parallel_loop3A_255 = arith.mulf %parallel_loop3A_252, %parallel_loop3A_254 : vector<16xf32>
          %parallel_loop3A_256 = arith.constant 3.150000e+01 : f32
          %parallel_loop3A_257 = vector.broadcast %parallel_loop3A_256 : f32 to vector<16xf32>
          %parallel_loop3A_258 = arith.addf %parallel_loop3A_255, %parallel_loop3A_257 : vector<16xf32>
          %parallel_loop3A_259 = arith.constant 0.000000e+00 : f32
          %parallel_loop3A_260 = vector.broadcast %parallel_loop3A_259 : f32 to vector<16xf32>
          %parallel_loop3A_261 = arith.maximumf %parallel_loop3A_258, %parallel_loop3A_260 : vector<16xf32>
          %parallel_loop3A_262 = arith.constant 6.200000e+01 : f32
          %parallel_loop3A_263 = vector.broadcast %parallel_loop3A_262 : f32 to vector<16xf32>
          %parallel_loop3A_264 = arith.minimumf %parallel_loop3A_261, %parallel_loop3A_263 : vector<16xf32>
          %parallel_loop3A_265 = arith.fptosi %parallel_loop3A_264 : vector<16xf32> to vector<16xi32>
          %parallel_loop3A_266 = arith.addi %parallel_loop3A_265, %add3A_57 : vector<16xi32>
          %parallel_loop3A_267 = tpu.vector_load_idx %arg8[%parallel_loop3A_266] : memref<8064xf32, #tpu.memory_space<vmem>>[vector<16xi32>], vector<16xf32>,
          %parallel_loop3A_268 = tpu.vector_load_idx %arg7[%parallel_loop3A_266] : memref<8064xf32, #tpu.memory_space<vmem>>[vector<16xi32>], vector<16xf32>,
          %parallel_loop3A_269 = arith.mulf %parallel_loop3A_267, %parallel_loop3A_252 : vector<16xf32>
          %parallel_loop3A_270 = arith.addf %parallel_loop3A_268, %parallel_loop3A_269 : vector<16xf32>
          %parallel_loop3A_271 = arith.index_cast %parallel_loop3A_191 : i32 to index
          %parallel_loop3A_272 = arith.constant 32 : index
          %parallel_loop3A_273 = tpu.vector_load %arg12[%parallel_loop3A_271, %parallel_loop3A_272] {strides = array<i32>} : memref<128x128xf32, #tpu.memory_space<vmem>>, vector<16xf32>,
          tpu.vector_store %arg12[%parallel_loop3A_271, %parallel_loop3A_272], %parallel_loop3A_270 {strides = array<i32>} : memref<128x128xf32, #tpu.memory_space<vmem>>, vector<16xf32>,
          %parallel_loop3A_274 = arith.constant 544 : i32
          %parallel_loop3A_275 = arith.addi %parallel_loop3A_274, %parallel_loop3A_193 : i32
          %parallel_loop3A_276 = arith.index_cast %parallel_loop3A_275 : i32 to index
          %parallel_loop3A_277 = tpu.vector_load %arg15[%parallel_loop3A_276] {strides = array<i32>} : memref<2176xf32, #tpu.memory_space<vmem>>, vector<16xf32>,
          tpu.vector_store %arg15[%parallel_loop3A_276], %parallel_loop3A_267 {strides = array<i32>} : memref<2176xf32, #tpu.memory_space<vmem>>, vector<16xf32>,
          %parallel_loop3A_278 = arith.index_cast %parallel_loop3A_191 : i32 to index
          %parallel_loop3A_279 = arith.constant 48 : index
          %parallel_loop3A_280 = tpu.vector_load %arg10[%parallel_loop3A_278, %parallel_loop3A_279] {strides = array<i32>} : memref<128x128xf32, #tpu.memory_space<vmem>>, vector<16xf32>,
          %parallel_loop3A_281 = arith.constant 7.875000e+00 : f32
          %parallel_loop3A_282 = vector.broadcast %parallel_loop3A_281 : f32 to vector<16xf32>
          %parallel_loop3A_283 = arith.mulf %parallel_loop3A_280, %parallel_loop3A_282 : vector<16xf32>
          %parallel_loop3A_284 = arith.constant 3.150000e+01 : f32
          %parallel_loop3A_285 = vector.broadcast %parallel_loop3A_284 : f32 to vector<16xf32>
          %parallel_loop3A_286 = arith.addf %parallel_loop3A_283, %parallel_loop3A_285 : vector<16xf32>
          %parallel_loop3A_287 = arith.constant 0.000000e+00 : f32
          %parallel_loop3A_288 = vector.broadcast %parallel_loop3A_287 : f32 to vector<16xf32>
          %parallel_loop3A_289 = arith.maximumf %parallel_loop3A_286, %parallel_loop3A_288 : vector<16xf32>
          %parallel_loop3A_290 = arith.constant 6.200000e+01 : f32
          %parallel_loop3A_291 = vector.broadcast %parallel_loop3A_290 : f32 to vector<16xf32>
          %parallel_loop3A_292 = arith.minimumf %parallel_loop3A_289, %parallel_loop3A_291 : vector<16xf32>
          %parallel_loop3A_293 = arith.fptosi %parallel_loop3A_292 : vector<16xf32> to vector<16xi32>
          %parallel_loop3A_294 = arith.addi %parallel_loop3A_293, %add3A_63 : vector<16xi32>
          %parallel_loop3A_295 = tpu.vector_load_idx %arg8[%parallel_loop3A_294] : memref<8064xf32, #tpu.memory_space<vmem>>[vector<16xi32>], vector<16xf32>,
          %parallel_loop3A_296 = tpu.vector_load_idx %arg7[%parallel_loop3A_294] : memref<8064xf32, #tpu.memory_space<vmem>>[vector<16xi32>], vector<16xf32>,
          %parallel_loop3A_297 = arith.mulf %parallel_loop3A_295, %parallel_loop3A_280 : vector<16xf32>
          %parallel_loop3A_298 = arith.addf %parallel_loop3A_296, %parallel_loop3A_297 : vector<16xf32>
          %parallel_loop3A_299 = arith.index_cast %parallel_loop3A_191 : i32 to index
          %parallel_loop3A_300 = arith.constant 48 : index
          %parallel_loop3A_301 = tpu.vector_load %arg12[%parallel_loop3A_299, %parallel_loop3A_300] {strides = array<i32>} : memref<128x128xf32, #tpu.memory_space<vmem>>, vector<16xf32>,
          tpu.vector_store %arg12[%parallel_loop3A_299, %parallel_loop3A_300], %parallel_loop3A_298 {strides = array<i32>} : memref<128x128xf32, #tpu.memory_space<vmem>>, vector<16xf32>,
          %parallel_loop3A_302 = arith.constant 816 : i32
          %parallel_loop3A_303 = arith.addi %parallel_loop3A_302, %parallel_loop3A_193 : i32
          %parallel_loop3A_304 = arith.index_cast %parallel_loop3A_303 : i32 to index
          %parallel_loop3A_305 = tpu.vector_load %arg15[%parallel_loop3A_304] {strides = array<i32>} : memref<2176xf32, #tpu.memory_space<vmem>>, vector<16xf32>,
          tpu.vector_store %arg15[%parallel_loop3A_304], %parallel_loop3A_295 {strides = array<i32>} : memref<2176xf32, #tpu.memory_space<vmem>>, vector<16xf32>,
          %parallel_loop3A_306 = arith.index_cast %parallel_loop3A_191 : i32 to index
          %parallel_loop3A_307 = arith.constant 64 : index
          %parallel_loop3A_308 = tpu.vector_load %arg10[%parallel_loop3A_306, %parallel_loop3A_307] {strides = array<i32>} : memref<128x128xf32, #tpu.memory_space<vmem>>, vector<16xf32>,
          %parallel_loop3A_309 = arith.constant 7.875000e+00 : f32
          %parallel_loop3A_310 = vector.broadcast %parallel_loop3A_309 : f32 to vector<16xf32>
          %parallel_loop3A_311 = arith.mulf %parallel_loop3A_308, %parallel_loop3A_310 : vector<16xf32>
          %parallel_loop3A_312 = arith.constant 3.150000e+01 : f32
          %parallel_loop3A_313 = vector.broadcast %parallel_loop3A_312 : f32 to vector<16xf32>
          %parallel_loop3A_314 = arith.addf %parallel_loop3A_311, %parallel_loop3A_313 : vector<16xf32>
          %parallel_loop3A_315 = arith.constant 0.000000e+00 : f32
          %parallel_loop3A_316 = vector.broadcast %parallel_loop3A_315 : f32 to vector<16xf32>
          %parallel_loop3A_317 = arith.maximumf %parallel_loop3A_314, %parallel_loop3A_316 : vector<16xf32>
          %parallel_loop3A_318 = arith.constant 6.200000e+01 : f32
          %parallel_loop3A_319 = vector.broadcast %parallel_loop3A_318 : f32 to vector<16xf32>
          %parallel_loop3A_320 = arith.minimumf %parallel_loop3A_317, %parallel_loop3A_319 : vector<16xf32>
          %parallel_loop3A_321 = arith.fptosi %parallel_loop3A_320 : vector<16xf32> to vector<16xi32>
          %parallel_loop3A_322 = arith.addi %parallel_loop3A_321, %add3A_69 : vector<16xi32>
          %parallel_loop3A_323 = tpu.vector_load_idx %arg8[%parallel_loop3A_322] : memref<8064xf32, #tpu.memory_space<vmem>>[vector<16xi32>], vector<16xf32>,
          %parallel_loop3A_324 = tpu.vector_load_idx %arg7[%parallel_loop3A_322] : memref<8064xf32, #tpu.memory_space<vmem>>[vector<16xi32>], vector<16xf32>,
          %parallel_loop3A_325 = arith.mulf %parallel_loop3A_323, %parallel_loop3A_308 : vector<16xf32>
          %parallel_loop3A_326 = arith.addf %parallel_loop3A_324, %parallel_loop3A_325 : vector<16xf32>
          %parallel_loop3A_327 = arith.index_cast %parallel_loop3A_191 : i32 to index
          %parallel_loop3A_328 = arith.constant 64 : index
          %parallel_loop3A_329 = tpu.vector_load %arg12[%parallel_loop3A_327, %parallel_loop3A_328] {strides = array<i32>} : memref<128x128xf32, #tpu.memory_space<vmem>>, vector<16xf32>,
          tpu.vector_store %arg12[%parallel_loop3A_327, %parallel_loop3A_328], %parallel_loop3A_326 {strides = array<i32>} : memref<128x128xf32, #tpu.memory_space<vmem>>, vector<16xf32>,
          %parallel_loop3A_330 = arith.constant 1088 : i32
          %parallel_loop3A_331 = arith.addi %parallel_loop3A_330, %parallel_loop3A_193 : i32
          %parallel_loop3A_332 = arith.index_cast %parallel_loop3A_331 : i32 to index
          %parallel_loop3A_333 = tpu.vector_load %arg15[%parallel_loop3A_332] {strides = array<i32>} : memref<2176xf32, #tpu.memory_space<vmem>>, vector<16xf32>,
          tpu.vector_store %arg15[%parallel_loop3A_332], %parallel_loop3A_323 {strides = array<i32>} : memref<2176xf32, #tpu.memory_space<vmem>>, vector<16xf32>,
          %parallel_loop3A_334 = arith.index_cast %parallel_loop3A_191 : i32 to index
          %parallel_loop3A_335 = arith.constant 80 : index
          %parallel_loop3A_336 = tpu.vector_load %arg10[%parallel_loop3A_334, %parallel_loop3A_335] {strides = array<i32>} : memref<128x128xf32, #tpu.memory_space<vmem>>, vector<16xf32>,
          %parallel_loop3A_337 = arith.constant 7.875000e+00 : f32
          %parallel_loop3A_338 = vector.broadcast %parallel_loop3A_337 : f32 to vector<16xf32>
          %parallel_loop3A_339 = arith.mulf %parallel_loop3A_336, %parallel_loop3A_338 : vector<16xf32>
          %parallel_loop3A_340 = arith.constant 3.150000e+01 : f32
          %parallel_loop3A_341 = vector.broadcast %parallel_loop3A_340 : f32 to vector<16xf32>
          %parallel_loop3A_342 = arith.addf %parallel_loop3A_339, %parallel_loop3A_341 : vector<16xf32>
          %parallel_loop3A_343 = arith.constant 0.000000e+00 : f32
          %parallel_loop3A_344 = vector.broadcast %parallel_loop3A_343 : f32 to vector<16xf32>
          %parallel_loop3A_345 = arith.maximumf %parallel_loop3A_342, %parallel_loop3A_344 : vector<16xf32>
          %parallel_loop3A_346 = arith.constant 6.200000e+01 : f32
          %parallel_loop3A_347 = vector.broadcast %parallel_loop3A_346 : f32 to vector<16xf32>
          %parallel_loop3A_348 = arith.minimumf %parallel_loop3A_345, %parallel_loop3A_347 : vector<16xf32>
          %parallel_loop3A_349 = arith.fptosi %parallel_loop3A_348 : vector<16xf32> to vector<16xi32>
          %parallel_loop3A_350 = arith.addi %parallel_loop3A_349, %add3A_75 : vector<16xi32>
          %parallel_loop3A_351 = tpu.vector_load_idx %arg8[%parallel_loop3A_350] : memref<8064xf32, #tpu.memory_space<vmem>>[vector<16xi32>], vector<16xf32>,
          %parallel_loop3A_352 = tpu.vector_load_idx %arg7[%parallel_loop3A_350] : memref<8064xf32, #tpu.memory_space<vmem>>[vector<16xi32>], vector<16xf32>,
          %parallel_loop3A_353 = arith.mulf %parallel_loop3A_351, %parallel_loop3A_336 : vector<16xf32>
          %parallel_loop3A_354 = arith.addf %parallel_loop3A_352, %parallel_loop3A_353 : vector<16xf32>
          %parallel_loop3A_355 = arith.index_cast %parallel_loop3A_191 : i32 to index
          %parallel_loop3A_356 = arith.constant 80 : index
          %parallel_loop3A_357 = tpu.vector_load %arg12[%parallel_loop3A_355, %parallel_loop3A_356] {strides = array<i32>} : memref<128x128xf32, #tpu.memory_space<vmem>>, vector<16xf32>,
          tpu.vector_store %arg12[%parallel_loop3A_355, %parallel_loop3A_356], %parallel_loop3A_354 {strides = array<i32>} : memref<128x128xf32, #tpu.memory_space<vmem>>, vector<16xf32>,
          %parallel_loop3A_358 = arith.constant 1360 : i32
          %parallel_loop3A_359 = arith.addi %parallel_loop3A_358, %parallel_loop3A_193 : i32
          %parallel_loop3A_360 = arith.index_cast %parallel_loop3A_359 : i32 to index
          %parallel_loop3A_361 = tpu.vector_load %arg15[%parallel_loop3A_360] {strides = array<i32>} : memref<2176xf32, #tpu.memory_space<vmem>>, vector<16xf32>,
          tpu.vector_store %arg15[%parallel_loop3A_360], %parallel_loop3A_351 {strides = array<i32>} : memref<2176xf32, #tpu.memory_space<vmem>>, vector<16xf32>,
          %parallel_loop3A_362 = arith.index_cast %parallel_loop3A_191 : i32 to index
          %parallel_loop3A_363 = arith.constant 96 : index
          %parallel_loop3A_364 = tpu.vector_load %arg10[%parallel_loop3A_362, %parallel_loop3A_363] {strides = array<i32>} : memref<128x128xf32, #tpu.memory_space<vmem>>, vector<16xf32>,
          %parallel_loop3A_365 = arith.constant 7.875000e+00 : f32
          %parallel_loop3A_366 = vector.broadcast %parallel_loop3A_365 : f32 to vector<16xf32>
          %parallel_loop3A_367 = arith.mulf %parallel_loop3A_364, %parallel_loop3A_366 : vector<16xf32>
          %parallel_loop3A_368 = arith.constant 3.150000e+01 : f32
          %parallel_loop3A_369 = vector.broadcast %parallel_loop3A_368 : f32 to vector<16xf32>
          %parallel_loop3A_370 = arith.addf %parallel_loop3A_367, %parallel_loop3A_369 : vector<16xf32>
          %parallel_loop3A_371 = arith.constant 0.000000e+00 : f32
          %parallel_loop3A_372 = vector.broadcast %parallel_loop3A_371 : f32 to vector<16xf32>
          %parallel_loop3A_373 = arith.maximumf %parallel_loop3A_370, %parallel_loop3A_372 : vector<16xf32>
          %parallel_loop3A_374 = arith.constant 6.200000e+01 : f32
          %parallel_loop3A_375 = vector.broadcast %parallel_loop3A_374 : f32 to vector<16xf32>
          %parallel_loop3A_376 = arith.minimumf %parallel_loop3A_373, %parallel_loop3A_375 : vector<16xf32>
          %parallel_loop3A_377 = arith.fptosi %parallel_loop3A_376 : vector<16xf32> to vector<16xi32>
          %parallel_loop3A_378 = arith.addi %parallel_loop3A_377, %add3A_81 : vector<16xi32>
          %parallel_loop3A_379 = tpu.vector_load_idx %arg8[%parallel_loop3A_378] : memref<8064xf32, #tpu.memory_space<vmem>>[vector<16xi32>], vector<16xf32>,
          %parallel_loop3A_380 = tpu.vector_load_idx %arg7[%parallel_loop3A_378] : memref<8064xf32, #tpu.memory_space<vmem>>[vector<16xi32>], vector<16xf32>,
          %parallel_loop3A_381 = arith.mulf %parallel_loop3A_379, %parallel_loop3A_364 : vector<16xf32>
          %parallel_loop3A_382 = arith.addf %parallel_loop3A_380, %parallel_loop3A_381 : vector<16xf32>
          %parallel_loop3A_383 = arith.index_cast %parallel_loop3A_191 : i32 to index
          %parallel_loop3A_384 = arith.constant 96 : index
          %parallel_loop3A_385 = tpu.vector_load %arg12[%parallel_loop3A_383, %parallel_loop3A_384] {strides = array<i32>} : memref<128x128xf32, #tpu.memory_space<vmem>>, vector<16xf32>,
          tpu.vector_store %arg12[%parallel_loop3A_383, %parallel_loop3A_384], %parallel_loop3A_382 {strides = array<i32>} : memref<128x128xf32, #tpu.memory_space<vmem>>, vector<16xf32>,
          %parallel_loop3A_386 = arith.constant 1632 : i32
          %parallel_loop3A_387 = arith.addi %parallel_loop3A_386, %parallel_loop3A_193 : i32
          %parallel_loop3A_388 = arith.index_cast %parallel_loop3A_387 : i32 to index
          %parallel_loop3A_389 = tpu.vector_load %arg15[%parallel_loop3A_388] {strides = array<i32>} : memref<2176xf32, #tpu.memory_space<vmem>>, vector<16xf32>,
          tpu.vector_store %arg15[%parallel_loop3A_388], %parallel_loop3A_379 {strides = array<i32>} : memref<2176xf32, #tpu.memory_space<vmem>>, vector<16xf32>,
          %parallel_loop3A_390 = arith.index_cast %parallel_loop3A_191 : i32 to index
          %parallel_loop3A_391 = arith.constant 112 : index
          %parallel_loop3A_392 = tpu.vector_load %arg10[%parallel_loop3A_390, %parallel_loop3A_391] {strides = array<i32>} : memref<128x128xf32, #tpu.memory_space<vmem>>, vector<16xf32>,
          %parallel_loop3A_393 = arith.constant 7.875000e+00 : f32
          %parallel_loop3A_394 = vector.broadcast %parallel_loop3A_393 : f32 to vector<16xf32>
          %parallel_loop3A_395 = arith.mulf %parallel_loop3A_392, %parallel_loop3A_394 : vector<16xf32>
          %parallel_loop3A_396 = arith.constant 3.150000e+01 : f32
          %parallel_loop3A_397 = vector.broadcast %parallel_loop3A_396 : f32 to vector<16xf32>
          %parallel_loop3A_398 = arith.addf %parallel_loop3A_395, %parallel_loop3A_397 : vector<16xf32>
          %parallel_loop3A_399 = arith.constant 0.000000e+00 : f32
          %parallel_loop3A_400 = vector.broadcast %parallel_loop3A_399 : f32 to vector<16xf32>
          %parallel_loop3A_401 = arith.maximumf %parallel_loop3A_398, %parallel_loop3A_400 : vector<16xf32>
          %parallel_loop3A_402 = arith.constant 6.200000e+01 : f32
          %parallel_loop3A_403 = vector.broadcast %parallel_loop3A_402 : f32 to vector<16xf32>
          %parallel_loop3A_404 = arith.minimumf %parallel_loop3A_401, %parallel_loop3A_403 : vector<16xf32>
          %parallel_loop3A_405 = arith.fptosi %parallel_loop3A_404 : vector<16xf32> to vector<16xi32>
          %parallel_loop3A_406 = arith.addi %parallel_loop3A_405, %add3A_87 : vector<16xi32>
          %parallel_loop3A_407 = tpu.vector_load_idx %arg8[%parallel_loop3A_406] : memref<8064xf32, #tpu.memory_space<vmem>>[vector<16xi32>], vector<16xf32>,
          %parallel_loop3A_408 = tpu.vector_load_idx %arg7[%parallel_loop3A_406] : memref<8064xf32, #tpu.memory_space<vmem>>[vector<16xi32>], vector<16xf32>,
          %parallel_loop3A_409 = arith.mulf %parallel_loop3A_407, %parallel_loop3A_392 : vector<16xf32>
          %parallel_loop3A_410 = arith.addf %parallel_loop3A_408, %parallel_loop3A_409 : vector<16xf32>
          %parallel_loop3A_411 = arith.index_cast %parallel_loop3A_191 : i32 to index
          %parallel_loop3A_412 = arith.constant 112 : index
          %parallel_loop3A_413 = tpu.vector_load %arg12[%parallel_loop3A_411, %parallel_loop3A_412] {strides = array<i32>} : memref<128x128xf32, #tpu.memory_space<vmem>>, vector<16xf32>,
          tpu.vector_store %arg12[%parallel_loop3A_411, %parallel_loop3A_412], %parallel_loop3A_410 {strides = array<i32>} : memref<128x128xf32, #tpu.memory_space<vmem>>, vector<16xf32>,
          %parallel_loop3A_414 = arith.constant 1904 : i32
          %parallel_loop3A_415 = arith.addi %parallel_loop3A_414, %parallel_loop3A_193 : i32
          %parallel_loop3A_416 = arith.index_cast %parallel_loop3A_415 : i32 to index
          %parallel_loop3A_417 = tpu.vector_load %arg15[%parallel_loop3A_416] {strides = array<i32>} : memref<2176xf32, #tpu.memory_space<vmem>>, vector<16xf32>,
          tpu.vector_store %arg15[%parallel_loop3A_416], %parallel_loop3A_407 {strides = array<i32>} : memref<2176xf32, #tpu.memory_space<vmem>>, vector<16xf32>,
        } {sc.loop_unroll_factor = 4 : i64, sc.parallel_access}
        %parallel_loop3A_187 = arith.constant 0 : i32
        %parallel_loop3A_188 = arith.constant 16 : i32
        %parallel_loop3A_189 = arith.constant 1 : i32
        scf.for %parallel_loop3A_190 = %parallel_loop3A_187 to %parallel_loop3A_188 step %parallel_loop3A_189  : i32 {
          %parallel_loop3A_191 = vector.broadcast %parallel_loop3A_190 : i32 to vector<16xi32>
          %parallel_loop3A_192 = arith.addi %mul3A_90, %parallel_loop3A_191 : vector<16xi32>
          %parallel_loop3A_193 = arith.constant 0 : i32
          %parallel_loop3A_194 = tpu.memref_slice %arg15[%parallel_loop3A_193] : memref<2176xf32, #tpu.memory_space<vmem>> -> memref<272xf32, #tpu.memory_space<vmem>>
          %parallel_loop3A_195 = tpu.vector_load_idx %parallel_loop3A_194[%parallel_loop3A_192] : memref<272xf32, #tpu.memory_space<vmem>>[vector<16xi32>], vector<16xf32>,
          %parallel_loop3A_196 = arith.constant 0 : i32
          %parallel_loop3A_197 = arith.addi %parallel_loop3A_196, %parallel_loop3A_190 : i32
          %parallel_loop3A_198 = arith.index_cast %parallel_loop3A_197 : i32 to index
          %parallel_loop3A_199 = arith.index_cast %mul3A_183 : i32 to index
          %parallel_loop3A_200 = tpu.vector_load %arg14[%parallel_loop3A_198, %parallel_loop3A_199] {strides = array<i32>} : memref<128x128xf32, #tpu.memory_space<vmem>>, vector<16xf32>,
          tpu.vector_store %arg14[%parallel_loop3A_198, %parallel_loop3A_199], %parallel_loop3A_195 {strides = array<i32>} : memref<128x128xf32, #tpu.memory_space<vmem>>, vector<16xf32>,
          %parallel_loop3A_201 = arith.constant 272 : i32
          %parallel_loop3A_202 = tpu.memref_slice %arg15[%parallel_loop3A_201] : memref<2176xf32, #tpu.memory_space<vmem>> -> memref<272xf32, #tpu.memory_space<vmem>>
          %parallel_loop3A_203 = tpu.vector_load_idx %parallel_loop3A_202[%parallel_loop3A_192] : memref<272xf32, #tpu.memory_space<vmem>>[vector<16xi32>], vector<16xf32>,
          %parallel_loop3A_204 = arith.constant 16 : i32
          %parallel_loop3A_205 = arith.addi %parallel_loop3A_204, %parallel_loop3A_190 : i32
          %parallel_loop3A_206 = arith.index_cast %parallel_loop3A_205 : i32 to index
          %parallel_loop3A_207 = arith.index_cast %mul3A_183 : i32 to index
          %parallel_loop3A_208 = tpu.vector_load %arg14[%parallel_loop3A_206, %parallel_loop3A_207] {strides = array<i32>} : memref<128x128xf32, #tpu.memory_space<vmem>>, vector<16xf32>,
          tpu.vector_store %arg14[%parallel_loop3A_206, %parallel_loop3A_207], %parallel_loop3A_203 {strides = array<i32>} : memref<128x128xf32, #tpu.memory_space<vmem>>, vector<16xf32>,
          %parallel_loop3A_209 = arith.constant 544 : i32
          %parallel_loop3A_210 = tpu.memref_slice %arg15[%parallel_loop3A_209] : memref<2176xf32, #tpu.memory_space<vmem>> -> memref<272xf32, #tpu.memory_space<vmem>>
          %parallel_loop3A_211 = tpu.vector_load_idx %parallel_loop3A_210[%parallel_loop3A_192] : memref<272xf32, #tpu.memory_space<vmem>>[vector<16xi32>], vector<16xf32>,
          %parallel_loop3A_212 = arith.constant 32 : i32
          %parallel_loop3A_213 = arith.addi %parallel_loop3A_212, %parallel_loop3A_190 : i32
          %parallel_loop3A_214 = arith.index_cast %parallel_loop3A_213 : i32 to index
          %parallel_loop3A_215 = arith.index_cast %mul3A_183 : i32 to index
          %parallel_loop3A_216 = tpu.vector_load %arg14[%parallel_loop3A_214, %parallel_loop3A_215] {strides = array<i32>} : memref<128x128xf32, #tpu.memory_space<vmem>>, vector<16xf32>,
          tpu.vector_store %arg14[%parallel_loop3A_214, %parallel_loop3A_215], %parallel_loop3A_211 {strides = array<i32>} : memref<128x128xf32, #tpu.memory_space<vmem>>, vector<16xf32>,
          %parallel_loop3A_217 = arith.constant 816 : i32
          %parallel_loop3A_218 = tpu.memref_slice %arg15[%parallel_loop3A_217] : memref<2176xf32, #tpu.memory_space<vmem>> -> memref<272xf32, #tpu.memory_space<vmem>>
          %parallel_loop3A_219 = tpu.vector_load_idx %parallel_loop3A_218[%parallel_loop3A_192] : memref<272xf32, #tpu.memory_space<vmem>>[vector<16xi32>], vector<16xf32>,
          %parallel_loop3A_220 = arith.constant 48 : i32
          %parallel_loop3A_221 = arith.addi %parallel_loop3A_220, %parallel_loop3A_190 : i32
          %parallel_loop3A_222 = arith.index_cast %parallel_loop3A_221 : i32 to index
          %parallel_loop3A_223 = arith.index_cast %mul3A_183 : i32 to index
          %parallel_loop3A_224 = tpu.vector_load %arg14[%parallel_loop3A_222, %parallel_loop3A_223] {strides = array<i32>} : memref<128x128xf32, #tpu.memory_space<vmem>>, vector<16xf32>,
          tpu.vector_store %arg14[%parallel_loop3A_222, %parallel_loop3A_223], %parallel_loop3A_219 {strides = array<i32>} : memref<128x128xf32, #tpu.memory_space<vmem>>, vector<16xf32>,
          %parallel_loop3A_225 = arith.constant 1088 : i32
          %parallel_loop3A_226 = tpu.memref_slice %arg15[%parallel_loop3A_225] : memref<2176xf32, #tpu.memory_space<vmem>> -> memref<272xf32, #tpu.memory_space<vmem>>
          %parallel_loop3A_227 = tpu.vector_load_idx %parallel_loop3A_226[%parallel_loop3A_192] : memref<272xf32, #tpu.memory_space<vmem>>[vector<16xi32>], vector<16xf32>,
          %parallel_loop3A_228 = arith.constant 64 : i32
          %parallel_loop3A_229 = arith.addi %parallel_loop3A_228, %parallel_loop3A_190 : i32
          %parallel_loop3A_230 = arith.index_cast %parallel_loop3A_229 : i32 to index
          %parallel_loop3A_231 = arith.index_cast %mul3A_183 : i32 to index
          %parallel_loop3A_232 = tpu.vector_load %arg14[%parallel_loop3A_230, %parallel_loop3A_231] {strides = array<i32>} : memref<128x128xf32, #tpu.memory_space<vmem>>, vector<16xf32>,
          tpu.vector_store %arg14[%parallel_loop3A_230, %parallel_loop3A_231], %parallel_loop3A_227 {strides = array<i32>} : memref<128x128xf32, #tpu.memory_space<vmem>>, vector<16xf32>,
          %parallel_loop3A_233 = arith.constant 1360 : i32
          %parallel_loop3A_234 = tpu.memref_slice %arg15[%parallel_loop3A_233] : memref<2176xf32, #tpu.memory_space<vmem>> -> memref<272xf32, #tpu.memory_space<vmem>>
          %parallel_loop3A_235 = tpu.vector_load_idx %parallel_loop3A_234[%parallel_loop3A_192] : memref<272xf32, #tpu.memory_space<vmem>>[vector<16xi32>], vector<16xf32>,
          %parallel_loop3A_236 = arith.constant 80 : i32
          %parallel_loop3A_237 = arith.addi %parallel_loop3A_236, %parallel_loop3A_190 : i32
          %parallel_loop3A_238 = arith.index_cast %parallel_loop3A_237 : i32 to index
          %parallel_loop3A_239 = arith.index_cast %mul3A_183 : i32 to index
          %parallel_loop3A_240 = tpu.vector_load %arg14[%parallel_loop3A_238, %parallel_loop3A_239] {strides = array<i32>} : memref<128x128xf32, #tpu.memory_space<vmem>>, vector<16xf32>,
          tpu.vector_store %arg14[%parallel_loop3A_238, %parallel_loop3A_239], %parallel_loop3A_235 {strides = array<i32>} : memref<128x128xf32, #tpu.memory_space<vmem>>, vector<16xf32>,
          %parallel_loop3A_241 = arith.constant 1632 : i32
          %parallel_loop3A_242 = tpu.memref_slice %arg15[%parallel_loop3A_241] : memref<2176xf32, #tpu.memory_space<vmem>> -> memref<272xf32, #tpu.memory_space<vmem>>
          %parallel_loop3A_243 = tpu.vector_load_idx %parallel_loop3A_242[%parallel_loop3A_192] : memref<272xf32, #tpu.memory_space<vmem>>[vector<16xi32>], vector<16xf32>,
          %parallel_loop3A_244 = arith.constant 96 : i32
          %parallel_loop3A_245 = arith.addi %parallel_loop3A_244, %parallel_loop3A_190 : i32
          %parallel_loop3A_246 = arith.index_cast %parallel_loop3A_245 : i32 to index
          %parallel_loop3A_247 = arith.index_cast %mul3A_183 : i32 to index
          %parallel_loop3A_248 = tpu.vector_load %arg14[%parallel_loop3A_246, %parallel_loop3A_247] {strides = array<i32>} : memref<128x128xf32, #tpu.memory_space<vmem>>, vector<16xf32>,
          tpu.vector_store %arg14[%parallel_loop3A_246, %parallel_loop3A_247], %parallel_loop3A_243 {strides = array<i32>} : memref<128x128xf32, #tpu.memory_space<vmem>>, vector<16xf32>,
          %parallel_loop3A_249 = arith.constant 1904 : i32
          %parallel_loop3A_250 = tpu.memref_slice %arg15[%parallel_loop3A_249] : memref<2176xf32, #tpu.memory_space<vmem>> -> memref<272xf32, #tpu.memory_space<vmem>>
          %parallel_loop3A_251 = tpu.vector_load_idx %parallel_loop3A_250[%parallel_loop3A_192] : memref<272xf32, #tpu.memory_space<vmem>>[vector<16xi32>], vector<16xf32>,
          %parallel_loop3A_252 = arith.constant 112 : i32
          %parallel_loop3A_253 = arith.addi %parallel_loop3A_252, %parallel_loop3A_190 : i32
          %parallel_loop3A_254 = arith.index_cast %parallel_loop3A_253 : i32 to index
          %parallel_loop3A_255 = arith.index_cast %mul3A_183 : i32 to index
          %parallel_loop3A_256 = tpu.vector_load %arg14[%parallel_loop3A_254, %parallel_loop3A_255] {strides = array<i32>} : memref<128x128xf32, #tpu.memory_space<vmem>>, vector<16xf32>,
          tpu.vector_store %arg14[%parallel_loop3A_254, %parallel_loop3A_255], %parallel_loop3A_251 {strides = array<i32>} : memref<128x128xf32, #tpu.memory_space<vmem>>, vector<16xf32>,
        } {sc.loop_unroll_factor = 4 : i64, sc.parallel_access}
      }
      %scan3A_170 = arith.constant 8 : i32
      %mul3A_171 = arith.constant 128 : i32
      %mul3A_172 = arith.muli %add3A_149, %mul3A_171 : i32
      %add3A_173 = arith.addi %mul3A_34, %mul3A_172 : i32
      %dma_start3A_174 = tpu.memref_slice %arg4[%add3A_173, %mul3A_32] : memref<16384x1024xf32, #tpu.memory_space<hbm>> -> memref<128x128xf32, #tpu.memory_space<hbm>>
      %dma_start3A_175 = tpu.memref_slice %arg4[%add3A_173, %mul3A_32] : memref<16384x1024xf32, #tpu.memory_space<hbm>> -> memref<128x128xf32, #tpu.memory_space<hbm>>
      tpu.enqueue_dma source(%arg12 : memref<128x128xf32, #tpu.memory_space<vmem>>) target(%dma_start3A_175 : memref<128x128xf32, #tpu.memory_space<hbm>>) target_semaphore(%arg18 : memref<!tpu.dma_semaphore, #tpu.memory_space<semaphore_mem>>)
      %mul3A_176 = arith.constant 128 : i32
      %mul3A_177 = arith.muli %add3A_149, %mul3A_176 : i32
      %add3A_178 = arith.addi %mul3A_34, %mul3A_177 : i32
      %dma_start3A_179 = tpu.memref_slice %arg5[%mul3A_32, %add3A_178] : memref<1024x16384xf32, #tpu.memory_space<hbm>> -> memref<128x128xf32, #tpu.memory_space<hbm>>
      %dma_start3A_180 = tpu.memref_slice %arg5[%mul3A_32, %add3A_178] : memref<1024x16384xf32, #tpu.memory_space<hbm>> -> memref<128x128xf32, #tpu.memory_space<hbm>>
      tpu.enqueue_dma source(%arg14 : memref<128x128xf32, #tpu.memory_space<vmem>>) target(%dma_start3A_180 : memref<128x128xf32, #tpu.memory_space<hbm>>) target_semaphore(%arg18 : memref<!tpu.dma_semaphore, #tpu.memory_space<semaphore_mem>>)
    }
    %scan3A_97 = arith.constant 16 : i32
    %add3A_98 = arith.constant 3840 : i32
    %add3A_99 = arith.addi %mul3A_34, %add3A_98 : i32
    %dma_wait3A = tpu.memref_slice %arg4[%add3A_99, %mul3A_32] : memref<16384x1024xf32, #tpu.memory_space<hbm>> -> memref<128x128xf32, #tpu.memory_space<hbm>>
    %dma_wait3A_100 = tpu.memref_slice %arg4[%add3A_99, %mul3A_32] : memref<16384x1024xf32, #tpu.memory_space<hbm>> -> memref<128x128xf32, #tpu.memory_space<hbm>>
    tpu.wait_dma2 semaphore(%arg17 : memref<!tpu.dma_semaphore, #tpu.memory_space<semaphore_mem>>) src(%arg11 : memref<128x128xf32, #tpu.memory_space<vmem>>) dst(%dma_wait3A_100 : memref<128x128xf32, #tpu.memory_space<hbm>>)
    %add3A_101 = arith.constant 3840 : i32
    %add3A_102 = arith.addi %mul3A_34, %add3A_101 : i32
    %dma_wait3A_103 = tpu.memref_slice %arg5[%mul3A_32, %add3A_102] : memref<1024x16384xf32, #tpu.memory_space<hbm>> -> memref<128x128xf32, #tpu.memory_space<hbm>>
    %dma_wait3A_104 = tpu.memref_slice %arg5[%mul3A_32, %add3A_102] : memref<1024x16384xf32, #tpu.memory_space<hbm>> -> memref<128x128xf32, #tpu.memory_space<hbm>>
    tpu.wait_dma2 semaphore(%arg17 : memref<!tpu.dma_semaphore, #tpu.memory_space<semaphore_mem>>) src(%arg13 : memref<128x128xf32, #tpu.memory_space<vmem>>) dst(%dma_wait3A_104 : memref<128x128xf32, #tpu.memory_space<hbm>>)
    %add3A_105 = arith.constant 3968 : i32
    %add3A_106 = arith.addi %mul3A_34, %add3A_105 : i32
    %dma_wait3A_107 = tpu.memref_slice %arg4[%add3A_106, %mul3A_32] : memref<16384x1024xf32, #tpu.memory_space<hbm>> -> memref<128x128xf32, #tpu.memory_space<hbm>>
    %dma_wait3A_108 = tpu.memref_slice %arg4[%add3A_106, %mul3A_32] : memref<16384x1024xf32, #tpu.memory_space<hbm>> -> memref<128x128xf32, #tpu.memory_space<hbm>>
    tpu.wait_dma2 semaphore(%arg18 : memref<!tpu.dma_semaphore, #tpu.memory_space<semaphore_mem>>) src(%arg12 : memref<128x128xf32, #tpu.memory_space<vmem>>) dst(%dma_wait3A_108 : memref<128x128xf32, #tpu.memory_space<hbm>>)
    %add3A_109 = arith.constant 3968 : i32
    %add3A_110 = arith.addi %mul3A_34, %add3A_109 : i32
    %dma_wait3A_111 = tpu.memref_slice %arg5[%mul3A_32, %add3A_110] : memref<1024x16384xf32, #tpu.memory_space<hbm>> -> memref<128x128xf32, #tpu.memory_space<hbm>>
    %dma_wait3A_112 = tpu.memref_slice %arg5[%mul3A_32, %add3A_110] : memref<1024x16384xf32, #tpu.memory_space<hbm>> -> memref<128x128xf32, #tpu.memory_space<hbm>>
    tpu.wait_dma2 semaphore(%arg18 : memref<!tpu.dma_semaphore, #tpu.memory_space<semaphore_mem>>) src(%arg14 : memref<128x128xf32, #tpu.memory_space<vmem>>) dst(%dma_wait3A_112 : memref<128x128xf32, #tpu.memory_space<hbm>>)
    return
  }
}

</mosaic_0001>

<sc_bundles>
// kernel: kernel.3.cloned.1.call-start
scs
__scs_entry_jumppad:
0x0: {  	(pc) =	sbr.rel $0x88, $3  }
0x1: {  	(tag) =	ssettag $0x0;
	lr =	simm.s32 $0x1  }
0x2: {  	[smem:$0x3F9F] =	sst lr;
	_ =	strace $0xD0000000  }
0x3: {  	_ = 	snop  }
0x4: {  	_ = 	snop  }
0x5: {  	_ = 	snop  }
0x6: {  	_ = 	snop  }
0x7: {  	_ = 	snop  }
__scs_overlays_trampoline_lowered:
0x8: {  	[smem:$0x3FAE] =	sst s0  }
0x9: {  	[smem:$0x3FAF] =	sst s1  }
0xa: {  	[smem:$0x3FB0] =	sst s2  }
0xb: {  	[smem:$0x3FB1] =	sst s3  }
0xc: {  	[smem:$0x3FB2] =	sst s4  }
0xd: {  	[smem:$0x3FB3] =	sst s5  }
0xe: {  	[smem:$0x3FB4] =	sst s6  }
0xf: {  	[smem:$0x3FB5] =	sst s7  }
0x10: {  	[smem:$0x3FB6] =	sst s8  }
0x11: {  	[smem:$0x3FB7] =	sst s9;
	s0 =	simm.s32 @!p0 $0x0  }
0x12: {  	s1 =	sld [smem:$0x3F9D];
	s0 =	simm.s32 @p0 $0x1  }
0x13: {  	[smem:$0x3FB8] =	sst s0;
	s0 =	simm.s32 @!p1 $0x0  }
0x14: {  	s2 =	sld [smem:$0x3F9C];
	s0 =	simm.s32 @p1 $0x1  }
0x15: {  	[smem:$0x3FB9] =	sst s0;
	s0 =	simm.s32 @!p2 $0x0  }
0x16: {  	s3 =	sld [smem:$0x3FDB];
	s0 =	simm.s32 @p2 $0x1  }
0x17: {  	s4 =	simm.s32 $0x1BF5;
	[smem:$0x3FBB] =	sst s0  }
0x18: {  	s0 =	sld [smem:$0x3F9E];
	_ =	swait.ge [sflag:s4], $0x0  }
0x19: {  	s7 =	sld [smem:$0x3F9F]  }
0x1a: {  	s8 =	sadd.s32 $0xFFFFE003, lr  }
0x1b: {  	s9 =	sadd.s32 $0xFFFFFEF7, lr;
	s5 =	simm.s32 $0xFFFFFFFF;
	p2 =	slt.u32 s8, $0xFFFFF086  }
0x1c: {  	p1 =	slt.u32 s9, $0xF7A;
	s5 =	simm.s32 @!p2 $0x0  }
0x1d: {  	s5 =	simm.s32 @p1 $0x1;
	p0 =	seq.s32 s7, s2  }
0x1e: {  	s7 =	smul.u32 @!p0 $0xF7A, s2;
	p2 =	seq.s32 @!p0 s5, $0x0  }
0x1f: {  	s9 =	smul.u32 $0xF7A, s1;
	s8 =	simm.s32 @!p0 $0x1BF5;
	p2 =	por !p2, p0  }
0x20: {  	[sflag:s8] =	ssyncset.s32 @!p0 $0xFFFFF086;
	s6 =	sadd.s32 @!p0 s3, s7;
	s7 =	simm.s32 @!p0 $0x108  }
0x21: {  	s3 =	sadd.s32 s3, s9;
	s6 =	sadd.s32 @!p0 $0x88, s6;
	s7 =	simm.s32 @p2 $0x1082  }
0x22: {  	[simem:s7], [sflag:s8] =	dma.local @!p0 [hbm:s6], $0xF7A  }
0x23: {  	s9 =	sor.u32 $0xD0000000, s2;
	s6 =	simm.s32 $0x108;
	_ =	swait.ge @!p0 [sflag:s8], $0x0  }
0x24: {  	s3 =	sadd.s32 $0x88, s3;
	s6 =	simm.s32 @!p1 $0x1082;
	[sflag:s4] =	ssyncset.s32 $0xFFFFF086  }
0x25: {  	[simem:s6], [sflag:s4] =	dma.local [hbm:s3], $0xF7A  }
0x26: {  	[smem:$0x3F9F] =	sst s1;
	(tag) =	ssettag s2;
	_ =	strace s9  }
0x27: {  	s1 =	sld [smem:$0x3FAF]  }
0x28: {  	s2 =	sld [smem:$0x3FB0]  }
0x29: {  	s4 =	sld [smem:$0x3FB2]  }
0x2a: {  	p0 =	seq.s32 s5, $0x0;
	s5 =	sld [smem:$0x3FB3]  }
0x2b: {  	s6 =	sld [smem:$0x3FB4]  }
0x2c: {  	s7 =	sld [smem:$0x3FB5]  }
0x2d: {  	s3 =	simm.s32 $0x108;
	s8 =	sld [smem:$0x3FB6]  }
0x2e: {  	s3 =	simm.s32 @!p0 $0x1082;
	s9 =	sld [smem:$0x3FB7]  }
0x2f: {  	lr =	sadd.s32 s0, s3;
	s0 =	sld [smem:$0x3FAE]  }
0x30: {  	s3 =	sld [smem:$0x3FB1]  }
0x31: {  	[smem:$0x3FBA] =	sst s10  }
0x32: {  	s10 =	sld [smem:$0x3FB8];
	_ =	sdelay $0x3  }
0x33: {  	p0 =	seq.s32 s10, $0x1;
	s10 =	sld [smem:$0x3FBA];
	_ =	sdelay $0x3  }
0x34: {  	[smem:$0x3FBA] =	sst s10  }
0x35: {  	s10 =	sld [smem:$0x3FB9];
	_ =	sdelay $0x3  }
0x36: {  	p1 =	seq.s32 s10, $0x1;
	s10 =	sld [smem:$0x3FBA];
	_ =	sdelay $0x3  }
0x37: {  	[smem:$0x3FBA] =	sst s10  }
0x38: {  	s10 =	sld [smem:$0x3FBB]  }
0x39: {  	_ = 	snop;
	(pc) =	sbr.ind lr, $3  }
0x3a: {  	_ = 	snop  }
0x3b: {  	_ = 	snop  }
0x3c: {  	p2 =	seq.s32 s10, $0x1;
	s10 =	sld [smem:$0x3FBA]  }
0x3d: {  	_ =	shalt  }
0x3e: {  	_ =	shalt  }
0x3f: {  	_ =	shalt  }
0x40: {  	_ =	shalt  }
0x41: {  	_ =	shalt  }
0x42: {  	_ =	shalt  }
0x43: {  	_ =	shalt  }
0x44: {  	_ =	shalt  }
0x45: {  	_ =	shalt  }
0x46: {  	_ =	shalt  }
0x47: {  	_ =	shalt  }
0x48: {  	_ =	shalt  }
0x49: {  	_ =	shalt  }
0x4a: {  	_ =	shalt  }
0x4b: {  	_ =	shalt  }
0x4c: {  	_ =	shalt  }
0x4d: {  	_ =	shalt  }
0x4e: {  	_ =	shalt  }
0x4f: {  	_ =	shalt  }
0x50: {  	_ =	shalt  }
0x51: {  	_ =	shalt  }
0x52: {  	_ =	shalt  }
0x53: {  	_ =	shalt  }
0x54: {  	_ =	shalt  }
0x55: {  	_ =	shalt  }
0x56: {  	_ =	shalt  }
0x57: {  	_ =	shalt  }
0x58: {  	_ =	shalt  }
0x59: {  	_ =	shalt  }
0x5a: {  	_ =	shalt  }
0x5b: {  	_ =	shalt  }
0x5c: {  	_ =	shalt  }
0x5d: {  	_ =	shalt  }
0x5e: {  	_ =	shalt  }
0x5f: {  	_ =	shalt  }
0x60: {  	_ =	shalt  }
0x61: {  	_ =	shalt  }
0x62: {  	_ =	shalt  }
0x63: {  	_ =	shalt  }
0x64: {  	_ =	shalt  }
0x65: {  	_ =	shalt  }
0x66: {  	_ =	shalt  }
0x67: {  	_ =	shalt  }
0x68: {  	_ =	shalt  }
0x69: {  	_ =	shalt  }
0x6a: {  	_ =	shalt  }
0x6b: {  	_ =	shalt  }
0x6c: {  	_ =	shalt  }
0x6d: {  	_ =	shalt  }
0x6e: {  	_ =	shalt  }
0x6f: {  	_ =	shalt  }
0x70: {  	_ =	shalt  }
0x71: {  	_ =	shalt  }
0x72: {  	_ =	shalt  }
0x73: {  	_ =	shalt  }
0x74: {  	_ =	shalt  }
0x75: {  	_ =	shalt  }
0x76: {  	_ =	shalt  }
0x77: {  	_ =	shalt  }
0x78: {  	_ =	shalt  }
0x79: {  	_ =	shalt  }
0x7a: {  	_ =	shalt  }
0x7b: {  	_ =	shalt  }
0x7c: {  	_ =	shalt  }
0x7d: {  	_ =	shalt  }
0x7e: {  	_ =	shalt  }
0x7f: {  	_ =	shalt  }
0x80: {  	_ =	shalt  }
0x81: {  	_ =	shalt  }
0x82: {  	_ =	shalt  }
0x83: {  	_ =	shalt  }
0x84: {  	_ =	shalt  }
0x85: {  	_ =	shalt  }
0x86: {  	_ =	shalt  }
0x87: {  	_ =	shalt  }
.Lfunc_end0:
.L_simem_size_0:
called_computation_lowered:
.L_overlay_start_0:
0x88: {  	s2 =	sld [smem:$0x3FD9]  }
0x89: {  	s3 =	sld [smem:$0x3FFE];
	_ =	sdelay $0x1  }
0x8a: {  	s1 =	srdreg.scid  }
0x8b: {  	s0 =	sand.u32 $0x1, s1  }
0x8c: {  	s15 =	sshll.u32 s0, $0xA;
	s2 =	sadd.s32 s3, s2  }
0x8d: {  	s2 =	sadd.s32 s2, s15  }
0x8e: {  	[smem:$0x3FC6] =	sst s2  }
0x8f: {  	_ = 	snop  }
0x90: {  	s2 =	sld [smem:$0x3FD0];
	_ =	sdelay $0x1  }
0x91: {  	s16 =	sld [smem:$0x3FC9]  }
0x92: {  	s5 =	simm.s32 $0xA;
	s6 =	simm.s32 $0x10;
	s4 =	sld [smem:$0x3FC8]  }
0x93: {  	[smem:s6], [sflag:s5] =	dma.local [hbm:s2], $0x1  }
0x94: {  	_ =	swait.eq [sflag:s5], $0x1  }
0x95: {  	[sflag:s5] =	ssyncset.done $0x0  }
0x96: {  	s17 =	sld [smem:$0x10];
	[sflag:s5] =	ssyncadd.s32 $0xFFFFFFFF  }
0x97: {  	s18 =	sld [smem:$0x11];
	(tm) =	ssettm $0x1  }
0x98: {  	s19 =	sld [smem:$0x3FFB];
	_ =	sdelay $0x3  }
0x99: {  	_ =	strace s19  }
0x9a: {  	s6 =	sld [smem:$0x3FFC];
	_ =	sdelay $0x3  }
0x9b: {  	_ =	strace s6  }
0x9c: {  	s6 =	sld [smem:$0x3FFD];
	_ =	sdelay $0x3  }
0x9d: {  	_ =	strace s6  }
0x9e: {  	_ =	strace $0x8FFFFFFF  }
0x9f: {  	s20 =	sld [smem:$0x3FDB];
	_ =	sdelay $0x1  }
0xa0: {  	s7 =	simm.s32 $_scs_section_size  }
0xa1: {  	s8 =	simm.s32 $_size__tile_overlayer_lowered;
	s9 =	simm.s32 $_tile_overlayer_lowered  }
0xa2: {  	s23 =	simm.s32 $0x1BFF;
	s22 =	sshll.u32 s9, $0x1;
	s6 =	sadd.s32 s7, s20  }
0xa3: {  	s10 =	simm.s32 $0x0;
	s21 =	sshll.u32 s8, $0x1;
	s8 =	sadd.s32 s22, s6  }
0xa4: {  	[timem:s10], [sflag:s23] =	dma.local [hbm:s8], s21  }
0xa5: {  	_ =	swait.ge [sflag:s23], s21  }
0xa6: {  	s7 =	ssub.s32 $0x0, s21;
	[sflag:s23] =	ssyncset.done $0x0  }
0xa7: {  	[sflag:s23] =	ssyncadd.s32 s7;
	_ =	sdelay $0x1  }
0xa8: {  	s24 =	simm.s32 $0x1B8B  }
0xa9: {  	_ =	swait.ge [sflag:s24], $0x1  }
0xaa: {  	[sflag:s24] =	ssyncset.done $0x0  }
0xab: {  	s25 =	simm.s32 $0x1B8E;
	[sflag:s24] =	ssyncadd.s32 $0xFFFFFFFF  }
0xac: {  	s26 =	simm.s32 $execute0_lowered;
	[smem:$0x3FD2] =	sst s25  }
0xad: {  	s7 =	sshll.u32 s26, $0x1;
	_ =	strace $0x80000046;
	[dreg:$0x1] =	wrdreg $0xFFFFFFFF  }
0xae: {  	s28 =	simm.s32 $_size_execute0_lowered;
	s6 =	sadd.s32 s6, s7;
	[dreg:$0x0] =	wrdreg $0x0  }
0xaf: {  	s7 =	sshll.u32 s28, $0x1;
	[dreg:$0x2] =	wrdreg s6  }
0xb0: {  	[dreg:$0x3] =	wrdreg s7  }
0xb1: {  	[dreg:$0x4] =	wrdreg $0xC0  }
0xb2: {  	_ =	task [dreg:s10], $0x5FFFF  }
0xb3: {  	[dreg:$0x1] =	wrdreg $0xFFFFFFFF  }
0xb4: {  	[dreg:$0x0] =	wrdreg $0x60  }
0xb5: {  	[dreg:$0x2] =	wrdreg s16  }
0xb6: {  	[dreg:$0x3] =	wrdreg s4  }
0xb7: {  	[dreg:$0x4] =	wrdreg s17  }
0xb8: {  	[dreg:$0x5] =	wrdreg s18  }
0xb9: {  	[dreg:$0x6] =	wrdreg $0x9  }
0xba: {  	_ =	task.clear_ibuf [dreg:s10], $0x7FFFF;
	_ =	strace $0x90000046  }
0xbb: {  	s29 =	simm.s32 $0x9;
	_ =	strace $0x80000048  }
0xbc: {  	_ =	swait.ge [sflag:s29], $0x1  }
0xbd: {  	[sflag:s29] =	ssyncadd.s32 $0xFFFFFFFF  }
0xbe: {  	_ =	strace $0x90000048  }
0xbf: {  	_ =	sfence  }
0xc0: {  	s30 =	sld [smem:$0x0];
	_ =	sdelay $0x2  }
0xc1: {  	s31 =	sshll.u32 s1, $0xD;
	s1 =	sshrl.u32 s1, $0x2  }
0xc2: {  	s3 =	sand.u32 $0x4000, s31;
	s1 =	sadd.s32 s1, s30  }
0xc3: {  	s0 =	sor.u32 s3, s0;
	s1 =	sshll.u32 s1, $0x11  }
0xc4: {  	s0 =	sor.u32 s1, s0  }
0xc5: {  	s0 =	sadd.s32 $0x8F2B, s0  }
0xc6: {  	[sflag:s0] =	ssyncadd.remote.s32 $0x1  }
0xc7: {  	_ =	sfence.sel $0xFFFF  }
0xc8: {  	[dreg:$0x0] =	wrdreg $0xFFFFFFFF;
	(pc) =	sbr.abs _section_cstart, $3  }
0xc9: {  	[dreg:$0x1] =	wrdreg $0xFFFFFFFF  }
0xca: {  	_ =	task.clear_ibuf [dreg:s10], $0x2FFFF;
	_ =	strace $0x9FFFFFFF  }
0xcb: {  	(tm) =	ssettm $0x7FFFFFFF  }
tec
execute0_lowered:
.L_overlay_start_1:
0x0: {  	(tag) =	ssettag $0x1  }
0x1: {  	v0 =	vimm.f32 $2.095237970e+00  }
0x2: {  	vm10 =	vcmask $0x300;
	vm4 =	vcmask $0x704;
	s18 =	rddreg [dreg:$0x0];
	vm5 =	vcmask $0xB08  }
0x3: {  	s0 =	rddreg [dreg:$0x1];
	vm6 =	vcmask $0xF0C;
	vm7 =	vcmask $0x1310;
	vm8 =	vcmask $0x1714  }
0x4: {  	s30 =	rddreg [dreg:$0x2];
	vm11 =	vcmask $0x1B18;
	vm12 =	vcmask $0x1F1C;
	vm13 =	vcmask $0x2320  }
0x5: {  	s1 =	rddreg [dreg:$0x3];
	s2 =	simm.s32 $0x0;
	vm14 =	vcmask $0x2724;
	vm9 =	vcmask $0x2B28;
	vm3 =	vcmask $0x2F2C  }
0x6: {  	s11 =	simm.s32 $0x400;
	vm1 =	vcmask $0x3330;
	s8 =	simm.s32 $0x2000;
	s10 =	simm.s32 $0x3F80;
	v1 =	vimm.f32 $6.349182120e-02  }
0x7: {  	s4 =	stileid.u32;
	vm2 =	vcmask $0x3734;
	v2 =	vimm.f32 $-1.968254090e+00;
	v3 =	vimm.f32 $-4.000000000e+00;
	s20 =	simm.s32 $0x1DF00;
	s28 =	simm.s32 $0x1E670  }
0x8: {  	s21 =	srdreg.scid;
	v0 =	vsel vm10, $0x40800000, v0;
	[smem:$0x7FF] =	sst s2;
	s3 =	sshll.u32 s4, $0x1;
	v1 =	vsel vm10, $0x3FFBEFBE, v1;
	v2 =	vsel vm10, $0xBD820840, v2  }
0x9: {  	vm0 =	vcmask $0x3B38;
	s2 =	sand.u32 $0x1, s21;
	s4 =	sshrl.u32 s4, $0x2;
	v3 =	vsel vm10, $0xC0061864, v3;
	s21 =	simm.s32 $0x1E010;
	v0 =	vsel vm4, $0x4077DF7E, v0  }
0xa: {  	_ =	strace $0x80000047;
	s9 =	sshll.u32 s4, $0xC;
	s22 =	sshll.u32 s4, $0x16;
	v1 =	vsel vm4, $0x3FEBAEBA, v1  }
0xb: {  	s3 =	sand.u32 $0x6, s3;
	v2 =	vsel vm4, $0xBE430C40, v2;
	v3 =	vsel vm4, $0xC00E38E6, v3;
	v0 =	vsel vm5, $0x406FBEFC, v0  }
0xc: {  	s7 =	sor.u32 s2, s3;
	v1 =	vsel vm5, $0x3FDB6DB6, v1;
	v2 =	vsel vm5, $0xBEA28A30, v2;
	v3 =	vsel vm5, $0xC0165968, v3  }
0xd: {  	v0 =	vsel vm6, $0x40679E7A, v0;
	s23 =	sshll.u32 s7, $0xA;
	s5 =	sshll.u32 s7, $0x12;
	v1 =	vsel vm6, $0x3FCB2CB2, v1  }
0xe: {  	v2 =	vsel vm6, $0xBEE38E40, v2;
	v3 =	vsel vm6, $0xC01E79EA, v3;
	v0 =	vsel vm7, $0x405F7DF8, v0  }
0xf: {  	v1 =	vsel vm7, $0x3FBAEBAE, v1;
	v2 =	vsel vm7, $0xBF124928, v2;
	v3 =	vsel vm7, $0xC0269A6C, v3  }
0x10: {  	v0 =	vsel vm8, $0x40575D76, v0;
	v1 =	vsel vm8, $0x3FAAAAAA, v1;
	v2 =	vsel vm8, $0xBF32CB30, v2  }
0x11: {  	v3 =	vsel vm8, $0xC02EBAEE, v3;
	v0 =	vsel vm11, $0x404F3CF4, v0;
	v1 =	vsel vm11, $0x3F9A69A6, v1  }
0x12: {  	v2 =	vsel vm11, $0xBF534D38, v2;
	v3 =	vsel vm11, $0xC036DB70, v3;
	v0 =	vsel vm12, $0x40471C72, v0  }
0x13: {  	v1 =	vsel vm12, $0x3F8A28A2, v1;
	v2 =	vsel vm12, $0xBF73CF40, v2;
	v3 =	vsel vm12, $0xC03EFBF2, v3  }
0x14: {  	v0 =	vsel vm13, $0x403EFBF0, v0;
	v1 =	vsel vm13, $0x3F73CF38, v1;
	v2 =	vsel vm13, $0xBF8A28A4, v2  }
0x15: {  	v3 =	vsel vm13, $0xC0471C74, v3;
	v0 =	vsel vm14, $0x4036DB6E, v0;
	v1 =	vsel vm14, $0x3F534D30, v1  }
0x16: {  	v2 =	vsel vm14, $0xBF9A69A8, v2;
	v3 =	vsel vm14, $0xC04F3CF6, v3;
	v0 =	vsel vm9, $0x402EBAEC, v0  }
0x17: {  	s2 =	ssub.s32 $0x2, s2;
	[dreg:$0x6] =	wrdreg s9;
	v1 =	vsel vm9, $0x3F32CB28, v1;
	v2 =	vsel vm9, $0xBFAAAAAC, v2;
	v3 =	vsel vm9, $0xC0575D78, v3  }
0x18: {  	s6 =	sshrl.u32 s2, $0x1;
	[dreg:$0x5] =	wrdreg s7;
	v0 =	vsel vm3, $0x40269A6A, v0;
	v1 =	vsel vm3, $0x3F124920, v1;
	v2 =	vsel vm3, $0xBFBAEBB0, v2  }
0x19: {  	s24 =	sor.u32 s7, s9;
	s3 =	sor.u32 s22, s23;
	s0 =	sadd.s32 s0, s23;
	v3 =	vsel vm3, $0xC05F7DFA, v3;
	v0 =	vsel vm1, $0x401E79E7, v0;
	v1 =	vsel vm1, $0x3EE38E30, v1  }
0x1a: {  	s25 =	sor.u32 $0x80, s24;
	s26 =	sadd.s32 s1, s5;
	s29 =	sor.u32 $0x100, s24;
	v2 =	vsel vm1, $0xBFCB2CB4, v2;
	v5 =	vsel vm1, $0xC0679E7C, v3;
	v0 =	vsel vm2, $0x40165965, v0  }
0x1b: {  	s22 =	simm.s32 $0x1E120;
	s23 =	simm.s32 $0x1E230;
	[dreg:$0x8] =	wrdreg s0;
	v1 =	vsel vm2, $0x3EA28A20, v1;
	v4 =	vsel vm2, $0xBFDB6DB8, v2;
	v2 =	vlaneseq.u32  }
.Ltmp0:
0x1c: {  	s24 =	simm.s32 $0x1E340;
	[dreg:$0x9] =	wrdreg s25;
	v3 =	vsel vm0, $0xBFEBAEBC, v4;
	v4 =	vmul.u32 $0x3F, v2;
	(pc) =	sbr.rel .LBB2_1-.Ltmp0, $4  }
0x1d: {  	s2 =	ssub.s32 s2, s6;
	[dreg:$0xa] =	wrdreg s26;
	v5 =	vsel vm2, $0xC06FBEFE, v5;
	v0 =	vsel vm0, $0x400E38E3, v0;
	v1 =	vsel vm0, $0x3E430C20, v1  }
0x1e: {  	s3 =	sshrl.u32 s3, $0x3;
	[dreg:$0xb] =	wrdreg s29;
	s31 =	smax.u32 s2, $0x1;
	v5 =	vsel vm0, $0xC077DF80, v5;
	v6 =	vadd.s32 $0x1, v2;
	v7 =	vadd.s32 $0x3F0, v4  }
0x1f: {  	s25 =	simm.s32 $0x1E450;
	s3 =	sadd.s32 s18, s3;
	[dreg:$0xc] =	wrdreg s31;
	v8 =	vadd.s32 $0x7E0, v4;
	v9 =	vadd.s32 $0xBD0, v4;
	v10 =	vadd.s32 $0xFC0, v4  }
0x20: {  	s26 =	simm.s32 $0x1E560;
	s2 =	simm.s32 $0x0;
	[dreg:$0x7] =	wrdreg s3;
	v11 =	vadd.s32 $0x13B0, v4;
	v12 =	vadd.s32 $0x17A0, v4;
	v13 =	vadd.s32 $0x1B90, v4  }
.LBB2_29:
0x21: {  	s0 =	simm.s32 $0x2  }
0x22: {  	_ =	swait.ge [sflag:s0], $0x4000  }
0x23: {  	[sflag:s0] =	ssyncset.done $0x0  }
0x24: {  	[sflag:s0] =	ssyncadd.s32 $0xFFFFC000  }
0x25: {  	_ =	swait.ge [sflag:s0], $0x4000  }
0x26: {  	[sflag:s0] =	ssyncset.done $0x0  }
0x27: {  	s1 =	simm.s32 $0x3;
	[sflag:s0] =	ssyncadd.s32 $0xFFFFC000  }
0x28: {  	_ =	swait.ge [sflag:s1], $0x4000  }
0x29: {  	[sflag:s1] =	ssyncset.done $0x0  }
0x2a: {  	[sflag:s1] =	ssyncadd.s32 $0xFFFFC000  }
0x2b: {  	_ =	swait.ge [sflag:s1], $0x4000  }
0x2c: {  	s2 =	rddreg [dreg:$0xd]  }
0x2d: {  	s31 =	rddreg [dreg:$0xc];
	s2 =	sadd.s32 $0x1, s2  }
0x2e: {  	p0 =	sne.s32 s2, s31  }
.Ltmp1:
0x2f: {  	_ = 	snop;
	(pc) =	sbr.rel @!p0 .LBB2_30-.Ltmp1, $3  }
0x30: {  	_ =	sdelay $0x1  }
0x31: {  	[sflag:s1] =	ssyncset.done $0x0  }
0x32: {  	[sflag:s1] =	ssyncadd.s32 $0xFFFFC000  }
.LBB2_1:
0x33: {  	[dreg:$0xd] =	wrdreg s2  }
0x34: {  	s0 =	simm.s32 $0x5F00;
	s1 =	rddreg [dreg:$0x7];
	s7 =	simm.s32 $0x0  }
0x35: {  	[tilespmem:s0], [sflag:$0x1] =	stream.strided.gather [hbm4b:s1+s11], $0x4000, s8, s11, $0x38;
	[tilespmem:$0x1E780] =	vst v63  }
0x36: {  	s19 =	rddreg [dreg:$0x8];
	s29 =	simm.s32 $0x20;
	s31 =	simm.s32 $0x4  }
0x37: {  	[tilespmem:s7], [sflag:$0x4] =	stream.linear.gather [hbm4b:s19+s7], $0x2000, $0x38;
	[tilespmem:$0x1E780] =	vst v63  }
0x38: {  	v14 =	vor.u32 s29, v6;
	_ =	swait.ge [sflag:s31], $0x2000  }
0x39: {  	s4 =	simm.s32 $0x10;
	[sflag:s31] =	ssyncset.done $0x0  }
0x3a: {  	s5 =	simm.s32 $0x20;
	v16 =	vadd.s32 s4, v6;
	[sflag:s31] =	ssyncadd.s32 $0xFFFFE000  }
0x3b: {  	v21 =	vld [tilespmem:s5+$0xFFFFFFF0]  }
0x3c: {  	s3 =	simm.s32 $0x30;
	v18 =	vld [tilespmem:s5+$0x0]  }
0x3d: {  	v15 =	vadd.s32 s3, v6;
	s3 =	simm.s32 $0x60;
	v20 =	vor.u32 s7, v6;
	v14 =	vld.idx.msk [tilespmem:v14+s7+$0x0], $0xffff  }
0x3e: {  	vm0 =	vlt.s32 v15, $0x1FFF;
	v22 =	vor.u32 s3, v6;
	v30 =	vld [tilespmem:s5+$0x10]  }
0x3f: {  	s11 =	simm.s32 $0x50;
	v15 =	vnsel vm0, $0x1FFF, v15;
	v16 =	vld.idx.msk [tilespmem:v16+s7+$0x0], $0xffff  }
0x40: {  	s6 =	simm.s32 $0x70;
	s9 =	simm.s32 $0x60;
	v24 =	vadd.s32 s11, v6;
	v31 =	vld [tilespmem:s5+$0xFFFFFFE0]  }
0x41: {  	v19 =	vadd.s32 s6, v6;
	v34 =	vld [tilespmem:s9+$0x0]  }
0x42: {  	vm14 =	vlt.s32 v19, $0x1FFF;
	v27 =	vld.idx.msk [tilespmem:v20+s7+$0x0], $0xffff  }
0x43: {  	v19 =	vnsel vm14, $0x1FFF, v19;
	v22 =	vld.idx.msk [tilespmem:v22+s7+$0x0], $0xffff  }
0x44: {  	v17 =	vld.idx.msk [tilespmem:v15+s7+$0x0], $0xffff  }
0x45: {  	s12 =	simm.s32 $0x20;
	s14 =	simm.s32 $0x10;
	s16 =	simm.s32 $0x40;
	v24 =	vld.idx.msk [tilespmem:v24+s7+$0x0], $0xffff  }
0x46: {  	s17 =	simm.s32 $0xA0;
	v25 =	vadd.s32 s12, v2;
	v32 =	vadd.s32 s14, v2;
	v35 =	vor.u32 s16, v6;
	s19 =	simm.s32 $0x90;
	v15 =	vld [tilespmem:s9+$0xFFFFFFF0]  }
0x47: {  	s4 =	simm.s32 $0x0;
	v36 =	vor.u32 s17, v6;
	v38 =	vadd.s32 s19, v6;
	v23 =	vsub.f32 v14, v18  }
0x48: {  	v20 =	vadd.s32 s4, v2;
	v29 =	vld.idx.msk [tilespmem:v19+s7+$0x0], $0xffff;
	v16 =	vsub.f32 v16, v21;
	v27 =	vsub.f32 v27, v31  }
0x49: {  	s13 =	simm.s32 $0x30;
	v14 =	vld [tilespmem:s9+$0x10];
	v22 =	vsub.f32 v22, v34;
	v26 =	vsub.f32 v17, v30;
	v23 =	vmul.f32 $7.875000000e+00, v23  }
0x4a: {  	v17 =	vadd.s32 s13, v2;
	v28 =	vmul.f32 $7.875000000e+00, v16;
	v61 =	vmul.f32 $7.875000000e+00, v27  }
0x4b: {  	s5 =	simm.s32 $0xB0;
	v24 =	vsub.f32 v24, v15;
	v22 =	vmul.f32 $7.875000000e+00, v22;
	v16 =	vmul.f32 v3, v23;
	[tilespmem:v25+s10+$0x0] =	vst.idx.msk $0xffff, v23  }
0x4c: {  	v27 =	vld.idx.msk [tilespmem:v35+s7+$0x0], $0xffff;
	v26 =	vmul.f32 $7.875000000e+00, v26;
	v33 =	vmul.f32 v1, v28;
	v23 =	vadd.s32 s5, v6;
	[tilespmem:v32+s10+$0x0] =	vst.idx.msk $0xffff, v28  }
0x4d: {  	s15 =	simm.s32 $0x5F;
	s0 =	simm.s32 $0xA0;
	v62 =	vmul.f32 v0, v61;
	v28 =	vld.idx.msk [tilespmem:v36+s7+$0x0], $0xffff;
	vm15 =	vlt.s32 v23, $0x1FFF;
	v19 =	vadd.f32 v16, v18  }
0x4e: {  	v29 =	vsub.f32 v29, v14;
	v18 =	vadd.s32 s15, v2;
	v16 =	vld [tilespmem:s0+$0xFFFFFFF0];
	v37 =	vnsel vm15, $0x1FFF, v23  }
0x4f: {  	v39 =	vmul.f32 v5, v26;
	v23 =	vld [tilespmem:s0+$0x0];
	[tilespmem:v25+s8+$0x0] =	vst.idx.msk $0xffff, v19;
	v25 =	vadd.f32 v33, v21  }
0x50: {  	s29 =	simm.s32 $0x6F;
	v63 =	vmul.f32 v3, v22;
	[tilespmem:v17+s10+$0x0] =	vst.idx.msk $0x7fff, v26;
	v26 =	vmul.f32 $7.875000000e+00, v24;
	v21 =	vld [tilespmem:s0+$0x10]  }
0x51: {  	s2 =	simm.s32 $0x80;
	s31 =	simm.s32 $0x4F;
	v24 =	vadd.s32 s29, v2;
	v35 =	vadd.f32 v39, v30;
	v30 =	vld.idx.msk [tilespmem:v38+s7+$0x0], $0xffff;
	[tilespmem:v32+s8+$0x0] =	vst.idx.msk $0xffff, v25;
	v25 =	vmul.f32 $7.875000000e+00, v29  }
0x52: {  	s1 =	simm.s32 $0xAE;
	s6 =	simm.s32 $0x9E;
	s16 =	simm.s32 $0x0;
	[tilespmem:v20+s10+$0x0] =	vst.idx.msk $0xffff, v61;
	v34 =	vadd.f32 v63, v34;
	v19 =	vld [tilespmem:s9+$0xFFFFFFE0];
	v33 =	vadd.f32 v62, v31;
	v31 =	vadd.s32 s31, v2  }
0x53: {  	s3 =	simm.s32 $0xE0;
	s5 =	simm.s32 $0xC0;
	v32 =	vmul.f32 v1, v26;
	[tilespmem:v18+s10+$0x0] =	vst.idx.msk $0xffff, v22;
	v29 =	vld.idx.msk [tilespmem:v37+s7+$0x0], $0xffff;
	s7 =	simm.s32 $0x3F;
	v22 =	vmul.f32 v5, v25  }
.LBB2_2:
0x54: {  	s9 =	sadd.s32 $0x10, s5;
	s11 =	sadd.s32 $0x30, s5;
	v37 =	vadd.s32 s6, v2  }
0x55: {  	v36 =	vld [tilespmem:s3+$0xFFFFFFF0];
	v38 =	vadd.s32 s7, v2;
	[tilespmem:v17+s8+$0x0] =	vst.idx.msk $0x7fff, v35;
	v35 =	vmovc v14;
	v14 =	vmovc v21;
	v39 =	vmov v23;
	v17 =	vmov v24;
	s6 =	smov.u32 s5;
	s4 =	sadd.s32 $0x40, s5;
	s7 =	smov.u32 s1  }
0x56: {  	p0 =	slt.u32 s5, $0x1FC0;
	v41 =	vor.u32 s2, v6;
	v40 =	vadd.s32 s9, v6;
	s9 =	sadd.s32 $0x20, s6;
	v21 =	vadd.s32 s11, v6;
	[tilespmem:v20+s8+$0x0] =	vst.idx.msk $0xffff, v33;
	v20 =	vmovc v38;
	s2 =	smov.u32 s6  }
0x57: {  	v23 =	vsub.f32 v27, v19;
	v33 =	vor.u32 s9, v6;
	vm0 =	vlt.s32 v21, $0x1FFF;
	[tilespmem:v18+s8+$0x0] =	vst.idx.msk $0xffff, v34;
	v18 =	vmovc v37  }
0x58: {  	v27 =	vsub.f32 v28, v39;
	v28 =	vadd.f32 v32, v15;
	v34 =	vnsel vm0, $0x1FFF, v21;
	v37 =	vld [tilespmem:s0+$0xFFFFFFE0];
	[tilespmem:v24+s10+$0x0] =	vst.idx.msk $0x7fff, v25;
	s0 =	smov.u32 s3  }
0x59: {  	v15 =	vmov v16;
	v24 =	vsub.f32 v29, v14;
	v29 =	vmul.f32 $7.875000000e+00, v23;
	v21 =	vld [tilespmem:s3+$0x10];
	[tilespmem:v31+s10+$0x0] =	vst.idx.msk $0xffff, v26  }
.Ltmp2:
0x5a: {  	v26 =	vsub.f32 v30, v15;
	v30 =	vmul.f32 $7.875000000e+00, v27;
	v23 =	vld [tilespmem:s3+$0x0];
	[tilespmem:v31+s8+$0x0] =	vst.idx.msk $0xffff, v28;
	v16 =	vmov v36;
	(pc) =	sbr.rel @p0 .LBB2_2-.Ltmp2, $4  }
0x5b: {  	v25 =	vmul.f32 $7.875000000e+00, v24;
	v31 =	vmul.f32 v0, v29;
	v27 =	vld.idx.msk [tilespmem:v41+s16+$0x0], $0xffff;
	s16 =	simm.s32 $0x0;
	[tilespmem:v38+s10+$0x0] =	vst.idx.msk $0xffff, v29  }
0x5c: {  	v24 =	vadd.s32 s1, v2;
	v26 =	vmul.f32 $7.875000000e+00, v26;
	v36 =	vmul.f32 v3, v30;
	v28 =	vld.idx.msk [tilespmem:v33+s16+$0x0], $0xffff;
	[tilespmem:v18+s10+$0x0] =	vst.idx.msk $0xffff, v30  }
0x5d: {  	s5 =	sadd.s32 $0xFFFFFFE0, s7;
	v35 =	vadd.f32 v22, v35;
	s7 =	sadd.s32 $0xFFFFFFD0, s7;
	s1 =	sadd.s32 $0x3F, s1;
	v33 =	vadd.f32 v31, v19;
	v22 =	vmul.f32 v5, v25;
	v29 =	vld.idx.msk [tilespmem:v34+s16+$0x0], $0xffff  }
0x5e: {  	s3 =	sadd.s32 $0x40, s3;
	s6 =	sadd.s32 $0xFFFFFFF0, s1;
	v31 =	vadd.s32 s5, v2;
	s5 =	smov.u32 s4;
	v32 =	vmul.f32 v1, v26;
	v34 =	vadd.f32 v36, v39;
	v19 =	vmovc v37;
	v30 =	vld.idx.msk [tilespmem:v40+s16+$0x0], $0xffff  }
0x5f: {  	_ =	sdelay $0x1  }
0x60: {  	v36 =	vor.u32 s2, v6;
	_ =	sdelay $0x1  }
0x61: {  	[tilespmem:v17+s8+$0x0] =	vst.idx.msk $0x7fff, v35  }
0x62: {  	[tilespmem:v20+s8+$0x0] =	vst.idx.msk $0xffff, v33  }
0x63: {  	v48 =	vadd.s32 s7, v2;
	v51 =	vld [tilespmem:s0+$0xFFFFFFE0];
	[tilespmem:v24+s10+$0x0] =	vst.idx.msk $0x7fff, v25;
	v49 =	vsub.f32 v27, v19  }
0x64: {  	v50 =	vadd.s32 s6, v2;
	[tilespmem:v31+s10+$0x0] =	vst.idx.msk $0xffff, v26;
	v56 =	vadd.s32 s1, v2;
	v14 =	vadd.f32 v22, v14;
	v52 =	vld.idx.msk [tilespmem:v36+s16+$0x0], $0xffff  }
0x65: {  	s29 =	sadd.s32 $0xFFFFFFE0, s1;
	[tilespmem:v18+s8+$0x0] =	vst.idx.msk $0xffff, v34;
	v15 =	vadd.f32 v32, v15;
	v28 =	vsub.f32 v28, v23;
	v20 =	vmul.f32 $7.875000000e+00, v49  }
0x66: {  	v58 =	vadd.s32 s29, v2;
	[tilespmem:v24+s8+$0x0] =	vst.idx.msk $0x7fff, v14;
	v29 =	vsub.f32 v29, v21;
	v54 =	vsub.f32 v30, v16  }
0x67: {  	[tilespmem:v31+s8+$0x0] =	vst.idx.msk $0xffff, v15;
	v53 =	vmul.f32 $7.875000000e+00, v28;
	v15 =	vmul.f32 v0, v20  }
0x68: {  	[tilespmem:v48+s10+$0x0] =	vst.idx.msk $0xffff, v20;
	v59 =	vmul.f32 $7.875000000e+00, v29;
	v57 =	vmul.f32 $7.875000000e+00, v54  }
0x69: {  	s31 =	sadd.s32 $0xFFFFFFD0, s1;
	v55 =	vmul.f32 v3, v53;
	[tilespmem:v50+s10+$0x0] =	vst.idx.msk $0xffff, v53;
	v14 =	vsub.f32 v52, v51  }
0x6a: {  	v61 =	vadd.s32 s31, v2;
	v15 =	vadd.f32 v15, v19;
	[tilespmem:v56+s10+$0x0] =	vst.idx.msk $0x7fff, v59;
	v60 =	vmul.f32 v1, v57  }
0x6b: {  	v20 =	vadd.f32 v55, v23;
	[tilespmem:v58+s10+$0x0] =	vst.idx.msk $0xffff, v57;
	v14 =	vmul.f32 $7.875000000e+00, v14  }
0x6c: {  	[tilespmem:v48+s8+$0x0] =	vst.idx.msk $0xffff, v15;
	v15 =	vmul.f32 v5, v59;
	v62 =	vadd.f32 v60, v16  }
.Ltmp3:
0x6d: {  	[tilespmem:v50+s8+$0x0] =	vst.idx.msk $0xffff, v20;
	v63 =	vmul.f32 v0, v14;
	(pc) =	sbr.rel .LBB2_4-.Ltmp3, $4  }
0x6e: {  	v15 =	vadd.f32 v15, v21;
	[tilespmem:v58+s8+$0x0] =	vst.idx.msk $0xffff, v62  }
0x6f: {  	[tilespmem:v61+s10+$0x0] =	vst.idx.msk $0xffff, v14;
	v14 =	vadd.f32 v63, v51  }
0x70: {  	[tilespmem:v56+s8+$0x0] =	vst.idx.msk $0x7fff, v15  }
0x71: {  	s11 =	simm.s32 $0x400;
	[tilespmem:v61+s8+$0x0] =	vst.idx.msk $0xffff, v14  }
.LBB2_28:
0x72: {  	s0 =	rddreg [dreg:$0x5]  }
0x73: {  	s16 =	sadd.s32 $0x1, s16;
	s0 =	sor.u32 s0, s17  }
0x74: {  	p0 =	sne.s32 s16, $0x10;
	s0 =	sshll.u32 s0, $0x7  }
.Ltmp4:
0x75: {  	s11 =	simm.s32 $0x400;
	s0 =	sand.u32 $0x1FFFC380, s0;
	(pc) =	sbr.rel @!p0 .LBB2_29-.Ltmp4, $4  }
0x76: {  	s1 =	simm.s32 $0x11F00;
	s29 =	rddreg [dreg:$0xa];
	s0 =	sadd.s32 s30, s0  }
0x77: {  	[hbm4b:s0+s11] =	stream.strided.scatter [tilespmem:s1], [sflag:$0x3], $0x4000, s8, s11, $0x38;
	[tilespmem:$0x1E780] =	vst v63  }
0x78: {  	s31 =	simm.s32 $0x20000;
	s2 =	simm.s32 $0x19F00;
	s0 =	sadd.s32 s17, s29  }
0x79: {  	[hbm4b:s0+s11] =	stream.strided.scatter [tilespmem:s2], [sflag:$0x3], $0x4000, s31, s11, $0x38;
	[tilespmem:$0x1E780] =	vst v63  }
.LBB2_4:
0x7a: {  	s9 =	sshll.u32 s16, $0x8;
	s0 =	rddreg [dreg:$0x9]  }
0x7b: {  	s1 =	simm.s32 $0x1;
	s0 =	sadd.s32 s9, s0  }
0x7c: {  	_ =	swait.ge [sflag:s1], $0x4000;
	s0 =	sshll.u32 s0, $0x7  }
0x7d: {  	p0 =	seq.s32 s16, $0x0;
	[sflag:s1] =	ssyncset.done $0x0;
	s0 =	sand.u32 $0x1FFFC380, s0  }
0x7e: {  	[sflag:s1] =	ssyncadd.s32 $0xFFFFC000;
	s0 =	sadd.s32 s18, s0;
	s18 =	simm.s32 $0x9F00  }
0x7f: {  	[tilespmem:s18], [sflag:$0x1] =	stream.strided.gather [hbm4b:s0+s11], $0x4000, s8, s11, $0x38;
	[tilespmem:$0x1E780] =	vst v63  }
0x80: {  	s0 =	simm.s32 @!p0 $0x2  }
0x81: {  	_ =	swait.ge @!p0 [sflag:s0], $0x4000  }
0x82: {  	s4 =	smov.u32 s30;
	[sflag:s0] =	ssyncset.done @!p0 $0x0  }
0x83: {  	s19 =	sshll.u32 s16, $0x1;
	s30 =	simm.s32 $0xE000;
	[sflag:s0] =	ssyncadd.s32 @!p0 $0xFFFFC000  }
0x84: {  	s14 =	simm.s32 $0x6000;
	_ =	swait.ge @!p0 [sflag:s0], $0x4000;
	[dreg:$0xe] =	wrdreg s19  }
0x85: {  	s29 =	simm.s32 $0x0;
	[sflag:s0] =	ssyncset.done @!p0 $0x0;
	s31 =	rddreg [dreg:$0x6]  }
0x86: {  	s19 =	simm.s32 $0x17F00;
	s11 =	sor.u32 s31, s9;
	[sflag:s0] =	ssyncadd.s32 @!p0 $0xFFFFC000  }
.LBB2_5:
0x87: {  	v14 =	vld [tilespmem:s14+$0x80];
	_ =	sdelay $0x4  }
0x88: {  	v15 =	vmul.f32 $7.875000000e+00, v14;
	_ =	sdelay $0x1  }
0x89: {  	v15 =	vadd.f32 $3.150000000e+01, v15;
	_ =	sdelay $0x1  }
0x8a: {  	v15 =	vmax.f32 v15, $0.0e+00  }
0x8b: {  	v15 =	vmin.f32 v15, $6.200000000e+01  }
0x8c: {  	v15 =	vtrunc.f32 v15  }
0x8d: {  	v15 =	vcvt.f32.s32 v15;
	_ =	sdelay $0x1  }
0x8e: {  	v15 =	vadd.s32 v4, v15;
	_ =	sdelay $0x4  }
0x8f: {  	v16 =	vld.idx.msk [tilespmem:v15+s10+$0x0], $0xffff;
	_ =	sdelay $0x1  }
0x90: {  	v15 =	vld.idx.msk [tilespmem:v15+s8+$0x0], $0xffff  }
0x91: {  	v17 =	vld [tilespmem:s14+$0xFFFFFF00]  }
0x92: {  	v18 =	vld [tilespmem:s14+$0xFFFFFF80]  }
0x93: {  	v14 =	vmul.f32 v16, v14;
	_ =	sdelay $0x1  }
0x94: {  	v14 =	vadd.f32 v14, v15  }
0x95: {  	v15 =	vmul.f32 $7.875000000e+00, v17  }
0x96: {  	s31 =	simm.s32 $0x1E340;
	v19 =	vmul.f32 $7.875000000e+00, v18;
	[tilespmem:s30+$0x80] =	vst v14  }
0x97: {  	v14 =	vadd.f32 $3.150000000e+01, v15;
	[tilespmem:s31+$0xFFFFFBF3] =	vst v16  }
0x98: {  	v15 =	vadd.f32 $3.150000000e+01, v19;
	v16 =	vld [tilespmem:s14+$0x90]  }
0x99: {  	v14 =	vmax.f32 v14, $0.0e+00  }
0x9a: {  	v15 =	vmax.f32 v15, $0.0e+00;
	v14 =	vmin.f32 v14, $6.200000000e+01  }
0x9b: {  	v19 =	vld [tilespmem:s14+$0x0];
	v15 =	vmin.f32 v15, $6.200000000e+01;
	v14 =	vtrunc.f32 v14  }
0x9c: {  	v15 =	vtrunc.f32 v15;
	v14 =	vcvt.f32.s32 v14  }
0x9d: {  	v15 =	vcvt.f32.s32 v15;
	v20 =	vmul.f32 $7.875000000e+00, v16  }
0x9e: {  	v14 =	vadd.s32 v4, v14  }
0x9f: {  	v15 =	vadd.s32 v4, v15;
	v20 =	vadd.f32 $3.150000000e+01, v20  }
0xa0: {  	v21 =	vmul.f32 $7.875000000e+00, v19  }
0xa1: {  	v20 =	vmax.f32 v20, $0.0e+00  }
0xa2: {  	v21 =	vadd.f32 $3.150000000e+01, v21;
	v20 =	vmin.f32 v20, $6.200000000e+01  }
0xa3: {  	v22 =	vld.idx.msk [tilespmem:v14+s10+$0x0], $0xffff;
	v20 =	vtrunc.f32 v20  }
0xa4: {  	v21 =	vmax.f32 v21, $0.0e+00;
	v23 =	vld.idx.msk [tilespmem:v15+s10+$0x0], $0xffff;
	v20 =	vcvt.f32.s32 v20  }
0xa5: {  	v21 =	vmin.f32 v21, $6.200000000e+01;
	v14 =	vld.idx.msk [tilespmem:v14+s8+$0x0], $0xffff  }
0xa6: {  	v21 =	vtrunc.f32 v21;
	v15 =	vld.idx.msk [tilespmem:v15+s8+$0x0], $0xffff;
	v20 =	vadd.s32 v7, v20  }
0xa7: {  	v21 =	vcvt.f32.s32 v21  }
0xa8: {  	v17 =	vmul.f32 v22, v17  }
0xa9: {  	v21 =	vadd.s32 v4, v21;
	v18 =	vmul.f32 v23, v18  }
0xaa: {  	v14 =	vadd.f32 v17, v14  }
0xab: {  	v15 =	vadd.f32 v18, v15;
	v17 =	vld.idx.msk [tilespmem:v20+s10+$0x0], $0xffff  }
0xac: {  	[tilespmem:s30+$0xFFFFFF00] =	vst v14  }
0xad: {  	v14 =	vld.idx.msk [tilespmem:v20+s8+$0x0], $0xffff;
	[tilespmem:s30+$0xFFFFFF80] =	vst v15  }
0xae: {  	v15 =	vld.idx.msk [tilespmem:v21+s10+$0x0], $0xffff;
	[tilespmem:s31+$0xFFFFFBC0] =	vst v22  }
0xaf: {  	v18 =	vld [tilespmem:s14+$0xFFFFFF10]  }
0xb0: {  	v16 =	vmul.f32 v17, v16  }
0xb1: {  	v21 =	vld.idx.msk [tilespmem:v21+s8+$0x0], $0xffff;
	[tilespmem:s31+$0xFFFFFBD1] =	vst v23  }
0xb2: {  	v20 =	vld [tilespmem:s14+$0xFFFFFF90];
	v14 =	vadd.f32 v16, v14;
	_ =	sdelay $0x1  }
0xb3: {  	v19 =	vmul.f32 v15, v19;
	v16 =	vmul.f32 $7.875000000e+00, v18;
	[tilespmem:s30+$0x90] =	vst v14  }
0xb4: {  	[tilespmem:s31+$0xFFFFFD03] =	vst v17  }
0xb5: {  	v14 =	vadd.f32 $3.150000000e+01, v16;
	v17 =	vadd.f32 v19, v21;
	v19 =	vld [tilespmem:s14+$0xA0]  }
0xb6: {  	v16 =	vmul.f32 $7.875000000e+00, v20  }
0xb7: {  	v14 =	vmax.f32 v14, $0.0e+00  }
0xb8: {  	v16 =	vadd.f32 $3.150000000e+01, v16;
	v14 =	vmin.f32 v14, $6.200000000e+01  }
0xb9: {  	[tilespmem:s30+$0x0] =	vst v17;
	v14 =	vtrunc.f32 v14  }
0xba: {  	[tilespmem:s31+$0xFFFFFBE2] =	vst v15;
	v15 =	vmax.f32 v16, $0.0e+00;
	v14 =	vcvt.f32.s32 v14;
	v17 =	vmul.f32 $7.875000000e+00, v19  }
0xbb: {  	v16 =	vld [tilespmem:s14+$0x10];
	v15 =	vmin.f32 v15, $6.200000000e+01  }
0xbc: {  	v15 =	vtrunc.f32 v15;
	v14 =	vadd.s32 v7, v14;
	v17 =	vadd.f32 $3.150000000e+01, v17  }
0xbd: {  	v15 =	vcvt.f32.s32 v15  }
0xbe: {  	v17 =	vmax.f32 v17, $0.0e+00  }
0xbf: {  	v15 =	vadd.s32 v7, v15;
	v17 =	vmin.f32 v17, $6.200000000e+01  }
0xc0: {  	v21 =	vmul.f32 $7.875000000e+00, v16;
	v17 =	vtrunc.f32 v17  }
0xc1: {  	v22 =	vld.idx.msk [tilespmem:v14+s10+$0x0], $0xffff;
	v17 =	vcvt.f32.s32 v17  }
0xc2: {  	v21 =	vadd.f32 $3.150000000e+01, v21  }
0xc3: {  	v14 =	vld.idx.msk [tilespmem:v14+s8+$0x0], $0xffff;
	v17 =	vadd.s32 v8, v17  }
0xc4: {  	v21 =	vmax.f32 v21, $0.0e+00;
	v23 =	vld.idx.msk [tilespmem:v15+s10+$0x0], $0xffff  }
0xc5: {  	v21 =	vmin.f32 v21, $6.200000000e+01  }
0xc6: {  	v15 =	vld.idx.msk [tilespmem:v15+s8+$0x0], $0xffff;
	v21 =	vtrunc.f32 v21;
	v18 =	vmul.f32 v22, v18  }
0xc7: {  	v21 =	vcvt.f32.s32 v21  }
0xc8: {  	v14 =	vadd.f32 v18, v14;
	v18 =	vld.idx.msk [tilespmem:v17+s10+$0x0], $0xffff  }
0xc9: {  	v21 =	vadd.s32 v7, v21;
	v20 =	vmul.f32 v23, v20  }
0xca: {  	[tilespmem:s30+$0xFFFFFF10] =	vst v14;
	v14 =	vld.idx.msk [tilespmem:v17+s8+$0x0], $0xffff  }
0xcb: {  	v15 =	vadd.f32 v20, v15  }
0xcc: {  	[tilespmem:s31+$0xFFFFFCD0] =	vst v22  }
0xcd: {  	[tilespmem:s30+$0xFFFFFF90] =	vst v15;
	v15 =	vld [tilespmem:s14+$0xFFFFFF20];
	v19 =	vmul.f32 v18, v19  }
0xce: {  	v17 =	vld.idx.msk [tilespmem:v21+s10+$0x0], $0xffff;
	[tilespmem:s31+$0xFFFFFCE1] =	vst v23  }
0xcf: {  	v20 =	vld [tilespmem:s14+$0xFFFFFFA0];
	v14 =	vadd.f32 v19, v14  }
0xd0: {  	v21 =	vld.idx.msk [tilespmem:v21+s8+$0x0], $0xffff  }
0xd1: {  	[tilespmem:s30+$0xA0] =	vst v14  }
0xd2: {  	[tilespmem:s31+$0xFFFFFE13] =	vst v18  }
0xd3: {  	v14 =	vmul.f32 v17, v16;
	v16 =	vmul.f32 $7.875000000e+00, v15;
	v19 =	vld [tilespmem:s14+$0xB0]  }
0xd4: {  	v18 =	vmul.f32 $7.875000000e+00, v20  }
0xd5: {  	v14 =	vadd.f32 v14, v21;
	v16 =	vadd.f32 $3.150000000e+01, v16  }
0xd6: {  	v18 =	vadd.f32 $3.150000000e+01, v18  }
0xd7: {  	s0 =	sadd.s32 $0x200, s14;
	[tilespmem:s30+$0x10] =	vst v14;
	v14 =	vmax.f32 v16, $0.0e+00  }
0xd8: {  	v21 =	vld [tilespmem:s0+$0x80];
	[tilespmem:s31+$0xFFFFFCF2] =	vst v17;
	v16 =	vmax.f32 v18, $0.0e+00;
	v14 =	vmin.f32 v14, $6.200000000e+01;
	v18 =	vmul.f32 $7.875000000e+00, v19  }
0xd9: {  	v17 =	vld [tilespmem:s14+$0x20];
	v14 =	vtrunc.f32 v14  }
0xda: {  	v16 =	vmin.f32 v16, $6.200000000e+01;
	v14 =	vcvt.f32.s32 v14;
	v18 =	vadd.f32 $3.150000000e+01, v18  }
0xdb: {  	v16 =	vtrunc.f32 v16  }
0xdc: {  	v16 =	vcvt.f32.s32 v16;
	v14 =	vadd.s32 v8, v14;
	v18 =	vmax.f32 v18, $0.0e+00  }
0xdd: {  	v23 =	vmul.f32 $7.875000000e+00, v21;
	v18 =	vmin.f32 v18, $6.200000000e+01  }
0xde: {  	v16 =	vadd.s32 v8, v16;
	v22 =	vmul.f32 $7.875000000e+00, v17;
	v18 =	vtrunc.f32 v18  }
0xdf: {  	v26 =	vld [tilespmem:s0+$0xFFFFFF00];
	v23 =	vadd.f32 $3.150000000e+01, v23;
	v18 =	vcvt.f32.s32 v18  }
0xe0: {  	v27 =	vld [tilespmem:s0+$0xFFFFFF80];
	v22 =	vadd.f32 $3.150000000e+01, v22  }
0xe1: {  	v23 =	vmax.f32 v23, $0.0e+00;
	v24 =	vld.idx.msk [tilespmem:v14+s10+$0x0], $0xffff;
	v18 =	vadd.s32 v9, v18  }
0xe2: {  	v23 =	vmin.f32 v23, $6.200000000e+01;
	v14 =	vld.idx.msk [tilespmem:v14+s8+$0x0], $0xffff;
	v22 =	vmax.f32 v22, $0.0e+00  }
0xe3: {  	v23 =	vtrunc.f32 v23;
	v25 =	vld.idx.msk [tilespmem:v16+s10+$0x0], $0xffff;
	v22 =	vmin.f32 v22, $6.200000000e+01  }
0xe4: {  	v23 =	vcvt.f32.s32 v23;
	v22 =	vtrunc.f32 v22  }
0xe5: {  	v16 =	vld.idx.msk [tilespmem:v16+s8+$0x0], $0xffff;
	v22 =	vcvt.f32.s32 v22  }
0xe6: {  	v23 =	vadd.s32 v4, v23;
	v15 =	vmul.f32 v24, v15;
	v28 =	vld.idx.msk [tilespmem:v18+s10+$0x0], $0xffff  }
0xe7: {  	v29 =	vld [tilespmem:s0+$0x0];
	v30 =	vmul.f32 $7.875000000e+00, v26;
	v31 =	vmul.f32 $7.875000000e+00, v27;
	v22 =	vadd.s32 v8, v22  }
0xe8: {  	v20 =	vmul.f32 v25, v20;
	v18 =	vld.idx.msk [tilespmem:v18+s8+$0x0], $0xffff;
	v14 =	vadd.f32 v15, v14  }
0xe9: {  	v15 =	vadd.f32 $3.150000000e+01, v30;
	v30 =	vadd.f32 $3.150000000e+01, v31  }
0xea: {  	[tilespmem:s30+$0xFFFFFF20] =	vst v14;
	v14 =	vadd.f32 v20, v16  }
0xeb: {  	v15 =	vmax.f32 v15, $0.0e+00;
	v20 =	vmax.f32 v30, $0.0e+00;
	[tilespmem:s31+$0xFFFFFDE0] =	vst v24;
	v24 =	vld.idx.msk [tilespmem:v23+s10+$0x0], $0xffff;
	v16 =	vmul.f32 v28, v19  }
0xec: {  	v15 =	vmin.f32 v15, $6.200000000e+01;
	v20 =	vmin.f32 v20, $6.200000000e+01;
	v31 =	vld.idx.msk [tilespmem:v22+s10+$0x0], $0xffff  }
0xed: {  	[tilespmem:s30+$0xFFFFFFA0] =	vst v14;
	v14 =	vld [tilespmem:s14+$0xFFFFFF30];
	v15 =	vtrunc.f32 v15;
	v19 =	vmul.f32 $7.875000000e+00, v29;
	v16 =	vadd.f32 v16, v18  }
0xee: {  	[tilespmem:s31+$0xFFFFFDF1] =	vst v25;
	v15 =	vcvt.f32.s32 v15;
	v18 =	vtrunc.f32 v20;
	v20 =	vld.idx.msk [tilespmem:v23+s8+$0x0], $0xffff  }
0xef: {  	v22 =	vld.idx.msk [tilespmem:v22+s8+$0x0], $0xffff;
	[tilespmem:s30+$0xB0] =	vst v16  }
0xf0: {  	v19 =	vadd.f32 $3.150000000e+01, v19;
	v15 =	vadd.s32 v4, v15;
	v16 =	vld [tilespmem:s14+$0xFFFFFFB0];
	[tilespmem:s31+$0xFFFFFF23] =	vst v28  }
0xf1: {  	v18 =	vcvt.f32.s32 v18;
	v21 =	vmul.f32 v24, v21;
	v23 =	vld [tilespmem:s14+$0xC0]  }
0xf2: {  	v19 =	vmax.f32 v19, $0.0e+00;
	v25 =	vmul.f32 $7.875000000e+00, v14  }
0xf3: {  	v18 =	vadd.s32 v4, v18;
	v19 =	vmin.f32 v19, $6.200000000e+01;
	v20 =	vadd.f32 v21, v20  }
0xf4: {  	s1 =	sadd.s32 $0x200, s30;
	v17 =	vmul.f32 v31, v17;
	v19 =	vtrunc.f32 v19;
	v21 =	vadd.f32 $3.150000000e+01, v25  }
0xf5: {  	s3 =	simm.s32 $0x1E384;
	v19 =	vcvt.f32.s32 v19;
	v28 =	vld.idx.msk [tilespmem:v15+s10+$0x0], $0xffff;
	v25 =	vmul.f32 $7.875000000e+00, v16;
	[tilespmem:s1+$0x80] =	vst v20  }
0xf6: {  	v17 =	vadd.f32 v17, v22;
	v15 =	vld.idx.msk [tilespmem:v15+s8+$0x0], $0xffff;
	v21 =	vmax.f32 v21, $0.0e+00;
	[tilespmem:s3+$0xFFFFFBF3] =	vst v24;
	v22 =	vmul.f32 $7.875000000e+00, v23  }
0xf7: {  	v19 =	vadd.s32 v4, v19;
	v21 =	vmin.f32 v21, $6.200000000e+01;
	v24 =	vadd.f32 $3.150000000e+01, v25;
	v25 =	vld [tilespmem:s0+$0x90]  }
0xf8: {  	[tilespmem:s30+$0x20] =	vst v17;
	v20 =	vld.idx.msk [tilespmem:v18+s10+$0x0], $0xffff;
	v17 =	vtrunc.f32 v21;
	v22 =	vadd.f32 $3.150000000e+01, v22  }
0xf9: {  	v17 =	vcvt.f32.s32 v17;
	v21 =	vmax.f32 v24, $0.0e+00  }
0xfa: {  	[tilespmem:s31+$0xFFFFFE02] =	vst v31;
	v18 =	vld.idx.msk [tilespmem:v18+s8+$0x0], $0xffff;
	v26 =	vmul.f32 v28, v26;
	v21 =	vmin.f32 v21, $6.200000000e+01;
	v22 =	vmax.f32 v22, $0.0e+00  }
0xfb: {  	v24 =	vld [tilespmem:s14+$0x30];
	v17 =	vadd.s32 v9, v17;
	v21 =	vtrunc.f32 v21;
	v22 =	vmin.f32 v22, $6.200000000e+01  }
0xfc: {  	v30 =	vld.idx.msk [tilespmem:v19+s10+$0x0], $0xffff;
	v31 =	vmul.f32 $7.875000000e+00, v25;
	v22 =	vtrunc.f32 v22  }
0xfd: {  	v15 =	vadd.f32 v26, v15;
	v27 =	vmul.f32 v20, v27;
	v22 =	vcvt.f32.s32 v22  }
0xfe: {  	v19 =	vld.idx.msk [tilespmem:v19+s8+$0x0], $0xffff;
	v21 =	vcvt.f32.s32 v21;
	v26 =	vadd.f32 $3.150000000e+01, v31  }
0xff: {  	[tilespmem:s1+$0xFFFFFF00] =	vst v15;
	v18 =	vadd.f32 v27, v18;
	v15 =	vadd.s32 v10, v22  }
0x100: {  	[tilespmem:s3+$0xFFFFFBC0] =	vst v28;
	v21 =	vadd.s32 v9, v21;
	v28 =	vld.idx.msk [tilespmem:v17+s10+$0x0], $0xffff;
	v22 =	vmax.f32 v26, $0.0e+00;
	v26 =	vmul.f32 $7.875000000e+00, v24  }
0x101: {  	v27 =	vmul.f32 v30, v29;
	[tilespmem:s1+$0xFFFFFF80] =	vst v18;
	v18 =	vmin.f32 v22, $6.200000000e+01;
	v22 =	vld [tilespmem:s0+$0xFFFFFF10]  }
0x102: {  	v17 =	vld.idx.msk [tilespmem:v17+s8+$0x0], $0xffff;
	[tilespmem:s3+$0xFFFFFBD1] =	vst v20;
	v18 =	vtrunc.f32 v18;
	v20 =	vadd.f32 $3.150000000e+01, v26  }
0x103: {  	v19 =	vadd.f32 v27, v19;
	v26 =	vld [tilespmem:s0+$0xFFFFFF90];
	v18 =	vcvt.f32.s32 v18  }
0x104: {  	v20 =	vmax.f32 v20, $0.0e+00;
	v27 =	vld.idx.msk [tilespmem:v15+s10+$0x0], $0xffff  }
0x105: {  	v29 =	vld.idx.msk [tilespmem:v21+s10+$0x0], $0xffff;
	[tilespmem:s1+$0x0] =	vst v19;
	v18 =	vadd.s32 v7, v18;
	v19 =	vmin.f32 v20, $6.200000000e+01  }
0x106: {  	[tilespmem:s3+$0xFFFFFBE2] =	vst v30;
	v15 =	vld.idx.msk [tilespmem:v15+s8+$0x0], $0xffff;
	v19 =	vtrunc.f32 v19;
	v20 =	vmul.f32 $7.875000000e+00, v22  }
0x107: {  	v30 =	vld [tilespmem:s0+$0x10];
	v19 =	vcvt.f32.s32 v19  }
0x108: {  	v21 =	vld.idx.msk [tilespmem:v21+s8+$0x0], $0xffff;
	v14 =	vmul.f32 v28, v14;
	v20 =	vadd.f32 $3.150000000e+01, v20  }
0x109: {  	v31 =	vmul.f32 $7.875000000e+00, v26;
	v19 =	vadd.s32 v9, v19;
	v23 =	vmul.f32 v27, v23  }
0x10a: {  	v14 =	vadd.f32 v14, v17;
	v16 =	vmul.f32 v29, v16;
	v32 =	vld.idx.msk [tilespmem:v18+s10+$0x0], $0xffff;
	v20 =	vmax.f32 v20, $0.0e+00  }
0x10b: {  	v31 =	vadd.f32 $3.150000000e+01, v31;
	v20 =	vmin.f32 v20, $6.200000000e+01;
	v15 =	vadd.f32 v23, v15  }
0x10c: {  	[tilespmem:s30+$0xFFFFFF30] =	vst v14;
	v18 =	vld.idx.msk [tilespmem:v18+s8+$0x0], $0xffff;
	v23 =	vmul.f32 $7.875000000e+00, v30;
	v17 =	vtrunc.f32 v20  }
0x10d: {  	v14 =	vadd.f32 v16, v21;
	v20 =	vmax.f32 v31, $0.0e+00;
	v17 =	vcvt.f32.s32 v17;
	[tilespmem:s30+$0xC0] =	vst v15  }
0x10e: {  	v15 =	vmin.f32 v20, $6.200000000e+01;
	v20 =	vadd.f32 $3.150000000e+01, v23;
	v23 =	vld.idx.msk [tilespmem:v19+s10+$0x0], $0xffff;
	[tilespmem:s31+$0x33] =	vst v27  }
0x10f: {  	[tilespmem:s30+$0xFFFFFFB0] =	vst v14;
	v15 =	vtrunc.f32 v15;
	v21 =	vmul.f32 v32, v25;
	v14 =	vadd.s32 v7, v17;
	v16 =	vld [tilespmem:s14+$0xD0]  }
0x110: {  	[tilespmem:s31+$0xFFFFFEF0] =	vst v28;
	v19 =	vld.idx.msk [tilespmem:v19+s8+$0x0], $0xffff;
	v15 =	vcvt.f32.s32 v15;
	v20 =	vmax.f32 v20, $0.0e+00  }
0x111: {  	v25 =	vld [tilespmem:s14+$0xFFFFFF40];
	v17 =	vmin.f32 v20, $6.200000000e+01;
	v18 =	vadd.f32 v21, v18  }
0x112: {  	[tilespmem:s31+$0xFFFFFF01] =	vst v29;
	v15 =	vadd.s32 v7, v15;
	v17 =	vtrunc.f32 v17  }
0x113: {  	v17 =	vcvt.f32.s32 v17;
	[tilespmem:s1+$0x90] =	vst v18;
	v18 =	vld [tilespmem:s14+$0xFFFFFFC0];
	v21 =	vmul.f32 v23, v24  }
0x114: {  	[tilespmem:s3+$0xFFFFFD03] =	vst v32;
	v28 =	vld.idx.msk [tilespmem:v14+s10+$0x0], $0xffff;
	v20 =	vmul.f32 $7.875000000e+00, v16  }
0x115: {  	v17 =	vadd.s32 v7, v17;
	v24 =	vld [tilespmem:s0+$0xA0];
	v19 =	vadd.f32 v21, v19  }
0x116: {  	v27 =	vmul.f32 $7.875000000e+00, v25;
	v14 =	vld.idx.msk [tilespmem:v14+s8+$0x0], $0xffff;
	v20 =	vadd.f32 $3.150000000e+01, v20  }
0x117: {  	v21 =	vld.idx.msk [tilespmem:v15+s10+$0x0], $0xffff;
	[tilespmem:s30+$0x30] =	vst v19  }
0x118: {  	v27 =	vadd.f32 $3.150000000e+01, v27;
	v15 =	vld.idx.msk [tilespmem:v15+s8+$0x0], $0xffff;
	[tilespmem:s31+$0xFFFFFF12] =	vst v23;
	v20 =	vmax.f32 v20, $0.0e+00  }
0x119: {  	v29 =	vld [tilespmem:s14+$0x40];
	v19 =	vmin.f32 v20, $6.200000000e+01  }
0x11a: {  	v20 =	vmax.f32 v27, $0.0e+00;
	v23 =	vld.idx.msk [tilespmem:v17+s10+$0x0], $0xffff;
	v27 =	vmul.f32 $7.875000000e+00, v24;
	v19 =	vtrunc.f32 v19  }
0x11b: {  	v22 =	vmul.f32 v28, v22;
	v19 =	vcvt.f32.s32 v19  }
0x11c: {  	v17 =	vld.idx.msk [tilespmem:v17+s8+$0x0], $0xffff;
	v27 =	vadd.f32 $3.150000000e+01, v27;
	v26 =	vmul.f32 v21, v26  }
0x11d: {  	v20 =	vmin.f32 v20, $6.200000000e+01;
	v14 =	vadd.f32 v22, v14;
	v19 =	vadd.s32 v11, v19  }
0x11e: {  	v22 =	vmul.f32 $7.875000000e+00, v18;
	v27 =	vmax.f32 v27, $0.0e+00;
	v15 =	vadd.f32 v26, v15  }
0x11f: {  	[tilespmem:s1+$0xFFFFFF10] =	vst v14;
	v14 =	vmul.f32 v23, v30;
	v26 =	vmin.f32 v27, $6.200000000e+01;
	v27 =	vmul.f32 $7.875000000e+00, v29  }
0x120: {  	v20 =	vtrunc.f32 v20;
	v22 =	vadd.f32 $3.150000000e+01, v22;
	[tilespmem:s3+$0xFFFFFCD0] =	vst v28;
	v26 =	vtrunc.f32 v26  }
0x121: {  	v28 =	vld [tilespmem:s0+$0xFFFFFF20];
	[tilespmem:s1+$0xFFFFFF90] =	vst v15;
	v14 =	vadd.f32 v14, v17;
	v15 =	vcvt.f32.s32 v26;
	v17 =	vadd.f32 $3.150000000e+01, v27  }
0x122: {  	v20 =	vcvt.f32.s32 v20;
	v22 =	vmax.f32 v22, $0.0e+00;
	[tilespmem:s3+$0xFFFFFCE1] =	vst v21;
	v21 =	vld.idx.msk [tilespmem:v19+s10+$0x0], $0xffff  }
0x123: {  	v26 =	vld [tilespmem:s0+$0xFFFFFFA0];
	[tilespmem:s1+$0x10] =	vst v14;
	v14 =	vadd.s32 v8, v15;
	v15 =	vmax.f32 v17, $0.0e+00;
	v17 =	vmin.f32 v22, $6.200000000e+01  }
0x124: {  	v20 =	vadd.s32 v10, v20;
	v19 =	vld.idx.msk [tilespmem:v19+s8+$0x0], $0xffff;
	[tilespmem:s3+$0xFFFFFCF2] =	vst v23;
	v17 =	vtrunc.f32 v17  }
0x125: {  	v22 =	vld [tilespmem:s0+$0x20];
	v17 =	vcvt.f32.s32 v17  }
0x126: {  	v15 =	vmin.f32 v15, $6.200000000e+01;
	v23 =	vmul.f32 $7.875000000e+00, v28  }
0x127: {  	v15 =	vtrunc.f32 v15;
	v17 =	vadd.s32 v10, v17;
	v16 =	vmul.f32 v21, v16  }
0x128: {  	v15 =	vcvt.f32.s32 v15;
	v30 =	vmul.f32 $7.875000000e+00, v26;
	v31 =	vld.idx.msk [tilespmem:v14+s10+$0x0], $0xffff  }
0x129: {  	v27 =	vld.idx.msk [tilespmem:v20+s10+$0x0], $0xffff;
	v23 =	vadd.f32 $3.150000000e+01, v23;
	v16 =	vadd.f32 v16, v19  }
0x12a: {  	v15 =	vadd.s32 v10, v15;
	v14 =	vld.idx.msk [tilespmem:v14+s8+$0x0], $0xffff;
	v19 =	vadd.f32 $3.150000000e+01, v30;
	v30 =	vmul.f32 $7.875000000e+00, v22  }
0x12b: {  	[tilespmem:s30+$0xD0] =	vst v16;
	v16 =	vld.idx.msk [tilespmem:v20+s8+$0x0], $0xffff  }
0x12c: {  	v23 =	vmax.f32 v23, $0.0e+00;
	v20 =	vadd.f32 $3.150000000e+01, v30;
	v30 =	vld.idx.msk [tilespmem:v17+s10+$0x0], $0xffff  }
0x12d: {  	v23 =	vmin.f32 v23, $6.200000000e+01;
	v19 =	vmax.f32 v19, $0.0e+00;
	v17 =	vld.idx.msk [tilespmem:v17+s8+$0x0], $0xffff;
	[tilespmem:s31+$0x143] =	vst v21;
	v24 =	vmul.f32 v31, v24  }
0x12e: {  	v23 =	vtrunc.f32 v23;
	v19 =	vmin.f32 v19, $6.200000000e+01;
	v21 =	vmul.f32 v27, v25;
	v25 =	vld [tilespmem:s14+$0xE0]  }
0x12f: {  	v23 =	vcvt.f32.s32 v23;
	v61 =	vld.idx.msk [tilespmem:v15+s10+$0x0], $0xffff;
	v19 =	vtrunc.f32 v19;
	v14 =	vadd.f32 v24, v14  }
0x130: {  	v19 =	vcvt.f32.s32 v19  }
0x131: {  	v15 =	vld.idx.msk [tilespmem:v15+s8+$0x0], $0xffff;
	v16 =	vadd.f32 v21, v16;
	v21 =	vadd.s32 v8, v23;
	[tilespmem:s1+$0xA0] =	vst v14  }
0x132: {  	s2 =	sadd.s32 $0x200, s0;
	v20 =	vmax.f32 v20, $0.0e+00;
	v19 =	vadd.s32 v8, v19;
	v18 =	vmul.f32 v30, v18;
	[tilespmem:s3+$0xFFFFFE13] =	vst v31  }
0x133: {  	v20 =	vmin.f32 v20, $6.200000000e+01;
	v31 =	vld [tilespmem:s2+$0x80];
	v14 =	vmul.f32 $7.875000000e+00, v25;
	[tilespmem:s30+$0xFFFFFF40] =	vst v16  }
0x134: {  	v20 =	vtrunc.f32 v20;
	v23 =	vld [tilespmem:s0+$0xB0];
	v17 =	vadd.f32 v18, v17;
	v18 =	vmul.f32 v61, v29;
	[tilespmem:s31+$0x0] =	vst v27  }
0x135: {  	v20 =	vcvt.f32.s32 v20;
	v16 =	vadd.f32 $3.150000000e+01, v14;
	v14 =	vld [tilespmem:s14+$0xFFFFFF50]  }
0x136: {  	v15 =	vadd.f32 v18, v15;
	v24 =	vld.idx.msk [tilespmem:v21+s10+$0x0], $0xffff  }
0x137: {  	v20 =	vadd.s32 v8, v20;
	[tilespmem:s30+$0xFFFFFFC0] =	vst v17;
	v17 =	vld.idx.msk [tilespmem:v19+s10+$0x0], $0xffff  }
0x138: {  	v21 =	vld.idx.msk [tilespmem:v21+s8+$0x0], $0xffff;
	v16 =	vmax.f32 v16, $0.0e+00;
	[tilespmem:s30+$0x40] =	vst v15  }
0x139: {  	v19 =	vld.idx.msk [tilespmem:v19+s8+$0x0], $0xffff;
	v16 =	vmin.f32 v16, $6.200000000e+01;
	v27 =	vmul.f32 $7.875000000e+00, v23;
	[tilespmem:s31+$0x22] =	vst v61  }
0x13a: {  	[tilespmem:s31+$0x11] =	vst v30;
	v35 =	vmul.f32 $7.875000000e+00, v31;
	v16 =	vtrunc.f32 v16;
	v15 =	vld [tilespmem:s14+$0x50]  }
0x13b: {  	v29 =	vcvt.f32.s32 v16;
	v16 =	vld [tilespmem:s14+$0xFFFFFFD0];
	v27 =	vadd.f32 $3.150000000e+01, v27  }
0x13c: {  	v18 =	vld.idx.msk [tilespmem:v20+s10+$0x0], $0xffff;
	v35 =	vadd.f32 $3.150000000e+01, v35  }
0x13d: {  	v28 =	vmul.f32 v24, v28;
	v29 =	vadd.s32 v12, v29;
	v27 =	vmax.f32 v27, $0.0e+00  }
0x13e: {  	v20 =	vld.idx.msk [tilespmem:v20+s8+$0x0], $0xffff;
	v30 =	vmul.f32 $7.875000000e+00, v14;
	v26 =	vmul.f32 v17, v26;
	v27 =	vmin.f32 v27, $6.200000000e+01  }
0x13f: {  	v21 =	vadd.f32 v28, v21;
	v27 =	vtrunc.f32 v27;
	v28 =	vmul.f32 $7.875000000e+00, v15  }
0x140: {  	v34 =	vld [tilespmem:s2+$0xFFFFFF00];
	v30 =	vadd.f32 $3.150000000e+01, v30;
	v62 =	vmul.f32 $7.875000000e+00, v16;
	v27 =	vcvt.f32.s32 v27  }
0x141: {  	v63 =	vld [tilespmem:s2+$0x0];
	v22 =	vmul.f32 v18, v22;
	v19 =	vadd.f32 v26, v19;
	v28 =	vadd.f32 $3.150000000e+01, v28  }
0x142: {  	v30 =	vmax.f32 v30, $0.0e+00;
	v33 =	vld.idx.msk [tilespmem:v29+s10+$0x0], $0xffff;
	v32 =	vadd.f32 $3.150000000e+01, v62;
	v27 =	vadd.s32 v9, v27  }
0x143: {  	v30 =	vmin.f32 v30, $6.200000000e+01;
	v20 =	vadd.f32 v22, v20;
	v22 =	vld [tilespmem:s2+$0xFFFFFF80];
	[tilespmem:s1+$0xFFFFFF20] =	vst v21;
	v28 =	vmax.f32 v28, $0.0e+00  }
0x144: {  	v30 =	vtrunc.f32 v30;
	[tilespmem:s3+$0xFFFFFDE0] =	vst v24;
	v29 =	vld.idx.msk [tilespmem:v29+s8+$0x0], $0xffff;
	v26 =	vmax.f32 v32, $0.0e+00;
	v28 =	vmin.f32 v28, $6.200000000e+01  }
0x145: {  	v30 =	vcvt.f32.s32 v30;
	[tilespmem:s1+$0x20] =	vst v20;
	v20 =	vld [tilespmem:s0+$0xFFFFFF30];
	v26 =	vmin.f32 v26, $6.200000000e+01;
	v24 =	vtrunc.f32 v28  }
0x146: {  	v28 =	vmul.f32 $7.875000000e+00, v34;
	v26 =	vtrunc.f32 v26  }
0x147: {  	[tilespmem:s1+$0xFFFFFFA0] =	vst v19;
	v21 =	vmul.f32 v33, v25;
	v25 =	vcvt.f32.s32 v26;
	v26 =	vmax.f32 v35, $0.0e+00;
	v43 =	vld.idx.msk [tilespmem:v27+s10+$0x0], $0xffff  }
0x148: {  	[tilespmem:s3+$0xFFFFFDF1] =	vst v17;
	v17 =	vmul.f32 $7.875000000e+00, v63;
	v30 =	vadd.s32 v11, v30;
	v26 =	vmin.f32 v26, $6.200000000e+01  }
0x149: {  	v19 =	vmul.f32 $7.875000000e+00, v22;
	v27 =	vld.idx.msk [tilespmem:v27+s8+$0x0], $0xffff;
	v28 =	vadd.f32 $3.150000000e+01, v28;
	v26 =	vtrunc.f32 v26  }
0x14a: {  	v45 =	vmul.f32 $7.875000000e+00, v20;
	v21 =	vadd.f32 v21, v29;
	v26 =	vcvt.f32.s32 v26  }
0x14b: {  	[tilespmem:s3+$0xFFFFFE02] =	vst v18;
	v18 =	vld [tilespmem:s0+$0xFFFFFFB0];
	v25 =	vadd.s32 v11, v25;
	v29 =	vadd.f32 $3.150000000e+01, v19;
	v28 =	vmax.f32 v28, $0.0e+00  }
0x14c: {  	v19 =	vld [tilespmem:s0+$0x30];
	v28 =	vmin.f32 v28, $6.200000000e+01;
	v26 =	vadd.s32 v4, v26;
	v23 =	vmul.f32 v43, v23  }
0x14d: {  	[tilespmem:s30+$0xE0] =	vst v21;
	v21 =	vadd.f32 $3.150000000e+01, v17;
	v17 =	vmax.f32 v29, $0.0e+00;
	v29 =	vld.idx.msk [tilespmem:v30+s10+$0x0], $0xffff;
	v28 =	vtrunc.f32 v28  }
0x14e: {  	v30 =	vld.idx.msk [tilespmem:v30+s8+$0x0], $0xffff;
	[tilespmem:s31+$0x253] =	vst v33;
	v44 =	vmin.f32 v17, $6.200000000e+01;
	v28 =	vcvt.f32.s32 v28;
	v23 =	vadd.f32 v23, v27  }
0x14f: {  	v33 =	vadd.f32 $3.150000000e+01, v45;
	v17 =	vld [tilespmem:s14+$0xF0];
	v27 =	vtrunc.f32 v44  }
0x150: {  	v21 =	vmax.f32 v21, $0.0e+00;
	v38 =	vld.idx.msk [tilespmem:v25+s10+$0x0], $0xffff;
	v27 =	vcvt.f32.s32 v27;
	[tilespmem:s1+$0xB0] =	vst v23;
	v23 =	vadd.s32 v4, v28  }
0x151: {  	v24 =	vcvt.f32.s32 v24;
	v21 =	vmin.f32 v21, $6.200000000e+01;
	v37 =	vmul.f32 $7.875000000e+00, v19;
	v36 =	vld.idx.msk [tilespmem:v26+s10+$0x0], $0xffff;
	[tilespmem:s3+$0xFFFFFF23] =	vst v43  }
0x152: {  	v33 =	vmax.f32 v33, $0.0e+00;
	v21 =	vtrunc.f32 v21;
	v27 =	vadd.s32 v4, v27;
	v35 =	vld [tilespmem:s0+$0xC0]  }
0x153: {  	v33 =	vmin.f32 v33, $6.200000000e+01;
	v28 =	vmul.f32 $7.875000000e+00, v18;
	v37 =	vadd.f32 $3.150000000e+01, v37;
	v26 =	vld.idx.msk [tilespmem:v26+s8+$0x0], $0xffff  }
0x154: {  	v24 =	vadd.s32 v11, v24;
	v25 =	vld.idx.msk [tilespmem:v25+s8+$0x0], $0xffff;
	v21 =	vcvt.f32.s32 v21;
	v33 =	vtrunc.f32 v33  }
0x155: {  	v33 =	vcvt.f32.s32 v33;
	v28 =	vadd.f32 $3.150000000e+01, v28;
	v37 =	vmax.f32 v37, $0.0e+00;
	v39 =	vld.idx.msk [tilespmem:v23+s10+$0x0], $0xffff  }
0x156: {  	v21 =	vadd.s32 v4, v21;
	v37 =	vmin.f32 v37, $6.200000000e+01;
	v23 =	vld.idx.msk [tilespmem:v23+s8+$0x0], $0xffff;
	v31 =	vmul.f32 v36, v31  }
0x157: {  	v33 =	vadd.s32 v9, v33;
	v28 =	vmax.f32 v28, $0.0e+00;
	v40 =	vld.idx.msk [tilespmem:v27+s10+$0x0], $0xffff;
	v41 =	vmul.f32 $7.875000000e+00, v35  }
0x158: {  	v37 =	vtrunc.f32 v37;
	v28 =	vmin.f32 v28, $6.200000000e+01;
	v27 =	vld.idx.msk [tilespmem:v27+s8+$0x0], $0xffff;
	v26 =	vadd.f32 v31, v26  }
0x159: {  	s15 =	sadd.s32 $0x200, s1;
	v37 =	vcvt.f32.s32 v37;
	v28 =	vtrunc.f32 v28;
	v31 =	vld.idx.msk [tilespmem:v24+s10+$0x0], $0xffff;
	v41 =	vadd.f32 $3.150000000e+01, v41  }
0x15a: {  	s5 =	simm.s32 $0x1E3C8;
	v14 =	vmul.f32 v29, v14;
	v28 =	vcvt.f32.s32 v28;
	v24 =	vld.idx.msk [tilespmem:v24+s8+$0x0], $0xffff;
	[tilespmem:s15+$0x80] =	vst v26  }
0x15b: {  	v37 =	vadd.s32 v9, v37;
	v26 =	vld.idx.msk [tilespmem:v21+s10+$0x0], $0xffff;
	v34 =	vmul.f32 v39, v34;
	[tilespmem:s5+$0xFFFFFBF3] =	vst v36;
	v46 =	vmax.f32 v41, $0.0e+00  }
0x15c: {  	v14 =	vadd.f32 v14, v30;
	v28 =	vadd.s32 v9, v28;
	v42 =	vld [tilespmem:s2+$0x90];
	v36 =	vmin.f32 v46, $6.200000000e+01  }
0x15d: {  	v21 =	vld.idx.msk [tilespmem:v21+s8+$0x0], $0xffff;
	v22 =	vmul.f32 v40, v22;
	v23 =	vadd.f32 v34, v23;
	v48 =	vtrunc.f32 v36  }
0x15e: {  	[tilespmem:s30+$0xFFFFFF50] =	vst v14;
	v30 =	vld.idx.msk [tilespmem:v33+s8+$0x0], $0xffff;
	v34 =	vcvt.f32.s32 v48  }
0x15f: {  	v16 =	vmul.f32 v38, v16;
	v22 =	vadd.f32 v22, v27;
	v27 =	vld.idx.msk [tilespmem:v33+s10+$0x0], $0xffff;
	[tilespmem:s15+$0xFFFFFF00] =	vst v23  }
0x160: {  	v51 =	vld.idx.msk [tilespmem:v37+s10+$0x0], $0xffff;
	v32 =	vmul.f32 v26, v63;
	[tilespmem:s5+$0xFFFFFBC0] =	vst v39;
	v34 =	vadd.s32 v10, v34  }
0x161: {  	v16 =	vadd.f32 v16, v25;
	v50 =	vld.idx.msk [tilespmem:v28+s10+$0x0], $0xffff;
	[tilespmem:s15+$0xFFFFFF80] =	vst v22;
	v22 =	vmul.f32 $7.875000000e+00, v42  }
0x162: {  	v52 =	vld [tilespmem:s2+$0xFFFFFF10];
	[tilespmem:s5+$0xFFFFFBD1] =	vst v40;
	v21 =	vadd.f32 v32, v21  }
0x163: {  	[tilespmem:s30+$0xFFFFFFD0] =	vst v16;
	v40 =	vld [tilespmem:s2+$0xFFFFFF90];
	v22 =	vadd.f32 $3.150000000e+01, v22  }
0x164: {  	v16 =	vld.idx.msk [tilespmem:v28+s8+$0x0], $0xffff;
	v14 =	vmul.f32 v27, v20;
	[tilespmem:s15+$0x0] =	vst v21  }
0x165: {  	v47 =	vmul.f32 $7.875000000e+00, v17;
	v15 =	vmul.f32 v31, v15;
	[tilespmem:s5+$0xFFFFFBE2] =	vst v26;
	v21 =	vmax.f32 v22, $0.0e+00;
	v22 =	vld.idx.msk [tilespmem:v34+s10+$0x0], $0xffff  }
0x166: {  	[tilespmem:s31+$0x110] =	vst v29;
	v28 =	vmul.f32 v50, v18;
	v14 =	vadd.f32 v14, v30;
	v20 =	vld [tilespmem:s2+$0x10];
	v21 =	vmin.f32 v21, $6.200000000e+01  }
0x167: {  	v49 =	vadd.f32 $3.150000000e+01, v47;
	[tilespmem:s31+$0x121] =	vst v38;
	v25 =	vmul.f32 $7.875000000e+00, v52;
	v26 =	vld.idx.msk [tilespmem:v34+s8+$0x0], $0xffff;
	v21 =	vtrunc.f32 v21  }
0x168: {  	v15 =	vadd.f32 v15, v24;
	v24 =	vmul.f32 $7.875000000e+00, v40;
	[tilespmem:s1+$0xFFFFFF30] =	vst v14;
	v21 =	vcvt.f32.s32 v21  }
0x169: {  	v29 =	vmul.f32 v51, v19;
	v25 =	vadd.f32 $3.150000000e+01, v25;
	[tilespmem:s3+$0xFFFFFEF0] =	vst v27;
	v27 =	vadd.f32 v28, v16  }
0x16a: {  	[tilespmem:s30+$0x50] =	vst v15;
	v19 =	vld [tilespmem:s14+$0xFFFFFF60];
	v24 =	vadd.f32 $3.150000000e+01, v24;
	v21 =	vadd.s32 v7, v21;
	v15 =	vmul.f32 v22, v35  }
0x16b: {  	v23 =	vmax.f32 v49, $0.0e+00;
	v30 =	vld.idx.msk [tilespmem:v37+s8+$0x0], $0xffff;
	v25 =	vmax.f32 v25, $0.0e+00;
	[tilespmem:s1+$0xFFFFFFB0] =	vst v27;
	v53 =	vmul.f32 $7.875000000e+00, v20  }
0x16c: {  	v16 =	vld [tilespmem:s0+$0xFFFFFF40];
	v14 =	vmin.f32 v25, $6.200000000e+01;
	v24 =	vmax.f32 v24, $0.0e+00;
	[tilespmem:s3+$0xFFFFFF01] =	vst v50;
	v25 =	vadd.f32 v15, v26  }
0x16d: {  	[tilespmem:s31+$0x132] =	vst v31;
	v14 =	vtrunc.f32 v14;
	v24 =	vmin.f32 v24, $6.200000000e+01;
	v31 =	vld [tilespmem:s0+$0xFFFFFFC0];
	v26 =	vadd.f32 $3.150000000e+01, v53  }
0x16e: {  	v23 =	vmin.f32 v23, $6.200000000e+01;
	v15 =	vld [tilespmem:s14+$0xFFFFFFE0];
	v14 =	vcvt.f32.s32 v14;
	v24 =	vtrunc.f32 v24;
	[tilespmem:s1+$0xC0] =	vst v25  }
0x16f: {  	v23 =	vtrunc.f32 v23;
	v24 =	vcvt.f32.s32 v24;
	v25 =	vmax.f32 v26, $0.0e+00;
	v26 =	vld.idx.msk [tilespmem:v21+s10+$0x0], $0xffff;
	[tilespmem:s3+$0x33] =	vst v22  }
0x170: {  	v27 =	vadd.s32 v7, v14;
	v22 =	vadd.f32 v29, v30;
	v14 =	vmin.f32 v25, $6.200000000e+01;
	v25 =	vld [tilespmem:s0+$0xD0]  }
0x171: {  	v23 =	vcvt.f32.s32 v23;
	v28 =	vld.idx.msk [tilespmem:v21+s8+$0x0], $0xffff;
	v24 =	vadd.s32 v7, v24;
	v21 =	vtrunc.f32 v14  }
0x172: {  	v29 =	vmul.f32 $7.875000000e+00, v19;
	v21 =	vcvt.f32.s32 v21;
	[tilespmem:s1+$0x30] =	vst v22  }
0x173: {  	v23 =	vadd.s32 v13, v23;
	v30 =	vmul.f32 $7.875000000e+00, v16;
	v60 =	vmul.f32 $7.875000000e+00, v31;
	[tilespmem:s3+$0xFFFFFF12] =	vst v51  }
0x174: {  	v29 =	vadd.f32 $3.150000000e+01, v29;
	v54 =	vadd.s32 v7, v21;
	v21 =	vld [tilespmem:s0+$0x40];
	v55 =	vmul.f32 v26, v42  }
0x175: {  	v22 =	vmul.f32 $7.875000000e+00, v15;
	v30 =	vadd.f32 $3.150000000e+01, v30;
	v56 =	vld.idx.msk [tilespmem:v27+s10+$0x0], $0xffff;
	v57 =	vmul.f32 $7.875000000e+00, v25  }
0x176: {  	v62 =	vadd.f32 $3.150000000e+01, v60;
	v29 =	vmax.f32 v29, $0.0e+00;
	v58 =	vld.idx.msk [tilespmem:v24+s10+$0x0], $0xffff;
	v28 =	vadd.f32 v55, v28  }
0x177: {  	v30 =	vmax.f32 v30, $0.0e+00;
	v27 =	vld.idx.msk [tilespmem:v27+s8+$0x0], $0xffff;
	v29 =	vmin.f32 v29, $6.200000000e+01;
	v36 =	vadd.f32 $3.150000000e+01, v57  }
0x178: {  	v22 =	vadd.f32 $3.150000000e+01, v22;
	v30 =	vmin.f32 v30, $6.200000000e+01;
	v24 =	vld.idx.msk [tilespmem:v24+s8+$0x0], $0xffff;
	v29 =	vtrunc.f32 v29;
	[tilespmem:s15+$0x90] =	vst v28  }
0x179: {  	v29 =	vcvt.f32.s32 v29;
	v28 =	vtrunc.f32 v30;
	v30 =	vld.idx.msk [tilespmem:v54+s10+$0x0], $0xffff;
	[tilespmem:s5+$0xFFFFFD03] =	vst v26;
	v26 =	vmax.f32 v36, $0.0e+00  }
0x17a: {  	v61 =	vmul.f32 $7.875000000e+00, v21;
	v32 =	vmul.f32 v56, v52;
	v63 =	vld [tilespmem:s2+$0xA0];
	v26 =	vmin.f32 v26, $6.200000000e+01  }
0x17b: {  	v33 =	vld.idx.msk [tilespmem:v54+s8+$0x0], $0xffff;
	v29 =	vadd.s32 v12, v29;
	v40 =	vmul.f32 v58, v40;
	v26 =	vtrunc.f32 v26  }
0x17c: {  	v39 =	vadd.f32 $3.150000000e+01, v61;
	v27 =	vadd.f32 v32, v27;
	v26 =	vcvt.f32.s32 v26  }
0x17d: {  	v14 =	vld [tilespmem:s14+$0x60];
	v43 =	vmax.f32 v62, $0.0e+00;
	v28 =	vcvt.f32.s32 v28;
	v24 =	vadd.f32 v40, v24  }
0x17e: {  	v18 =	vld.idx.msk [tilespmem:v23+s10+$0x0], $0xffff;
	v44 =	vmax.f32 v39, $0.0e+00;
	[tilespmem:s15+$0xFFFFFF10] =	vst v27;
	v20 =	vmul.f32 v30, v20;
	v26 =	vadd.s32 v11, v26  }
0x17f: {  	v23 =	vld.idx.msk [tilespmem:v23+s8+$0x0], $0xffff;
	v32 =	vmin.f32 v43, $6.200000000e+01;
	v27 =	vmin.f32 v44, $6.200000000e+01;
	[tilespmem:s5+$0xFFFFFCD0] =	vst v56;
	v45 =	vmul.f32 $7.875000000e+00, v63  }
0x180: {  	v32 =	vtrunc.f32 v32;
	[tilespmem:s15+$0xFFFFFF90] =	vst v24;
	v57 =	vld.idx.msk [tilespmem:v29+s10+$0x0], $0xffff;
	v27 =	vtrunc.f32 v27;
	v20 =	vadd.f32 v20, v33  }
0x181: {  	v24 =	vcvt.f32.s32 v32;
	v46 =	vld [tilespmem:s2+$0xFFFFFF20];
	[tilespmem:s5+$0xFFFFFCE1] =	vst v58;
	v27 =	vcvt.f32.s32 v27;
	v47 =	vadd.f32 $3.150000000e+01, v45  }
0x182: {  	v59 =	vmul.f32 $7.875000000e+00, v14;
	v22 =	vmax.f32 v22, $0.0e+00;
	v28 =	vadd.s32 v10, v28;
	v48 =	vld [tilespmem:s2+$0xFFFFFFA0];
	[tilespmem:s15+$0x10] =	vst v20  }
0x183: {  	v20 =	vadd.s32 v10, v24;
	v24 =	vadd.s32 v10, v27;
	[tilespmem:s5+$0xFFFFFCF2] =	vst v30;
	v27 =	vmax.f32 v47, $0.0e+00;
	v30 =	vld.idx.msk [tilespmem:v26+s10+$0x0], $0xffff  }
0x184: {  	v22 =	vmin.f32 v22, $6.200000000e+01;
	v34 =	vadd.f32 $3.150000000e+01, v59;
	v59 =	vld.idx.msk [tilespmem:v29+s8+$0x0], $0xffff;
	v27 =	vmin.f32 v27, $6.200000000e+01  }
0x185: {  	v22 =	vtrunc.f32 v22;
	v26 =	vld.idx.msk [tilespmem:v26+s8+$0x0], $0xffff;
	v27 =	vtrunc.f32 v27  }
0x186: {  	v34 =	vmax.f32 v34, $0.0e+00;
	v49 =	vld [tilespmem:s2+$0x20];
	v50 =	vmul.f32 $7.875000000e+00, v46;
	v27 =	vcvt.f32.s32 v27  }
0x187: {  	v22 =	vcvt.f32.s32 v22;
	v34 =	vmin.f32 v34, $6.200000000e+01;
	v51 =	vld.idx.msk [tilespmem:v28+s10+$0x0], $0xffff;
	v52 =	vmul.f32 $7.875000000e+00, v48  }
0x188: {  	v28 =	vld.idx.msk [tilespmem:v28+s8+$0x0], $0xffff;
	v36 =	vadd.f32 $3.150000000e+01, v50;
	v27 =	vadd.s32 v8, v27;
	v25 =	vmul.f32 v30, v25  }
0x189: {  	v22 =	vadd.s32 v12, v22;
	v34 =	vtrunc.f32 v34;
	v53 =	vld.idx.msk [tilespmem:v20+s10+$0x0], $0xffff;
	v39 =	vadd.f32 $3.150000000e+01, v52  }
0x18a: {  	v34 =	vcvt.f32.s32 v34;
	v54 =	vld.idx.msk [tilespmem:v24+s10+$0x0], $0xffff;
	v36 =	vmax.f32 v36, $0.0e+00;
	v25 =	vadd.f32 v25, v26  }
0x18b: {  	v43 =	vld.idx.msk [tilespmem:v20+s8+$0x0], $0xffff;
	v55 =	vmul.f32 $7.875000000e+00, v49;
	v20 =	vmax.f32 v39, $0.0e+00;
	v26 =	vmin.f32 v36, $6.200000000e+01  }
0x18c: {  	v16 =	vmul.f32 v51, v16;
	v24 =	vld.idx.msk [tilespmem:v24+s8+$0x0], $0xffff;
	v20 =	vmin.f32 v20, $6.200000000e+01;
	v26 =	vtrunc.f32 v26;
	[tilespmem:s1+$0xD0] =	vst v25  }
0x18d: {  	v56 =	vadd.f32 $3.150000000e+01, v55;
	v20 =	vtrunc.f32 v20;
	v25 =	vcvt.f32.s32 v26;
	v58 =	vld.idx.msk [tilespmem:v27+s10+$0x0], $0xffff;
	[tilespmem:s3+$0x143] =	vst v30  }
0x18e: {  	v34 =	vadd.s32 v12, v34;
	v16 =	vadd.f32 v16, v28;
	v30 =	vcvt.f32.s32 v20;
	v20 =	vld [tilespmem:s0+$0xE0]  }
0x18f: {  	v17 =	vmul.f32 v18, v17;
	v39 =	vmax.f32 v56, $0.0e+00;
	v27 =	vld.idx.msk [tilespmem:v27+s8+$0x0], $0xffff;
	v25 =	vadd.s32 v8, v25  }
0x190: {  	v28 =	vld.idx.msk [tilespmem:v22+s10+$0x0], $0xffff;
	[tilespmem:s1+$0xFFFFFF40] =	vst v16;
	v26 =	vmin.f32 v39, $6.200000000e+01;
	v30 =	vadd.s32 v8, v30  }
0x191: {  	v23 =	vadd.f32 v17, v23;
	v22 =	vld.idx.msk [tilespmem:v22+s8+$0x0], $0xffff;
	[tilespmem:s3+$0x0] =	vst v51;
	v31 =	vmul.f32 v53, v31;
	v26 =	vtrunc.f32 v26  }
0x192: {  	v17 =	vld [tilespmem:s0+$0xFFFFFF50];
	v26 =	vcvt.f32.s32 v26;
	v29 =	vmul.f32 v58, v63  }
0x193: {  	[tilespmem:s30+$0xF0] =	vst v23;
	v16 =	vld.idx.msk [tilespmem:v34+s10+$0x0], $0xffff;
	v23 =	vadd.f32 v31, v43;
	v31 =	vmul.f32 $7.875000000e+00, v20  }
0x194: {  	[tilespmem:s31+$0x363] =	vst v18;
	v26 =	vadd.s32 v8, v26;
	v60 =	vld.idx.msk [tilespmem:v25+s10+$0x0], $0xffff;
	v18 =	vadd.f32 v29, v27  }
0x195: {  	v21 =	vmul.f32 v54, v21;
	[tilespmem:s1+$0xFFFFFFC0] =	vst v23;
	v29 =	vld.idx.msk [tilespmem:v30+s10+$0x0], $0xffff;
	v23 =	vadd.f32 $3.150000000e+01, v31  }
0x196: {  	v19 =	vmul.f32 v57, v19;
	v30 =	vld.idx.msk [tilespmem:v30+s8+$0x0], $0xffff;
	[tilespmem:s15+$0xA0] =	vst v18  }
0x197: {  	v18 =	vadd.f32 v21, v24;
	v21 =	vld.idx.msk [tilespmem:v25+s8+$0x0], $0xffff;
	v24 =	vmul.f32 $7.875000000e+00, v17;
	[tilespmem:s5+$0xFFFFFE13] =	vst v58;
	v23 =	vmax.f32 v23, $0.0e+00  }
0x198: {  	v15 =	vmul.f32 v28, v15;
	[tilespmem:s3+$0x11] =	vst v53;
	v25 =	vld [tilespmem:s2+$0xB0];
	v23 =	vmin.f32 v23, $6.200000000e+01  }
0x199: {  	v27 =	vld.idx.msk [tilespmem:v26+s10+$0x0], $0xffff;
	[tilespmem:s1+$0x40] =	vst v18;
	v18 =	vadd.f32 v19, v59;
	v19 =	vadd.f32 $3.150000000e+01, v24;
	v23 =	vtrunc.f32 v23  }
0x19a: {  	v15 =	vadd.f32 v15, v22;
	v24 =	vld.idx.msk [tilespmem:v26+s8+$0x0], $0xffff;
	[tilespmem:s3+$0x22] =	vst v54;
	v23 =	vcvt.f32.s32 v23  }
0x19b: {  	v22 =	vmul.f32 v60, v46;
	[tilespmem:s30+$0xFFFFFF60] =	vst v18;
	v18 =	vmax.f32 v19, $0.0e+00;
	v19 =	vld [tilespmem:s0+$0xFFFFFFD0]  }
0x19c: {  	[tilespmem:s30+$0xFFFFFFE0] =	vst v15;
	v31 =	vmul.f32 v29, v48;
	v61 =	vmin.f32 v18, $6.200000000e+01;
	v18 =	vld [tilespmem:s0+$0x50];
	v26 =	vadd.s32 v12, v23  }
0x19d: {  	[tilespmem:s31+$0x231] =	vst v28;
	v21 =	vadd.f32 v22, v21;
	v23 =	vmul.f32 $7.875000000e+00, v25  }
0x19e: {  	[tilespmem:s31+$0x220] =	vst v57;
	v62 =	vmul.f32 v27, v49;
	v22 =	vld.idx.msk [tilespmem:v34+s8+$0x0], $0xffff;
	v63 =	vadd.f32 v31, v30;
	v15 =	vtrunc.f32 v61  }
0x19f: {  	v28 =	vcvt.f32.s32 v15;
	v15 =	vld [tilespmem:s14+$0xFFFFFF70];
	[tilespmem:s15+$0xFFFFFF20] =	vst v21;
	v23 =	vadd.f32 $3.150000000e+01, v23  }
0x1a0: {  	s7 =	simm.s32 $0x8;
	s12 =	smov.u32 s30;
	s17 =	smov.u32 s14;
	v21 =	vmul.f32 v16, v14;
	v14 =	vld [tilespmem:s14+$0xFFFFFFF0];
	v31 =	vadd.f32 v62, v24;
	[tilespmem:s15+$0xFFFFFFA0] =	vst v63;
	v30 =	vmul.f32 $7.875000000e+00, v19  }
0x1a1: {  	s13 =	simm.s32 $0x1E3C8;
	s18 =	sadd.s32 $0x200, s2;
	s6 =	smov.u32 s15;
	[tilespmem:s5+$0xFFFFFDE0] =	vst v60;
	v24 =	vadd.s32 v11, v28;
	v28 =	vmul.f32 $7.875000000e+00, v18;
	v33 =	vmax.f32 v23, $0.0e+00;
	v23 =	vld.idx.msk [tilespmem:v26+s10+$0x0], $0xffff  }
.LBB2_6:
0x1a2: {  	v32 =	vld [tilespmem:s18+$0x80];
	[tilespmem:s5+$0xFFFFFDF1] =	vst v29;
	v29 =	vmin.f32 v33, $6.200000000e+01;
	v30 =	vadd.f32 $3.150000000e+01, v30  }
0x1a3: {  	v21 =	vadd.f32 v21, v22;
	[tilespmem:s15+$0x20] =	vst v31;
	v29 =	vtrunc.f32 v29;
	v31 =	vadd.f32 $3.150000000e+01, v28;
	v33 =	vld.idx.msk [tilespmem:v26+s8+$0x0], $0xffff  }
0x1a4: {  	v28 =	vld [tilespmem:s18+$0xFFFFFF80];
	[tilespmem:s5+$0xFFFFFE02] =	vst v27;
	v22 =	vcvt.f32.s32 v29;
	v26 =	vmax.f32 v30, $0.0e+00;
	v27 =	vmul.f32 $7.875000000e+00, v15  }
0x1a5: {  	v30 =	vld [tilespmem:s18+$0x0];
	v26 =	vmin.f32 v26, $6.200000000e+01;
	v29 =	vmax.f32 v31, $0.0e+00;
	v31 =	vmul.f32 $7.875000000e+00, v14;
	[tilespmem:s12+$0x60] =	vst v21  }
0x1a6: {  	v34 =	vld [tilespmem:s18+$0xFFFFFF00];
	v35 =	vadd.s32 v9, v22;
	v21 =	vtrunc.f32 v26;
	v29 =	vmin.f32 v29, $6.200000000e+01;
	[tilespmem:s31+$0x242] =	vst v16  }
0x1a7: {  	v20 =	vmul.f32 v23, v20;
	v27 =	vadd.f32 $3.150000000e+01, v27;
	v16 =	vmul.f32 $7.875000000e+00, v32;
	v26 =	vld [tilespmem:s2+$0xFFFFFF30]  }
0x1a8: {  	v36 =	vcvt.f32.s32 v21;
	v37 =	vtrunc.f32 v29;
	v29 =	vadd.f32 $3.150000000e+01, v31;
	v22 =	vld [tilespmem:s2+$0xFFFFFFB0]  }
0x1a9: {  	v33 =	vadd.f32 v20, v33;
	v31 =	vmul.f32 $7.875000000e+00, v28;
	v16 =	vadd.f32 $3.150000000e+01, v16;
	v21 =	vld [tilespmem:s2+$0x30]  }
0x1aa: {  	s7 =	sadd.s32 $0x4, s7;
	v37 =	vcvt.f32.s32 v37;
	v36 =	vadd.s32 v11, v36;
	v38 =	vmul.f32 $7.875000000e+00, v30;
	v20 =	vld.idx.msk [tilespmem:v24+s10+$0x0], $0xffff  }
0x1ab: {  	p1 =	slt.u32 s7, $0xC;
	v39 =	vmul.f32 $7.875000000e+00, v34;
	v31 =	vadd.f32 $3.150000000e+01, v31;
	v16 =	vmax.f32 v16, $0.0e+00;
	v40 =	vld.idx.msk [tilespmem:v35+s10+$0x0], $0xffff;
	[tilespmem:s1+$0xE0] =	vst v33  }
0x1ac: {  	v38 =	vadd.f32 $3.150000000e+01, v38;
	v16 =	vmin.f32 v16, $6.200000000e+01;
	v41 =	vmul.f32 $7.875000000e+00, v26;
	v35 =	vld.idx.msk [tilespmem:v35+s8+$0x0], $0xffff;
	[tilespmem:s3+$0x253] =	vst v23  }
0x1ad: {  	v23 =	vadd.f32 $3.150000000e+01, v39;
	v31 =	vmax.f32 v31, $0.0e+00;
	v16 =	vtrunc.f32 v16;
	v33 =	vld [tilespmem:s0+$0xF0]  }
0x1ae: {  	v31 =	vmin.f32 v31, $6.200000000e+01;
	v38 =	vmax.f32 v38, $0.0e+00;
	v16 =	vcvt.f32.s32 v16;
	v24 =	vld.idx.msk [tilespmem:v24+s8+$0x0], $0xffff  }
0x1af: {  	v39 =	vmax.f32 v23, $0.0e+00;
	v31 =	vtrunc.f32 v31;
	v38 =	vmin.f32 v38, $6.200000000e+01;
	v23 =	vld.idx.msk [tilespmem:v36+s10+$0x0], $0xffff  }
0x1b0: {  	v39 =	vmin.f32 v39, $6.200000000e+01;
	v38 =	vtrunc.f32 v38;
	v42 =	vadd.s32 v4, v16;
	v36 =	vld.idx.msk [tilespmem:v36+s8+$0x0], $0xffff  }
0x1b1: {  	v41 =	vadd.f32 $3.150000000e+01, v41;
	v25 =	vmul.f32 v40, v25;
	v39 =	vtrunc.f32 v39;
	v16 =	vld [tilespmem:s17+$0x70];
	s17 =	smov.u32 s0;
	s0 =	smov.u32 s2;
	s2 =	smov.u32 s18  }
0x1b2: {  	v37 =	vadd.s32 v11, v37;
	v39 =	vcvt.f32.s32 v39;
	v43 =	vmul.f32 $7.875000000e+00, v33  }
0x1b3: {  	v31 =	vcvt.f32.s32 v31;
	v38 =	vcvt.f32.s32 v38;
	v25 =	vadd.f32 v25, v35  }
0x1b4: {  	v35 =	vadd.s32 v4, v39;
	v39 =	vmul.f32 $7.875000000e+00, v22;
	v43 =	vadd.f32 $3.150000000e+01, v43  }
0x1b5: {  	v44 =	vadd.s32 v4, v31;
	v31 =	vmul.f32 $7.875000000e+00, v21;
	v38 =	vadd.s32 v4, v38;
	v45 =	vld.idx.msk [tilespmem:v42+s10+$0x0], $0xffff;
	[tilespmem:s15+$0xB0] =	vst v25  }
0x1b6: {  	v25 =	vmax.f32 v41, $0.0e+00;
	v42 =	vld.idx.msk [tilespmem:v42+s8+$0x0], $0xffff;
	v39 =	vadd.f32 $3.150000000e+01, v39;
	[tilespmem:s5+$0xFFFFFF23] =	vst v40;
	v40 =	vmax.f32 v43, $0.0e+00  }
0x1b7: {  	v41 =	vadd.f32 $3.150000000e+01, v31;
	v25 =	vmin.f32 v25, $6.200000000e+01;
	v31 =	vld [tilespmem:s0+$0xC0];
	v40 =	vmin.f32 v40, $6.200000000e+01  }
0x1b8: {  	v43 =	vtrunc.f32 v25;
	v39 =	vmax.f32 v39, $0.0e+00;
	v25 =	vld.idx.msk [tilespmem:v37+s10+$0x0], $0xffff;
	v40 =	vtrunc.f32 v40  }
0x1b9: {  	v41 =	vmax.f32 v41, $0.0e+00;
	v46 =	vld.idx.msk [tilespmem:v35+s10+$0x0], $0xffff;
	v39 =	vmin.f32 v39, $6.200000000e+01;
	v40 =	vcvt.f32.s32 v40  }
0x1ba: {  	v43 =	vcvt.f32.s32 v43;
	v41 =	vmin.f32 v41, $6.200000000e+01;
	v47 =	vld.idx.msk [tilespmem:v44+s10+$0x0], $0xffff;
	v39 =	vtrunc.f32 v39  }
0x1bb: {  	v41 =	vtrunc.f32 v41;
	v32 =	vmul.f32 v45, v32;
	v48 =	vld.idx.msk [tilespmem:v38+s10+$0x0], $0xffff;
	v40 =	vadd.s32 v13, v40  }
0x1bc: {  	v43 =	vadd.s32 v9, v43;
	v39 =	vcvt.f32.s32 v39;
	v35 =	vld.idx.msk [tilespmem:v35+s8+$0x0], $0xffff;
	v49 =	vmul.f32 $7.875000000e+00, v31  }
0x1bd: {  	v17 =	vmul.f32 v20, v17;
	v41 =	vcvt.f32.s32 v41;
	v32 =	vadd.f32 v32, v42;
	v44 =	vld.idx.msk [tilespmem:v44+s8+$0x0], $0xffff  }
0x1be: {  	v19 =	vmul.f32 v23, v19;
	s15 =	sadd.s32 $0x200, s15;
	v39 =	vadd.s32 v9, v39;
	v38 =	vld.idx.msk [tilespmem:v38+s8+$0x0], $0xffff;
	v42 =	vadd.f32 $3.150000000e+01, v49  }
0x1bf: {  	s5 =	sadd.s32 $0x44, s5;
	v34 =	vmul.f32 v46, v34;
	[tilespmem:s15+$0x80] =	vst v32;
	v32 =	vadd.s32 v9, v41;
	v37 =	vld.idx.msk [tilespmem:v37+s8+$0x0], $0xffff;
	v41 =	vmul.f32 $7.875000000e+00, v16  }
0x1c0: {  	v18 =	vmul.f32 v25, v18;
	v49 =	vmul.f32 v47, v28;
	[tilespmem:s5+$0xFFFFFBF3] =	vst v45;
	v42 =	vmax.f32 v42, $0.0e+00;
	v45 =	vld.idx.msk [tilespmem:v40+s10+$0x0], $0xffff  }
0x1c1: {  	v17 =	vadd.f32 v17, v24;
	v30 =	vmul.f32 v48, v30;
	v28 =	vld [tilespmem:s18+$0x90];
	v42 =	vmin.f32 v42, $6.200000000e+01  }
0x1c2: {  	v19 =	vadd.f32 v19, v36;
	v24 =	vadd.f32 v34, v35;
	v34 =	vtrunc.f32 v42;
	v35 =	vld.idx.msk [tilespmem:v40+s8+$0x0], $0xffff  }
0x1c3: {  	v36 =	vadd.f32 v49, v44;
	v40 =	vld.idx.msk [tilespmem:v43+s10+$0x0], $0xffff;
	v34 =	vcvt.f32.s32 v34;
	[tilespmem:s1+$0xFFFFFF50] =	vst v17;
	v17 =	vadd.f32 $3.150000000e+01, v41  }
0x1c4: {  	v27 =	vmax.f32 v27, $0.0e+00;
	v29 =	vmax.f32 v29, $0.0e+00;
	v30 =	vadd.f32 v30, v38;
	[tilespmem:s15+$0xFFFFFF00] =	vst v24;
	v38 =	vld.idx.msk [tilespmem:v39+s10+$0x0], $0xffff  }
0x1c5: {  	v37 =	vadd.f32 v18, v37;
	[tilespmem:s5+$0xFFFFFBC0] =	vst v46;
	v41 =	vld.idx.msk [tilespmem:v32+s10+$0x0], $0xffff;
	v34 =	vadd.s32 v10, v34;
	v17 =	vmax.f32 v17, $0.0e+00  }
0x1c6: {  	v27 =	vmin.f32 v27, $6.200000000e+01;
	v33 =	vmul.f32 v45, v33;
	v24 =	vld [tilespmem:s18+$0xFFFFFF10];
	[tilespmem:s15+$0xFFFFFF80] =	vst v36;
	v18 =	vmul.f32 $7.875000000e+00, v28  }
0x1c7: {  	v29 =	vmin.f32 v29, $6.200000000e+01;
	v42 =	vtrunc.f32 v27;
	v17 =	vmin.f32 v17, $6.200000000e+01;
	[tilespmem:s5+$0xFFFFFBD1] =	vst v47;
	v36 =	vld.idx.msk [tilespmem:v43+s8+$0x0], $0xffff  }
0x1c8: {  	v29 =	vtrunc.f32 v29;
	v27 =	vld [tilespmem:s18+$0xFFFFFF90];
	[tilespmem:s15+$0x0] =	vst v30;
	v18 =	vadd.f32 $3.150000000e+01, v18;
	v30 =	vadd.f32 v33, v35  }
0x1c9: {  	v33 =	vmul.f32 v40, v26;
	[tilespmem:s5+$0xFFFFFBE2] =	vst v48;
	v35 =	vld.idx.msk [tilespmem:v39+s8+$0x0], $0xffff;
	v39 =	vtrunc.f32 v17  }
0x1ca: {  	v22 =	vmul.f32 v38, v22;
	v17 =	vmax.f32 v18, $0.0e+00;
	v43 =	vld.idx.msk [tilespmem:v34+s10+$0x0], $0xffff;
	[tilespmem:s1+$0xF0] =	vst v30;
	v18 =	vcvt.f32.s32 v42  }
0x1cb: {  	v42 =	vmul.f32 v41, v21;
	v30 =	vmul.f32 $7.875000000e+00, v24;
	v26 =	vld [tilespmem:s18+$0x10];
	v17 =	vmin.f32 v17, $6.200000000e+01;
	[tilespmem:s3+$0x363] =	vst v45  }
0x1cc: {  	v17 =	vtrunc.f32 v17;
	v34 =	vld.idx.msk [tilespmem:v34+s8+$0x0], $0xffff;
	[tilespmem:s3+$0x110] =	vst v20;
	v44 =	vadd.s32 v13, v18;
	v18 =	vcvt.f32.s32 v29  }
0x1cd: {  	v20 =	vadd.f32 $3.150000000e+01, v30;
	v21 =	vmul.f32 $7.875000000e+00, v27;
	v29 =	vcvt.f32.s32 v17;
	v30 =	vld.idx.msk [tilespmem:v32+s8+$0x0], $0xffff;
	[tilespmem:s1+$0xFFFFFFD0] =	vst v19  }
0x1ce: {  	v19 =	vadd.f32 v33, v36;
	v33 =	vcvt.f32.s32 v39;
	v17 =	vld [tilespmem:s17+$0xFFFFFF60];
	[tilespmem:s3+$0x121] =	vst v23;
	v32 =	vadd.s32 v13, v18  }
0x1cf: {  	v20 =	vmax.f32 v20, $0.0e+00;
	v21 =	vadd.f32 $3.150000000e+01, v21;
	v23 =	vadd.s32 v7, v29;
	v18 =	vld [tilespmem:s17+$0xFFFFFFE0];
	[tilespmem:s1+$0x50] =	vst v37  }
0x1d0: {  	v20 =	vmin.f32 v20, $6.200000000e+01;
	v29 =	vmul.f32 $7.875000000e+00, v26;
	[tilespmem:s6+$0xFFFFFF30] =	vst v19;
	v19 =	vmul.f32 v43, v31  }
0x1d1: {  	v22 =	vadd.f32 v22, v35;
	v31 =	vtrunc.f32 v20;
	v20 =	vmax.f32 v21, $0.0e+00;
	[tilespmem:s13+$0xFFFFFEF0] =	vst v40;
	v21 =	vld.idx.msk [tilespmem:v44+s10+$0x0], $0xffff  }
0x1d2: {  	v35 =	vmin.f32 v20, $6.200000000e+01;
	v29 =	vadd.f32 $3.150000000e+01, v29;
	v20 =	vld [tilespmem:s0+$0xFFFFFF40];
	v34 =	vadd.f32 v19, v34;
	[tilespmem:s3+$0x132] =	vst v25  }
0x1d3: {  	v25 =	vcvt.f32.s32 v31;
	v31 =	vtrunc.f32 v35;
	[tilespmem:s6+$0xFFFFFFB0] =	vst v22;
	v22 =	vadd.f32 v42, v30;
	v19 =	vld [tilespmem:s17+$0x60]  }
0x1d4: {  	v30 =	vcvt.f32.s32 v31;
	v29 =	vmax.f32 v29, $0.0e+00;
	v35 =	vld.idx.msk [tilespmem:v23+s10+$0x0], $0xffff;
	[tilespmem:s6+$0xC0] =	vst v34;
	v34 =	vmul.f32 $7.875000000e+00, v17  }
0x1d5: {  	v36 =	vadd.s32 v7, v25;
	v37 =	vmul.f32 $7.875000000e+00, v18;
	v25 =	vmin.f32 v29, $6.200000000e+01;
	v29 =	vld.idx.msk [tilespmem:v23+s8+$0x0], $0xffff;
	[tilespmem:s13+$0x33] =	vst v43  }
0x1d6: {  	v30 =	vadd.s32 v7, v30;
	v23 =	vtrunc.f32 v25;
	[tilespmem:s13+$0xFFFFFF01] =	vst v38;
	v31 =	vld [tilespmem:s0+$0xD0];
	v25 =	vadd.f32 $3.150000000e+01, v34  }
0x1d7: {  	v37 =	vadd.f32 $3.150000000e+01, v37;
	v34 =	vcvt.f32.s32 v23;
	v38 =	vmul.f32 $7.875000000e+00, v20;
	v23 =	vld [tilespmem:s0+$0xFFFFFFC0];
	[tilespmem:s6+$0x30] =	vst v22  }
0x1d8: {  	v33 =	vadd.s32 v13, v33;
	[tilespmem:s13+$0xFFFFFF12] =	vst v41;
	v39 =	vmax.f32 v25, $0.0e+00;
	v40 =	vmul.f32 $7.875000000e+00, v19;
	v25 =	vld.idx.msk [tilespmem:v32+s10+$0x0], $0xffff  }
0x1d9: {  	v37 =	vmax.f32 v37, $0.0e+00;
	v34 =	vadd.s32 v7, v34;
	v38 =	vadd.f32 $3.150000000e+01, v38;
	v22 =	vld [tilespmem:s0+$0x40]  }
0x1da: {  	v28 =	vmul.f32 v35, v28;
	v39 =	vmin.f32 v39, $6.200000000e+01;
	v41 =	vld.idx.msk [tilespmem:v36+s10+$0x0], $0xffff;
	v40 =	vadd.f32 $3.150000000e+01, v40  }
0x1db: {  	v37 =	vmin.f32 v37, $6.200000000e+01;
	v42 =	vld.idx.msk [tilespmem:v30+s10+$0x0], $0xffff;
	v38 =	vmax.f32 v38, $0.0e+00;
	v43 =	vmul.f32 $7.875000000e+00, v31  }
0x1dc: {  	v28 =	vadd.f32 v28, v29;
	v36 =	vld.idx.msk [tilespmem:v36+s8+$0x0], $0xffff;
	v29 =	vmin.f32 v38, $6.200000000e+01;
	v38 =	vmul.f32 $7.875000000e+00, v23  }
0x1dd: {  	v40 =	vmax.f32 v40, $0.0e+00;
	v30 =	vld.idx.msk [tilespmem:v30+s8+$0x0], $0xffff;
	v29 =	vtrunc.f32 v29;
	v43 =	vadd.f32 $3.150000000e+01, v43  }
0x1de: {  	v45 =	vld.idx.msk [tilespmem:v34+s10+$0x0], $0xffff;
	[tilespmem:s15+$0x90] =	vst v28;
	v28 =	vcvt.f32.s32 v29;
	v38 =	vadd.f32 $3.150000000e+01, v38;
	v46 =	vmul.f32 $7.875000000e+00, v22  }
0x1df: {  	v39 =	vtrunc.f32 v39;
	v40 =	vmin.f32 v40, $6.200000000e+01;
	v34 =	vld.idx.msk [tilespmem:v34+s8+$0x0], $0xffff;
	[tilespmem:s5+$0xFFFFFD03] =	vst v35;
	v35 =	vmax.f32 v43, $0.0e+00  }
0x1e0: {  	v43 =	vmul.f32 v41, v24;
	v29 =	vld [tilespmem:s18+$0xA0];
	v46 =	vadd.f32 $3.150000000e+01, v46;
	v24 =	vmin.f32 v35, $6.200000000e+01  }
0x1e1: {  	v27 =	vmul.f32 v42, v27;
	v35 =	vmax.f32 v38, $0.0e+00;
	v38 =	vtrunc.f32 v24;
	v24 =	vld.idx.msk [tilespmem:v33+s10+$0x0], $0xffff  }
0x1e2: {  	v36 =	vadd.f32 v43, v36;
	v43 =	vmax.f32 v46, $0.0e+00;
	v38 =	vcvt.f32.s32 v38;
	v44 =	vld.idx.msk [tilespmem:v44+s8+$0x0], $0xffff  }
0x1e3: {  	v27 =	vadd.f32 v27, v30;
	v30 =	vmin.f32 v35, $6.200000000e+01;
	v35 =	vmin.f32 v43, $6.200000000e+01;
	v32 =	vld.idx.msk [tilespmem:v32+s8+$0x0], $0xffff  }
0x1e4: {  	v30 =	vtrunc.f32 v30;
	[tilespmem:s15+$0xFFFFFF10] =	vst v36;
	v36 =	vmul.f32 v45, v26;
	v38 =	vadd.s32 v11, v38;
	v33 =	vld.idx.msk [tilespmem:v33+s8+$0x0], $0xffff  }
0x1e5: {  	v43 =	vadd.s32 v10, v28;
	v28 =	vtrunc.f32 v35;
	[tilespmem:s5+$0xFFFFFCD0] =	vst v41;
	v41 =	vmul.f32 $7.875000000e+00, v29  }
0x1e6: {  	v30 =	vcvt.f32.s32 v30;
	v26 =	vld [tilespmem:s18+$0xFFFFFF20];
	[tilespmem:s15+$0xFFFFFF90] =	vst v27;
	v27 =	vadd.f32 v36, v34;
	v34 =	vcvt.f32.s32 v28  }
0x1e7: {  	v36 =	vtrunc.f32 v37;
	v37 =	vtrunc.f32 v40;
	[tilespmem:s5+$0xFFFFFCE1] =	vst v42;
	v35 =	vadd.f32 $3.150000000e+01, v41  }
0x1e8: {  	v39 =	vcvt.f32.s32 v39;
	v28 =	vld [tilespmem:s18+$0xFFFFFFA0];
	[tilespmem:s15+$0x10] =	vst v27;
	v27 =	vadd.s32 v10, v30;
	v34 =	vadd.s32 v10, v34  }
0x1e9: {  	v36 =	vcvt.f32.s32 v36;
	v37 =	vcvt.f32.s32 v37;
	[tilespmem:s5+$0xFFFFFCF2] =	vst v45;
	v35 =	vmax.f32 v35, $0.0e+00;
	v40 =	vld.idx.msk [tilespmem:v38+s10+$0x0], $0xffff  }
0x1ea: {  	v39 =	vadd.s32 v12, v39;
	v41 =	vmul.f32 v21, v15;
	v30 =	vld [tilespmem:s18+$0x20];
	v35 =	vmin.f32 v35, $6.200000000e+01  }
0x1eb: {  	v36 =	vadd.s32 v12, v36;
	v42 =	vmul.f32 $7.875000000e+00, v26;
	v15 =	vtrunc.f32 v35;
	v35 =	vld.idx.msk [tilespmem:v38+s8+$0x0], $0xffff  }
0x1ec: {  	v14 =	vmul.f32 v25, v14;
	v38 =	vcvt.f32.s32 v15;
	v45 =	vld.idx.msk [tilespmem:v43+s10+$0x0], $0xffff;
	v15 =	vadd.s32 v12, v37  }
0x1ed: {  	v16 =	vmul.f32 v24, v16;
	v37 =	vadd.f32 $3.150000000e+01, v42;
	v42 =	vmul.f32 $7.875000000e+00, v28;
	v46 =	vld.idx.msk [tilespmem:v27+s10+$0x0], $0xffff  }
0x1ee: {  	v14 =	vadd.f32 v14, v32;
	v41 =	vadd.f32 v41, v44;
	v38 =	vadd.s32 v8, v38;
	v47 =	vld.idx.msk [tilespmem:v34+s10+$0x0], $0xffff  }
0x1ef: {  	v31 =	vmul.f32 v40, v31;
	v32 =	vadd.f32 $3.150000000e+01, v42;
	v42 =	vmul.f32 $7.875000000e+00, v30;
	v43 =	vld.idx.msk [tilespmem:v43+s8+$0x0], $0xffff  }
0x1f0: {  	v16 =	vadd.f32 v16, v33;
	v37 =	vmax.f32 v37, $0.0e+00;
	v27 =	vld.idx.msk [tilespmem:v27+s8+$0x0], $0xffff;
	[tilespmem:s12+$0xFFFFFF70] =	vst v41  }
0x1f1: {  	v31 =	vadd.f32 v31, v35;
	v32 =	vmax.f32 v32, $0.0e+00;
	v33 =	vadd.f32 $3.150000000e+01, v42;
	v34 =	vld.idx.msk [tilespmem:v34+s8+$0x0], $0xffff;
	[tilespmem:s31+$0x330] =	vst v21  }
0x1f2: {  	v21 =	vmin.f32 v37, $6.200000000e+01;
	v20 =	vmul.f32 v45, v20;
	v32 =	vmin.f32 v32, $6.200000000e+01;
	v35 =	vld.idx.msk [tilespmem:v39+s10+$0x0], $0xffff;
	[tilespmem:s12+$0xFFFFFFF0] =	vst v14  }
0x1f3: {  	v14 =	vtrunc.f32 v21;
	v21 =	vtrunc.f32 v32;
	v32 =	vmax.f32 v33, $0.0e+00;
	v33 =	vld.idx.msk [tilespmem:v38+s10+$0x0], $0xffff;
	[tilespmem:s6+$0xD0] =	vst v31  }
0x1f4: {  	v14 =	vcvt.f32.s32 v14;
	v21 =	vcvt.f32.s32 v21;
	v31 =	vmin.f32 v32, $6.200000000e+01;
	v32 =	vld.idx.msk [tilespmem:v38+s8+$0x0], $0xffff;
	[tilespmem:s13+$0x143] =	vst v40  }
0x1f5: {  	v23 =	vmul.f32 v46, v23;
	v37 =	vadd.f32 v20, v43;
	v31 =	vtrunc.f32 v31;
	v20 =	vld [tilespmem:s0+$0xE0];
	[tilespmem:s31+$0x341] =	vst v25  }
0x1f6: {  	v14 =	vadd.s32 v8, v14;
	v38 =	vadd.s32 v8, v21;
	v21 =	vcvt.f32.s32 v31;
	v31 =	vld.idx.msk [tilespmem:v36+s10+$0x0], $0xffff;
	[tilespmem:s12+$0x70] =	vst v16;
	s12 =	smov.u32 s1;
	s1 =	smov.u32 s6;
	s6 =	smov.u32 s15  }
0x1f7: {  	v22 =	vmul.f32 v47, v22;
	v23 =	vadd.f32 v23, v27;
	[tilespmem:s1+$0xFFFFFF40] =	vst v37;
	v16 =	vld.idx.msk [tilespmem:v15+s10+$0x0], $0xffff  }
0x1f8: {  	v37 =	vadd.s32 v8, v21;
	[tilespmem:s13+$0x0] =	vst v45;
	v25 =	vld.idx.msk [tilespmem:v39+s8+$0x0], $0xffff;
	v39 =	vmul.f32 v35, v17  }
0x1f9: {  	v22 =	vadd.f32 v22, v34;
	v21 =	vmul.f32 v33, v29;
	v17 =	vld [tilespmem:s0+$0xFFFFFF50];
	[tilespmem:s1+$0xFFFFFFC0] =	vst v23  }
0x1fa: {  	[tilespmem:s13+$0x11] =	vst v46;
	v23 =	vmul.f32 $7.875000000e+00, v20;
	v34 =	vld.idx.msk [tilespmem:v36+s8+$0x0], $0xffff  }
0x1fb: {  	v21 =	vadd.f32 v21, v32;
	v36 =	vld.idx.msk [tilespmem:v14+s10+$0x0], $0xffff;
	[tilespmem:s1+$0x40] =	vst v22  }
0x1fc: {  	v18 =	vmul.f32 v31, v18;
	v29 =	vld.idx.msk [tilespmem:v38+s10+$0x0], $0xffff;
	[tilespmem:s13+$0x22] =	vst v47;
	v22 =	vadd.f32 $3.150000000e+01, v23  }
0x1fd: {  	v27 =	vld.idx.msk [tilespmem:v37+s10+$0x0], $0xffff;
	[tilespmem:s15+$0xA0] =	vst v21;
	v21 =	vmul.f32 v16, v19  }
0x1fe: {  	v23 =	vadd.f32 v39, v25;
	v14 =	vld.idx.msk [tilespmem:v14+s8+$0x0], $0xffff;
	[tilespmem:s5+$0xFFFFFE13] =	vst v33;
	v19 =	vmul.f32 $7.875000000e+00, v17;
	v22 =	vmax.f32 v22, $0.0e+00  }
0x1ff: {  	v25 =	vld [tilespmem:s18+$0xB0];
	v22 =	vmin.f32 v22, $6.200000000e+01;
	[tilespmem:s31+$0x352] =	vst v24;
	s31 =	smov.u32 s3;
	s3 =	smov.u32 s13;
	s13 =	smov.u32 s5  }
0x200: {  	v18 =	vadd.f32 v18, v34;
	v24 =	vld.idx.msk [tilespmem:v38+s8+$0x0], $0xffff;
	v19 =	vadd.f32 $3.150000000e+01, v19;
	v22 =	vtrunc.f32 v22;
	[tilespmem:s12+$0xFFFFFF60] =	vst v23  }
0x201: {  	v23 =	vmul.f32 v36, v26;
	v32 =	vld.idx.msk [tilespmem:v37+s8+$0x0], $0xffff;
	v22 =	vcvt.f32.s32 v22;
	[tilespmem:s31+$0x220] =	vst v35  }
0x202: {  	v28 =	vmul.f32 v29, v28;
	v26 =	vmax.f32 v19, $0.0e+00;
	v19 =	vld [tilespmem:s0+$0xFFFFFFD0];
	[tilespmem:s12+$0xFFFFFFE0] =	vst v18  }
0x203: {  	v30 =	vmul.f32 v27, v30;
	v33 =	vmin.f32 v26, $6.200000000e+01;
	v18 =	vld [tilespmem:s0+$0x50];
	v26 =	vadd.s32 v12, v22;
	[tilespmem:s31+$0x231] =	vst v31  }
.Ltmp5:
0x204: {  	v14 =	vadd.f32 v23, v14;
	v23 =	vmul.f32 $7.875000000e+00, v25;
	v31 =	vtrunc.f32 v33;
	v22 =	vld.idx.msk [tilespmem:v15+s8+$0x0], $0xffff;
	(pc) =	sbr.rel @p1 .LBB2_6-.Ltmp5, $4  }
0x205: {  	v33 =	vcvt.f32.s32 v31;
	v15 =	vld [tilespmem:s17+$0xFFFFFF70]  }
0x206: {  	v28 =	vadd.f32 v28, v24;
	[tilespmem:s15+$0xFFFFFF20] =	vst v14;
	v23 =	vadd.f32 $3.150000000e+01, v23;
	v14 =	vld [tilespmem:s17+$0xFFFFFFF0]  }
0x207: {  	v31 =	vadd.f32 v30, v32;
	[tilespmem:s5+$0xFFFFFDE0] =	vst v36;
	v24 =	vadd.s32 v11, v33;
	v30 =	vmul.f32 $7.875000000e+00, v19  }
0x208: {  	s18 =	sadd.s32 $0x200, s18;
	[tilespmem:s15+$0xFFFFFFA0] =	vst v28;
	v33 =	vmax.f32 v23, $0.0e+00;
	v28 =	vmul.f32 $7.875000000e+00, v18;
	v23 =	vld.idx.msk [tilespmem:v26+s10+$0x0], $0xffff  }
0x209: {  	v32 =	vmin.f32 v33, $6.200000000e+01  }
0x20a: {  	v32 =	vtrunc.f32 v32  }
0x20b: {  	[tilespmem:s5+$0xFFFFFDF1] =	vst v29;
	v53 =	vld [tilespmem:s2+$0xFFFFFF30];
	v32 =	vcvt.f32.s32 v32  }
0x20c: {  	v54 =	vld [tilespmem:s2+$0xFFFFFFB0]  }
0x20d: {  	v32 =	vadd.s32 v9, v32;
	_ =	sdelay $0x1  }
0x20e: {  	[tilespmem:s15+$0x20] =	vst v31  }
0x20f: {  	[tilespmem:s5+$0xFFFFFE02] =	vst v27;
	v34 =	vmul.f32 $7.875000000e+00, v53  }
0x210: {  	v27 =	vld [tilespmem:s2+$0x30];
	v35 =	vmul.f32 $7.875000000e+00, v54  }
0x211: {  	v34 =	vadd.f32 $3.150000000e+01, v34;
	v55 =	vld.idx.msk [tilespmem:v32+s10+$0x0], $0xffff  }
0x212: {  	v35 =	vadd.f32 $3.150000000e+01, v35  }
0x213: {  	v32 =	vld.idx.msk [tilespmem:v32+s8+$0x0], $0xffff;
	v34 =	vmax.f32 v34, $0.0e+00  }
0x214: {  	v34 =	vmin.f32 v34, $6.200000000e+01;
	v35 =	vmax.f32 v35, $0.0e+00  }
0x215: {  	v36 =	vmul.f32 $7.875000000e+00, v27;
	v56 =	vtrunc.f32 v34;
	v57 =	vmin.f32 v35, $6.200000000e+01  }
0x216: {  	v34 =	vtrunc.f32 v57;
	v25 =	vmul.f32 v55, v25  }
0x217: {  	v36 =	vadd.f32 $3.150000000e+01, v36;
	v34 =	vcvt.f32.s32 v34  }
0x218: {  	v25 =	vadd.f32 v25, v32;
	v32 =	vcvt.f32.s32 v56  }
0x219: {  	v58 =	vmax.f32 v36, $0.0e+00;
	v60 =	vadd.s32 v9, v34  }
0x21a: {  	v35 =	vmin.f32 v58, $6.200000000e+01;
	v32 =	vadd.s32 v9, v32  }
0x21b: {  	v59 =	vtrunc.f32 v35;
	[tilespmem:s15+$0xB0] =	vst v25  }
0x21c: {  	v25 =	vcvt.f32.s32 v59;
	[tilespmem:s5+$0xFFFFFF23] =	vst v55  }
0x21d: {  	v61 =	vld [tilespmem:s2+$0xC0]  }
0x21e: {  	v25 =	vadd.s32 v9, v25;
	v63 =	vld.idx.msk [tilespmem:v60+s10+$0x0], $0xffff  }
0x21f: {  	v62 =	vld.idx.msk [tilespmem:v32+s10+$0x0], $0xffff  }
0x220: {  	v33 =	vld.idx.msk [tilespmem:v60+s8+$0x0], $0xffff  }
0x221: {  	v32 =	vld.idx.msk [tilespmem:v32+s8+$0x0], $0xffff  }
0x222: {  	v37 =	vmul.f32 $7.875000000e+00, v61  }
0x223: {  	v38 =	vld.idx.msk [tilespmem:v25+s10+$0x0], $0xffff;
	v31 =	vmul.f32 v63, v54  }
0x224: {  	v37 =	vadd.f32 $3.150000000e+01, v37;
	v29 =	vmul.f32 v62, v53  }
0x225: {  	v25 =	vld.idx.msk [tilespmem:v25+s8+$0x0], $0xffff;
	v41 =	vadd.f32 v31, v33  }
0x226: {  	v37 =	vmax.f32 v37, $0.0e+00;
	v29 =	vadd.f32 v29, v32  }
0x227: {  	[tilespmem:s6+$0xFFFFFFB0] =	vst v41;
	v37 =	vmin.f32 v37, $6.200000000e+01  }
0x228: {  	v27 =	vmul.f32 v38, v27;
	v40 =	vtrunc.f32 v37;
	[tilespmem:s6+$0xFFFFFF30] =	vst v29  }
0x229: {  	v32 =	vcvt.f32.s32 v40;
	[tilespmem:s13+$0xFFFFFEF0] =	vst v62  }
0x22a: {  	[tilespmem:s13+$0xFFFFFF01] =	vst v63;
	v25 =	vadd.f32 v27, v25;
	v43 =	vld [tilespmem:s2+$0xFFFFFF40]  }
0x22b: {  	v29 =	vld [tilespmem:s2+$0xFFFFFFC0];
	v42 =	vadd.s32 v10, v32  }
0x22c: {  	[tilespmem:s6+$0x30] =	vst v25  }
0x22d: {  	[tilespmem:s13+$0xFFFFFF12] =	vst v38  }
0x22e: {  	v25 =	vld [tilespmem:s2+$0x40]  }
0x22f: {  	v44 =	vmul.f32 $7.875000000e+00, v43  }
0x230: {  	v45 =	vmul.f32 $7.875000000e+00, v29;
	v32 =	vld.idx.msk [tilespmem:v42+s10+$0x0], $0xffff  }
0x231: {  	v33 =	vadd.f32 $3.150000000e+01, v44  }
0x232: {  	v31 =	vld.idx.msk [tilespmem:v42+s8+$0x0], $0xffff;
	v35 =	vadd.f32 $3.150000000e+01, v45  }
0x233: {  	v46 =	vmul.f32 $7.875000000e+00, v25;
	v33 =	vmax.f32 v33, $0.0e+00  }
0x234: {  	v35 =	vmax.f32 v35, $0.0e+00;
	v33 =	vmin.f32 v33, $6.200000000e+01  }
0x235: {  	v36 =	vadd.f32 $3.150000000e+01, v46;
	v34 =	vmul.f32 v32, v61;
	v33 =	vtrunc.f32 v33  }
0x236: {  	v47 =	vmin.f32 v35, $6.200000000e+01;
	v33 =	vcvt.f32.s32 v33  }
0x237: {  	v48 =	vmax.f32 v36, $0.0e+00;
	v31 =	vadd.f32 v34, v31;
	v34 =	vtrunc.f32 v47  }
0x238: {  	v35 =	vmin.f32 v48, $6.200000000e+01;
	v34 =	vcvt.f32.s32 v34;
	v49 =	vadd.s32 v10, v33  }
0x239: {  	v50 =	vtrunc.f32 v35  }
0x23a: {  	[tilespmem:s6+$0xC0] =	vst v31;
	v51 =	vcvt.f32.s32 v50;
	v52 =	vadd.s32 v10, v34  }
0x23b: {  	[tilespmem:s13+$0x33] =	vst v32  }
0x23c: {  	v53 =	vld [tilespmem:s2+$0xD0];
	v32 =	vadd.s32 v10, v51  }
0x23d: {  	v30 =	vadd.f32 $3.150000000e+01, v30;
	v54 =	vld.idx.msk [tilespmem:v49+s10+$0x0], $0xffff  }
0x23e: {  	v31 =	vld.idx.msk [tilespmem:v49+s8+$0x0], $0xffff  }
0x23f: {  	v30 =	vmax.f32 v30, $0.0e+00;
	v55 =	vld.idx.msk [tilespmem:v52+s10+$0x0], $0xffff  }
0x240: {  	v30 =	vmin.f32 v30, $6.200000000e+01;
	v33 =	vld.idx.msk [tilespmem:v52+s8+$0x0], $0xffff  }
0x241: {  	v30 =	vtrunc.f32 v30;
	v56 =	vmul.f32 $7.875000000e+00, v53;
	v38 =	vld.idx.msk [tilespmem:v32+s10+$0x0], $0xffff  }
0x242: {  	v30 =	vcvt.f32.s32 v30;
	v27 =	vmul.f32 v54, v43  }
0x243: {  	v32 =	vld.idx.msk [tilespmem:v32+s8+$0x0], $0xffff;
	v37 =	vadd.f32 $3.150000000e+01, v56  }
0x244: {  	v30 =	vadd.s32 v11, v30;
	v29 =	vmul.f32 v55, v29;
	v27 =	vadd.f32 v27, v31  }
0x245: {  	v28 =	vadd.f32 $3.150000000e+01, v28;
	v37 =	vmax.f32 v37, $0.0e+00  }
0x246: {  	v26 =	vld.idx.msk [tilespmem:v26+s8+$0x0], $0xffff;
	v37 =	vmin.f32 v37, $6.200000000e+01;
	v25 =	vmul.f32 v38, v25;
	v58 =	vadd.f32 v29, v33;
	[tilespmem:s6+$0xFFFFFF40] =	vst v27  }
0x247: {  	v59 =	vld.idx.msk [tilespmem:v24+s10+$0x0], $0xffff;
	v61 =	vmax.f32 v28, $0.0e+00;
	v57 =	vtrunc.f32 v37;
	[tilespmem:s13+$0x0] =	vst v54  }
0x248: {  	v60 =	vld.idx.msk [tilespmem:v24+s8+$0x0], $0xffff;
	v31 =	vcvt.f32.s32 v57;
	v25 =	vadd.f32 v25, v32;
	v27 =	vmin.f32 v61, $6.200000000e+01;
	[tilespmem:s6+$0xFFFFFFC0] =	vst v58  }
0x249: {  	v62 =	vld.idx.msk [tilespmem:v30+s10+$0x0], $0xffff;
	v27 =	vtrunc.f32 v27;
	[tilespmem:s13+$0x11] =	vst v55  }
0x24a: {  	v31 =	vadd.s32 v11, v31;
	v33 =	vld [tilespmem:s2+$0xFFFFFF50];
	[tilespmem:s6+$0x40] =	vst v25;
	v27 =	vcvt.f32.s32 v27  }
0x24b: {  	v20 =	vmul.f32 v23, v20;
	v25 =	vld [tilespmem:s2+$0xFFFFFFD0];
	[tilespmem:s13+$0x22] =	vst v38  }
0x24c: {  	v17 =	vmul.f32 v59, v17;
	v32 =	vld [tilespmem:s2+$0x50];
	v27 =	vadd.s32 v11, v27  }
0x24d: {  	v20 =	vadd.f32 v20, v26  }
0x24e: {  	v17 =	vadd.f32 v17, v60;
	v30 =	vld.idx.msk [tilespmem:v30+s8+$0x0], $0xffff  }
0x24f: {  	[tilespmem:s1+$0xE0] =	vst v20;
	v63 =	vld.idx.msk [tilespmem:v31+s10+$0x0], $0xffff;
	v40 =	vmul.f32 $7.875000000e+00, v33  }
0x250: {  	[tilespmem:s1+$0xFFFFFF50] =	vst v17;
	v42 =	vld.idx.msk [tilespmem:v31+s8+$0x0], $0xffff;
	v41 =	vmul.f32 $7.875000000e+00, v25  }
0x251: {  	[tilespmem:s3+$0x110] =	vst v59;
	v19 =	vmul.f32 v62, v19;
	v36 =	vadd.f32 $3.150000000e+01, v40;
	v44 =	vmul.f32 $7.875000000e+00, v32;
	v50 =	vld.idx.msk [tilespmem:v27+s10+$0x0], $0xffff  }
0x252: {  	[tilespmem:s3+$0x253] =	vst v23;
	v23 =	vld [tilespmem:s0+$0xFFFFFF60];
	v45 =	vadd.f32 $3.150000000e+01, v41  }
0x253: {  	v19 =	vadd.f32 v19, v30;
	v57 =	vld.idx.msk [tilespmem:v27+s8+$0x0], $0xffff;
	v43 =	vmax.f32 v36, $0.0e+00;
	v48 =	vadd.f32 $3.150000000e+01, v44  }
0x254: {  	v46 =	vmul.f32 v63, v53;
	v26 =	vmin.f32 v43, $6.200000000e+01;
	v49 =	vmax.f32 v45, $0.0e+00  }
0x255: {  	v47 =	vtrunc.f32 v26;
	v51 =	vmin.f32 v49, $6.200000000e+01;
	v52 =	vmax.f32 v48, $0.0e+00  }
0x256: {  	[tilespmem:s1+$0xFFFFFFD0] =	vst v19;
	v17 =	vcvt.f32.s32 v47;
	v20 =	vadd.f32 v46, v42;
	v18 =	vmul.f32 v50, v18  }
0x257: {  	[tilespmem:s3+$0x121] =	vst v62;
	v61 =	vmul.f32 $7.875000000e+00, v23;
	v53 =	vtrunc.f32 v51;
	v55 =	vmin.f32 v52, $6.200000000e+01  }
0x258: {  	v56 =	vcvt.f32.s32 v53;
	v54 =	vadd.s32 v11, v17;
	[tilespmem:s6+$0xD0] =	vst v20;
	v18 =	vadd.f32 v18, v57  }
0x259: {  	v27 =	vld [tilespmem:s0+$0xFFFFFFE0];
	v58 =	vtrunc.f32 v55;
	[tilespmem:s13+$0x143] =	vst v63  }
0x25a: {  	v35 =	vadd.f32 $3.150000000e+01, v61;
	v17 =	vld [tilespmem:s0+$0xF0];
	v60 =	vcvt.f32.s32 v58;
	v59 =	vadd.s32 v11, v56;
	[tilespmem:s1+$0x50] =	vst v18  }
0x25b: {  	v21 =	vadd.f32 v21, v22;
	v62 =	vld [tilespmem:s2+$0xE0];
	[tilespmem:s3+$0x132] =	vst v50  }
0x25c: {  	v37 =	vmul.f32 $7.875000000e+00, v15;
	v38 =	vmax.f32 v35, $0.0e+00;
	v24 =	vadd.s32 v11, v60;
	v22 =	vld [tilespmem:s0+$0x60]  }
0x25d: {  	v18 =	vmin.f32 v38, $6.200000000e+01;
	v63 =	vld.idx.msk [tilespmem:v54+s10+$0x0], $0xffff  }
0x25e: {  	v31 =	vadd.f32 $3.150000000e+01, v37;
	v18 =	vtrunc.f32 v18;
	v19 =	vld.idx.msk [tilespmem:v54+s8+$0x0], $0xffff  }
0x25f: {  	v18 =	vcvt.f32.s32 v18;
	v36 =	vld.idx.msk [tilespmem:v59+s10+$0x0], $0xffff  }
0x260: {  	v48 =	vmax.f32 v31, $0.0e+00;
	v39 =	vmul.f32 $7.875000000e+00, v17;
	v20 =	vld.idx.msk [tilespmem:v59+s8+$0x0], $0xffff  }
0x261: {  	v44 =	vmul.f32 $7.875000000e+00, v27;
	v18 =	vadd.s32 v12, v18;
	v40 =	vmul.f32 $7.875000000e+00, v62;
	v41 =	vld.idx.msk [tilespmem:v24+s10+$0x0], $0xffff  }
0x262: {  	v47 =	vmul.f32 $7.875000000e+00, v14;
	v26 =	vadd.f32 $3.150000000e+01, v39;
	v33 =	vmul.f32 v63, v33  }
0x263: {  	v49 =	vmin.f32 v48, $6.200000000e+01;
	v24 =	vld.idx.msk [tilespmem:v24+s8+$0x0], $0xffff;
	v34 =	vadd.f32 $3.150000000e+01, v40;
	v46 =	vmul.f32 $7.875000000e+00, v22  }
0x264: {  	v26 =	vmax.f32 v26, $0.0e+00;
	v25 =	vmul.f32 v36, v25;
	v19 =	vadd.f32 v33, v19  }
0x265: {  	v43 =	vmin.f32 v26, $6.200000000e+01;
	v42 =	vmax.f32 v34, $0.0e+00;
	v30 =	vadd.f32 $3.150000000e+01, v46  }
0x266: {  	v50 =	vld.idx.msk [tilespmem:v18+s10+$0x0], $0xffff;
	v33 =	vmin.f32 v42, $6.200000000e+01;
	v32 =	vmul.f32 v41, v32;
	v20 =	vadd.f32 v25, v20;
	[tilespmem:s6+$0xFFFFFF50] =	vst v19  }
0x267: {  	v45 =	vtrunc.f32 v33;
	v25 =	vadd.f32 $3.150000000e+01, v44;
	v30 =	vmax.f32 v30, $0.0e+00;
	[tilespmem:s13+$0x110] =	vst v63  }
0x268: {  	v18 =	vld.idx.msk [tilespmem:v18+s8+$0x0], $0xffff;
	v26 =	vcvt.f32.s32 v45;
	v24 =	vadd.f32 v32, v24;
	v19 =	vtrunc.f32 v43;
	[tilespmem:s6+$0xFFFFFFD0] =	vst v20  }
0x269: {  	v30 =	vmin.f32 v30, $6.200000000e+01;
	v19 =	vcvt.f32.s32 v19;
	v25 =	vmax.f32 v25, $0.0e+00;
	v32 =	vld [tilespmem:s2+$0xFFFFFF60];
	[tilespmem:s13+$0x121] =	vst v36  }
0x26a: {  	v52 =	vtrunc.f32 v30;
	v20 =	vadd.f32 $3.150000000e+01, v47;
	v26 =	vadd.s32 v12, v26;
	[tilespmem:s6+$0x50] =	vst v24  }
0x26b: {  	v24 =	vtrunc.f32 v49;
	v25 =	vmin.f32 v25, $6.200000000e+01;
	v23 =	vmul.f32 v50, v23;
	v31 =	vld [tilespmem:s2+$0xFFFFFFE0];
	[tilespmem:s13+$0x132] =	vst v41  }
0x26c: {  	v24 =	vcvt.f32.s32 v24;
	v25 =	vtrunc.f32 v25;
	v33 =	vld [tilespmem:s2+$0x60]  }
0x26d: {  	v51 =	vadd.s32 v13, v19;
	v19 =	vcvt.f32.s32 v52;
	v20 =	vmax.f32 v20, $0.0e+00  }
0x26e: {  	[tilespmem:s12+$0x60] =	vst v21;
	v54 =	vcvt.f32.s32 v25;
	v23 =	vadd.f32 v23, v18;
	v53 =	vmul.f32 $7.875000000e+00, v32  }
0x26f: {  	[tilespmem:s31+$0x242] =	vst v16;
	v20 =	vmin.f32 v20, $6.200000000e+01;
	v21 =	vadd.s32 v13, v24;
	v58 =	vadd.s32 v12, v19;
	v55 =	vld.idx.msk [tilespmem:v26+s10+$0x0], $0xffff  }
0x270: {  	v16 =	vld [tilespmem:s17+$0x70];
	v20 =	vtrunc.f32 v20;
	v56 =	vmul.f32 $7.875000000e+00, v31;
	v30 =	vadd.f32 $3.150000000e+01, v53  }
0x271: {  	v24 =	vadd.s32 v12, v54;
	v20 =	vcvt.f32.s32 v20;
	v26 =	vld.idx.msk [tilespmem:v26+s8+$0x0], $0xffff;
	v57 =	vmul.f32 $7.875000000e+00, v33  }
0x272: {  	[tilespmem:s1+$0xFFFFFF60] =	vst v23;
	v19 =	vld.idx.msk [tilespmem:v51+s10+$0x0], $0xffff;
	v35 =	vadd.f32 $3.150000000e+01, v56;
	v59 =	vmax.f32 v30, $0.0e+00  }
0x273: {  	[tilespmem:s3+$0x220] =	vst v50;
	v34 =	vld.idx.msk [tilespmem:v51+s8+$0x0], $0xffff;
	v20 =	vadd.s32 v13, v20;
	v61 =	vadd.f32 $3.150000000e+01, v57;
	v18 =	vmin.f32 v59, $6.200000000e+01  }
0x274: {  	v23 =	vld [tilespmem:s0+$0xFFFFFF70];
	v60 =	vmax.f32 v35, $0.0e+00;
	v29 =	vmul.f32 v55, v62;
	v62 =	vtrunc.f32 v18  }
0x275: {  	v39 =	vld.idx.msk [tilespmem:v58+s10+$0x0], $0xffff;
	v30 =	vmin.f32 v60, $6.200000000e+01;
	v35 =	vmax.f32 v61, $0.0e+00;
	v36 =	vcvt.f32.s32 v62  }
0x276: {  	v63 =	vld.idx.msk [tilespmem:v24+s10+$0x0], $0xffff;
	v30 =	vtrunc.f32 v30;
	v35 =	vmin.f32 v35, $6.200000000e+01  }
0x277: {  	v46 =	vld.idx.msk [tilespmem:v58+s8+$0x0], $0xffff;
	v42 =	vadd.f32 v29, v26;
	v30 =	vcvt.f32.s32 v30;
	v44 =	vadd.s32 v12, v36  }
0x278: {  	v24 =	vld.idx.msk [tilespmem:v24+s8+$0x0], $0xffff;
	v43 =	vtrunc.f32 v35  }
0x279: {  	v18 =	vld.idx.msk [tilespmem:v21+s10+$0x0], $0xffff;
	v26 =	vcvt.f32.s32 v43;
	[tilespmem:s6+$0xE0] =	vst v42;
	v45 =	vadd.s32 v12, v30  }
0x27a: {  	v54 =	vld.idx.msk [tilespmem:v20+s10+$0x0], $0xffff;
	[tilespmem:s13+$0x253] =	vst v55  }
0x27b: {  	v48 =	vmul.f32 v63, v27;
	v47 =	vadd.s32 v12, v26;
	v27 =	vld [tilespmem:s2+$0xF0]  }
0x27c: {  	v49 =	vmul.f32 $7.875000000e+00, v16;
	v36 =	vld.idx.msk [tilespmem:v44+s10+$0x0], $0xffff  }
0x27d: {  	v24 =	vadd.f32 v48, v24;
	v29 =	vld.idx.msk [tilespmem:v44+s8+$0x0], $0xffff  }
0x27e: {  	v35 =	vadd.f32 $3.150000000e+01, v49;
	v22 =	vmul.f32 v39, v22;
	v50 =	vld.idx.msk [tilespmem:v45+s10+$0x0], $0xffff  }
0x27f: {  	[tilespmem:s1+$0xFFFFFFE0] =	vst v24;
	v28 =	vld.idx.msk [tilespmem:v45+s8+$0x0], $0xffff  }
0x280: {  	v17 =	vmul.f32 v19, v17;
	v35 =	vmax.f32 v35, $0.0e+00;
	v22 =	vadd.f32 v22, v46;
	[tilespmem:s3+$0x231] =	vst v63;
	v51 =	vld.idx.msk [tilespmem:v47+s10+$0x0], $0xffff  }
0x281: {  	v52 =	vmin.f32 v35, $6.200000000e+01;
	v35 =	vld [tilespmem:s0+$0xFFFFFFF0];
	v32 =	vmul.f32 v36, v32  }
0x282: {  	v58 =	vmul.f32 $7.875000000e+00, v23;
	v17 =	vadd.f32 v17, v34;
	[tilespmem:s1+$0x60] =	vst v22;
	v53 =	vld.idx.msk [tilespmem:v47+s8+$0x0], $0xffff  }
0x283: {  	v21 =	vld.idx.msk [tilespmem:v21+s8+$0x0], $0xffff;
	[tilespmem:s3+$0x242] =	vst v39;
	v55 =	vmul.f32 $7.875000000e+00, v27;
	v31 =	vmul.f32 v50, v31;
	v29 =	vadd.f32 v32, v29  }
0x284: {  	v60 =	vadd.f32 $3.150000000e+01, v58;
	v15 =	vmul.f32 v18, v15;
	v14 =	vmul.f32 v54, v14;
	v32 =	vld [tilespmem:s0+$0x70]  }
0x285: {  	v56 =	vadd.f32 $3.150000000e+01, v55;
	v33 =	vmul.f32 v51, v33;
	v28 =	vadd.f32 v31, v28;
	[tilespmem:s6+$0xFFFFFF60] =	vst v29  }
0x286: {  	v37 =	vmax.f32 v60, $0.0e+00;
	v30 =	vtrunc.f32 v52;
	v59 =	vmul.f32 $7.875000000e+00, v35;
	[tilespmem:s13+$0x220] =	vst v36  }
0x287: {  	v30 =	vcvt.f32.s32 v30;
	v34 =	vmax.f32 v56, $0.0e+00;
	v22 =	vadd.f32 v33, v53;
	[tilespmem:s6+$0xFFFFFFE0] =	vst v28;
	v26 =	vld [tilespmem:s2+$0xFFFFFF70]  }
0x288: {  	v15 =	vadd.f32 v15, v21;
	v61 =	vmin.f32 v34, $6.200000000e+01;
	v31 =	vadd.f32 $3.150000000e+01, v59;
	[tilespmem:s13+$0x231] =	vst v50  }
0x289: {  	v57 =	vadd.s32 v13, v30;
	v30 =	vtrunc.f32 v61;
	[tilespmem:s6+$0x60] =	vst v22;
	v62 =	vmul.f32 $7.875000000e+00, v32;
	v63 =	vld [tilespmem:s2+$0xFFFFFFF0]  }
0x28a: {  	v36 =	vcvt.f32.s32 v30;
	v39 =	vmax.f32 v31, $0.0e+00;
	v22 =	vmin.f32 v37, $6.200000000e+01;
	[tilespmem:s13+$0x242] =	vst v51  }
0x28b: {  	v28 =	vmin.f32 v39, $6.200000000e+01;
	v22 =	vtrunc.f32 v22;
	v40 =	vld [tilespmem:s2+$0x70];
	v38 =	vadd.f32 $3.150000000e+01, v62  }
0x28c: {  	v20 =	vld.idx.msk [tilespmem:v20+s8+$0x0], $0xffff;
	v21 =	vadd.s32 v13, v36;
	v28 =	vtrunc.f32 v28;
	v41 =	vmul.f32 $7.875000000e+00, v26  }
0x28d: {  	v22 =	vcvt.f32.s32 v22;
	v28 =	vcvt.f32.s32 v28;
	v24 =	vmax.f32 v38, $0.0e+00  }
0x28e: {  	v24 =	vmin.f32 v24, $6.200000000e+01;
	v42 =	vmul.f32 $7.875000000e+00, v63;
	v31 =	vadd.f32 $3.150000000e+01, v41  }
0x28f: {  	v43 =	vld.idx.msk [tilespmem:v57+s10+$0x0], $0xffff;
	v22 =	vadd.s32 v13, v22;
	v28 =	vadd.s32 v13, v28;
	v24 =	vtrunc.f32 v24  }
0x290: {  	v44 =	vmul.f32 $7.875000000e+00, v40;
	v33 =	vadd.f32 $3.150000000e+01, v42;
	v31 =	vmax.f32 v31, $0.0e+00  }
0x291: {  	v14 =	vadd.f32 v14, v20;
	v29 =	vld.idx.msk [tilespmem:v57+s8+$0x0], $0xffff;
	v24 =	vcvt.f32.s32 v24;
	v31 =	vmin.f32 v31, $6.200000000e+01  }
0x292: {  	[tilespmem:s1+$0xF0] =	vst v17;
	v45 =	vld.idx.msk [tilespmem:v21+s10+$0x0], $0xffff;
	v37 =	vadd.f32 $3.150000000e+01, v44;
	v33 =	vmax.f32 v33, $0.0e+00;
	v31 =	vtrunc.f32 v31  }
0x293: {  	[tilespmem:s3+$0x363] =	vst v19;
	v46 =	vld.idx.msk [tilespmem:v21+s8+$0x0], $0xffff;
	v24 =	vadd.s32 v13, v24;
	v33 =	vmin.f32 v33, $6.200000000e+01;
	v31 =	vcvt.f32.s32 v31  }
0x294: {  	[tilespmem:s12+$0xFFFFFF70] =	vst v15;
	v16 =	vmul.f32 v43, v16;
	v48 =	vld.idx.msk [tilespmem:v22+s10+$0x0], $0xffff;
	v47 =	vmax.f32 v37, $0.0e+00;
	v33 =	vtrunc.f32 v33  }
0x295: {  	[tilespmem:s12+$0xFFFFFFF0] =	vst v14;
	v15 =	vld.idx.msk [tilespmem:v28+s10+$0x0], $0xffff;
	v21 =	vmin.f32 v47, $6.200000000e+01;
	v33 =	vcvt.f32.s32 v33;
	v50 =	vadd.s32 v13, v31  }
0x296: {  	[tilespmem:s31+$0x330] =	vst v18;
	v16 =	vadd.f32 v16, v29;
	v51 =	vld.idx.msk [tilespmem:v22+s8+$0x0], $0xffff;
	v49 =	vtrunc.f32 v21  }
0x297: {  	[tilespmem:s31+$0x341] =	vst v54;
	v54 =	vld.idx.msk [tilespmem:v28+s8+$0x0], $0xffff;
	v14 =	vmul.f32 v45, v27;
	v20 =	vcvt.f32.s32 v49;
	v52 =	vadd.s32 v13, v33  }
0x298: {  	[tilespmem:s12+$0x70] =	vst v16;
	v53 =	vld.idx.msk [tilespmem:v24+s10+$0x0], $0xffff  }
0x299: {  	v14 =	vadd.f32 v14, v46;
	v56 =	vmul.f32 v48, v23;
	v55 =	vld.idx.msk [tilespmem:v24+s8+$0x0], $0xffff;
	v20 =	vadd.s32 v13, v20  }
0x29a: {  	[tilespmem:s31+$0x352] =	vst v43;
	v57 =	vld.idx.msk [tilespmem:v50+s10+$0x0], $0xffff  }
0x29b: {  	[tilespmem:s6+$0xF0] =	vst v14;
	v14 =	vmul.f32 v15, v35;
	v17 =	vadd.f32 v56, v51;
	v21 =	vld.idx.msk [tilespmem:v50+s8+$0x0], $0xffff  }
0x29c: {  	[tilespmem:s13+$0x363] =	vst v45;
	v58 =	vld.idx.msk [tilespmem:v52+s10+$0x0], $0xffff  }
0x29d: {  	v14 =	vadd.f32 v14, v54;
	[tilespmem:s1+$0xFFFFFF70] =	vst v17;
	v59 =	vmul.f32 v53, v32;
	v61 =	vld.idx.msk [tilespmem:v52+s8+$0x0], $0xffff  }
0x29e: {  	[tilespmem:s3+$0x330] =	vst v48;
	v60 =	vld.idx.msk [tilespmem:v20+s10+$0x0], $0xffff  }
0x29f: {  	[tilespmem:s1+$0xFFFFFFF0] =	vst v14;
	v16 =	vadd.f32 v59, v55;
	v14 =	vmul.f32 v57, v26  }
0x2a0: {  	[tilespmem:s3+$0x341] =	vst v15;
	v15 =	vld.idx.msk [tilespmem:v20+s8+$0x0], $0xffff  }
0x2a1: {  	[tilespmem:s1+$0x70] =	vst v16;
	v62 =	vmul.f32 v58, v63;
	v14 =	vadd.f32 v14, v21  }
0x2a2: {  	[tilespmem:s3+$0x352] =	vst v53  }
0x2a3: {  	p3 =	por $0x1, $0x1;
	v63 =	vmul.f32 v60, v40;
	v16 =	vadd.f32 v62, v61;
	[tilespmem:s6+$0xFFFFFF70] =	vst v14  }
.Ltmp6:
0x2a4: {  	[tilespmem:s13+$0x330] =	vst v57;
	(pc) =	sbr.rel @!p3 .LBB2_8-.Ltmp6, $4  }
0x2a5: {  	v14 =	vadd.f32 v63, v15;
	[tilespmem:s6+$0xFFFFFFF0] =	vst v16  }
0x2a6: {  	[tilespmem:s13+$0x341] =	vst v58  }
0x2a7: {  	p1 =	por $0x0, $0x0;
	[tilespmem:s6+$0x70] =	vst v14;
	v14 =	vmul.u32 $0x11, v2  }
0x2a8: {  	p2 =	por $0x0, $0x0;
	s0 =	simm.s32 $0x0;
	s1 =	simm.s32 $0x4;
	[tilespmem:s13+$0x352] =	vst v60  }
0x2a9: {  	s2 =	simm.s32 $0x3;
	v17 =	vadd.s32 s0, v14  }
0x2aa: {  	s18 =	simm.s32 $0x1;
	v21 =	vadd.s32 s2, v14  }
0x2ab: {  	s31 =	simm.s32 $0x2;
	v16 =	vadd.s32 s18, v14  }
0x2ac: {  	v15 =	vadd.s32 s31, v14;
	_ =	sdelay $0x1  }
0x2ad: {  	v19 =	vld.idx.msk [tilespmem:v17+s20+$0x0], $0xffff  }
0x2ae: {  	v18 =	vld.idx.msk [tilespmem:v21+s20+$0x0], $0xffff  }
0x2af: {  	v20 =	vld.idx.msk [tilespmem:v16+s20+$0x0], $0xffff  }
0x2b0: {  	v22 =	vld.idx.msk [tilespmem:v15+s20+$0x0], $0xffff;
	_ =	sdelay $0x1  }
0x2b1: {  	[tilespmem:s19+$0xFFFFE000] =	vst v19  }
0x2b2: {  	[tilespmem:s19+$0xFFFFE180] =	vst v18;
	v19 =	vld.idx.msk [tilespmem:v17+s21+$0x0], $0xffff  }
0x2b3: {  	[tilespmem:s19+$0xFFFFE080] =	vst v20;
	v18 =	vld.idx.msk [tilespmem:v21+s21+$0x0], $0xffff  }
0x2b4: {  	[tilespmem:s19+$0xFFFFE100] =	vst v22;
	v20 =	vld.idx.msk [tilespmem:v16+s21+$0x0], $0xffff  }
0x2b5: {  	v22 =	vld.idx.msk [tilespmem:v15+s21+$0x0], $0xffff;
	_ =	sdelay $0x1  }
0x2b6: {  	[tilespmem:s19+$0xFFFFE800] =	vst v19  }
0x2b7: {  	[tilespmem:s19+$0xFFFFE980] =	vst v18;
	v19 =	vld.idx.msk [tilespmem:v17+s22+$0x0], $0xffff  }
0x2b8: {  	[tilespmem:s19+$0xFFFFE880] =	vst v20;
	v18 =	vld.idx.msk [tilespmem:v21+s22+$0x0], $0xffff  }
0x2b9: {  	[tilespmem:s19+$0xFFFFE900] =	vst v22;
	v20 =	vld.idx.msk [tilespmem:v16+s22+$0x0], $0xffff  }
0x2ba: {  	v22 =	vld.idx.msk [tilespmem:v15+s22+$0x0], $0xffff  }
0x2bb: {  	p3 =	por $0x1, $0x1  }
.Ltmp7:
0x2bc: {  	[tilespmem:s19+$0xFFFFF000] =	vst v19;
	(pc) =	sbr.rel @!p3 .LBB2_10-.Ltmp7, $4  }
0x2bd: {  	[tilespmem:s19+$0xFFFFF180] =	vst v18;
	v23 =	vld.idx.msk [tilespmem:v17+s23+$0x0], $0xffff  }
0x2be: {  	[tilespmem:s19+$0xFFFFF080] =	vst v20;
	v26 =	vld.idx.msk [tilespmem:v21+s23+$0x0], $0xffff  }
0x2bf: {  	[tilespmem:s19+$0xFFFFF100] =	vst v22;
	v24 =	vld.idx.msk [tilespmem:v16+s23+$0x0], $0xffff  }
0x2c0: {  	s0 =	simm.s32 $0x8;
	p1 =	por $0x1, $0x1;
	v25 =	vld.idx.msk [tilespmem:v15+s23+$0x0], $0xffff  }
0x2c1: {  	_ =	sdelay $0x2  }
0x2c2: {  	s2 =	simm.s32 $0x7;
	v18 =	vadd.s32 s1, v14;
	[tilespmem:s19+$0xFFFFF800] =	vst v23  }
0x2c3: {  	s18 =	simm.s32 $0x5;
	v19 =	vadd.s32 s2, v14;
	[tilespmem:s19+$0xFFFFF980] =	vst v26;
	v23 =	vld.idx.msk [tilespmem:v17+s24+$0x0], $0xffff  }
0x2c4: {  	s31 =	simm.s32 $0x6;
	v20 =	vadd.s32 s18, v14;
	v26 =	vld.idx.msk [tilespmem:v21+s24+$0x0], $0xffff;
	[tilespmem:s19+$0xFFFFF880] =	vst v24  }
0x2c5: {  	v22 =	vadd.s32 s31, v14;
	v24 =	vld.idx.msk [tilespmem:v16+s24+$0x0], $0xffff;
	[tilespmem:s19+$0xFFFFF900] =	vst v25  }
0x2c6: {  	v25 =	vld.idx.msk [tilespmem:v15+s24+$0x0], $0xffff  }
0x2c7: {  	v28 =	vld.idx.msk [tilespmem:v18+s20+$0x0], $0xffff  }
0x2c8: {  	v27 =	vld.idx.msk [tilespmem:v19+s20+$0x0], $0xffff  }
0x2c9: {  	v29 =	vld.idx.msk [tilespmem:v20+s20+$0x0], $0xffff;
	[tilespmem:s19+$0x0] =	vst v23  }
0x2ca: {  	v23 =	vld.idx.msk [tilespmem:v22+s20+$0x0], $0xffff;
	[tilespmem:s19+$0x180] =	vst v26  }
0x2cb: {  	v26 =	vld.idx.msk [tilespmem:v21+s25+$0x0], $0xffff;
	[tilespmem:s19+$0x80] =	vst v24  }
0x2cc: {  	s1 =	sadd.s32 $0x200, s19;
	v24 =	vld.idx.msk [tilespmem:v17+s25+$0x0], $0xffff;
	[tilespmem:s19+$0x100] =	vst v25  }
0x2cd: {  	v25 =	vld.idx.msk [tilespmem:v16+s25+$0x0], $0xffff;
	[tilespmem:s1+$0xFFFFE000] =	vst v28  }
0x2ce: {  	[tilespmem:s1+$0xFFFFE180] =	vst v27;
	v28 =	vld.idx.msk [tilespmem:v18+s21+$0x0], $0xffff  }
0x2cf: {  	[tilespmem:s1+$0xFFFFE080] =	vst v29;
	v27 =	vld.idx.msk [tilespmem:v19+s21+$0x0], $0xffff  }
0x2d0: {  	v29 =	vld.idx.msk [tilespmem:v20+s21+$0x0], $0xffff;
	[tilespmem:s1+$0xFFFFE100] =	vst v23  }
0x2d1: {  	v23 =	vld.idx.msk [tilespmem:v22+s21+$0x0], $0xffff;
	[tilespmem:s19+$0x980] =	vst v26  }
0x2d2: {  	[tilespmem:s19+$0x800] =	vst v24;
	v24 =	vld.idx.msk [tilespmem:v15+s25+$0x0], $0xffff  }
0x2d3: {  	v26 =	vld.idx.msk [tilespmem:v21+s26+$0x0], $0xffff;
	[tilespmem:s19+$0x880] =	vst v25  }
0x2d4: {  	v25 =	vld.idx.msk [tilespmem:v17+s26+$0x0], $0xffff;
	[tilespmem:s1+$0xFFFFE800] =	vst v28  }
0x2d5: {  	v31 =	vld.idx.msk [tilespmem:v16+s26+$0x0], $0xffff;
	[tilespmem:s1+$0xFFFFE980] =	vst v27  }
0x2d6: {  	v28 =	vld.idx.msk [tilespmem:v18+s22+$0x0], $0xffff;
	[tilespmem:s1+$0xFFFFE880] =	vst v29  }
0x2d7: {  	v27 =	vld.idx.msk [tilespmem:v19+s22+$0x0], $0xffff;
	[tilespmem:s1+$0xFFFFE900] =	vst v23  }
0x2d8: {  	v29 =	vld.idx.msk [tilespmem:v20+s22+$0x0], $0xffff;
	[tilespmem:s19+$0x900] =	vst v24  }
0x2d9: {  	v30 =	vld.idx.msk [tilespmem:v22+s22+$0x0], $0xffff;
	[tilespmem:s19+$0x1180] =	vst v26  }
0x2da: {  	v32 =	vld.idx.msk [tilespmem:v15+s26+$0x0], $0xffff;
	[tilespmem:s19+$0x1080] =	vst v31  }
0x2db: {  	v21 =	vld.idx.msk [tilespmem:v21+s28+$0x0], $0xffff;
	[tilespmem:s1+$0xFFFFF000] =	vst v28  }
0x2dc: {  	p3 =	por $0x1, $0x1;
	v28 =	vld.idx.msk [tilespmem:v16+s28+$0x0], $0xffff;
	[tilespmem:s1+$0xFFFFF180] =	vst v27  }
.Ltmp8:
0x2dd: {  	[tilespmem:s19+$0x1000] =	vst v25;
	v26 =	vld.idx.msk [tilespmem:v19+s23+$0x0], $0xffff;
	(pc) =	sbr.rel @!p3 .LBB2_12-.Ltmp8, $4  }
0x2de: {  	v23 =	vld.idx.msk [tilespmem:v18+s23+$0x0], $0xffff;
	[tilespmem:s1+$0xFFFFF080] =	vst v29  }
0x2df: {  	v27 =	vld.idx.msk [tilespmem:v17+s28+$0x0], $0xffff;
	[tilespmem:s1+$0xFFFFF100] =	vst v30  }
0x2e0: {  	v24 =	vld.idx.msk [tilespmem:v20+s23+$0x0], $0xffff;
	[tilespmem:s19+$0x1100] =	vst v32  }
0x2e1: {  	s3 =	simm.s32 $0xC;
	p2 =	por $0x1, $0x1;
	s2 =	smov.u32 s19;
	v25 =	vld.idx.msk [tilespmem:v22+s23+$0x0], $0xffff;
	[tilespmem:s19+$0x1980] =	vst v21  }
.LBB2_13:
0x2e2: {  	p3 =	slt.u32 s3, $0xC;
	s5 =	sadd.s32 $0x1, s0;
	s6 =	sadd.s32 $0x3, s0;
	[tilespmem:s1+$0xFFFFF980] =	vst v26;
	v16 =	vld.idx.msk [tilespmem:v15+s28+$0x0], $0xffff;
	v15 =	vmov v22  }
0x2e3: {  	v17 =	vadd.s32 s0, v14;
	v21 =	vadd.s32 s5, v14;
	s5 =	sadd.s32 $0x2, s0;
	v26 =	vadd.s32 s6, v14;
	v29 =	vld.idx.msk [tilespmem:v19+s24+$0x0], $0xffff;
	s0 =	smov.u32 s3  }
0x2e4: {  	v22 =	vadd.s32 s5, v14;
	[tilespmem:s1+$0xFFFFF800] =	vst v23  }
0x2e5: {  	v23 =	vld.idx.msk [tilespmem:v18+s24+$0x0], $0xffff;
	[tilespmem:s1+$0xFFFFF880] =	vst v24  }
0x2e6: {  	v24 =	vld.idx.msk [tilespmem:v20+s24+$0x0], $0xffff;
	[tilespmem:s1+$0xFFFFF900] =	vst v25  }
0x2e7: {  	v25 =	vld.idx.msk [tilespmem:v15+s24+$0x0], $0xffff;
	[tilespmem:s2+$0x1800] =	vst v27  }
0x2e8: {  	v27 =	vld.idx.msk [tilespmem:v26+s20+$0x0], $0xffff;
	[tilespmem:s2+$0x1880] =	vst v28  }
0x2e9: {  	v28 =	vld.idx.msk [tilespmem:v17+s20+$0x0], $0xffff;
	[tilespmem:s1+$0x180] =	vst v29  }
0x2ea: {  	v29 =	vld.idx.msk [tilespmem:v19+s25+$0x0], $0xffff;
	[tilespmem:s2+$0x1900] =	vst v16;
	s2 =	smov.u32 s1  }
0x2eb: {  	v16 =	vld.idx.msk [tilespmem:v21+s20+$0x0], $0xffff;
	[tilespmem:s1+$0x0] =	vst v23  }
0x2ec: {  	v23 =	vld.idx.msk [tilespmem:v22+s20+$0x0], $0xffff;
	[tilespmem:s1+$0x80] =	vst v24  }
0x2ed: {  	s1 =	sadd.s32 $0x200, s1;
	v24 =	vld.idx.msk [tilespmem:v18+s25+$0x0], $0xffff;
	[tilespmem:s2+$0x100] =	vst v25  }
0x2ee: {  	[tilespmem:s1+$0xFFFFE180] =	vst v27;
	v25 =	vld.idx.msk [tilespmem:v20+s25+$0x0], $0xffff  }
0x2ef: {  	[tilespmem:s1+$0xFFFFE000] =	vst v28;
	v27 =	vld.idx.msk [tilespmem:v26+s21+$0x0], $0xffff  }
0x2f0: {  	v28 =	vld.idx.msk [tilespmem:v17+s21+$0x0], $0xffff;
	[tilespmem:s2+$0x980] =	vst v29  }
0x2f1: {  	[tilespmem:s1+$0xFFFFE080] =	vst v16;
	v16 =	vld.idx.msk [tilespmem:v19+s26+$0x0], $0xffff  }
0x2f2: {  	v29 =	vld.idx.msk [tilespmem:v21+s21+$0x0], $0xffff;
	[tilespmem:s1+$0xFFFFE100] =	vst v23  }
0x2f3: {  	v23 =	vld.idx.msk [tilespmem:v22+s21+$0x0], $0xffff;
	[tilespmem:s2+$0x800] =	vst v24  }
0x2f4: {  	[tilespmem:s2+$0x880] =	vst v25;
	v24 =	vld.idx.msk [tilespmem:v15+s25+$0x0], $0xffff  }
0x2f5: {  	[tilespmem:s1+$0xFFFFE980] =	vst v27;
	v25 =	vld.idx.msk [tilespmem:v18+s26+$0x0], $0xffff  }
0x2f6: {  	[tilespmem:s1+$0xFFFFE800] =	vst v28;
	v27 =	vld.idx.msk [tilespmem:v26+s22+$0x0], $0xffff  }
0x2f7: {  	v28 =	vld.idx.msk [tilespmem:v17+s22+$0x0], $0xffff;
	[tilespmem:s2+$0x1180] =	vst v16  }
0x2f8: {  	[tilespmem:s1+$0xFFFFE880] =	vst v29;
	v16 =	vld.idx.msk [tilespmem:v19+s28+$0x0], $0xffff;
	v19 =	vmov v26  }
0x2f9: {  	v29 =	vld.idx.msk [tilespmem:v21+s22+$0x0], $0xffff;
	[tilespmem:s1+$0xFFFFE900] =	vst v23  }
0x2fa: {  	v30 =	vld.idx.msk [tilespmem:v22+s22+$0x0], $0xffff;
	[tilespmem:s2+$0x900] =	vst v24  }
0x2fb: {  	[tilespmem:s2+$0x1000] =	vst v25;
	v31 =	vld.idx.msk [tilespmem:v20+s26+$0x0], $0xffff  }
0x2fc: {  	[tilespmem:s1+$0xFFFFF180] =	vst v27;
	v32 =	vld.idx.msk [tilespmem:v15+s26+$0x0], $0xffff  }
0x2fd: {  	[tilespmem:s1+$0xFFFFF000] =	vst v28;
	v26 =	vld.idx.msk [tilespmem:v26+s23+$0x0], $0xffff  }
.Ltmp9:
0x2fe: {  	v23 =	vld.idx.msk [tilespmem:v17+s23+$0x0], $0xffff;
	[tilespmem:s2+$0x1980] =	vst v16;
	(pc) =	sbr.rel @p3 .LBB2_13-.Ltmp9, $4  }
0x2ff: {  	[tilespmem:s1+$0xFFFFF080] =	vst v29;
	v27 =	vld.idx.msk [tilespmem:v18+s28+$0x0], $0xffff;
	v18 =	vmov v17  }
0x300: {  	v24 =	vld.idx.msk [tilespmem:v21+s23+$0x0], $0xffff;
	[tilespmem:s1+$0xFFFFF100] =	vst v30  }
0x301: {  	v25 =	vld.idx.msk [tilespmem:v22+s23+$0x0], $0xffff;
	[tilespmem:s2+$0x1080] =	vst v31  }
0x302: {  	s3 =	sadd.s32 $0x4, s3;
	v28 =	vld.idx.msk [tilespmem:v20+s28+$0x0], $0xffff;
	[tilespmem:s2+$0x1100] =	vst v32;
	v20 =	vmov v21  }
0x303: {  	v29 =	vmovc v15;
	v15 =	vmovc v22;
	v21 =	vmov v19;
	v17 =	vmov v18;
	v16 =	vmov v20  }
.LBB2_15:
0x304: {  	_ =	sdelay $0x3  }
0x305: {  	s3 =	sadd.s32 $0x3, s0;
	[tilespmem:s1+$0xFFFFF980] =	vst @p1 v26;
	v19 =	vld.idx.msk @p2 [tilespmem:v29+s28+$0x0], $0xffff;
	v20 =	vadd.s32 s0, v14  }
0x306: {  	s18 =	sadd.s32 $0x1, s0;
	[tilespmem:s1+$0xFFFFF800] =	vst @p1 v23;
	v18 =	vadd.s32 s3, v14;
	v26 =	vld.idx.msk @p1 [tilespmem:v21+s24+$0x0], $0xffff  }
0x307: {  	s31 =	sadd.s32 $0x2, s0;
	v22 =	vadd.s32 s18, v14;
	v29 =	vld.idx.msk @p1 [tilespmem:v17+s24+$0x0], $0xffff;
	[tilespmem:s1+$0xFFFFF880] =	vst @p1 v24  }
0x308: {  	v48 =	vadd.s32 s31, v14;
	v24 =	vld.idx.msk @p1 [tilespmem:v16+s24+$0x0], $0xffff;
	[tilespmem:s1+$0xFFFFF900] =	vst @p1 v25  }
0x309: {  	[tilespmem:s2+$0x1880] =	vst @p2 v28;
	v28 =	vld.idx.msk @p1 [tilespmem:v15+s24+$0x0], $0xffff  }
0x30a: {  	[tilespmem:s2+$0x1800] =	vst @p2 v27;
	v50 =	vld.idx.msk [tilespmem:v20+s20+$0x0], $0xffff  }
0x30b: {  	[tilespmem:s2+$0x1900] =	vst @p2 v19;
	v49 =	vld.idx.msk [tilespmem:v18+s20+$0x0], $0xffff  }
0x30c: {  	[tilespmem:s1+$0x180] =	vst @p1 v26;
	v51 =	vld.idx.msk [tilespmem:v22+s20+$0x0], $0xffff  }
0x30d: {  	s0 =	smov.u32 s19;
	s2 =	sadd.s32 @p1 $0x200, s1;
	v52 =	vld.idx.msk [tilespmem:v48+s20+$0x0], $0xffff;
	[tilespmem:s1+$0x0] =	vst @p1 v29  }
0x30e: {  	s0 =	smov.u32 @p1 s2;
	v29 =	vld.idx.msk @p1 [tilespmem:v21+s25+$0x0], $0xffff;
	[tilespmem:s1+$0x80] =	vst @p1 v24  }
0x30f: {  	v24 =	vld.idx.msk @p1 [tilespmem:v17+s25+$0x0], $0xffff;
	[tilespmem:s0+$0xFFFFE000] =	vst v50  }
0x310: {  	[tilespmem:s0+$0xFFFFE180] =	vst v49;
	v27 =	vld.idx.msk [tilespmem:v20+s21+$0x0], $0xffff  }
0x311: {  	[tilespmem:s0+$0xFFFFE080] =	vst v51;
	v25 =	vld.idx.msk [tilespmem:v18+s21+$0x0], $0xffff  }
0x312: {  	s2 =	smov.u32 @p1 s1;
	[tilespmem:s0+$0xFFFFE100] =	vst v52;
	v26 =	vld.idx.msk [tilespmem:v22+s21+$0x0], $0xffff  }
0x313: {  	[tilespmem:s2+$0x100] =	vst @p1 v28;
	v19 =	vld.idx.msk [tilespmem:v48+s21+$0x0], $0xffff  }
0x314: {  	v28 =	vld.idx.msk @p1 [tilespmem:v16+s25+$0x0], $0xffff;
	[tilespmem:s2+$0x800] =	vst @p1 v24  }
0x315: {  	v24 =	vld.idx.msk @p1 [tilespmem:v15+s25+$0x0], $0xffff;
	[tilespmem:s0+$0xFFFFE800] =	vst v27  }
0x316: {  	[tilespmem:s0+$0xFFFFE980] =	vst v25;
	v27 =	vld.idx.msk [tilespmem:v20+s22+$0x0], $0xffff  }
0x317: {  	[tilespmem:s0+$0xFFFFE880] =	vst v26;
	v25 =	vld.idx.msk [tilespmem:v18+s22+$0x0], $0xffff  }
0x318: {  	[tilespmem:s0+$0xFFFFE900] =	vst v19;
	v26 =	vld.idx.msk [tilespmem:v22+s22+$0x0], $0xffff  }
0x319: {  	[tilespmem:s2+$0x980] =	vst @p1 v29;
	v19 =	vld.idx.msk [tilespmem:v48+s22+$0x0], $0xffff  }
0x31a: {  	v29 =	vld.idx.msk @p1 [tilespmem:v21+s26+$0x0], $0xffff;
	[tilespmem:s2+$0x880] =	vst @p1 v28  }
0x31b: {  	v28 =	vld.idx.msk @p1 [tilespmem:v17+s26+$0x0], $0xffff;
	[tilespmem:s0+$0xFFFFF000] =	vst v27  }
0x31c: {  	[tilespmem:s0+$0xFFFFF180] =	vst v25;
	v27 =	vld.idx.msk [tilespmem:v20+s23+$0x0], $0xffff  }
0x31d: {  	[tilespmem:s0+$0xFFFFF080] =	vst v26;
	v25 =	vld.idx.msk [tilespmem:v18+s23+$0x0], $0xffff  }
0x31e: {  	[tilespmem:s0+$0xFFFFF100] =	vst v19;
	v26 =	vld.idx.msk [tilespmem:v22+s23+$0x0], $0xffff  }
0x31f: {  	[tilespmem:s2+$0x900] =	vst @p1 v24;
	v19 =	vld.idx.msk [tilespmem:v48+s23+$0x0], $0xffff  }
0x320: {  	v24 =	vld.idx.msk @p1 [tilespmem:v16+s26+$0x0], $0xffff;
	[tilespmem:s2+$0x1000] =	vst @p1 v28  }
0x321: {  	v28 =	vld.idx.msk @p1 [tilespmem:v15+s26+$0x0], $0xffff;
	[tilespmem:s0+$0xFFFFF800] =	vst v27  }
0x322: {  	[tilespmem:s0+$0xFFFFF980] =	vst v25;
	v27 =	vld.idx.msk [tilespmem:v20+s24+$0x0], $0xffff  }
0x323: {  	[tilespmem:s0+$0xFFFFF880] =	vst v26;
	v25 =	vld.idx.msk [tilespmem:v18+s24+$0x0], $0xffff  }
0x324: {  	[tilespmem:s0+$0xFFFFF900] =	vst v19;
	v26 =	vld.idx.msk [tilespmem:v22+s24+$0x0], $0xffff  }
0x325: {  	[tilespmem:s2+$0x1180] =	vst @p1 v29;
	v19 =	vld.idx.msk [tilespmem:v48+s24+$0x0], $0xffff  }
0x326: {  	v21 =	vld.idx.msk @p1 [tilespmem:v21+s28+$0x0], $0xffff;
	[tilespmem:s2+$0x1080] =	vst @p1 v24  }
0x327: {  	v17 =	vld.idx.msk @p1 [tilespmem:v17+s28+$0x0], $0xffff;
	[tilespmem:s0+$0x0] =	vst v27  }
0x328: {  	[tilespmem:s0+$0x180] =	vst v25;
	v53 =	vld.idx.msk [tilespmem:v20+s25+$0x0], $0xffff  }
0x329: {  	[tilespmem:s0+$0x80] =	vst v26;
	v25 =	vld.idx.msk [tilespmem:v18+s25+$0x0], $0xffff  }
0x32a: {  	[tilespmem:s0+$0x100] =	vst v19;
	v54 =	vld.idx.msk [tilespmem:v22+s25+$0x0], $0xffff  }
0x32b: {  	[tilespmem:s2+$0x1100] =	vst @p1 v28;
	v55 =	vld.idx.msk [tilespmem:v48+s25+$0x0], $0xffff  }
0x32c: {  	v16 =	vld.idx.msk @p1 [tilespmem:v16+s28+$0x0], $0xffff;
	[tilespmem:s2+$0x1980] =	vst @p1 v21  }
0x32d: {  	v15 =	vpsel p1, v15, v0;
	[tilespmem:s0+$0x800] =	vst v53  }
0x32e: {  	[tilespmem:s0+$0x980] =	vst v25;
	v57 =	vld.idx.msk [tilespmem:v20+s26+$0x0], $0xffff  }
0x32f: {  	[tilespmem:s0+$0x880] =	vst v54;
	v56 =	vld.idx.msk [tilespmem:v18+s26+$0x0], $0xffff  }
0x330: {  	s1 =	smov.u32 @p1 s2;
	v17 =	vpsel p1, v17, v0;
	[tilespmem:s0+$0x900] =	vst v55;
	v58 =	vld.idx.msk [tilespmem:v22+s26+$0x0], $0xffff  }
0x331: {  	[tilespmem:s1+$0x1800] =	vst @p1 v17;
	v16 =	vpsel p1, v16, v0;
	v59 =	vld.idx.msk [tilespmem:v48+s26+$0x0], $0xffff  }
0x332: {  	v15 =	vld.idx.msk @p1 [tilespmem:v15+s28+$0x0], $0xffff;
	[tilespmem:s1+$0x1880] =	vst @p1 v16  }
0x333: {  	[tilespmem:s0+$0x1000] =	vst v57  }
0x334: {  	[tilespmem:s0+$0x1180] =	vst v56;
	v61 =	vld.idx.msk [tilespmem:v20+s28+$0x0], $0xffff  }
0x335: {  	[tilespmem:s0+$0x1080] =	vst v58;
	v60 =	vld.idx.msk [tilespmem:v18+s28+$0x0], $0xffff  }
0x336: {  	s29 =	sadd.s32 $0x1, s29;
	[tilespmem:s0+$0x1100] =	vst v59;
	v62 =	vld.idx.msk [tilespmem:v22+s28+$0x0], $0xffff  }
0x337: {  	[tilespmem:s1+$0x1900] =	vst @p1 v15;
	p1 =	sne.s32 s29, $0x8;
	v63 =	vld.idx.msk [tilespmem:v48+s28+$0x0], $0xffff  }
.Ltmp10:
0x338: {  	_ = 	snop;
	(pc) =	sbr.rel @p1 .LBB2_5-.Ltmp10, $4  }
.Ltmp11:
0x339: {  	[tilespmem:s0+$0x1800] =	vst v61;
	(pc) =	sbr.rel @!p1 .LBB2_16-.Ltmp11, $4  }
0x33a: {  	[tilespmem:s0+$0x1980] =	vst v60  }
0x33b: {  	[tilespmem:s0+$0x1880] =	vst v62  }
0x33c: {  	s30 =	sadd.s32 $0x800, s30;
	s14 =	sadd.s32 $0x800, s14;
	s19 =	sadd.s32 $0x10, s19;
	[tilespmem:s0+$0x1900] =	vst v63  }
0x33d: {  	_ = 	snop  }
.LBB2_8:
.Ltmp12:
0x33e: {  	(pc) =	sbr.rel .LBB2_15-.Ltmp12, $2  }
0x33f: {  	_ =	sdelay $0x2  }
0x340: {  	s1 =	smov.u32 s19  }
.LBB2_10:
.Ltmp13:
0x341: {  	(pc) =	sbr.rel .LBB2_15-.Ltmp13, $2  }
0x342: {  	_ =	sdelay $0x2  }
0x343: {  	s0 =	simm.s32 $0x4;
	s1 =	smov.u32 s19  }
.LBB2_12:
.Ltmp14:
0x344: {  	(pc) =	sbr.rel .LBB2_15-.Ltmp14, $2  }
0x345: {  	_ =	sdelay $0x2  }
0x346: {  	v29 =	vmovc v15;
	v15 =	vmovc v22;
	v21 =	vmov v19;
	v17 =	vmov v18;
	v16 =	vmov v20;
	s2 =	smov.u32 s19  }
.LBB2_16:
0x347: {  	s0 =	rddreg [dreg:$0x5]  }
0x348: {  	s0 =	sor.u32 s0, s11  }
0x349: {  	s0 =	sshll.u32 s0, $0x7  }
0x34a: {  	s1 =	simm.s32 $0x400;
	s2 =	simm.s32 $0xDF00;
	s0 =	sand.u32 $0x1FFF8380, s0  }
0x34b: {  	s17 =	rddreg [dreg:$0xa];
	s18 =	simm.s32 $0x20000;
	s0 =	sadd.s32 s4, s0  }
0x34c: {  	[hbm4b:s0+s1] =	stream.strided.scatter [tilespmem:s2], [sflag:$0x2], $0x4000, s8, s1, $0x38;
	[tilespmem:$0x1E780] =	vst v63  }
0x34d: {  	s3 =	simm.s32 $0x15F00;
	s19 =	rddreg [dreg:$0xe];
	s0 =	sadd.s32 s11, s17  }
0x34e: {  	[hbm4b:s0+s1] =	stream.strided.scatter [tilespmem:s3], [sflag:$0x2], $0x4000, s18, s1, $0x38;
	[tilespmem:$0x1E780] =	vst v63  }
0x34f: {  	s29 =	simm.s32 $0x1;
	s0 =	sor.u32 $0x1, s19  }
0x350: {  	s1 =	rddreg [dreg:$0xb];
	p1 =	sgt.u32 s0, $0x1E;
	_ =	swait.ge [sflag:s29], $0x4000  }
0x351: {  	s1 =	sadd.s32 @!p1 s9, s1;
	[sflag:s29] =	ssyncset.done $0x0  }
0x352: {  	s30 =	smov.u32 s4;
	s1 =	sshll.u32 @!p1 s1, $0x7;
	[sflag:s29] =	ssyncadd.s32 $0xFFFFC000  }
0x353: {  	s2 =	simm.s32 @!p1 $0x400;
	s1 =	sand.u32 @!p1 $0x1FFF8380, s1;
	s18 =	rddreg [dreg:$0x0]  }
0x354: {  	s3 =	simm.s32 @!p1 $0x2000;
	s4 =	simm.s32 @!p1 $0x5F00;
	s1 =	sadd.s32 @!p1 s18, s1  }
0x355: {  	[tilespmem:s4], [sflag:$0x1] =	stream.strided.gather @!p1 [hbm4b:s1+s2], $0x4000, s3, s2, $0x38;
	[tilespmem:$0x1E780] =	vst v63  }
0x356: {  	s1 =	simm.s32 @!p0 $0x3  }
0x357: {  	_ =	swait.ge @!p0 [sflag:s1], $0x4000  }
0x358: {  	[sflag:s1] =	ssyncset.done @!p0 $0x0  }
0x359: {  	s12 =	simm.s32 $0x1BF00;
	[sflag:s1] =	ssyncadd.s32 @!p0 $0xFFFFC000  }
0x35a: {  	s11 =	simm.s32 $0x12000;
	s0 =	sshll.u32 s0, $0x7;
	_ =	swait.ge @!p0 [sflag:s1], $0x4000  }
0x35b: {  	s9 =	simm.s32 $0x0;
	[sflag:s1] =	ssyncset.done @!p0 $0x0;
	s31 =	rddreg [dreg:$0x6]  }
0x35c: {  	s4 =	simm.s32 $0xA000;
	s17 =	sadd.s32 s31, s0;
	[sflag:s1] =	ssyncadd.s32 @!p0 $0xFFFFC000  }
.LBB2_17:
0x35d: {  	v15 =	vld [tilespmem:s4+$0x80];
	_ =	sdelay $0x4  }
0x35e: {  	v16 =	vmul.f32 $7.875000000e+00, v15;
	_ =	sdelay $0x1  }
0x35f: {  	v16 =	vadd.f32 $3.150000000e+01, v16;
	_ =	sdelay $0x1  }
0x360: {  	v16 =	vmax.f32 v16, $0.0e+00  }
0x361: {  	v16 =	vmin.f32 v16, $6.200000000e+01  }
0x362: {  	v16 =	vtrunc.f32 v16  }
0x363: {  	v16 =	vcvt.f32.s32 v16;
	_ =	sdelay $0x1  }
0x364: {  	v16 =	vadd.s32 v4, v16;
	_ =	sdelay $0x4  }
0x365: {  	v17 =	vld.idx.msk [tilespmem:v16+s10+$0x0], $0xffff;
	_ =	sdelay $0x1  }
0x366: {  	v16 =	vld.idx.msk [tilespmem:v16+s8+$0x0], $0xffff  }
0x367: {  	v18 =	vld [tilespmem:s4+$0xFFFFFF00]  }
0x368: {  	v19 =	vld [tilespmem:s4+$0xFFFFFF80]  }
0x369: {  	v15 =	vmul.f32 v17, v15;
	_ =	sdelay $0x1  }
0x36a: {  	v15 =	vadd.f32 v15, v16  }
0x36b: {  	v16 =	vmul.f32 $7.875000000e+00, v18  }
0x36c: {  	s19 =	simm.s32 $0x1E340;
	v20 =	vmul.f32 $7.875000000e+00, v19;
	[tilespmem:s11+$0x80] =	vst v15  }
0x36d: {  	v15 =	vadd.f32 $3.150000000e+01, v16;
	[tilespmem:s19+$0xFFFFFBF3] =	vst v17  }
0x36e: {  	v16 =	vadd.f32 $3.150000000e+01, v20;
	v17 =	vld [tilespmem:s4+$0x90]  }
0x36f: {  	v15 =	vmax.f32 v15, $0.0e+00  }
0x370: {  	v16 =	vmax.f32 v16, $0.0e+00;
	v15 =	vmin.f32 v15, $6.200000000e+01  }
0x371: {  	v20 =	vld [tilespmem:s4+$0x0];
	v16 =	vmin.f32 v16, $6.200000000e+01;
	v15 =	vtrunc.f32 v15  }
0x372: {  	v16 =	vtrunc.f32 v16;
	v15 =	vcvt.f32.s32 v15  }
0x373: {  	v16 =	vcvt.f32.s32 v16;
	v21 =	vmul.f32 $7.875000000e+00, v17  }
0x374: {  	v15 =	vadd.s32 v4, v15  }
0x375: {  	v16 =	vadd.s32 v4, v16;
	v21 =	vadd.f32 $3.150000000e+01, v21  }
0x376: {  	v22 =	vmul.f32 $7.875000000e+00, v20  }
0x377: {  	v21 =	vmax.f32 v21, $0.0e+00  }
0x378: {  	v22 =	vadd.f32 $3.150000000e+01, v22;
	v21 =	vmin.f32 v21, $6.200000000e+01  }
0x379: {  	v23 =	vld.idx.msk [tilespmem:v15+s10+$0x0], $0xffff;
	v21 =	vtrunc.f32 v21  }
0x37a: {  	v22 =	vmax.f32 v22, $0.0e+00;
	v24 =	vld.idx.msk [tilespmem:v16+s10+$0x0], $0xffff;
	v21 =	vcvt.f32.s32 v21  }
0x37b: {  	v22 =	vmin.f32 v22, $6.200000000e+01;
	v15 =	vld.idx.msk [tilespmem:v15+s8+$0x0], $0xffff  }
0x37c: {  	v22 =	vtrunc.f32 v22;
	v16 =	vld.idx.msk [tilespmem:v16+s8+$0x0], $0xffff;
	v21 =	vadd.s32 v7, v21  }
0x37d: {  	v22 =	vcvt.f32.s32 v22  }
0x37e: {  	v18 =	vmul.f32 v23, v18  }
0x37f: {  	v22 =	vadd.s32 v4, v22;
	v19 =	vmul.f32 v24, v19  }
0x380: {  	v15 =	vadd.f32 v18, v15  }
0x381: {  	v16 =	vadd.f32 v19, v16;
	v18 =	vld.idx.msk [tilespmem:v21+s10+$0x0], $0xffff  }
0x382: {  	[tilespmem:s11+$0xFFFFFF00] =	vst v15  }
0x383: {  	v15 =	vld.idx.msk [tilespmem:v21+s8+$0x0], $0xffff;
	[tilespmem:s11+$0xFFFFFF80] =	vst v16  }
0x384: {  	v16 =	vld.idx.msk [tilespmem:v22+s10+$0x0], $0xffff;
	[tilespmem:s19+$0xFFFFFBC0] =	vst v23  }
0x385: {  	v19 =	vld [tilespmem:s4+$0xFFFFFF10]  }
0x386: {  	v17 =	vmul.f32 v18, v17  }
0x387: {  	v22 =	vld.idx.msk [tilespmem:v22+s8+$0x0], $0xffff;
	[tilespmem:s19+$0xFFFFFBD1] =	vst v24  }
0x388: {  	v21 =	vld [tilespmem:s4+$0xFFFFFF90];
	v15 =	vadd.f32 v17, v15;
	_ =	sdelay $0x1  }
0x389: {  	v20 =	vmul.f32 v16, v20;
	v17 =	vmul.f32 $7.875000000e+00, v19;
	[tilespmem:s11+$0x90] =	vst v15  }
0x38a: {  	[tilespmem:s19+$0xFFFFFD03] =	vst v18  }
0x38b: {  	v15 =	vadd.f32 $3.150000000e+01, v17;
	v18 =	vadd.f32 v20, v22;
	v20 =	vld [tilespmem:s4+$0xA0]  }
0x38c: {  	v17 =	vmul.f32 $7.875000000e+00, v21  }
0x38d: {  	v15 =	vmax.f32 v15, $0.0e+00  }
0x38e: {  	v17 =	vadd.f32 $3.150000000e+01, v17;
	v15 =	vmin.f32 v15, $6.200000000e+01  }
0x38f: {  	[tilespmem:s11+$0x0] =	vst v18;
	v15 =	vtrunc.f32 v15  }
0x390: {  	[tilespmem:s19+$0xFFFFFBE2] =	vst v16;
	v16 =	vmax.f32 v17, $0.0e+00;
	v15 =	vcvt.f32.s32 v15;
	v18 =	vmul.f32 $7.875000000e+00, v20  }
0x391: {  	v17 =	vld [tilespmem:s4+$0x10];
	v16 =	vmin.f32 v16, $6.200000000e+01  }
0x392: {  	v16 =	vtrunc.f32 v16;
	v15 =	vadd.s32 v7, v15;
	v18 =	vadd.f32 $3.150000000e+01, v18  }
0x393: {  	v16 =	vcvt.f32.s32 v16  }
0x394: {  	v18 =	vmax.f32 v18, $0.0e+00  }
0x395: {  	v16 =	vadd.s32 v7, v16;
	v18 =	vmin.f32 v18, $6.200000000e+01  }
0x396: {  	v22 =	vmul.f32 $7.875000000e+00, v17;
	v18 =	vtrunc.f32 v18  }
0x397: {  	v23 =	vld.idx.msk [tilespmem:v15+s10+$0x0], $0xffff;
	v18 =	vcvt.f32.s32 v18  }
0x398: {  	v22 =	vadd.f32 $3.150000000e+01, v22  }
0x399: {  	v15 =	vld.idx.msk [tilespmem:v15+s8+$0x0], $0xffff;
	v18 =	vadd.s32 v8, v18  }
0x39a: {  	v22 =	vmax.f32 v22, $0.0e+00;
	v24 =	vld.idx.msk [tilespmem:v16+s10+$0x0], $0xffff  }
0x39b: {  	v22 =	vmin.f32 v22, $6.200000000e+01  }
0x39c: {  	v16 =	vld.idx.msk [tilespmem:v16+s8+$0x0], $0xffff;
	v22 =	vtrunc.f32 v22;
	v19 =	vmul.f32 v23, v19  }
0x39d: {  	v22 =	vcvt.f32.s32 v22  }
0x39e: {  	v15 =	vadd.f32 v19, v15;
	v19 =	vld.idx.msk [tilespmem:v18+s10+$0x0], $0xffff  }
0x39f: {  	v22 =	vadd.s32 v7, v22;
	v21 =	vmul.f32 v24, v21  }
0x3a0: {  	[tilespmem:s11+$0xFFFFFF10] =	vst v15;
	v15 =	vld.idx.msk [tilespmem:v18+s8+$0x0], $0xffff  }
0x3a1: {  	v16 =	vadd.f32 v21, v16  }
0x3a2: {  	[tilespmem:s19+$0xFFFFFCD0] =	vst v23  }
0x3a3: {  	[tilespmem:s11+$0xFFFFFF90] =	vst v16;
	v16 =	vld [tilespmem:s4+$0xFFFFFF20];
	v20 =	vmul.f32 v19, v20  }
0x3a4: {  	v18 =	vld.idx.msk [tilespmem:v22+s10+$0x0], $0xffff;
	[tilespmem:s19+$0xFFFFFCE1] =	vst v24  }
0x3a5: {  	v21 =	vld [tilespmem:s4+$0xFFFFFFA0];
	v15 =	vadd.f32 v20, v15  }
0x3a6: {  	v22 =	vld.idx.msk [tilespmem:v22+s8+$0x0], $0xffff  }
0x3a7: {  	[tilespmem:s11+$0xA0] =	vst v15  }
0x3a8: {  	[tilespmem:s19+$0xFFFFFE13] =	vst v19  }
0x3a9: {  	v15 =	vmul.f32 v18, v17;
	v17 =	vmul.f32 $7.875000000e+00, v16;
	v20 =	vld [tilespmem:s4+$0xB0]  }
0x3aa: {  	v19 =	vmul.f32 $7.875000000e+00, v21  }
0x3ab: {  	v15 =	vadd.f32 v15, v22;
	v17 =	vadd.f32 $3.150000000e+01, v17  }
0x3ac: {  	v19 =	vadd.f32 $3.150000000e+01, v19  }
0x3ad: {  	s0 =	sadd.s32 $0x200, s4;
	[tilespmem:s11+$0x10] =	vst v15;
	v15 =	vmax.f32 v17, $0.0e+00  }
0x3ae: {  	v22 =	vld [tilespmem:s0+$0x80];
	[tilespmem:s19+$0xFFFFFCF2] =	vst v18;
	v17 =	vmax.f32 v19, $0.0e+00;
	v15 =	vmin.f32 v15, $6.200000000e+01;
	v19 =	vmul.f32 $7.875000000e+00, v20  }
0x3af: {  	v18 =	vld [tilespmem:s4+$0x20];
	v15 =	vtrunc.f32 v15  }
0x3b0: {  	v17 =	vmin.f32 v17, $6.200000000e+01;
	v15 =	vcvt.f32.s32 v15;
	v19 =	vadd.f32 $3.150000000e+01, v19  }
0x3b1: {  	v17 =	vtrunc.f32 v17  }
0x3b2: {  	v17 =	vcvt.f32.s32 v17;
	v15 =	vadd.s32 v8, v15;
	v19 =	vmax.f32 v19, $0.0e+00  }
0x3b3: {  	v24 =	vmul.f32 $7.875000000e+00, v22;
	v19 =	vmin.f32 v19, $6.200000000e+01  }
0x3b4: {  	v17 =	vadd.s32 v8, v17;
	v23 =	vmul.f32 $7.875000000e+00, v18;
	v19 =	vtrunc.f32 v19  }
0x3b5: {  	v27 =	vld [tilespmem:s0+$0xFFFFFF00];
	v24 =	vadd.f32 $3.150000000e+01, v24;
	v19 =	vcvt.f32.s32 v19  }
0x3b6: {  	v28 =	vld [tilespmem:s0+$0xFFFFFF80];
	v23 =	vadd.f32 $3.150000000e+01, v23  }
0x3b7: {  	v24 =	vmax.f32 v24, $0.0e+00;
	v25 =	vld.idx.msk [tilespmem:v15+s10+$0x0], $0xffff;
	v19 =	vadd.s32 v9, v19  }
0x3b8: {  	v24 =	vmin.f32 v24, $6.200000000e+01;
	v15 =	vld.idx.msk [tilespmem:v15+s8+$0x0], $0xffff;
	v23 =	vmax.f32 v23, $0.0e+00  }
0x3b9: {  	v24 =	vtrunc.f32 v24;
	v26 =	vld.idx.msk [tilespmem:v17+s10+$0x0], $0xffff;
	v23 =	vmin.f32 v23, $6.200000000e+01  }
0x3ba: {  	v24 =	vcvt.f32.s32 v24;
	v23 =	vtrunc.f32 v23  }
0x3bb: {  	v17 =	vld.idx.msk [tilespmem:v17+s8+$0x0], $0xffff;
	v23 =	vcvt.f32.s32 v23  }
0x3bc: {  	v24 =	vadd.s32 v4, v24;
	v16 =	vmul.f32 v25, v16;
	v29 =	vld.idx.msk [tilespmem:v19+s10+$0x0], $0xffff  }
0x3bd: {  	v30 =	vld [tilespmem:s0+$0x0];
	v31 =	vmul.f32 $7.875000000e+00, v27;
	v32 =	vmul.f32 $7.875000000e+00, v28;
	v23 =	vadd.s32 v8, v23  }
0x3be: {  	v21 =	vmul.f32 v26, v21;
	v19 =	vld.idx.msk [tilespmem:v19+s8+$0x0], $0xffff;
	v15 =	vadd.f32 v16, v15  }
0x3bf: {  	v16 =	vadd.f32 $3.150000000e+01, v31;
	v31 =	vadd.f32 $3.150000000e+01, v32  }
0x3c0: {  	[tilespmem:s11+$0xFFFFFF20] =	vst v15;
	v15 =	vadd.f32 v21, v17  }
0x3c1: {  	v16 =	vmax.f32 v16, $0.0e+00;
	v21 =	vmax.f32 v31, $0.0e+00;
	[tilespmem:s19+$0xFFFFFDE0] =	vst v25;
	v25 =	vld.idx.msk [tilespmem:v24+s10+$0x0], $0xffff;
	v17 =	vmul.f32 v29, v20  }
0x3c2: {  	v16 =	vmin.f32 v16, $6.200000000e+01;
	v21 =	vmin.f32 v21, $6.200000000e+01;
	v49 =	vld.idx.msk [tilespmem:v23+s10+$0x0], $0xffff  }
0x3c3: {  	[tilespmem:s11+$0xFFFFFFA0] =	vst v15;
	v15 =	vld [tilespmem:s4+$0xFFFFFF30];
	v16 =	vtrunc.f32 v16;
	v20 =	vmul.f32 $7.875000000e+00, v30;
	v17 =	vadd.f32 v17, v19  }
0x3c4: {  	[tilespmem:s19+$0xFFFFFDF1] =	vst v26;
	v16 =	vcvt.f32.s32 v16;
	v19 =	vtrunc.f32 v21;
	v21 =	vld.idx.msk [tilespmem:v24+s8+$0x0], $0xffff  }
0x3c5: {  	v23 =	vld.idx.msk [tilespmem:v23+s8+$0x0], $0xffff;
	[tilespmem:s11+$0xB0] =	vst v17  }
0x3c6: {  	v20 =	vadd.f32 $3.150000000e+01, v20;
	v16 =	vadd.s32 v4, v16;
	v17 =	vld [tilespmem:s4+$0xFFFFFFB0];
	[tilespmem:s19+$0xFFFFFF23] =	vst v29  }
0x3c7: {  	v19 =	vcvt.f32.s32 v19;
	v22 =	vmul.f32 v25, v22;
	v24 =	vld [tilespmem:s4+$0xC0]  }
0x3c8: {  	v20 =	vmax.f32 v20, $0.0e+00;
	v26 =	vmul.f32 $7.875000000e+00, v15  }
0x3c9: {  	v19 =	vadd.s32 v4, v19;
	v20 =	vmin.f32 v20, $6.200000000e+01;
	v21 =	vadd.f32 v22, v21  }
0x3ca: {  	s1 =	sadd.s32 $0x200, s11;
	v18 =	vmul.f32 v49, v18;
	v20 =	vtrunc.f32 v20;
	v22 =	vadd.f32 $3.150000000e+01, v26  }
0x3cb: {  	s3 =	simm.s32 $0x1E384;
	v20 =	vcvt.f32.s32 v20;
	v29 =	vld.idx.msk [tilespmem:v16+s10+$0x0], $0xffff;
	v26 =	vmul.f32 $7.875000000e+00, v17;
	[tilespmem:s1+$0x80] =	vst v21  }
0x3cc: {  	v18 =	vadd.f32 v18, v23;
	v16 =	vld.idx.msk [tilespmem:v16+s8+$0x0], $0xffff;
	v22 =	vmax.f32 v22, $0.0e+00;
	[tilespmem:s3+$0xFFFFFBF3] =	vst v25;
	v23 =	vmul.f32 $7.875000000e+00, v24  }
0x3cd: {  	v20 =	vadd.s32 v4, v20;
	v22 =	vmin.f32 v22, $6.200000000e+01;
	v25 =	vadd.f32 $3.150000000e+01, v26;
	v26 =	vld [tilespmem:s0+$0x90]  }
0x3ce: {  	[tilespmem:s11+$0x20] =	vst v18;
	v21 =	vld.idx.msk [tilespmem:v19+s10+$0x0], $0xffff;
	v18 =	vtrunc.f32 v22;
	v23 =	vadd.f32 $3.150000000e+01, v23  }
0x3cf: {  	v18 =	vcvt.f32.s32 v18;
	v22 =	vmax.f32 v25, $0.0e+00  }
0x3d0: {  	[tilespmem:s19+$0xFFFFFE02] =	vst v49;
	v19 =	vld.idx.msk [tilespmem:v19+s8+$0x0], $0xffff;
	v27 =	vmul.f32 v29, v27;
	v22 =	vmin.f32 v22, $6.200000000e+01;
	v23 =	vmax.f32 v23, $0.0e+00  }
0x3d1: {  	v25 =	vld [tilespmem:s4+$0x30];
	v18 =	vadd.s32 v9, v18;
	v22 =	vtrunc.f32 v22;
	v23 =	vmin.f32 v23, $6.200000000e+01  }
0x3d2: {  	v31 =	vld.idx.msk [tilespmem:v20+s10+$0x0], $0xffff;
	v50 =	vmul.f32 $7.875000000e+00, v26;
	v23 =	vtrunc.f32 v23  }
0x3d3: {  	v16 =	vadd.f32 v27, v16;
	v28 =	vmul.f32 v21, v28;
	v23 =	vcvt.f32.s32 v23  }
0x3d4: {  	v20 =	vld.idx.msk [tilespmem:v20+s8+$0x0], $0xffff;
	v22 =	vcvt.f32.s32 v22;
	v27 =	vadd.f32 $3.150000000e+01, v50  }
0x3d5: {  	[tilespmem:s1+$0xFFFFFF00] =	vst v16;
	v19 =	vadd.f32 v28, v19;
	v16 =	vadd.s32 v10, v23  }
0x3d6: {  	[tilespmem:s3+$0xFFFFFBC0] =	vst v29;
	v22 =	vadd.s32 v9, v22;
	v29 =	vld.idx.msk [tilespmem:v18+s10+$0x0], $0xffff;
	v23 =	vmax.f32 v27, $0.0e+00;
	v27 =	vmul.f32 $7.875000000e+00, v25  }
0x3d7: {  	v28 =	vmul.f32 v31, v30;
	[tilespmem:s1+$0xFFFFFF80] =	vst v19;
	v19 =	vmin.f32 v23, $6.200000000e+01;
	v23 =	vld [tilespmem:s0+$0xFFFFFF10]  }
0x3d8: {  	v18 =	vld.idx.msk [tilespmem:v18+s8+$0x0], $0xffff;
	[tilespmem:s3+$0xFFFFFBD1] =	vst v21;
	v19 =	vtrunc.f32 v19;
	v21 =	vadd.f32 $3.150000000e+01, v27  }
0x3d9: {  	v20 =	vadd.f32 v28, v20;
	v27 =	vld [tilespmem:s0+$0xFFFFFF90];
	v19 =	vcvt.f32.s32 v19  }
0x3da: {  	v21 =	vmax.f32 v21, $0.0e+00;
	v28 =	vld.idx.msk [tilespmem:v16+s10+$0x0], $0xffff  }
0x3db: {  	v30 =	vld.idx.msk [tilespmem:v22+s10+$0x0], $0xffff;
	[tilespmem:s1+$0x0] =	vst v20;
	v19 =	vadd.s32 v7, v19;
	v20 =	vmin.f32 v21, $6.200000000e+01  }
0x3dc: {  	[tilespmem:s3+$0xFFFFFBE2] =	vst v31;
	v16 =	vld.idx.msk [tilespmem:v16+s8+$0x0], $0xffff;
	v20 =	vtrunc.f32 v20;
	v21 =	vmul.f32 $7.875000000e+00, v23  }
0x3dd: {  	v31 =	vld [tilespmem:s0+$0x10];
	v20 =	vcvt.f32.s32 v20  }
0x3de: {  	v22 =	vld.idx.msk [tilespmem:v22+s8+$0x0], $0xffff;
	v15 =	vmul.f32 v29, v15;
	v21 =	vadd.f32 $3.150000000e+01, v21  }
0x3df: {  	v51 =	vmul.f32 $7.875000000e+00, v27;
	v20 =	vadd.s32 v9, v20;
	v24 =	vmul.f32 v28, v24  }
0x3e0: {  	v15 =	vadd.f32 v15, v18;
	v17 =	vmul.f32 v30, v17;
	v33 =	vld.idx.msk [tilespmem:v19+s10+$0x0], $0xffff;
	v21 =	vmax.f32 v21, $0.0e+00  }
0x3e1: {  	v32 =	vadd.f32 $3.150000000e+01, v51;
	v21 =	vmin.f32 v21, $6.200000000e+01;
	v16 =	vadd.f32 v24, v16  }
0x3e2: {  	[tilespmem:s11+$0xFFFFFF30] =	vst v15;
	v19 =	vld.idx.msk [tilespmem:v19+s8+$0x0], $0xffff;
	v24 =	vmul.f32 $7.875000000e+00, v31;
	v18 =	vtrunc.f32 v21  }
0x3e3: {  	v15 =	vadd.f32 v17, v22;
	v21 =	vmax.f32 v32, $0.0e+00;
	v18 =	vcvt.f32.s32 v18;
	[tilespmem:s11+$0xC0] =	vst v16  }
0x3e4: {  	v16 =	vmin.f32 v21, $6.200000000e+01;
	v21 =	vadd.f32 $3.150000000e+01, v24;
	v24 =	vld.idx.msk [tilespmem:v20+s10+$0x0], $0xffff;
	[tilespmem:s19+$0x33] =	vst v28  }
0x3e5: {  	[tilespmem:s11+$0xFFFFFFB0] =	vst v15;
	v16 =	vtrunc.f32 v16;
	v22 =	vmul.f32 v33, v26;
	v15 =	vadd.s32 v7, v18;
	v17 =	vld [tilespmem:s4+$0xD0]  }
0x3e6: {  	[tilespmem:s19+$0xFFFFFEF0] =	vst v29;
	v20 =	vld.idx.msk [tilespmem:v20+s8+$0x0], $0xffff;
	v16 =	vcvt.f32.s32 v16;
	v21 =	vmax.f32 v21, $0.0e+00  }
0x3e7: {  	v26 =	vld [tilespmem:s4+$0xFFFFFF40];
	v18 =	vmin.f32 v21, $6.200000000e+01;
	v19 =	vadd.f32 v22, v19  }
0x3e8: {  	[tilespmem:s19+$0xFFFFFF01] =	vst v30;
	v16 =	vadd.s32 v7, v16;
	v18 =	vtrunc.f32 v18  }
0x3e9: {  	v18 =	vcvt.f32.s32 v18;
	[tilespmem:s1+$0x90] =	vst v19;
	v19 =	vld [tilespmem:s4+$0xFFFFFFC0];
	v22 =	vmul.f32 v24, v25  }
0x3ea: {  	[tilespmem:s3+$0xFFFFFD03] =	vst v33;
	v29 =	vld.idx.msk [tilespmem:v15+s10+$0x0], $0xffff;
	v21 =	vmul.f32 $7.875000000e+00, v17  }
0x3eb: {  	v18 =	vadd.s32 v7, v18;
	v25 =	vld [tilespmem:s0+$0xA0];
	v20 =	vadd.f32 v22, v20  }
0x3ec: {  	v28 =	vmul.f32 $7.875000000e+00, v26;
	v15 =	vld.idx.msk [tilespmem:v15+s8+$0x0], $0xffff;
	v21 =	vadd.f32 $3.150000000e+01, v21  }
0x3ed: {  	v22 =	vld.idx.msk [tilespmem:v16+s10+$0x0], $0xffff;
	[tilespmem:s11+$0x30] =	vst v20  }
0x3ee: {  	v28 =	vadd.f32 $3.150000000e+01, v28;
	v16 =	vld.idx.msk [tilespmem:v16+s8+$0x0], $0xffff;
	[tilespmem:s19+$0xFFFFFF12] =	vst v24;
	v21 =	vmax.f32 v21, $0.0e+00  }
0x3ef: {  	v30 =	vld [tilespmem:s4+$0x40];
	v20 =	vmin.f32 v21, $6.200000000e+01  }
0x3f0: {  	v21 =	vmax.f32 v28, $0.0e+00;
	v24 =	vld.idx.msk [tilespmem:v18+s10+$0x0], $0xffff;
	v28 =	vmul.f32 $7.875000000e+00, v25;
	v20 =	vtrunc.f32 v20  }
0x3f1: {  	v23 =	vmul.f32 v29, v23;
	v20 =	vcvt.f32.s32 v20  }
0x3f2: {  	v18 =	vld.idx.msk [tilespmem:v18+s8+$0x0], $0xffff;
	v28 =	vadd.f32 $3.150000000e+01, v28;
	v27 =	vmul.f32 v22, v27  }
0x3f3: {  	v21 =	vmin.f32 v21, $6.200000000e+01;
	v15 =	vadd.f32 v23, v15;
	v20 =	vadd.s32 v11, v20  }
0x3f4: {  	v23 =	vmul.f32 $7.875000000e+00, v19;
	v28 =	vmax.f32 v28, $0.0e+00;
	v16 =	vadd.f32 v27, v16  }
0x3f5: {  	[tilespmem:s1+$0xFFFFFF10] =	vst v15;
	v15 =	vmul.f32 v24, v31;
	v27 =	vmin.f32 v28, $6.200000000e+01;
	v28 =	vmul.f32 $7.875000000e+00, v30  }
0x3f6: {  	v21 =	vtrunc.f32 v21;
	v23 =	vadd.f32 $3.150000000e+01, v23;
	[tilespmem:s3+$0xFFFFFCD0] =	vst v29;
	v27 =	vtrunc.f32 v27  }
0x3f7: {  	v29 =	vld [tilespmem:s0+$0xFFFFFF20];
	[tilespmem:s1+$0xFFFFFF90] =	vst v16;
	v15 =	vadd.f32 v15, v18;
	v16 =	vcvt.f32.s32 v27;
	v18 =	vadd.f32 $3.150000000e+01, v28  }
0x3f8: {  	v21 =	vcvt.f32.s32 v21;
	v23 =	vmax.f32 v23, $0.0e+00;
	[tilespmem:s3+$0xFFFFFCE1] =	vst v22;
	v22 =	vld.idx.msk [tilespmem:v20+s10+$0x0], $0xffff  }
0x3f9: {  	v27 =	vld [tilespmem:s0+$0xFFFFFFA0];
	[tilespmem:s1+$0x10] =	vst v15;
	v15 =	vadd.s32 v8, v16;
	v16 =	vmax.f32 v18, $0.0e+00;
	v18 =	vmin.f32 v23, $6.200000000e+01  }
0x3fa: {  	v21 =	vadd.s32 v10, v21;
	v20 =	vld.idx.msk [tilespmem:v20+s8+$0x0], $0xffff;
	[tilespmem:s3+$0xFFFFFCF2] =	vst v24;
	v18 =	vtrunc.f32 v18  }
0x3fb: {  	v23 =	vld [tilespmem:s0+$0x20];
	v18 =	vcvt.f32.s32 v18  }
0x3fc: {  	v16 =	vmin.f32 v16, $6.200000000e+01;
	v24 =	vmul.f32 $7.875000000e+00, v29  }
0x3fd: {  	v16 =	vtrunc.f32 v16;
	v18 =	vadd.s32 v10, v18;
	v17 =	vmul.f32 v22, v17  }
0x3fe: {  	v16 =	vcvt.f32.s32 v16;
	v31 =	vmul.f32 $7.875000000e+00, v27;
	v52 =	vld.idx.msk [tilespmem:v15+s10+$0x0], $0xffff  }
0x3ff: {  	v28 =	vld.idx.msk [tilespmem:v21+s10+$0x0], $0xffff;
	v24 =	vadd.f32 $3.150000000e+01, v24;
	v17 =	vadd.f32 v17, v20  }
0x400: {  	v16 =	vadd.s32 v10, v16;
	v15 =	vld.idx.msk [tilespmem:v15+s8+$0x0], $0xffff;
	v20 =	vadd.f32 $3.150000000e+01, v31;
	v31 =	vmul.f32 $7.875000000e+00, v23  }
0x401: {  	[tilespmem:s11+$0xD0] =	vst v17;
	v17 =	vld.idx.msk [tilespmem:v21+s8+$0x0], $0xffff  }
0x402: {  	v24 =	vmax.f32 v24, $0.0e+00;
	v21 =	vadd.f32 $3.150000000e+01, v31;
	v31 =	vld.idx.msk [tilespmem:v18+s10+$0x0], $0xffff  }
0x403: {  	v24 =	vmin.f32 v24, $6.200000000e+01;
	v20 =	vmax.f32 v20, $0.0e+00;
	v18 =	vld.idx.msk [tilespmem:v18+s8+$0x0], $0xffff;
	[tilespmem:s19+$0x143] =	vst v22;
	v25 =	vmul.f32 v52, v25  }
0x404: {  	v24 =	vtrunc.f32 v24;
	v20 =	vmin.f32 v20, $6.200000000e+01;
	v22 =	vmul.f32 v28, v26;
	v26 =	vld [tilespmem:s4+$0xE0]  }
0x405: {  	v24 =	vcvt.f32.s32 v24;
	v53 =	vld.idx.msk [tilespmem:v16+s10+$0x0], $0xffff;
	v20 =	vtrunc.f32 v20;
	v15 =	vadd.f32 v25, v15  }
0x406: {  	v20 =	vcvt.f32.s32 v20  }
0x407: {  	v16 =	vld.idx.msk [tilespmem:v16+s8+$0x0], $0xffff;
	v17 =	vadd.f32 v22, v17;
	v22 =	vadd.s32 v8, v24;
	[tilespmem:s1+$0xA0] =	vst v15  }
0x408: {  	s2 =	sadd.s32 $0x200, s0;
	v21 =	vmax.f32 v21, $0.0e+00;
	v20 =	vadd.s32 v8, v20;
	v19 =	vmul.f32 v31, v19;
	[tilespmem:s3+$0xFFFFFE13] =	vst v52  }
0x409: {  	v54 =	vld [tilespmem:s2+$0x80];
	v21 =	vmin.f32 v21, $6.200000000e+01;
	v15 =	vmul.f32 $7.875000000e+00, v26;
	[tilespmem:s11+$0xFFFFFF40] =	vst v17  }
0x40a: {  	v21 =	vtrunc.f32 v21;
	v24 =	vld [tilespmem:s0+$0xB0];
	v18 =	vadd.f32 v19, v18;
	v19 =	vmul.f32 v53, v30;
	[tilespmem:s19+$0x0] =	vst v28  }
0x40b: {  	v21 =	vcvt.f32.s32 v21;
	v17 =	vadd.f32 $3.150000000e+01, v15;
	v15 =	vld [tilespmem:s4+$0xFFFFFF50]  }
0x40c: {  	v16 =	vadd.f32 v19, v16;
	v25 =	vld.idx.msk [tilespmem:v22+s10+$0x0], $0xffff  }
0x40d: {  	v21 =	vadd.s32 v8, v21;
	[tilespmem:s11+$0xFFFFFFC0] =	vst v18;
	v18 =	vld.idx.msk [tilespmem:v20+s10+$0x0], $0xffff  }
0x40e: {  	v22 =	vld.idx.msk [tilespmem:v22+s8+$0x0], $0xffff;
	v17 =	vmax.f32 v17, $0.0e+00;
	[tilespmem:s11+$0x40] =	vst v16  }
0x40f: {  	v20 =	vld.idx.msk [tilespmem:v20+s8+$0x0], $0xffff;
	v17 =	vmin.f32 v17, $6.200000000e+01;
	v28 =	vmul.f32 $7.875000000e+00, v24;
	[tilespmem:s19+$0x22] =	vst v53  }
0x410: {  	v36 =	vmul.f32 $7.875000000e+00, v54;
	[tilespmem:s19+$0x11] =	vst v31;
	v17 =	vtrunc.f32 v17;
	v16 =	vld [tilespmem:s4+$0x50]  }
0x411: {  	v30 =	vcvt.f32.s32 v17;
	v17 =	vld [tilespmem:s4+$0xFFFFFFD0];
	v28 =	vadd.f32 $3.150000000e+01, v28  }
0x412: {  	v36 =	vadd.f32 $3.150000000e+01, v36;
	v19 =	vld.idx.msk [tilespmem:v21+s10+$0x0], $0xffff;
	v31 =	vmul.f32 $7.875000000e+00, v15  }
0x413: {  	v29 =	vmul.f32 v25, v29;
	v30 =	vadd.s32 v12, v30;
	v28 =	vmax.f32 v28, $0.0e+00  }
0x414: {  	v21 =	vld.idx.msk [tilespmem:v21+s8+$0x0], $0xffff;
	v27 =	vmul.f32 v18, v27;
	v31 =	vadd.f32 $3.150000000e+01, v31;
	v28 =	vmin.f32 v28, $6.200000000e+01  }
0x415: {  	v56 =	vld [tilespmem:s2+$0x0];
	v22 =	vadd.f32 v29, v22;
	v28 =	vtrunc.f32 v28;
	v29 =	vmul.f32 $7.875000000e+00, v16  }
0x416: {  	v20 =	vadd.f32 v27, v20;
	v55 =	vmul.f32 $7.875000000e+00, v17;
	v28 =	vcvt.f32.s32 v28  }
0x417: {  	v35 =	vld [tilespmem:s2+$0xFFFFFF00];
	v23 =	vmul.f32 v19, v23;
	v31 =	vmax.f32 v31, $0.0e+00;
	[tilespmem:s1+$0xFFFFFF20] =	vst v22;
	v29 =	vadd.f32 $3.150000000e+01, v29  }
0x418: {  	v31 =	vmin.f32 v31, $6.200000000e+01;
	[tilespmem:s1+$0xFFFFFFA0] =	vst v20;
	v34 =	vld.idx.msk [tilespmem:v30+s10+$0x0], $0xffff;
	v33 =	vadd.f32 $3.150000000e+01, v55;
	v28 =	vadd.s32 v9, v28  }
0x419: {  	v21 =	vadd.f32 v23, v21;
	v31 =	vtrunc.f32 v31;
	[tilespmem:s3+$0xFFFFFDE0] =	vst v25;
	v29 =	vmax.f32 v29, $0.0e+00  }
0x41a: {  	v23 =	vld [tilespmem:s2+$0xFFFFFF80];
	[tilespmem:s3+$0xFFFFFDF1] =	vst v18;
	v18 =	vmul.f32 $7.875000000e+00, v56;
	v27 =	vmax.f32 v33, $0.0e+00;
	v29 =	vmin.f32 v29, $6.200000000e+01  }
0x41b: {  	v31 =	vcvt.f32.s32 v31;
	[tilespmem:s1+$0x20] =	vst v21;
	v21 =	vld [tilespmem:s0+$0xFFFFFF30];
	v27 =	vmin.f32 v27, $6.200000000e+01;
	v25 =	vtrunc.f32 v29  }
0x41c: {  	v30 =	vld.idx.msk [tilespmem:v30+s8+$0x0], $0xffff;
	v29 =	vmul.f32 $7.875000000e+00, v35;
	v27 =	vtrunc.f32 v27  }
0x41d: {  	v22 =	vmul.f32 v34, v26;
	v26 =	vcvt.f32.s32 v27;
	v27 =	vmax.f32 v36, $0.0e+00;
	v57 =	vld.idx.msk [tilespmem:v28+s10+$0x0], $0xffff  }
0x41e: {  	v31 =	vadd.s32 v11, v31;
	v25 =	vcvt.f32.s32 v25;
	v27 =	vmin.f32 v27, $6.200000000e+01  }
0x41f: {  	v20 =	vmul.f32 $7.875000000e+00, v23;
	v28 =	vld.idx.msk [tilespmem:v28+s8+$0x0], $0xffff;
	v29 =	vadd.f32 $3.150000000e+01, v29;
	v27 =	vtrunc.f32 v27  }
0x420: {  	[tilespmem:s3+$0xFFFFFE02] =	vst v19;
	v59 =	vmul.f32 $7.875000000e+00, v21;
	v25 =	vadd.s32 v11, v25;
	v27 =	vcvt.f32.s32 v27  }
0x421: {  	v22 =	vadd.f32 v22, v30;
	v26 =	vadd.s32 v11, v26;
	v30 =	vadd.f32 $3.150000000e+01, v20;
	v20 =	vld [tilespmem:s0+$0x30]  }
0x422: {  	v19 =	vld [tilespmem:s0+$0xFFFFFFB0];
	v29 =	vmax.f32 v29, $0.0e+00;
	v27 =	vadd.s32 v4, v27;
	v24 =	vmul.f32 v57, v24  }
0x423: {  	v29 =	vmin.f32 v29, $6.200000000e+01;
	[tilespmem:s11+$0xE0] =	vst v22;
	v22 =	vadd.f32 $3.150000000e+01, v18;
	v18 =	vmax.f32 v30, $0.0e+00;
	v30 =	vld.idx.msk [tilespmem:v31+s10+$0x0], $0xffff  }
0x424: {  	v29 =	vtrunc.f32 v29;
	v31 =	vld.idx.msk [tilespmem:v31+s8+$0x0], $0xffff;
	[tilespmem:s19+$0x253] =	vst v34;
	v58 =	vmin.f32 v18, $6.200000000e+01;
	v24 =	vadd.f32 v24, v28  }
0x425: {  	v29 =	vcvt.f32.s32 v29;
	v34 =	vadd.f32 $3.150000000e+01, v59;
	v18 =	vld [tilespmem:s4+$0xF0];
	v22 =	vmax.f32 v22, $0.0e+00  }
0x426: {  	v60 =	vld.idx.msk [tilespmem:v25+s10+$0x0], $0xffff;
	v28 =	vtrunc.f32 v58;
	v22 =	vmin.f32 v22, $6.200000000e+01;
	v38 =	vmul.f32 $7.875000000e+00, v20;
	[tilespmem:s1+$0xB0] =	vst v24  }
0x427: {  	v34 =	vmax.f32 v34, $0.0e+00;
	v28 =	vcvt.f32.s32 v28;
	v24 =	vadd.s32 v4, v29;
	v37 =	vld.idx.msk [tilespmem:v27+s10+$0x0], $0xffff;
	[tilespmem:s3+$0xFFFFFF23] =	vst v57  }
0x428: {  	v22 =	vtrunc.f32 v22;
	v34 =	vmin.f32 v34, $6.200000000e+01;
	v36 =	vld [tilespmem:s0+$0xC0]  }
0x429: {  	v29 =	vmul.f32 $7.875000000e+00, v19;
	v38 =	vadd.f32 $3.150000000e+01, v38;
	v28 =	vadd.s32 v4, v28;
	v27 =	vld.idx.msk [tilespmem:v27+s8+$0x0], $0xffff  }
0x42a: {  	v25 =	vld.idx.msk [tilespmem:v25+s8+$0x0], $0xffff;
	v22 =	vcvt.f32.s32 v22;
	v34 =	vtrunc.f32 v34  }
0x42b: {  	v39 =	vld.idx.msk [tilespmem:v26+s10+$0x0], $0xffff;
	v34 =	vcvt.f32.s32 v34;
	v29 =	vadd.f32 $3.150000000e+01, v29;
	v38 =	vmax.f32 v38, $0.0e+00  }
0x42c: {  	v22 =	vadd.s32 v4, v22;
	v38 =	vmin.f32 v38, $6.200000000e+01;
	v40 =	vld.idx.msk [tilespmem:v24+s10+$0x0], $0xffff;
	v32 =	vmul.f32 v37, v54  }
0x42d: {  	v34 =	vadd.s32 v9, v34;
	v29 =	vmax.f32 v29, $0.0e+00;
	v24 =	vld.idx.msk [tilespmem:v24+s8+$0x0], $0xffff;
	v42 =	vmul.f32 $7.875000000e+00, v36  }
0x42e: {  	v38 =	vtrunc.f32 v38;
	v29 =	vmin.f32 v29, $6.200000000e+01;
	v41 =	vld.idx.msk [tilespmem:v28+s10+$0x0], $0xffff;
	v27 =	vadd.f32 v32, v27  }
0x42f: {  	s6 =	sadd.s32 $0x200, s1;
	v26 =	vld.idx.msk [tilespmem:v26+s8+$0x0], $0xffff;
	v38 =	vcvt.f32.s32 v38;
	v29 =	vtrunc.f32 v29;
	v42 =	vadd.f32 $3.150000000e+01, v42  }
0x430: {  	s5 =	simm.s32 $0x1E3C8;
	v15 =	vmul.f32 v30, v15;
	v28 =	vld.idx.msk [tilespmem:v28+s8+$0x0], $0xffff;
	v29 =	vcvt.f32.s32 v29;
	[tilespmem:s6+$0x80] =	vst v27  }
0x431: {  	v38 =	vadd.s32 v9, v38;
	v27 =	vld.idx.msk [tilespmem:v22+s10+$0x0], $0xffff;
	v35 =	vmul.f32 v40, v35;
	[tilespmem:s5+$0xFFFFFBF3] =	vst v37;
	v61 =	vmax.f32 v42, $0.0e+00  }
0x432: {  	v15 =	vadd.f32 v15, v31;
	v29 =	vadd.s32 v9, v29;
	v43 =	vld [tilespmem:s2+$0x90];
	v37 =	vmin.f32 v61, $6.200000000e+01  }
0x433: {  	v22 =	vld.idx.msk [tilespmem:v22+s8+$0x0], $0xffff;
	v23 =	vmul.f32 v41, v23;
	v24 =	vadd.f32 v35, v24;
	v63 =	vtrunc.f32 v37  }
0x434: {  	[tilespmem:s11+$0xFFFFFF50] =	vst v15;
	v31 =	vld.idx.msk [tilespmem:v34+s8+$0x0], $0xffff;
	v35 =	vcvt.f32.s32 v63  }
0x435: {  	v17 =	vmul.f32 v39, v17;
	v23 =	vadd.f32 v23, v28;
	v28 =	vld.idx.msk [tilespmem:v34+s10+$0x0], $0xffff;
	[tilespmem:s6+$0xFFFFFF00] =	vst v24  }
0x436: {  	v45 =	vld.idx.msk [tilespmem:v38+s10+$0x0], $0xffff;
	v33 =	vmul.f32 v27, v56;
	[tilespmem:s5+$0xFFFFFBC0] =	vst v40;
	v35 =	vadd.s32 v10, v35  }
0x437: {  	v17 =	vadd.f32 v17, v26;
	v44 =	vld.idx.msk [tilespmem:v29+s10+$0x0], $0xffff;
	[tilespmem:s6+$0xFFFFFF80] =	vst v23;
	v23 =	vmul.f32 $7.875000000e+00, v43  }
0x438: {  	v46 =	vld [tilespmem:s2+$0xFFFFFF10];
	[tilespmem:s5+$0xFFFFFBD1] =	vst v41;
	v22 =	vadd.f32 v33, v22  }
0x439: {  	[tilespmem:s11+$0xFFFFFFD0] =	vst v17;
	v41 =	vld [tilespmem:s2+$0xFFFFFF90];
	v23 =	vadd.f32 $3.150000000e+01, v23  }
0x43a: {  	v17 =	vld.idx.msk [tilespmem:v29+s8+$0x0], $0xffff;
	v15 =	vmul.f32 v28, v21;
	[tilespmem:s6+$0x0] =	vst v22  }
0x43b: {  	v62 =	vmul.f32 $7.875000000e+00, v18;
	v16 =	vmul.f32 v60, v16;
	[tilespmem:s5+$0xFFFFFBE2] =	vst v27;
	v22 =	vmax.f32 v23, $0.0e+00;
	v23 =	vld.idx.msk [tilespmem:v35+s10+$0x0], $0xffff  }
0x43c: {  	v29 =	vmul.f32 v44, v19;
	v15 =	vadd.f32 v15, v31;
	v21 =	vld [tilespmem:s2+$0x10];
	v22 =	vmin.f32 v22, $6.200000000e+01  }
0x43d: {  	v16 =	vadd.f32 v16, v25;
	[tilespmem:s19+$0x110] =	vst v30;
	v26 =	vmul.f32 $7.875000000e+00, v46;
	v27 =	vld.idx.msk [tilespmem:v35+s8+$0x0], $0xffff;
	v22 =	vtrunc.f32 v22  }
0x43e: {  	v42 =	vadd.f32 $3.150000000e+01, v62;
	v25 =	vmul.f32 $7.875000000e+00, v41;
	[tilespmem:s1+$0xFFFFFF30] =	vst v15;
	v22 =	vcvt.f32.s32 v22  }
0x43f: {  	v30 =	vmul.f32 v45, v20;
	v26 =	vadd.f32 $3.150000000e+01, v26;
	[tilespmem:s3+$0xFFFFFEF0] =	vst v28;
	v28 =	vadd.f32 v29, v17  }
0x440: {  	[tilespmem:s11+$0x50] =	vst v16;
	v20 =	vld [tilespmem:s4+$0xFFFFFF60];
	v25 =	vadd.f32 $3.150000000e+01, v25;
	v22 =	vadd.s32 v7, v22;
	v16 =	vmul.f32 v23, v36  }
0x441: {  	v24 =	vmax.f32 v42, $0.0e+00;
	v31 =	vld.idx.msk [tilespmem:v38+s8+$0x0], $0xffff;
	v26 =	vmax.f32 v26, $0.0e+00;
	[tilespmem:s1+$0xFFFFFFB0] =	vst v28;
	v47 =	vmul.f32 $7.875000000e+00, v21  }
0x442: {  	v17 =	vld [tilespmem:s0+$0xFFFFFF40];
	v15 =	vmin.f32 v26, $6.200000000e+01;
	v25 =	vmax.f32 v25, $0.0e+00;
	[tilespmem:s3+$0xFFFFFF01] =	vst v44;
	v26 =	vadd.f32 v16, v27  }
0x443: {  	[tilespmem:s19+$0x121] =	vst v39;
	v15 =	vtrunc.f32 v15;
	v25 =	vmin.f32 v25, $6.200000000e+01;
	v32 =	vld [tilespmem:s0+$0xFFFFFFC0];
	v27 =	vadd.f32 $3.150000000e+01, v47  }
0x444: {  	v24 =	vmin.f32 v24, $6.200000000e+01;
	v16 =	vld [tilespmem:s4+$0xFFFFFFE0];
	v15 =	vcvt.f32.s32 v15;
	v25 =	vtrunc.f32 v25;
	[tilespmem:s1+$0xC0] =	vst v26  }
0x445: {  	v24 =	vtrunc.f32 v24;
	v25 =	vcvt.f32.s32 v25;
	v26 =	vmax.f32 v27, $0.0e+00;
	v27 =	vld.idx.msk [tilespmem:v22+s10+$0x0], $0xffff;
	[tilespmem:s3+$0x33] =	vst v23  }
0x446: {  	v28 =	vadd.s32 v7, v15;
	v23 =	vadd.f32 v30, v31;
	v15 =	vmin.f32 v26, $6.200000000e+01;
	v26 =	vld [tilespmem:s0+$0xD0]  }
0x447: {  	v24 =	vcvt.f32.s32 v24;
	v29 =	vld.idx.msk [tilespmem:v22+s8+$0x0], $0xffff;
	v25 =	vadd.s32 v7, v25;
	v22 =	vtrunc.f32 v15  }
0x448: {  	v30 =	vmul.f32 $7.875000000e+00, v20;
	v22 =	vcvt.f32.s32 v22;
	[tilespmem:s1+$0x30] =	vst v23  }
0x449: {  	v24 =	vadd.s32 v13, v24;
	v31 =	vmul.f32 $7.875000000e+00, v17;
	v54 =	vmul.f32 $7.875000000e+00, v32;
	[tilespmem:s3+$0xFFFFFF12] =	vst v45  }
0x44a: {  	v30 =	vadd.f32 $3.150000000e+01, v30;
	v48 =	vadd.s32 v7, v22;
	v22 =	vld [tilespmem:s0+$0x40];
	v49 =	vmul.f32 v27, v43  }
0x44b: {  	v23 =	vmul.f32 $7.875000000e+00, v16;
	v31 =	vadd.f32 $3.150000000e+01, v31;
	v50 =	vld.idx.msk [tilespmem:v28+s10+$0x0], $0xffff;
	v51 =	vmul.f32 $7.875000000e+00, v26  }
0x44c: {  	v56 =	vadd.f32 $3.150000000e+01, v54;
	v30 =	vmax.f32 v30, $0.0e+00;
	v52 =	vld.idx.msk [tilespmem:v25+s10+$0x0], $0xffff;
	v29 =	vadd.f32 v49, v29  }
0x44d: {  	v31 =	vmax.f32 v31, $0.0e+00;
	v28 =	vld.idx.msk [tilespmem:v28+s8+$0x0], $0xffff;
	v30 =	vmin.f32 v30, $6.200000000e+01;
	v37 =	vadd.f32 $3.150000000e+01, v51  }
0x44e: {  	v23 =	vadd.f32 $3.150000000e+01, v23;
	v31 =	vmin.f32 v31, $6.200000000e+01;
	v25 =	vld.idx.msk [tilespmem:v25+s8+$0x0], $0xffff;
	v30 =	vtrunc.f32 v30;
	[tilespmem:s6+$0x90] =	vst v29  }
0x44f: {  	v30 =	vcvt.f32.s32 v30;
	v29 =	vtrunc.f32 v31;
	v31 =	vld.idx.msk [tilespmem:v48+s10+$0x0], $0xffff;
	[tilespmem:s5+$0xFFFFFD03] =	vst v27;
	v27 =	vmax.f32 v37, $0.0e+00  }
0x450: {  	v55 =	vmul.f32 $7.875000000e+00, v22;
	v33 =	vmul.f32 v50, v46;
	v39 =	vld [tilespmem:s2+$0xA0];
	v27 =	vmin.f32 v27, $6.200000000e+01  }
0x451: {  	v34 =	vld.idx.msk [tilespmem:v48+s8+$0x0], $0xffff;
	v30 =	vadd.s32 v12, v30;
	v41 =	vmul.f32 v52, v41;
	v27 =	vtrunc.f32 v27  }
0x452: {  	[tilespmem:s19+$0x132] =	vst v60;
	v40 =	vadd.f32 $3.150000000e+01, v55;
	v28 =	vadd.f32 v33, v28;
	v27 =	vcvt.f32.s32 v27  }
0x453: {  	v15 =	vld [tilespmem:s4+$0x60];
	v57 =	vmax.f32 v56, $0.0e+00;
	v29 =	vcvt.f32.s32 v29;
	v25 =	vadd.f32 v41, v25  }
0x454: {  	v19 =	vld.idx.msk [tilespmem:v24+s10+$0x0], $0xffff;
	v58 =	vmax.f32 v40, $0.0e+00;
	[tilespmem:s6+$0xFFFFFF10] =	vst v28;
	v21 =	vmul.f32 v31, v21;
	v27 =	vadd.s32 v11, v27  }
0x455: {  	v24 =	vld.idx.msk [tilespmem:v24+s8+$0x0], $0xffff;
	v33 =	vmin.f32 v57, $6.200000000e+01;
	v28 =	vmin.f32 v58, $6.200000000e+01;
	[tilespmem:s5+$0xFFFFFCD0] =	vst v50;
	v59 =	vmul.f32 $7.875000000e+00, v39  }
0x456: {  	v33 =	vtrunc.f32 v33;
	[tilespmem:s6+$0xFFFFFF90] =	vst v25;
	v55 =	vld.idx.msk [tilespmem:v30+s10+$0x0], $0xffff;
	v28 =	vtrunc.f32 v28;
	v21 =	vadd.f32 v21, v34  }
0x457: {  	v25 =	vcvt.f32.s32 v33;
	v60 =	vld [tilespmem:s2+$0xFFFFFF20];
	[tilespmem:s5+$0xFFFFFCE1] =	vst v52;
	v28 =	vcvt.f32.s32 v28;
	v61 =	vadd.f32 $3.150000000e+01, v59  }
0x458: {  	v53 =	vmul.f32 $7.875000000e+00, v15;
	v23 =	vmax.f32 v23, $0.0e+00;
	v29 =	vadd.s32 v10, v29;
	v62 =	vld [tilespmem:s2+$0xFFFFFFA0];
	[tilespmem:s6+$0x10] =	vst v21  }
0x459: {  	v21 =	vadd.s32 v10, v25;
	v25 =	vadd.s32 v10, v28;
	[tilespmem:s5+$0xFFFFFCF2] =	vst v31;
	v28 =	vmax.f32 v61, $0.0e+00;
	v31 =	vld.idx.msk [tilespmem:v27+s10+$0x0], $0xffff  }
0x45a: {  	v23 =	vmin.f32 v23, $6.200000000e+01;
	v35 =	vadd.f32 $3.150000000e+01, v53;
	v57 =	vld.idx.msk [tilespmem:v30+s8+$0x0], $0xffff;
	v28 =	vmin.f32 v28, $6.200000000e+01  }
0x45b: {  	v23 =	vtrunc.f32 v23;
	v27 =	vld.idx.msk [tilespmem:v27+s8+$0x0], $0xffff;
	v28 =	vtrunc.f32 v28  }
0x45c: {  	v35 =	vmax.f32 v35, $0.0e+00;
	v63 =	vld [tilespmem:s2+$0x20];
	v48 =	vmul.f32 $7.875000000e+00, v60;
	v28 =	vcvt.f32.s32 v28  }
0x45d: {  	v23 =	vcvt.f32.s32 v23;
	v35 =	vmin.f32 v35, $6.200000000e+01;
	v49 =	vld.idx.msk [tilespmem:v29+s10+$0x0], $0xffff;
	v50 =	vmul.f32 $7.875000000e+00, v62  }
0x45e: {  	v29 =	vld.idx.msk [tilespmem:v29+s8+$0x0], $0xffff;
	v37 =	vadd.f32 $3.150000000e+01, v48;
	v28 =	vadd.s32 v8, v28;
	v26 =	vmul.f32 v31, v26  }
0x45f: {  	v23 =	vadd.s32 v12, v23;
	v35 =	vtrunc.f32 v35;
	v51 =	vld.idx.msk [tilespmem:v21+s10+$0x0], $0xffff;
	v40 =	vadd.f32 $3.150000000e+01, v50  }
0x460: {  	v35 =	vcvt.f32.s32 v35;
	v52 =	vld.idx.msk [tilespmem:v25+s10+$0x0], $0xffff;
	v37 =	vmax.f32 v37, $0.0e+00;
	v26 =	vadd.f32 v26, v27  }
0x461: {  	v44 =	vld.idx.msk [tilespmem:v21+s8+$0x0], $0xffff;
	v53 =	vmul.f32 $7.875000000e+00, v63;
	v21 =	vmax.f32 v40, $0.0e+00;
	v27 =	vmin.f32 v37, $6.200000000e+01  }
0x462: {  	v17 =	vmul.f32 v49, v17;
	v25 =	vld.idx.msk [tilespmem:v25+s8+$0x0], $0xffff;
	v21 =	vmin.f32 v21, $6.200000000e+01;
	v27 =	vtrunc.f32 v27;
	[tilespmem:s1+$0xD0] =	vst v26  }
0x463: {  	v54 =	vadd.f32 $3.150000000e+01, v53;
	v21 =	vtrunc.f32 v21;
	v26 =	vcvt.f32.s32 v27;
	v56 =	vld.idx.msk [tilespmem:v28+s10+$0x0], $0xffff;
	[tilespmem:s3+$0x143] =	vst v31  }
0x464: {  	v35 =	vadd.s32 v12, v35;
	v17 =	vadd.f32 v17, v29;
	v31 =	vcvt.f32.s32 v21;
	v21 =	vld [tilespmem:s0+$0xE0]  }
0x465: {  	v18 =	vmul.f32 v19, v18;
	v40 =	vmax.f32 v54, $0.0e+00;
	v28 =	vld.idx.msk [tilespmem:v28+s8+$0x0], $0xffff;
	v26 =	vadd.s32 v8, v26  }
0x466: {  	v29 =	vld.idx.msk [tilespmem:v23+s10+$0x0], $0xffff;
	[tilespmem:s1+$0xFFFFFF40] =	vst v17;
	v27 =	vmin.f32 v40, $6.200000000e+01;
	v31 =	vadd.s32 v8, v31  }
0x467: {  	v24 =	vadd.f32 v18, v24;
	v23 =	vld.idx.msk [tilespmem:v23+s8+$0x0], $0xffff;
	[tilespmem:s3+$0x0] =	vst v49;
	v32 =	vmul.f32 v51, v32;
	v27 =	vtrunc.f32 v27  }
0x468: {  	v18 =	vld [tilespmem:s0+$0xFFFFFF50];
	v27 =	vcvt.f32.s32 v27;
	v30 =	vmul.f32 v56, v39  }
0x469: {  	[tilespmem:s11+$0xF0] =	vst v24;
	v17 =	vld.idx.msk [tilespmem:v35+s10+$0x0], $0xffff;
	v24 =	vadd.f32 v32, v44;
	v58 =	vmul.f32 $7.875000000e+00, v21  }
0x46a: {  	[tilespmem:s19+$0x363] =	vst v19;
	v27 =	vadd.s32 v8, v27;
	v59 =	vld.idx.msk [tilespmem:v26+s10+$0x0], $0xffff;
	v19 =	vadd.f32 v30, v28  }
0x46b: {  	v22 =	vmul.f32 v52, v22;
	[tilespmem:s1+$0xFFFFFFC0] =	vst v24;
	v30 =	vld.idx.msk [tilespmem:v31+s10+$0x0], $0xffff;
	v24 =	vadd.f32 $3.150000000e+01, v58  }
0x46c: {  	v20 =	vmul.f32 v55, v20;
	v31 =	vld.idx.msk [tilespmem:v31+s8+$0x0], $0xffff;
	[tilespmem:s6+$0xA0] =	vst v19  }
0x46d: {  	v19 =	vadd.f32 v22, v25;
	v22 =	vld.idx.msk [tilespmem:v26+s8+$0x0], $0xffff;
	v25 =	vmul.f32 $7.875000000e+00, v18;
	[tilespmem:s5+$0xFFFFFE13] =	vst v56;
	v24 =	vmax.f32 v24, $0.0e+00  }
0x46e: {  	v16 =	vmul.f32 v29, v16;
	[tilespmem:s3+$0x11] =	vst v51;
	v26 =	vld [tilespmem:s2+$0xB0];
	v24 =	vmin.f32 v24, $6.200000000e+01  }
0x46f: {  	v28 =	vld.idx.msk [tilespmem:v27+s10+$0x0], $0xffff;
	[tilespmem:s1+$0x40] =	vst v19;
	v19 =	vadd.f32 v20, v57;
	v20 =	vadd.f32 $3.150000000e+01, v25;
	v24 =	vtrunc.f32 v24  }
0x470: {  	v16 =	vadd.f32 v16, v23;
	v25 =	vld.idx.msk [tilespmem:v27+s8+$0x0], $0xffff;
	[tilespmem:s3+$0x22] =	vst v52;
	v24 =	vcvt.f32.s32 v24  }
0x471: {  	v23 =	vmul.f32 v59, v60;
	[tilespmem:s11+$0xFFFFFF60] =	vst v19;
	v19 =	vmax.f32 v20, $0.0e+00;
	v20 =	vld [tilespmem:s0+$0xFFFFFFD0]  }
0x472: {  	[tilespmem:s11+$0xFFFFFFE0] =	vst v16;
	v60 =	vmul.f32 v30, v62;
	v61 =	vmin.f32 v19, $6.200000000e+01;
	v19 =	vld [tilespmem:s0+$0x50];
	v27 =	vadd.s32 v12, v24  }
0x473: {  	[tilespmem:s19+$0x231] =	vst v29;
	v22 =	vadd.f32 v23, v22;
	v24 =	vmul.f32 $7.875000000e+00, v26  }
0x474: {  	[tilespmem:s19+$0x220] =	vst v55;
	v62 =	vmul.f32 v28, v63;
	v23 =	vld.idx.msk [tilespmem:v35+s8+$0x0], $0xffff;
	v63 =	vadd.f32 v60, v31;
	v16 =	vtrunc.f32 v61  }
0x475: {  	v29 =	vcvt.f32.s32 v16;
	v16 =	vld [tilespmem:s4+$0xFFFFFF70];
	[tilespmem:s6+$0xFFFFFF20] =	vst v22;
	v24 =	vadd.f32 $3.150000000e+01, v24  }
0x476: {  	s7 =	simm.s32 $0x8;
	s13 =	smov.u32 s11;
	s14 =	smov.u32 s4;
	v22 =	vmul.f32 v17, v15;
	v15 =	vld [tilespmem:s4+$0xFFFFFFF0];
	v32 =	vadd.f32 v62, v25;
	[tilespmem:s6+$0xFFFFFFA0] =	vst v63;
	v31 =	vmul.f32 $7.875000000e+00, v20  }
0x477: {  	s31 =	simm.s32 $0x1E3C8;
	s15 =	sadd.s32 $0x200, s2;
	s29 =	smov.u32 s6;
	[tilespmem:s5+$0xFFFFFDE0] =	vst v59;
	v25 =	vadd.s32 v11, v29;
	v29 =	vmul.f32 $7.875000000e+00, v19;
	v34 =	vmax.f32 v24, $0.0e+00;
	v24 =	vld.idx.msk [tilespmem:v27+s10+$0x0], $0xffff  }
.LBB2_18:
0x478: {  	v33 =	vld [tilespmem:s15+$0x80];
	[tilespmem:s5+$0xFFFFFDF1] =	vst v30;
	v30 =	vmin.f32 v34, $6.200000000e+01;
	v31 =	vadd.f32 $3.150000000e+01, v31  }
0x479: {  	v22 =	vadd.f32 v22, v23;
	[tilespmem:s6+$0x20] =	vst v32;
	v30 =	vtrunc.f32 v30;
	v32 =	vadd.f32 $3.150000000e+01, v29;
	v34 =	vld.idx.msk [tilespmem:v27+s8+$0x0], $0xffff  }
0x47a: {  	v29 =	vld [tilespmem:s15+$0xFFFFFF80];
	[tilespmem:s5+$0xFFFFFE02] =	vst v28;
	v23 =	vcvt.f32.s32 v30;
	v27 =	vmax.f32 v31, $0.0e+00;
	v28 =	vmul.f32 $7.875000000e+00, v16  }
0x47b: {  	v31 =	vld [tilespmem:s15+$0x0];
	v27 =	vmin.f32 v27, $6.200000000e+01;
	v30 =	vmax.f32 v32, $0.0e+00;
	v32 =	vmul.f32 $7.875000000e+00, v15;
	[tilespmem:s13+$0x60] =	vst v22  }
0x47c: {  	v35 =	vld [tilespmem:s15+$0xFFFFFF00];
	v36 =	vadd.s32 v9, v23;
	v22 =	vtrunc.f32 v27;
	v30 =	vmin.f32 v30, $6.200000000e+01;
	[tilespmem:s19+$0x242] =	vst v17  }
0x47d: {  	v21 =	vmul.f32 v24, v21;
	v28 =	vadd.f32 $3.150000000e+01, v28;
	v17 =	vmul.f32 $7.875000000e+00, v33;
	v27 =	vld [tilespmem:s2+$0xFFFFFF30]  }
0x47e: {  	v37 =	vcvt.f32.s32 v22;
	v38 =	vtrunc.f32 v30;
	v30 =	vadd.f32 $3.150000000e+01, v32;
	v23 =	vld [tilespmem:s2+$0xFFFFFFB0]  }
0x47f: {  	v34 =	vadd.f32 v21, v34;
	v32 =	vmul.f32 $7.875000000e+00, v29;
	v17 =	vadd.f32 $3.150000000e+01, v17;
	v22 =	vld [tilespmem:s2+$0x30]  }
0x480: {  	s7 =	sadd.s32 $0x4, s7;
	v38 =	vcvt.f32.s32 v38;
	v37 =	vadd.s32 v11, v37;
	v39 =	vmul.f32 $7.875000000e+00, v31;
	v21 =	vld.idx.msk [tilespmem:v25+s10+$0x0], $0xffff  }
0x481: {  	p0 =	slt.u32 s7, $0xC;
	v40 =	vmul.f32 $7.875000000e+00, v35;
	v32 =	vadd.f32 $3.150000000e+01, v32;
	v17 =	vmax.f32 v17, $0.0e+00;
	v41 =	vld.idx.msk [tilespmem:v36+s10+$0x0], $0xffff;
	[tilespmem:s1+$0xE0] =	vst v34  }
0x482: {  	v39 =	vadd.f32 $3.150000000e+01, v39;
	v17 =	vmin.f32 v17, $6.200000000e+01;
	v42 =	vmul.f32 $7.875000000e+00, v27;
	v36 =	vld.idx.msk [tilespmem:v36+s8+$0x0], $0xffff;
	[tilespmem:s3+$0x253] =	vst v24  }
0x483: {  	v24 =	vadd.f32 $3.150000000e+01, v40;
	v32 =	vmax.f32 v32, $0.0e+00;
	v17 =	vtrunc.f32 v17;
	v34 =	vld [tilespmem:s0+$0xF0]  }
0x484: {  	v32 =	vmin.f32 v32, $6.200000000e+01;
	v39 =	vmax.f32 v39, $0.0e+00;
	v17 =	vcvt.f32.s32 v17;
	v25 =	vld.idx.msk [tilespmem:v25+s8+$0x0], $0xffff  }
0x485: {  	v40 =	vmax.f32 v24, $0.0e+00;
	v32 =	vtrunc.f32 v32;
	v39 =	vmin.f32 v39, $6.200000000e+01;
	v24 =	vld.idx.msk [tilespmem:v37+s10+$0x0], $0xffff  }
0x486: {  	v40 =	vmin.f32 v40, $6.200000000e+01;
	v39 =	vtrunc.f32 v39;
	v43 =	vadd.s32 v4, v17;
	v37 =	vld.idx.msk [tilespmem:v37+s8+$0x0], $0xffff  }
0x487: {  	v42 =	vadd.f32 $3.150000000e+01, v42;
	v26 =	vmul.f32 v41, v26;
	v40 =	vtrunc.f32 v40;
	v17 =	vld [tilespmem:s14+$0x70];
	s14 =	smov.u32 s0;
	s0 =	smov.u32 s2;
	s2 =	smov.u32 s15  }
0x488: {  	v38 =	vadd.s32 v11, v38;
	v40 =	vcvt.f32.s32 v40;
	v44 =	vmul.f32 $7.875000000e+00, v34  }
0x489: {  	v32 =	vcvt.f32.s32 v32;
	v39 =	vcvt.f32.s32 v39;
	v26 =	vadd.f32 v26, v36  }
0x48a: {  	v36 =	vadd.s32 v4, v40;
	v40 =	vmul.f32 $7.875000000e+00, v23;
	v44 =	vadd.f32 $3.150000000e+01, v44  }
0x48b: {  	v45 =	vadd.s32 v4, v32;
	v32 =	vmul.f32 $7.875000000e+00, v22;
	v39 =	vadd.s32 v4, v39;
	v46 =	vld.idx.msk [tilespmem:v43+s10+$0x0], $0xffff;
	[tilespmem:s6+$0xB0] =	vst v26  }
0x48c: {  	v26 =	vmax.f32 v42, $0.0e+00;
	v43 =	vld.idx.msk [tilespmem:v43+s8+$0x0], $0xffff;
	v40 =	vadd.f32 $3.150000000e+01, v40;
	[tilespmem:s5+$0xFFFFFF23] =	vst v41;
	v41 =	vmax.f32 v44, $0.0e+00  }
0x48d: {  	v42 =	vadd.f32 $3.150000000e+01, v32;
	v26 =	vmin.f32 v26, $6.200000000e+01;
	v32 =	vld [tilespmem:s0+$0xC0];
	v41 =	vmin.f32 v41, $6.200000000e+01  }
0x48e: {  	v44 =	vtrunc.f32 v26;
	v40 =	vmax.f32 v40, $0.0e+00;
	v26 =	vld.idx.msk [tilespmem:v38+s10+$0x0], $0xffff;
	v41 =	vtrunc.f32 v41  }
0x48f: {  	v42 =	vmax.f32 v42, $0.0e+00;
	v47 =	vld.idx.msk [tilespmem:v36+s10+$0x0], $0xffff;
	v40 =	vmin.f32 v40, $6.200000000e+01;
	v41 =	vcvt.f32.s32 v41  }
0x490: {  	v44 =	vcvt.f32.s32 v44;
	v42 =	vmin.f32 v42, $6.200000000e+01;
	v48 =	vld.idx.msk [tilespmem:v45+s10+$0x0], $0xffff;
	v40 =	vtrunc.f32 v40  }
0x491: {  	v42 =	vtrunc.f32 v42;
	v33 =	vmul.f32 v46, v33;
	v49 =	vld.idx.msk [tilespmem:v39+s10+$0x0], $0xffff;
	v41 =	vadd.s32 v13, v41  }
0x492: {  	v44 =	vadd.s32 v9, v44;
	v40 =	vcvt.f32.s32 v40;
	v36 =	vld.idx.msk [tilespmem:v36+s8+$0x0], $0xffff;
	v50 =	vmul.f32 $7.875000000e+00, v32  }
0x493: {  	v18 =	vmul.f32 v21, v18;
	v42 =	vcvt.f32.s32 v42;
	v33 =	vadd.f32 v33, v43;
	v45 =	vld.idx.msk [tilespmem:v45+s8+$0x0], $0xffff  }
0x494: {  	v20 =	vmul.f32 v24, v20;
	s6 =	sadd.s32 $0x200, s6;
	v40 =	vadd.s32 v9, v40;
	v39 =	vld.idx.msk [tilespmem:v39+s8+$0x0], $0xffff;
	v43 =	vadd.f32 $3.150000000e+01, v50  }
0x495: {  	s5 =	sadd.s32 $0x44, s5;
	v35 =	vmul.f32 v47, v35;
	[tilespmem:s6+$0x80] =	vst v33;
	v33 =	vadd.s32 v9, v42;
	v38 =	vld.idx.msk [tilespmem:v38+s8+$0x0], $0xffff;
	v42 =	vmul.f32 $7.875000000e+00, v17  }
0x496: {  	v19 =	vmul.f32 v26, v19;
	v50 =	vmul.f32 v48, v29;
	[tilespmem:s5+$0xFFFFFBF3] =	vst v46;
	v43 =	vmax.f32 v43, $0.0e+00;
	v46 =	vld.idx.msk [tilespmem:v41+s10+$0x0], $0xffff  }
0x497: {  	v18 =	vadd.f32 v18, v25;
	v31 =	vmul.f32 v49, v31;
	v29 =	vld [tilespmem:s15+$0x90];
	v43 =	vmin.f32 v43, $6.200000000e+01  }
0x498: {  	v20 =	vadd.f32 v20, v37;
	v25 =	vadd.f32 v35, v36;
	v35 =	vtrunc.f32 v43;
	v36 =	vld.idx.msk [tilespmem:v41+s8+$0x0], $0xffff  }
0x499: {  	v37 =	vadd.f32 v50, v45;
	v41 =	vld.idx.msk [tilespmem:v44+s10+$0x0], $0xffff;
	v35 =	vcvt.f32.s32 v35;
	[tilespmem:s1+$0xFFFFFF50] =	vst v18;
	v18 =	vadd.f32 $3.150000000e+01, v42  }
0x49a: {  	v28 =	vmax.f32 v28, $0.0e+00;
	v30 =	vmax.f32 v30, $0.0e+00;
	v31 =	vadd.f32 v31, v39;
	[tilespmem:s6+$0xFFFFFF00] =	vst v25;
	v39 =	vld.idx.msk [tilespmem:v40+s10+$0x0], $0xffff  }
0x49b: {  	v38 =	vadd.f32 v19, v38;
	[tilespmem:s5+$0xFFFFFBC0] =	vst v47;
	v42 =	vld.idx.msk [tilespmem:v33+s10+$0x0], $0xffff;
	v35 =	vadd.s32 v10, v35;
	v18 =	vmax.f32 v18, $0.0e+00  }
0x49c: {  	v28 =	vmin.f32 v28, $6.200000000e+01;
	v34 =	vmul.f32 v46, v34;
	v25 =	vld [tilespmem:s15+$0xFFFFFF10];
	[tilespmem:s6+$0xFFFFFF80] =	vst v37;
	v19 =	vmul.f32 $7.875000000e+00, v29  }
0x49d: {  	v30 =	vmin.f32 v30, $6.200000000e+01;
	v43 =	vtrunc.f32 v28;
	v18 =	vmin.f32 v18, $6.200000000e+01;
	[tilespmem:s5+$0xFFFFFBD1] =	vst v48;
	v37 =	vld.idx.msk [tilespmem:v44+s8+$0x0], $0xffff  }
0x49e: {  	v30 =	vtrunc.f32 v30;
	v28 =	vld [tilespmem:s15+$0xFFFFFF90];
	[tilespmem:s6+$0x0] =	vst v31;
	v19 =	vadd.f32 $3.150000000e+01, v19;
	v31 =	vadd.f32 v34, v36  }
0x49f: {  	v34 =	vmul.f32 v41, v27;
	[tilespmem:s5+$0xFFFFFBE2] =	vst v49;
	v36 =	vld.idx.msk [tilespmem:v40+s8+$0x0], $0xffff;
	v40 =	vtrunc.f32 v18  }
0x4a0: {  	v23 =	vmul.f32 v39, v23;
	v18 =	vmax.f32 v19, $0.0e+00;
	v44 =	vld.idx.msk [tilespmem:v35+s10+$0x0], $0xffff;
	[tilespmem:s1+$0xF0] =	vst v31;
	v19 =	vcvt.f32.s32 v43  }
0x4a1: {  	v43 =	vmul.f32 v42, v22;
	v31 =	vmul.f32 $7.875000000e+00, v25;
	v27 =	vld [tilespmem:s15+$0x10];
	v18 =	vmin.f32 v18, $6.200000000e+01;
	[tilespmem:s3+$0x363] =	vst v46  }
0x4a2: {  	v18 =	vtrunc.f32 v18;
	v35 =	vld.idx.msk [tilespmem:v35+s8+$0x0], $0xffff;
	[tilespmem:s3+$0x110] =	vst v21;
	v45 =	vadd.s32 v13, v19;
	v19 =	vcvt.f32.s32 v30  }
0x4a3: {  	v21 =	vadd.f32 $3.150000000e+01, v31;
	v22 =	vmul.f32 $7.875000000e+00, v28;
	v30 =	vcvt.f32.s32 v18;
	v31 =	vld.idx.msk [tilespmem:v33+s8+$0x0], $0xffff;
	[tilespmem:s1+$0xFFFFFFD0] =	vst v20  }
0x4a4: {  	v20 =	vadd.f32 v34, v37;
	v34 =	vcvt.f32.s32 v40;
	v18 =	vld [tilespmem:s14+$0xFFFFFF60];
	[tilespmem:s3+$0x121] =	vst v24;
	v33 =	vadd.s32 v13, v19  }
0x4a5: {  	v21 =	vmax.f32 v21, $0.0e+00;
	v22 =	vadd.f32 $3.150000000e+01, v22;
	v24 =	vadd.s32 v7, v30;
	v19 =	vld [tilespmem:s14+$0xFFFFFFE0];
	[tilespmem:s1+$0x50] =	vst v38  }
0x4a6: {  	v21 =	vmin.f32 v21, $6.200000000e+01;
	v30 =	vmul.f32 $7.875000000e+00, v27;
	[tilespmem:s29+$0xFFFFFF30] =	vst v20;
	v20 =	vmul.f32 v44, v32  }
0x4a7: {  	v23 =	vadd.f32 v23, v36;
	v32 =	vtrunc.f32 v21;
	v21 =	vmax.f32 v22, $0.0e+00;
	[tilespmem:s31+$0xFFFFFEF0] =	vst v41;
	v22 =	vld.idx.msk [tilespmem:v45+s10+$0x0], $0xffff  }
0x4a8: {  	v36 =	vmin.f32 v21, $6.200000000e+01;
	v30 =	vadd.f32 $3.150000000e+01, v30;
	v21 =	vld [tilespmem:s0+$0xFFFFFF40];
	v35 =	vadd.f32 v20, v35;
	[tilespmem:s3+$0x132] =	vst v26  }
0x4a9: {  	v26 =	vcvt.f32.s32 v32;
	v32 =	vtrunc.f32 v36;
	[tilespmem:s29+$0xFFFFFFB0] =	vst v23;
	v23 =	vadd.f32 v43, v31;
	v20 =	vld [tilespmem:s14+$0x60]  }
0x4aa: {  	v31 =	vcvt.f32.s32 v32;
	v30 =	vmax.f32 v30, $0.0e+00;
	v36 =	vld.idx.msk [tilespmem:v24+s10+$0x0], $0xffff;
	[tilespmem:s29+$0xC0] =	vst v35;
	v35 =	vmul.f32 $7.875000000e+00, v18  }
0x4ab: {  	v37 =	vadd.s32 v7, v26;
	v38 =	vmul.f32 $7.875000000e+00, v19;
	v26 =	vmin.f32 v30, $6.200000000e+01;
	v30 =	vld.idx.msk [tilespmem:v24+s8+$0x0], $0xffff;
	[tilespmem:s31+$0x33] =	vst v44  }
0x4ac: {  	v31 =	vadd.s32 v7, v31;
	v24 =	vtrunc.f32 v26;
	[tilespmem:s31+$0xFFFFFF01] =	vst v39;
	v32 =	vld [tilespmem:s0+$0xD0];
	v26 =	vadd.f32 $3.150000000e+01, v35  }
0x4ad: {  	v38 =	vadd.f32 $3.150000000e+01, v38;
	v35 =	vcvt.f32.s32 v24;
	v39 =	vmul.f32 $7.875000000e+00, v21;
	v24 =	vld [tilespmem:s0+$0xFFFFFFC0];
	[tilespmem:s29+$0x30] =	vst v23  }
0x4ae: {  	v34 =	vadd.s32 v13, v34;
	[tilespmem:s31+$0xFFFFFF12] =	vst v42;
	v40 =	vmax.f32 v26, $0.0e+00;
	v41 =	vmul.f32 $7.875000000e+00, v20;
	v26 =	vld.idx.msk [tilespmem:v33+s10+$0x0], $0xffff  }
0x4af: {  	v38 =	vmax.f32 v38, $0.0e+00;
	v35 =	vadd.s32 v7, v35;
	v39 =	vadd.f32 $3.150000000e+01, v39;
	v23 =	vld [tilespmem:s0+$0x40]  }
0x4b0: {  	v29 =	vmul.f32 v36, v29;
	v40 =	vmin.f32 v40, $6.200000000e+01;
	v42 =	vld.idx.msk [tilespmem:v37+s10+$0x0], $0xffff;
	v41 =	vadd.f32 $3.150000000e+01, v41  }
0x4b1: {  	v38 =	vmin.f32 v38, $6.200000000e+01;
	v43 =	vld.idx.msk [tilespmem:v31+s10+$0x0], $0xffff;
	v39 =	vmax.f32 v39, $0.0e+00;
	v44 =	vmul.f32 $7.875000000e+00, v32  }
0x4b2: {  	v29 =	vadd.f32 v29, v30;
	v37 =	vld.idx.msk [tilespmem:v37+s8+$0x0], $0xffff;
	v30 =	vmin.f32 v39, $6.200000000e+01;
	v39 =	vmul.f32 $7.875000000e+00, v24  }
0x4b3: {  	v41 =	vmax.f32 v41, $0.0e+00;
	v31 =	vld.idx.msk [tilespmem:v31+s8+$0x0], $0xffff;
	v30 =	vtrunc.f32 v30;
	v44 =	vadd.f32 $3.150000000e+01, v44  }
0x4b4: {  	v46 =	vld.idx.msk [tilespmem:v35+s10+$0x0], $0xffff;
	[tilespmem:s6+$0x90] =	vst v29;
	v29 =	vcvt.f32.s32 v30;
	v39 =	vadd.f32 $3.150000000e+01, v39;
	v47 =	vmul.f32 $7.875000000e+00, v23  }
0x4b5: {  	v40 =	vtrunc.f32 v40;
	v41 =	vmin.f32 v41, $6.200000000e+01;
	v35 =	vld.idx.msk [tilespmem:v35+s8+$0x0], $0xffff;
	[tilespmem:s5+$0xFFFFFD03] =	vst v36;
	v36 =	vmax.f32 v44, $0.0e+00  }
0x4b6: {  	v44 =	vmul.f32 v42, v25;
	v30 =	vld [tilespmem:s15+$0xA0];
	v47 =	vadd.f32 $3.150000000e+01, v47;
	v25 =	vmin.f32 v36, $6.200000000e+01  }
0x4b7: {  	v28 =	vmul.f32 v43, v28;
	v36 =	vmax.f32 v39, $0.0e+00;
	v39 =	vtrunc.f32 v25;
	v25 =	vld.idx.msk [tilespmem:v34+s10+$0x0], $0xffff  }
0x4b8: {  	v37 =	vadd.f32 v44, v37;
	v44 =	vmax.f32 v47, $0.0e+00;
	v39 =	vcvt.f32.s32 v39;
	v45 =	vld.idx.msk [tilespmem:v45+s8+$0x0], $0xffff  }
0x4b9: {  	v28 =	vadd.f32 v28, v31;
	v31 =	vmin.f32 v36, $6.200000000e+01;
	v36 =	vmin.f32 v44, $6.200000000e+01;
	v33 =	vld.idx.msk [tilespmem:v33+s8+$0x0], $0xffff  }
0x4ba: {  	v31 =	vtrunc.f32 v31;
	[tilespmem:s6+$0xFFFFFF10] =	vst v37;
	v37 =	vmul.f32 v46, v27;
	v39 =	vadd.s32 v11, v39;
	v34 =	vld.idx.msk [tilespmem:v34+s8+$0x0], $0xffff  }
0x4bb: {  	v44 =	vadd.s32 v10, v29;
	v29 =	vtrunc.f32 v36;
	[tilespmem:s5+$0xFFFFFCD0] =	vst v42;
	v42 =	vmul.f32 $7.875000000e+00, v30  }
0x4bc: {  	v31 =	vcvt.f32.s32 v31;
	v27 =	vld [tilespmem:s15+$0xFFFFFF20];
	[tilespmem:s6+$0xFFFFFF90] =	vst v28;
	v28 =	vadd.f32 v37, v35;
	v35 =	vcvt.f32.s32 v29  }
0x4bd: {  	v37 =	vtrunc.f32 v38;
	v38 =	vtrunc.f32 v41;
	[tilespmem:s5+$0xFFFFFCE1] =	vst v43;
	v36 =	vadd.f32 $3.150000000e+01, v42  }
0x4be: {  	v40 =	vcvt.f32.s32 v40;
	v29 =	vld [tilespmem:s15+$0xFFFFFFA0];
	[tilespmem:s6+$0x10] =	vst v28;
	v28 =	vadd.s32 v10, v31;
	v35 =	vadd.s32 v10, v35  }
0x4bf: {  	v37 =	vcvt.f32.s32 v37;
	v38 =	vcvt.f32.s32 v38;
	[tilespmem:s5+$0xFFFFFCF2] =	vst v46;
	v36 =	vmax.f32 v36, $0.0e+00;
	v41 =	vld.idx.msk [tilespmem:v39+s10+$0x0], $0xffff  }
0x4c0: {  	v40 =	vadd.s32 v12, v40;
	v42 =	vmul.f32 v22, v16;
	v31 =	vld [tilespmem:s15+$0x20];
	v36 =	vmin.f32 v36, $6.200000000e+01  }
0x4c1: {  	v37 =	vadd.s32 v12, v37;
	v43 =	vmul.f32 $7.875000000e+00, v27;
	v16 =	vtrunc.f32 v36;
	v36 =	vld.idx.msk [tilespmem:v39+s8+$0x0], $0xffff  }
0x4c2: {  	v15 =	vmul.f32 v26, v15;
	v39 =	vcvt.f32.s32 v16;
	v46 =	vld.idx.msk [tilespmem:v44+s10+$0x0], $0xffff;
	v16 =	vadd.s32 v12, v38  }
0x4c3: {  	v17 =	vmul.f32 v25, v17;
	v38 =	vadd.f32 $3.150000000e+01, v43;
	v43 =	vmul.f32 $7.875000000e+00, v29;
	v47 =	vld.idx.msk [tilespmem:v28+s10+$0x0], $0xffff  }
0x4c4: {  	v15 =	vadd.f32 v15, v33;
	v42 =	vadd.f32 v42, v45;
	v39 =	vadd.s32 v8, v39;
	v48 =	vld.idx.msk [tilespmem:v35+s10+$0x0], $0xffff  }
0x4c5: {  	v32 =	vmul.f32 v41, v32;
	v33 =	vadd.f32 $3.150000000e+01, v43;
	v43 =	vmul.f32 $7.875000000e+00, v31;
	v44 =	vld.idx.msk [tilespmem:v44+s8+$0x0], $0xffff  }
0x4c6: {  	v17 =	vadd.f32 v17, v34;
	v38 =	vmax.f32 v38, $0.0e+00;
	v28 =	vld.idx.msk [tilespmem:v28+s8+$0x0], $0xffff;
	[tilespmem:s13+$0xFFFFFF70] =	vst v42  }
0x4c7: {  	v32 =	vadd.f32 v32, v36;
	v33 =	vmax.f32 v33, $0.0e+00;
	v34 =	vadd.f32 $3.150000000e+01, v43;
	v35 =	vld.idx.msk [tilespmem:v35+s8+$0x0], $0xffff;
	[tilespmem:s19+$0x330] =	vst v22  }
0x4c8: {  	v22 =	vmin.f32 v38, $6.200000000e+01;
	v21 =	vmul.f32 v46, v21;
	v33 =	vmin.f32 v33, $6.200000000e+01;
	v36 =	vld.idx.msk [tilespmem:v40+s10+$0x0], $0xffff;
	[tilespmem:s13+$0xFFFFFFF0] =	vst v15  }
0x4c9: {  	v15 =	vtrunc.f32 v22;
	v22 =	vtrunc.f32 v33;
	v33 =	vmax.f32 v34, $0.0e+00;
	v34 =	vld.idx.msk [tilespmem:v39+s10+$0x0], $0xffff;
	[tilespmem:s29+$0xD0] =	vst v32  }
0x4ca: {  	v15 =	vcvt.f32.s32 v15;
	v22 =	vcvt.f32.s32 v22;
	v32 =	vmin.f32 v33, $6.200000000e+01;
	v33 =	vld.idx.msk [tilespmem:v39+s8+$0x0], $0xffff;
	[tilespmem:s31+$0x143] =	vst v41  }
0x4cb: {  	v24 =	vmul.f32 v47, v24;
	v38 =	vadd.f32 v21, v44;
	v32 =	vtrunc.f32 v32;
	v21 =	vld [tilespmem:s0+$0xE0];
	[tilespmem:s19+$0x341] =	vst v26  }
0x4cc: {  	v15 =	vadd.s32 v8, v15;
	v39 =	vadd.s32 v8, v22;
	v22 =	vcvt.f32.s32 v32;
	v32 =	vld.idx.msk [tilespmem:v37+s10+$0x0], $0xffff;
	[tilespmem:s13+$0x70] =	vst v17;
	s13 =	smov.u32 s1;
	s1 =	smov.u32 s29;
	s29 =	smov.u32 s6  }
0x4cd: {  	v23 =	vmul.f32 v48, v23;
	v24 =	vadd.f32 v24, v28;
	[tilespmem:s1+$0xFFFFFF40] =	vst v38;
	v17 =	vld.idx.msk [tilespmem:v16+s10+$0x0], $0xffff  }
0x4ce: {  	v38 =	vadd.s32 v8, v22;
	[tilespmem:s31+$0x0] =	vst v46;
	v26 =	vld.idx.msk [tilespmem:v40+s8+$0x0], $0xffff;
	v40 =	vmul.f32 v36, v18  }
0x4cf: {  	v23 =	vadd.f32 v23, v35;
	v22 =	vmul.f32 v34, v30;
	v18 =	vld [tilespmem:s0+$0xFFFFFF50];
	[tilespmem:s1+$0xFFFFFFC0] =	vst v24  }
0x4d0: {  	[tilespmem:s31+$0x11] =	vst v47;
	v24 =	vmul.f32 $7.875000000e+00, v21;
	v35 =	vld.idx.msk [tilespmem:v37+s8+$0x0], $0xffff  }
0x4d1: {  	v22 =	vadd.f32 v22, v33;
	v37 =	vld.idx.msk [tilespmem:v15+s10+$0x0], $0xffff;
	[tilespmem:s1+$0x40] =	vst v23  }
0x4d2: {  	v19 =	vmul.f32 v32, v19;
	v30 =	vld.idx.msk [tilespmem:v39+s10+$0x0], $0xffff;
	[tilespmem:s31+$0x22] =	vst v48;
	v23 =	vadd.f32 $3.150000000e+01, v24  }
0x4d3: {  	v28 =	vld.idx.msk [tilespmem:v38+s10+$0x0], $0xffff;
	[tilespmem:s6+$0xA0] =	vst v22;
	v22 =	vmul.f32 v17, v20  }
0x4d4: {  	v24 =	vadd.f32 v40, v26;
	v15 =	vld.idx.msk [tilespmem:v15+s8+$0x0], $0xffff;
	[tilespmem:s5+$0xFFFFFE13] =	vst v34;
	v20 =	vmul.f32 $7.875000000e+00, v18;
	v23 =	vmax.f32 v23, $0.0e+00  }
0x4d5: {  	v26 =	vld [tilespmem:s15+$0xB0];
	v23 =	vmin.f32 v23, $6.200000000e+01;
	[tilespmem:s19+$0x352] =	vst v25;
	s19 =	smov.u32 s3;
	s3 =	smov.u32 s31;
	s31 =	smov.u32 s5  }
0x4d6: {  	v19 =	vadd.f32 v19, v35;
	v25 =	vld.idx.msk [tilespmem:v39+s8+$0x0], $0xffff;
	v20 =	vadd.f32 $3.150000000e+01, v20;
	v23 =	vtrunc.f32 v23;
	[tilespmem:s13+$0xFFFFFF60] =	vst v24  }
0x4d7: {  	v24 =	vmul.f32 v37, v27;
	v33 =	vld.idx.msk [tilespmem:v38+s8+$0x0], $0xffff;
	v23 =	vcvt.f32.s32 v23;
	[tilespmem:s19+$0x220] =	vst v36  }
0x4d8: {  	v29 =	vmul.f32 v30, v29;
	v27 =	vmax.f32 v20, $0.0e+00;
	v20 =	vld [tilespmem:s0+$0xFFFFFFD0];
	[tilespmem:s13+$0xFFFFFFE0] =	vst v19  }
0x4d9: {  	v31 =	vmul.f32 v28, v31;
	v34 =	vmin.f32 v27, $6.200000000e+01;
	v19 =	vld [tilespmem:s0+$0x50];
	v27 =	vadd.s32 v12, v23;
	[tilespmem:s19+$0x231] =	vst v32  }
.Ltmp15:
0x4da: {  	v15 =	vadd.f32 v24, v15;
	v24 =	vmul.f32 $7.875000000e+00, v26;
	v32 =	vtrunc.f32 v34;
	v23 =	vld.idx.msk [tilespmem:v16+s8+$0x0], $0xffff;
	(pc) =	sbr.rel @p0 .LBB2_18-.Ltmp15, $4  }
0x4db: {  	v34 =	vcvt.f32.s32 v32;
	v16 =	vld [tilespmem:s14+$0xFFFFFF70]  }
0x4dc: {  	v29 =	vadd.f32 v29, v25;
	[tilespmem:s6+$0xFFFFFF20] =	vst v15;
	v24 =	vadd.f32 $3.150000000e+01, v24;
	v15 =	vld [tilespmem:s14+$0xFFFFFFF0]  }
0x4dd: {  	v32 =	vadd.f32 v31, v33;
	[tilespmem:s5+$0xFFFFFDE0] =	vst v37;
	v25 =	vadd.s32 v11, v34;
	v31 =	vmul.f32 $7.875000000e+00, v20  }
0x4de: {  	s15 =	sadd.s32 $0x200, s15;
	[tilespmem:s6+$0xFFFFFFA0] =	vst v29;
	v34 =	vmax.f32 v24, $0.0e+00;
	v29 =	vmul.f32 $7.875000000e+00, v19;
	v24 =	vld.idx.msk [tilespmem:v27+s10+$0x0], $0xffff  }
0x4df: {  	v33 =	vmin.f32 v34, $6.200000000e+01  }
0x4e0: {  	v33 =	vtrunc.f32 v33  }
0x4e1: {  	[tilespmem:s5+$0xFFFFFDF1] =	vst v30;
	v48 =	vld [tilespmem:s2+$0xFFFFFF30];
	v33 =	vcvt.f32.s32 v33  }
0x4e2: {  	v49 =	vld [tilespmem:s2+$0xFFFFFFB0]  }
0x4e3: {  	v33 =	vadd.s32 v9, v33;
	_ =	sdelay $0x1  }
0x4e4: {  	[tilespmem:s6+$0x20] =	vst v32  }
0x4e5: {  	[tilespmem:s5+$0xFFFFFE02] =	vst v28;
	v35 =	vmul.f32 $7.875000000e+00, v48  }
0x4e6: {  	v28 =	vld [tilespmem:s2+$0x30];
	v36 =	vmul.f32 $7.875000000e+00, v49  }
0x4e7: {  	v35 =	vadd.f32 $3.150000000e+01, v35;
	v50 =	vld.idx.msk [tilespmem:v33+s10+$0x0], $0xffff  }
0x4e8: {  	v36 =	vadd.f32 $3.150000000e+01, v36  }
0x4e9: {  	v33 =	vld.idx.msk [tilespmem:v33+s8+$0x0], $0xffff;
	v35 =	vmax.f32 v35, $0.0e+00  }
0x4ea: {  	v35 =	vmin.f32 v35, $6.200000000e+01;
	v36 =	vmax.f32 v36, $0.0e+00  }
0x4eb: {  	v37 =	vmul.f32 $7.875000000e+00, v28;
	v51 =	vtrunc.f32 v35;
	v52 =	vmin.f32 v36, $6.200000000e+01  }
0x4ec: {  	v35 =	vtrunc.f32 v52;
	v26 =	vmul.f32 v50, v26  }
0x4ed: {  	v37 =	vadd.f32 $3.150000000e+01, v37;
	v35 =	vcvt.f32.s32 v35  }
0x4ee: {  	v26 =	vadd.f32 v26, v33;
	v33 =	vcvt.f32.s32 v51  }
0x4ef: {  	v53 =	vmax.f32 v37, $0.0e+00;
	v55 =	vadd.s32 v9, v35  }
0x4f0: {  	v36 =	vmin.f32 v53, $6.200000000e+01;
	v33 =	vadd.s32 v9, v33  }
0x4f1: {  	v54 =	vtrunc.f32 v36;
	[tilespmem:s6+$0xB0] =	vst v26  }
0x4f2: {  	v26 =	vcvt.f32.s32 v54;
	[tilespmem:s5+$0xFFFFFF23] =	vst v50  }
0x4f3: {  	v56 =	vld [tilespmem:s2+$0xC0]  }
0x4f4: {  	v26 =	vadd.s32 v9, v26;
	v58 =	vld.idx.msk [tilespmem:v55+s10+$0x0], $0xffff  }
0x4f5: {  	v57 =	vld.idx.msk [tilespmem:v33+s10+$0x0], $0xffff  }
0x4f6: {  	v34 =	vld.idx.msk [tilespmem:v55+s8+$0x0], $0xffff  }
0x4f7: {  	v33 =	vld.idx.msk [tilespmem:v33+s8+$0x0], $0xffff  }
0x4f8: {  	v38 =	vmul.f32 $7.875000000e+00, v56  }
0x4f9: {  	v39 =	vld.idx.msk [tilespmem:v26+s10+$0x0], $0xffff;
	v32 =	vmul.f32 v58, v49  }
0x4fa: {  	v38 =	vadd.f32 $3.150000000e+01, v38;
	v30 =	vmul.f32 v57, v48  }
0x4fb: {  	v26 =	vld.idx.msk [tilespmem:v26+s8+$0x0], $0xffff;
	v60 =	vadd.f32 v32, v34  }
0x4fc: {  	v38 =	vmax.f32 v38, $0.0e+00;
	v30 =	vadd.f32 v30, v33  }
0x4fd: {  	[tilespmem:s29+$0xFFFFFFB0] =	vst v60;
	v38 =	vmin.f32 v38, $6.200000000e+01  }
0x4fe: {  	v28 =	vmul.f32 v39, v28;
	v59 =	vtrunc.f32 v38;
	[tilespmem:s29+$0xFFFFFF30] =	vst v30  }
0x4ff: {  	v33 =	vcvt.f32.s32 v59;
	[tilespmem:s31+$0xFFFFFEF0] =	vst v57  }
0x500: {  	[tilespmem:s31+$0xFFFFFF01] =	vst v58;
	v26 =	vadd.f32 v28, v26;
	v62 =	vld [tilespmem:s2+$0xFFFFFF40]  }
0x501: {  	v30 =	vld [tilespmem:s2+$0xFFFFFFC0];
	v61 =	vadd.s32 v10, v33  }
0x502: {  	[tilespmem:s29+$0x30] =	vst v26  }
0x503: {  	[tilespmem:s31+$0xFFFFFF12] =	vst v39  }
0x504: {  	v26 =	vld [tilespmem:s2+$0x40]  }
0x505: {  	v63 =	vmul.f32 $7.875000000e+00, v62  }
0x506: {  	v40 =	vmul.f32 $7.875000000e+00, v30;
	v33 =	vld.idx.msk [tilespmem:v61+s10+$0x0], $0xffff  }
0x507: {  	v34 =	vadd.f32 $3.150000000e+01, v63  }
0x508: {  	v32 =	vld.idx.msk [tilespmem:v61+s8+$0x0], $0xffff;
	v36 =	vadd.f32 $3.150000000e+01, v40  }
0x509: {  	v41 =	vmul.f32 $7.875000000e+00, v26;
	v34 =	vmax.f32 v34, $0.0e+00  }
0x50a: {  	v36 =	vmax.f32 v36, $0.0e+00;
	v34 =	vmin.f32 v34, $6.200000000e+01  }
0x50b: {  	v37 =	vadd.f32 $3.150000000e+01, v41;
	v35 =	vmul.f32 v33, v56;
	v34 =	vtrunc.f32 v34  }
0x50c: {  	v42 =	vmin.f32 v36, $6.200000000e+01;
	v34 =	vcvt.f32.s32 v34  }
0x50d: {  	v43 =	vmax.f32 v37, $0.0e+00;
	v32 =	vadd.f32 v35, v32;
	v35 =	vtrunc.f32 v42  }
0x50e: {  	v36 =	vmin.f32 v43, $6.200000000e+01;
	v35 =	vcvt.f32.s32 v35;
	v44 =	vadd.s32 v10, v34  }
0x50f: {  	v45 =	vtrunc.f32 v36  }
0x510: {  	[tilespmem:s29+$0xC0] =	vst v32;
	v46 =	vcvt.f32.s32 v45;
	v47 =	vadd.s32 v10, v35  }
0x511: {  	[tilespmem:s31+$0x33] =	vst v33  }
0x512: {  	v48 =	vld [tilespmem:s2+$0xD0];
	v33 =	vadd.s32 v10, v46  }
0x513: {  	v49 =	vld.idx.msk [tilespmem:v44+s10+$0x0], $0xffff  }
0x514: {  	v31 =	vadd.f32 $3.150000000e+01, v31;
	v32 =	vld.idx.msk [tilespmem:v44+s8+$0x0], $0xffff  }
0x515: {  	v50 =	vld.idx.msk [tilespmem:v47+s10+$0x0], $0xffff  }
0x516: {  	v31 =	vmax.f32 v31, $0.0e+00;
	v34 =	vld.idx.msk [tilespmem:v47+s8+$0x0], $0xffff  }
0x517: {  	v31 =	vmin.f32 v31, $6.200000000e+01;
	v51 =	vmul.f32 $7.875000000e+00, v48;
	v39 =	vld.idx.msk [tilespmem:v33+s10+$0x0], $0xffff  }
0x518: {  	v31 =	vtrunc.f32 v31;
	v28 =	vmul.f32 v49, v62  }
0x519: {  	v31 =	vcvt.f32.s32 v31;
	v33 =	vld.idx.msk [tilespmem:v33+s8+$0x0], $0xffff;
	v38 =	vadd.f32 $3.150000000e+01, v51  }
0x51a: {  	v30 =	vmul.f32 v50, v30;
	v28 =	vadd.f32 v28, v32  }
0x51b: {  	v29 =	vadd.f32 $3.150000000e+01, v29;
	v31 =	vadd.s32 v11, v31;
	v54 =	vld.idx.msk [tilespmem:v25+s10+$0x0], $0xffff;
	v38 =	vmax.f32 v38, $0.0e+00  }
0x51c: {  	v38 =	vmin.f32 v38, $6.200000000e+01;
	v26 =	vmul.f32 v39, v26;
	v53 =	vadd.f32 v30, v34;
	[tilespmem:s29+$0xFFFFFF40] =	vst v28  }
0x51d: {  	v55 =	vld.idx.msk [tilespmem:v25+s8+$0x0], $0xffff;
	v52 =	vtrunc.f32 v38;
	[tilespmem:s31+$0x0] =	vst v49  }
0x51e: {  	v56 =	vmax.f32 v29, $0.0e+00;
	v32 =	vcvt.f32.s32 v52;
	v26 =	vadd.f32 v26, v33;
	[tilespmem:s29+$0xFFFFFFC0] =	vst v53  }
0x51f: {  	v28 =	vmin.f32 v56, $6.200000000e+01;
	v34 =	vld [tilespmem:s2+$0xFFFFFF50];
	[tilespmem:s31+$0x11] =	vst v50  }
0x520: {  	v18 =	vmul.f32 v54, v18;
	v57 =	vld.idx.msk [tilespmem:v31+s10+$0x0], $0xffff;
	v28 =	vtrunc.f32 v28;
	v32 =	vadd.s32 v11, v32;
	[tilespmem:s29+$0x40] =	vst v26  }
0x521: {  	v28 =	vcvt.f32.s32 v28;
	v26 =	vld [tilespmem:s2+$0xFFFFFFD0];
	[tilespmem:s31+$0x22] =	vst v39  }
0x522: {  	v18 =	vadd.f32 v18, v55;
	v58 =	vld [tilespmem:s2+$0x50]  }
0x523: {  	v27 =	vld.idx.msk [tilespmem:v27+s8+$0x0], $0xffff;
	v28 =	vadd.s32 v11, v28  }
0x524: {  	[tilespmem:s1+$0xFFFFFF50] =	vst v18;
	v31 =	vld.idx.msk [tilespmem:v31+s8+$0x0], $0xffff;
	v63 =	vmul.f32 $7.875000000e+00, v34  }
0x525: {  	[tilespmem:s3+$0x110] =	vst v54;
	v59 =	vld.idx.msk [tilespmem:v32+s10+$0x0], $0xffff  }
0x526: {  	v21 =	vmul.f32 v24, v21;
	v49 =	vld [tilespmem:s0+$0xFFFFFF60];
	v40 =	vmul.f32 $7.875000000e+00, v26;
	v37 =	vadd.f32 $3.150000000e+01, v63  }
0x527: {  	v20 =	vmul.f32 v57, v20;
	v41 =	vld.idx.msk [tilespmem:v32+s8+$0x0], $0xffff;
	v43 =	vmul.f32 $7.875000000e+00, v58  }
0x528: {  	v21 =	vadd.f32 v21, v27;
	v47 =	vld.idx.msk [tilespmem:v28+s10+$0x0], $0xffff;
	v44 =	vadd.f32 $3.150000000e+01, v40;
	v42 =	vmax.f32 v37, $0.0e+00  }
0x529: {  	v20 =	vadd.f32 v20, v31;
	v45 =	vadd.f32 $3.150000000e+01, v43;
	v27 =	vmin.f32 v42, $6.200000000e+01  }
0x52a: {  	[tilespmem:s1+$0xE0] =	vst v21;
	v63 =	vld.idx.msk [tilespmem:v28+s8+$0x0], $0xffff;
	v21 =	vmul.f32 v59, v48;
	v46 =	vmax.f32 v44, $0.0e+00;
	v18 =	vtrunc.f32 v27  }
0x52b: {  	v39 =	vmul.f32 $7.875000000e+00, v49;
	v48 =	vmin.f32 v46, $6.200000000e+01;
	v18 =	vcvt.f32.s32 v18  }
0x52c: {  	[tilespmem:s1+$0xFFFFFFD0] =	vst v20;
	v60 =	vmax.f32 v45, $0.0e+00;
	v21 =	vadd.f32 v21, v41;
	v61 =	vtrunc.f32 v48  }
0x52d: {  	[tilespmem:s3+$0x121] =	vst v57;
	v19 =	vmul.f32 v47, v19;
	v62 =	vcvt.f32.s32 v61;
	v20 =	vadd.s32 v11, v18  }
0x52e: {  	v51 =	vadd.f32 $3.150000000e+01, v39;
	v18 =	vmin.f32 v60, $6.200000000e+01;
	[tilespmem:s29+$0xD0] =	vst v21  }
0x52f: {  	v28 =	vld [tilespmem:s0+$0xFFFFFFE0];
	v19 =	vadd.f32 v19, v63;
	v37 =	vtrunc.f32 v18;
	v21 =	vadd.s32 v11, v62;
	[tilespmem:s31+$0x143] =	vst v59  }
0x530: {  	[tilespmem:s3+$0x253] =	vst v24;
	v38 =	vcvt.f32.s32 v37;
	v40 =	vld [tilespmem:s2+$0xE0]  }
0x531: {  	v18 =	vld [tilespmem:s0+$0xF0];
	[tilespmem:s1+$0x50] =	vst v19;
	v19 =	vmax.f32 v51, $0.0e+00  }
0x532: {  	v19 =	vmin.f32 v19, $6.200000000e+01;
	v25 =	vadd.s32 v11, v38;
	v50 =	vld.idx.msk [tilespmem:v20+s10+$0x0], $0xffff  }
0x533: {  	v19 =	vtrunc.f32 v19;
	v20 =	vld.idx.msk [tilespmem:v20+s8+$0x0], $0xffff  }
0x534: {  	v53 =	vmul.f32 $7.875000000e+00, v16;
	[tilespmem:s3+$0x132] =	vst v47;
	v19 =	vcvt.f32.s32 v19;
	v52 =	vld.idx.msk [tilespmem:v21+s10+$0x0], $0xffff  }
0x535: {  	v22 =	vadd.f32 v22, v23;
	v23 =	vld [tilespmem:s0+$0x60];
	v55 =	vmul.f32 $7.875000000e+00, v40  }
0x536: {  	v32 =	vadd.f32 $3.150000000e+01, v53;
	v21 =	vld.idx.msk [tilespmem:v21+s8+$0x0], $0xffff;
	v19 =	vadd.s32 v12, v19  }
0x537: {  	v56 =	vld.idx.msk [tilespmem:v25+s10+$0x0], $0xffff;
	v35 =	vadd.f32 $3.150000000e+01, v55;
	v34 =	vmul.f32 v50, v34  }
0x538: {  	v61 =	vmax.f32 v32, $0.0e+00;
	v54 =	vmul.f32 $7.875000000e+00, v18  }
0x539: {  	v25 =	vld.idx.msk [tilespmem:v25+s8+$0x0], $0xffff;
	v26 =	vmul.f32 v52, v26;
	v57 =	vmax.f32 v35, $0.0e+00;
	v20 =	vadd.f32 v34, v20  }
0x53a: {  	v62 =	vmin.f32 v61, $6.200000000e+01;
	v27 =	vadd.f32 $3.150000000e+01, v54;
	v34 =	vmin.f32 v57, $6.200000000e+01  }
0x53b: {  	v60 =	vmul.f32 $7.875000000e+00, v23;
	v63 =	vld.idx.msk [tilespmem:v19+s10+$0x0], $0xffff;
	v21 =	vadd.f32 v26, v21;
	v59 =	vtrunc.f32 v34;
	[tilespmem:s29+$0xFFFFFF50] =	vst v20  }
0x53c: {  	v27 =	vmax.f32 v27, $0.0e+00;
	v33 =	vmul.f32 v56, v58;
	v58 =	vmul.f32 $7.875000000e+00, v28;
	[tilespmem:s31+$0x110] =	vst v50  }
0x53d: {  	v31 =	vadd.f32 $3.150000000e+01, v60;
	v20 =	vmin.f32 v27, $6.200000000e+01;
	v27 =	vcvt.f32.s32 v59;
	[tilespmem:s29+$0xFFFFFFD0] =	vst v21  }
0x53e: {  	v20 =	vtrunc.f32 v20;
	v25 =	vadd.f32 v33, v25;
	v26 =	vadd.f32 $3.150000000e+01, v58;
	v33 =	vld [tilespmem:s2+$0xFFFFFF60];
	[tilespmem:s31+$0x121] =	vst v52  }
0x53f: {  	v31 =	vmax.f32 v31, $0.0e+00;
	v27 =	vadd.s32 v12, v27;
	v20 =	vcvt.f32.s32 v20;
	v32 =	vld [tilespmem:s2+$0xFFFFFFE0]  }
0x540: {  	v19 =	vld.idx.msk [tilespmem:v19+s8+$0x0], $0xffff;
	v31 =	vmin.f32 v31, $6.200000000e+01;
	v24 =	vmul.f32 v63, v49;
	[tilespmem:s29+$0x50] =	vst v25;
	v26 =	vmax.f32 v26, $0.0e+00  }
0x541: {  	v25 =	vtrunc.f32 v62;
	v41 =	vadd.s32 v13, v20;
	v20 =	vtrunc.f32 v31;
	[tilespmem:s31+$0x132] =	vst v56  }
0x542: {  	v26 =	vmin.f32 v26, $6.200000000e+01;
	v25 =	vcvt.f32.s32 v25;
	v20 =	vcvt.f32.s32 v20;
	v34 =	vld [tilespmem:s2+$0x60]  }
0x543: {  	[tilespmem:s13+$0x60] =	vst v22;
	v26 =	vtrunc.f32 v26;
	v42 =	vmul.f32 $7.875000000e+00, v33  }
0x544: {  	[tilespmem:s19+$0x242] =	vst v17;
	v43 =	vcvt.f32.s32 v26;
	v44 =	vld.idx.msk [tilespmem:v27+s10+$0x0], $0xffff;
	v45 =	vmul.f32 $7.875000000e+00, v32  }
0x545: {  	v17 =	vld [tilespmem:s14+$0x70];
	v24 =	vadd.f32 v24, v19;
	v47 =	vadd.s32 v12, v20;
	v31 =	vadd.f32 $3.150000000e+01, v42  }
0x546: {  	v22 =	vadd.s32 v13, v25;
	v27 =	vld.idx.msk [tilespmem:v27+s8+$0x0], $0xffff;
	v25 =	vadd.s32 v12, v43;
	v36 =	vadd.f32 $3.150000000e+01, v45  }
0x547: {  	[tilespmem:s1+$0xFFFFFF60] =	vst v24;
	v20 =	vld.idx.msk [tilespmem:v41+s10+$0x0], $0xffff;
	v46 =	vmul.f32 $7.875000000e+00, v34;
	v19 =	vmax.f32 v31, $0.0e+00  }
0x548: {  	[tilespmem:s3+$0x220] =	vst v63;
	v35 =	vld.idx.msk [tilespmem:v41+s8+$0x0], $0xffff;
	v48 =	vmax.f32 v36, $0.0e+00;
	v19 =	vmin.f32 v19, $6.200000000e+01  }
0x549: {  	v24 =	vld [tilespmem:s0+$0xFFFFFF70];
	v30 =	vmul.f32 v44, v40;
	v49 =	vadd.f32 $3.150000000e+01, v46;
	v50 =	vtrunc.f32 v19  }
0x54a: {  	v40 =	vld.idx.msk [tilespmem:v47+s10+$0x0], $0xffff;
	v31 =	vmin.f32 v48, $6.200000000e+01;
	v37 =	vcvt.f32.s32 v50  }
0x54b: {  	v31 =	vtrunc.f32 v31;
	v51 =	vld.idx.msk [tilespmem:v25+s10+$0x0], $0xffff;
	v52 =	vadd.f32 v30, v27;
	v36 =	vmax.f32 v49, $0.0e+00  }
0x54c: {  	v56 =	vld.idx.msk [tilespmem:v47+s8+$0x0], $0xffff;
	v31 =	vcvt.f32.s32 v31;
	v36 =	vmin.f32 v36, $6.200000000e+01;
	v54 =	vadd.s32 v12, v37  }
0x54d: {  	v21 =	vmul.f32 $7.875000000e+00, v15;
	v19 =	vld.idx.msk [tilespmem:v22+s10+$0x0], $0xffff;
	v53 =	vtrunc.f32 v36  }
0x54e: {  	v22 =	vld.idx.msk [tilespmem:v22+s8+$0x0], $0xffff;
	[tilespmem:s29+$0xE0] =	vst v52;
	v55 =	vadd.s32 v12, v31;
	v27 =	vcvt.f32.s32 v53  }
0x54f: {  	v21 =	vadd.f32 $3.150000000e+01, v21;
	v25 =	vld.idx.msk [tilespmem:v25+s8+$0x0], $0xffff;
	[tilespmem:s31+$0x253] =	vst v44  }
0x550: {  	v23 =	vmul.f32 v40, v23;
	v58 =	vmul.f32 v51, v28;
	v28 =	vld [tilespmem:s2+$0xF0];
	v57 =	vadd.s32 v12, v27  }
0x551: {  	v21 =	vmax.f32 v21, $0.0e+00;
	v37 =	vld.idx.msk [tilespmem:v54+s10+$0x0], $0xffff  }
0x552: {  	v59 =	vmul.f32 $7.875000000e+00, v17;
	v21 =	vmin.f32 v21, $6.200000000e+01;
	v23 =	vadd.f32 v23, v56;
	v30 =	vld.idx.msk [tilespmem:v54+s8+$0x0], $0xffff  }
0x553: {  	v21 =	vtrunc.f32 v21;
	v60 =	vld.idx.msk [tilespmem:v55+s10+$0x0], $0xffff  }
0x554: {  	v21 =	vcvt.f32.s32 v21;
	v36 =	vadd.f32 $3.150000000e+01, v59;
	v25 =	vadd.f32 v58, v25;
	[tilespmem:s1+$0x60] =	vst v23;
	v29 =	vld.idx.msk [tilespmem:v55+s8+$0x0], $0xffff  }
0x555: {  	[tilespmem:s3+$0x242] =	vst v40;
	v61 =	vld.idx.msk [tilespmem:v57+s10+$0x0], $0xffff  }
0x556: {  	v21 =	vadd.s32 v13, v21;
	v36 =	vmax.f32 v36, $0.0e+00;
	[tilespmem:s1+$0xFFFFFFE0] =	vst v25;
	v42 =	vld [tilespmem:s0+$0x70];
	v33 =	vmul.f32 v37, v33  }
0x557: {  	v18 =	vmul.f32 v20, v18;
	v62 =	vmin.f32 v36, $6.200000000e+01;
	[tilespmem:s3+$0x231] =	vst v51;
	v23 =	vld.idx.msk [tilespmem:v57+s8+$0x0], $0xffff  }
0x558: {  	v41 =	vmul.f32 $7.875000000e+00, v28;
	v36 =	vld [tilespmem:s0+$0xFFFFFFF0];
	v32 =	vmul.f32 v60, v32;
	v30 =	vadd.f32 v33, v30  }
0x559: {  	v45 =	vmul.f32 $7.875000000e+00, v24;
	v18 =	vadd.f32 v18, v35;
	v31 =	vtrunc.f32 v62  }
0x55a: {  	v43 =	vadd.f32 $3.150000000e+01, v41;
	v29 =	vadd.f32 v32, v29;
	v34 =	vmul.f32 v61, v34;
	[tilespmem:s29+$0xFFFFFF60] =	vst v30  }
0x55b: {  	v63 =	vld.idx.msk [tilespmem:v21+s10+$0x0], $0xffff;
	v47 =	vadd.f32 $3.150000000e+01, v45;
	v16 =	vmul.f32 v19, v16;
	v31 =	vcvt.f32.s32 v31;
	[tilespmem:s31+$0x220] =	vst v37  }
0x55c: {  	v35 =	vmax.f32 v43, $0.0e+00;
	v50 =	vmul.f32 $7.875000000e+00, v42;
	[tilespmem:s29+$0xFFFFFFE0] =	vst v29;
	v23 =	vadd.f32 v34, v23  }
0x55d: {  	v16 =	vadd.f32 v16, v22;
	v48 =	vmin.f32 v35, $6.200000000e+01;
	v46 =	vmul.f32 $7.875000000e+00, v36;
	[tilespmem:s31+$0x231] =	vst v60;
	v49 =	vld [tilespmem:s2+$0xFFFFFF70]  }
0x55e: {  	v44 =	vadd.s32 v13, v31;
	v31 =	vtrunc.f32 v48;
	v52 =	vadd.f32 $3.150000000e+01, v50;
	v51 =	vld [tilespmem:s2+$0xFFFFFFF0];
	[tilespmem:s29+$0x60] =	vst v23  }
0x55f: {  	v22 =	vcvt.f32.s32 v31;
	v32 =	vadd.f32 $3.150000000e+01, v46;
	v23 =	vmax.f32 v47, $0.0e+00;
	[tilespmem:s31+$0x242] =	vst v61  }
0x560: {  	v15 =	vmul.f32 v63, v15;
	v25 =	vmax.f32 v52, $0.0e+00;
	v23 =	vmin.f32 v23, $6.200000000e+01;
	v54 =	vld [tilespmem:s2+$0x70]  }
0x561: {  	v22 =	vadd.s32 v13, v22;
	v53 =	vmax.f32 v32, $0.0e+00;
	v23 =	vtrunc.f32 v23  }
0x562: {  	v29 =	vmin.f32 v53, $6.200000000e+01;
	v55 =	vmul.f32 $7.875000000e+00, v49;
	v23 =	vcvt.f32.s32 v23  }
0x563: {  	v25 =	vmin.f32 v25, $6.200000000e+01;
	v29 =	vtrunc.f32 v29;
	v56 =	vmul.f32 $7.875000000e+00, v51  }
0x564: {  	v21 =	vld.idx.msk [tilespmem:v21+s8+$0x0], $0xffff;
	v29 =	vcvt.f32.s32 v29;
	v32 =	vadd.f32 $3.150000000e+01, v55;
	v23 =	vadd.s32 v13, v23  }
0x565: {  	v57 =	vld.idx.msk [tilespmem:v44+s10+$0x0], $0xffff;
	v25 =	vtrunc.f32 v25;
	v34 =	vadd.f32 $3.150000000e+01, v56;
	v58 =	vmul.f32 $7.875000000e+00, v54  }
0x566: {  	v30 =	vld.idx.msk [tilespmem:v44+s8+$0x0], $0xffff;
	v25 =	vcvt.f32.s32 v25;
	v29 =	vadd.s32 v13, v29;
	v32 =	vmax.f32 v32, $0.0e+00  }
0x567: {  	v59 =	vld.idx.msk [tilespmem:v22+s10+$0x0], $0xffff;
	v34 =	vmax.f32 v34, $0.0e+00;
	v32 =	vmin.f32 v32, $6.200000000e+01;
	v38 =	vadd.f32 $3.150000000e+01, v58  }
0x568: {  	[tilespmem:s1+$0xF0] =	vst v18;
	v25 =	vadd.s32 v13, v25;
	v18 =	vld.idx.msk [tilespmem:v22+s8+$0x0], $0xffff;
	v32 =	vtrunc.f32 v32;
	v34 =	vmin.f32 v34, $6.200000000e+01  }
0x569: {  	[tilespmem:s3+$0x363] =	vst v20;
	v34 =	vtrunc.f32 v34;
	v32 =	vcvt.f32.s32 v32;
	v20 =	vld.idx.msk [tilespmem:v23+s10+$0x0], $0xffff;
	v22 =	vmax.f32 v38, $0.0e+00  }
0x56a: {  	v15 =	vadd.f32 v15, v21;
	[tilespmem:s13+$0xFFFFFF70] =	vst v16;
	v34 =	vcvt.f32.s32 v34;
	v22 =	vmin.f32 v22, $6.200000000e+01  }
0x56b: {  	[tilespmem:s19+$0x330] =	vst v19;
	v17 =	vmul.f32 v57, v17;
	v19 =	vld.idx.msk [tilespmem:v23+s8+$0x0], $0xffff;
	v21 =	vtrunc.f32 v22;
	v22 =	vadd.s32 v13, v32  }
0x56c: {  	[tilespmem:s13+$0xFFFFFFF0] =	vst v15;
	v15 =	vmul.f32 v59, v28;
	v16 =	vld.idx.msk [tilespmem:v29+s10+$0x0], $0xffff;
	v23 =	vadd.s32 v13, v34  }
0x56d: {  	v17 =	vadd.f32 v17, v30;
	v60 =	vld.idx.msk [tilespmem:v25+s10+$0x0], $0xffff;
	v21 =	vcvt.f32.s32 v21  }
0x56e: {  	[tilespmem:s19+$0x341] =	vst v63;
	v61 =	vld.idx.msk [tilespmem:v29+s8+$0x0], $0xffff;
	v15 =	vadd.f32 v15, v18;
	v18 =	vmul.f32 v20, v24  }
0x56f: {  	[tilespmem:s13+$0x70] =	vst v17;
	v17 =	vld.idx.msk [tilespmem:v25+s8+$0x0], $0xffff;
	v21 =	vadd.s32 v13, v21  }
0x570: {  	[tilespmem:s19+$0x352] =	vst v57;
	v18 =	vadd.f32 v18, v19;
	v62 =	vld.idx.msk [tilespmem:v22+s10+$0x0], $0xffff  }
0x571: {  	[tilespmem:s29+$0xF0] =	vst v15;
	v15 =	vmul.f32 v16, v36;
	v19 =	vld.idx.msk [tilespmem:v23+s10+$0x0], $0xffff  }
0x572: {  	v22 =	vld.idx.msk [tilespmem:v22+s8+$0x0], $0xffff;
	[tilespmem:s1+$0xFFFFFF70] =	vst v18  }
0x573: {  	v63 =	vmul.f32 v60, v42;
	v15 =	vadd.f32 v15, v61;
	[tilespmem:s3+$0x330] =	vst v20;
	v20 =	vld.idx.msk [tilespmem:v23+s8+$0x0], $0xffff  }
0x574: {  	[tilespmem:s31+$0x363] =	vst v59;
	v18 =	vld.idx.msk [tilespmem:v21+s10+$0x0], $0xffff  }
0x575: {  	v17 =	vadd.f32 v63, v17;
	[tilespmem:s1+$0xFFFFFFF0] =	vst v15;
	v15 =	vmul.f32 v62, v49  }
0x576: {  	[tilespmem:s3+$0x341] =	vst v16;
	v21 =	vld.idx.msk [tilespmem:v21+s8+$0x0], $0xffff;
	v16 =	vmul.f32 v19, v51  }
0x577: {  	[tilespmem:s1+$0x70] =	vst v17;
	v15 =	vadd.f32 v15, v22  }
0x578: {  	[tilespmem:s3+$0x352] =	vst v60;
	v20 =	vadd.f32 v16, v20  }
0x579: {  	s0 =	simm.s32 $0x0;
	v17 =	vmul.f32 v18, v54;
	[tilespmem:s29+$0xFFFFFF70] =	vst v15  }
0x57a: {  	s19 =	simm.s32 $0x1;
	v16 =	vadd.s32 s0, v14;
	[tilespmem:s29+$0xFFFFFFF0] =	vst v20  }
0x57b: {  	p2 =	por $0x1, $0x1;
	v15 =	vadd.s32 s19, v14;
	[tilespmem:s31+$0x330] =	vst v62;
	v17 =	vadd.f32 v17, v21  }
.Ltmp16:
0x57c: {  	[tilespmem:s31+$0x341] =	vst v19;
	(pc) =	sbr.rel @!p2 .LBB2_20-.Ltmp16, $4  }
0x57d: {  	[tilespmem:s29+$0x70] =	vst v17  }
0x57e: {  	[tilespmem:s31+$0x352] =	vst v18  }
0x57f: {  	p0 =	por $0x0, $0x0;
	v19 =	vld.idx.msk [tilespmem:v16+s20+$0x0], $0xffff  }
0x580: {  	p1 =	por $0x0, $0x0;
	s5 =	simm.s32 $0x3;
	s1 =	simm.s32 $0x4;
	v23 =	vld.idx.msk [tilespmem:v15+s20+$0x0], $0xffff  }
0x581: {  	v26 =	vadd.s32 s5, v14;
	s0 =	simm.s32 $0x2  }
0x582: {  	v18 =	vadd.s32 s0, v14;
	_ =	sdelay $0x3  }
0x583: {  	v17 =	vld.idx.msk [tilespmem:v26+s20+$0x0], $0xffff  }
0x584: {  	v20 =	vld.idx.msk [tilespmem:v18+s20+$0x0], $0xffff  }
0x585: {  	[tilespmem:s12+$0xFFFFE000] =	vst v19  }
0x586: {  	[tilespmem:s12+$0xFFFFE080] =	vst v23;
	v19 =	vld.idx.msk [tilespmem:v16+s21+$0x0], $0xffff  }
0x587: {  	v21 =	vld.idx.msk [tilespmem:v15+s21+$0x0], $0xffff  }
0x588: {  	[tilespmem:s12+$0xFFFFE180] =	vst v17  }
0x589: {  	v17 =	vld.idx.msk [tilespmem:v26+s21+$0x0], $0xffff;
	[tilespmem:s12+$0xFFFFE100] =	vst v20  }
0x58a: {  	v22 =	vld.idx.msk [tilespmem:v18+s21+$0x0], $0xffff  }
0x58b: {  	[tilespmem:s12+$0xFFFFE800] =	vst v19  }
0x58c: {  	s31 =	simm.s32 $0x5;
	[tilespmem:s12+$0xFFFFE880] =	vst v21;
	v19 =	vld.idx.msk [tilespmem:v16+s22+$0x0], $0xffff;
	v20 =	vadd.s32 s1, v14  }
0x58d: {  	v21 =	vadd.s32 s31, v14;
	v23 =	vld.idx.msk [tilespmem:v15+s22+$0x0], $0xffff  }
0x58e: {  	[tilespmem:s12+$0xFFFFE980] =	vst v17  }
0x58f: {  	v17 =	vld.idx.msk [tilespmem:v26+s22+$0x0], $0xffff;
	[tilespmem:s12+$0xFFFFE900] =	vst v22  }
0x590: {  	v22 =	vld.idx.msk [tilespmem:v18+s22+$0x0], $0xffff  }
0x591: {  	p2 =	por $0x1, $0x1;
	[tilespmem:s12+$0xFFFFF000] =	vst v19;
	v36 =	vld.idx.msk [tilespmem:v20+s20+$0x0], $0xffff  }
.Ltmp17:
0x592: {  	[tilespmem:s12+$0xFFFFF080] =	vst v23;
	v23 =	vld.idx.msk [tilespmem:v21+s20+$0x0], $0xffff;
	(pc) =	sbr.rel @!p2 .LBB2_22-.Ltmp17, $4  }
0x593: {  	v33 =	vld.idx.msk [tilespmem:v16+s23+$0x0], $0xffff  }
0x594: {  	v31 =	vld.idx.msk [tilespmem:v15+s23+$0x0], $0xffff;
	[tilespmem:s12+$0xFFFFF180] =	vst v17  }
0x595: {  	v32 =	vld.idx.msk [tilespmem:v26+s23+$0x0], $0xffff;
	[tilespmem:s12+$0xFFFFF100] =	vst v22  }
0x596: {  	s5 =	simm.s32 $0x7;
	p0 =	por $0x1, $0x1;
	s0 =	simm.s32 $0x8;
	v30 =	vld.idx.msk [tilespmem:v18+s23+$0x0], $0xffff  }
0x597: {  	_ =	sdelay $0x2  }
0x598: {  	s1 =	simm.s32 $0x6;
	[tilespmem:s12+$0xFFFFF800] =	vst v33  }
0x599: {  	v24 =	vadd.s32 s5, v14;
	v25 =	vadd.s32 s1, v14;
	s1 =	sadd.s32 $0x200, s12;
	[tilespmem:s12+$0xFFFFF880] =	vst v31;
	v29 =	vld.idx.msk [tilespmem:v16+s24+$0x0], $0xffff  }
0x59a: {  	[tilespmem:s1+$0xFFFFE000] =	vst v36;
	v22 =	vld.idx.msk [tilespmem:v15+s24+$0x0], $0xffff  }
0x59b: {  	[tilespmem:s12+$0xFFFFF980] =	vst v32;
	v62 =	vld.idx.msk [tilespmem:v20+s21+$0x0], $0xffff  }
0x59c: {  	v19 =	vld.idx.msk [tilespmem:v26+s24+$0x0], $0xffff;
	[tilespmem:s12+$0xFFFFF900] =	vst v30  }
0x59d: {  	v17 =	vadd.s32 s0, v14;
	v27 =	vld.idx.msk [tilespmem:v18+s24+$0x0], $0xffff  }
0x59e: {  	v28 =	vld.idx.msk [tilespmem:v24+s20+$0x0], $0xffff  }
0x59f: {  	v30 =	vld.idx.msk [tilespmem:v25+s20+$0x0], $0xffff;
	[tilespmem:s12+$0x0] =	vst v29  }
0x5a0: {  	[tilespmem:s12+$0x80] =	vst v22;
	v29 =	vld.idx.msk [tilespmem:v16+s25+$0x0], $0xffff  }
0x5a1: {  	[tilespmem:s1+$0xFFFFE080] =	vst v23;
	v31 =	vld.idx.msk [tilespmem:v15+s25+$0x0], $0xffff  }
0x5a2: {  	[tilespmem:s12+$0x180] =	vst v19;
	v19 =	vld.idx.msk [tilespmem:v17+s20+$0x0], $0xffff  }
0x5a3: {  	v22 =	vld.idx.msk [tilespmem:v26+s25+$0x0], $0xffff;
	[tilespmem:s12+$0x100] =	vst v27  }
0x5a4: {  	[tilespmem:s1+$0xFFFFE180] =	vst v28;
	v28 =	vld.idx.msk [tilespmem:v21+s21+$0x0], $0xffff  }
0x5a5: {  	v27 =	vld.idx.msk [tilespmem:v18+s25+$0x0], $0xffff  }
0x5a6: {  	v23 =	vld.idx.msk [tilespmem:v24+s21+$0x0], $0xffff;
	[tilespmem:s1+$0xFFFFE100] =	vst v30  }
0x5a7: {  	v30 =	vld.idx.msk [tilespmem:v25+s21+$0x0], $0xffff;
	[tilespmem:s12+$0x800] =	vst v29  }
0x5a8: {  	v34 =	vld.idx.msk [tilespmem:v16+s26+$0x0], $0xffff;
	[tilespmem:s12+$0x980] =	vst v22  }
0x5a9: {  	[tilespmem:s12+$0x880] =	vst v31;
	v22 =	vld.idx.msk [tilespmem:v26+s26+$0x0], $0xffff  }
0x5aa: {  	v63 =	vld.idx.msk [tilespmem:v15+s26+$0x0], $0xffff;
	[tilespmem:s1+$0xFFFFE880] =	vst v28  }
0x5ab: {  	[tilespmem:s1+$0xFFFFE980] =	vst v23;
	v28 =	vld.idx.msk [tilespmem:v21+s22+$0x0], $0xffff  }
0x5ac: {  	[tilespmem:s12+$0x900] =	vst v27;
	v23 =	vld.idx.msk [tilespmem:v24+s22+$0x0], $0xffff  }
0x5ad: {  	[tilespmem:s1+$0xFFFFE900] =	vst v30;
	v29 =	vld.idx.msk [tilespmem:v18+s26+$0x0], $0xffff  }
0x5ae: {  	v30 =	vld.idx.msk [tilespmem:v25+s22+$0x0], $0xffff;
	[tilespmem:s12+$0x1180] =	vst v22  }
0x5af: {  	s2 =	simm.s32 $0x9;
	[tilespmem:s1+$0xFFFFE800] =	vst v62;
	v22 =	vld.idx.msk [tilespmem:v26+s28+$0x0], $0xffff  }
0x5b0: {  	v27 =	vadd.s32 s2, v14;
	[tilespmem:s12+$0x1080] =	vst v63;
	v26 =	vld.idx.msk [tilespmem:v20+s22+$0x0], $0xffff  }
0x5b1: {  	p2 =	por $0x1, $0x1;
	v35 =	vld.idx.msk [tilespmem:v15+s28+$0x0], $0xffff;
	[tilespmem:s1+$0xFFFFF180] =	vst v23  }
.Ltmp18:
0x5b2: {  	[tilespmem:s1+$0xFFFFF080] =	vst v28;
	v32 =	vld.idx.msk [tilespmem:v24+s23+$0x0], $0xffff;
	(pc) =	sbr.rel @!p2 .LBB2_24-.Ltmp18, $4  }
0x5b3: {  	v31 =	vld.idx.msk [tilespmem:v21+s23+$0x0], $0xffff;
	[tilespmem:s1+$0xFFFFF100] =	vst v30  }
0x5b4: {  	[tilespmem:s12+$0x1100] =	vst v29;
	v30 =	vld.idx.msk [tilespmem:v25+s23+$0x0], $0xffff  }
0x5b5: {  	s5 =	simm.s32 $0xB;
	v28 =	vmov v25;
	v23 =	vld.idx.msk [tilespmem:v27+s20+$0x0], $0xffff;
	[tilespmem:s1+$0xFFFFF000] =	vst v26  }
0x5b6: {  	s3 =	simm.s32 $0xC;
	p1 =	por $0x1, $0x1;
	s2 =	smov.u32 s12;
	v15 =	vmov v27;
	v29 =	vmov v20;
	[tilespmem:s12+$0x1980] =	vst v22;
	v22 =	vmov v21;
	v33 =	vld.idx.msk [tilespmem:v20+s23+$0x0], $0xffff  }
.LBB2_25:
0x5b7: {  	p2 =	slt.u32 s3, $0xC;
	v26 =	vadd.s32 s5, v14;
	[tilespmem:s1+$0xFFFFF980] =	vst v32;
	v32 =	vld.idx.msk [tilespmem:v18+s28+$0x0], $0xffff;
	v18 =	vmov v25  }
0x5b8: {  	s5 =	sadd.s32 $0x2, s0;
	s0 =	smov.u32 s3;
	[tilespmem:s1+$0xFFFFF880] =	vst v31;
	v31 =	vld.idx.msk [tilespmem:v24+s24+$0x0], $0xffff  }
0x5b9: {  	v25 =	vadd.s32 s5, v14;
	v36 =	vld.idx.msk [tilespmem:v21+s24+$0x0], $0xffff;
	[tilespmem:s1+$0xFFFFF900] =	vst v30;
	v21 =	vmov v27  }
0x5ba: {  	v27 =	vld.idx.msk [tilespmem:v28+s24+$0x0], $0xffff;
	[tilespmem:s2+$0x1000] =	vst v34;
	v28 =	vmov v25  }
0x5bb: {  	[tilespmem:s1+$0xFFFFF800] =	vst v33;
	v30 =	vld.idx.msk [tilespmem:v16+s28+$0x0], $0xffff;
	v16 =	vmov v20;
	v20 =	vmov v17  }
0x5bc: {  	v33 =	vld.idx.msk [tilespmem:v26+s20+$0x0], $0xffff;
	[tilespmem:s2+$0x1880] =	vst v35  }
0x5bd: {  	v34 =	vld.idx.msk [tilespmem:v29+s24+$0x0], $0xffff;
	[tilespmem:s2+$0x1900] =	vst v32;
	v29 =	vmov v17;
	v17 =	vadd.s32 s3, v14  }
0x5be: {  	v32 =	vld.idx.msk [tilespmem:v25+s20+$0x0], $0xffff;
	[tilespmem:s1+$0x180] =	vst v31  }
0x5bf: {  	[tilespmem:s1+$0x80] =	vst v36;
	v31 =	vld.idx.msk [tilespmem:v24+s25+$0x0], $0xffff  }
0x5c0: {  	v35 =	vld.idx.msk [tilespmem:v22+s25+$0x0], $0xffff;
	[tilespmem:s1+$0x100] =	vst v27  }
0x5c1: {  	v27 =	vld.idx.msk [tilespmem:v18+s25+$0x0], $0xffff;
	[tilespmem:s2+$0x1800] =	vst v30;
	s2 =	smov.u32 s1;
	s1 =	sadd.s32 $0x200, s1  }
0x5c2: {  	v30 =	vld.idx.msk [tilespmem:v17+s20+$0x0], $0xffff;
	[tilespmem:s1+$0xFFFFE180] =	vst v33  }
0x5c3: {  	[tilespmem:s1+$0xFFFFE080] =	vst v23;
	v23 =	vld.idx.msk [tilespmem:v26+s21+$0x0], $0xffff  }
0x5c4: {  	v33 =	vld.idx.msk [tilespmem:v15+s21+$0x0], $0xffff;
	[tilespmem:s1+$0xFFFFE100] =	vst v32  }
0x5c5: {  	v32 =	vld.idx.msk [tilespmem:v25+s21+$0x0], $0xffff;
	[tilespmem:s2+$0x980] =	vst v31  }
0x5c6: {  	[tilespmem:s1+$0xFFFFE000] =	vst v19;
	v31 =	vld.idx.msk [tilespmem:v24+s26+$0x0], $0xffff  }
0x5c7: {  	v36 =	vld.idx.msk [tilespmem:v20+s21+$0x0], $0xffff;
	[tilespmem:s2+$0x0] =	vst v34  }
0x5c8: {  	v19 =	vmov v30;
	v34 =	vld.idx.msk [tilespmem:v16+s25+$0x0], $0xffff;
	[tilespmem:s2+$0x880] =	vst v35  }
0x5c9: {  	[tilespmem:s1+$0xFFFFE980] =	vst v23;
	v35 =	vld.idx.msk [tilespmem:v22+s26+$0x0], $0xffff  }
0x5ca: {  	[tilespmem:s1+$0xFFFFE880] =	vst v33;
	v23 =	vld.idx.msk [tilespmem:v26+s22+$0x0], $0xffff  }
0x5cb: {  	v30 =	vld.idx.msk [tilespmem:v15+s22+$0x0], $0xffff;
	[tilespmem:s1+$0xFFFFE900] =	vst v32  }
0x5cc: {  	v33 =	vld.idx.msk [tilespmem:v25+s22+$0x0], $0xffff;
	[tilespmem:s2+$0x1180] =	vst v31  }
0x5cd: {  	[tilespmem:s1+$0xFFFFE800] =	vst v36;
	v36 =	vld.idx.msk [tilespmem:v24+s28+$0x0], $0xffff;
	v24 =	vmov v26  }
0x5ce: {  	s5 =	sadd.s32 $0x1, s3;
	v37 =	vld.idx.msk [tilespmem:v20+s22+$0x0], $0xffff;
	[tilespmem:s2+$0x900] =	vst v27  }
0x5cf: {  	v27 =	vadd.s32 s5, v14;
	[tilespmem:s2+$0x800] =	vst v34;
	v38 =	vld.idx.msk [tilespmem:v18+s26+$0x0], $0xffff  }
0x5d0: {  	[tilespmem:s1+$0xFFFFF180] =	vst v23;
	v34 =	vld.idx.msk [tilespmem:v16+s26+$0x0], $0xffff  }
0x5d1: {  	[tilespmem:s1+$0xFFFFF080] =	vst v30;
	v32 =	vld.idx.msk [tilespmem:v26+s23+$0x0], $0xffff  }
.Ltmp19:
0x5d2: {  	v31 =	vld.idx.msk [tilespmem:v15+s23+$0x0], $0xffff;
	[tilespmem:s1+$0xFFFFF100] =	vst v33;
	(pc) =	sbr.rel @p2 .LBB2_25-.Ltmp19, $4  }
0x5d3: {  	v30 =	vld.idx.msk [tilespmem:v25+s23+$0x0], $0xffff;
	[tilespmem:s2+$0x1980] =	vst v36  }
0x5d4: {  	v23 =	vld.idx.msk [tilespmem:v27+s20+$0x0], $0xffff;
	[tilespmem:s1+$0xFFFFF000] =	vst v37  }
0x5d5: {  	v33 =	vld.idx.msk [tilespmem:v20+s23+$0x0], $0xffff;
	[tilespmem:s2+$0x1080] =	vst v35  }
0x5d6: {  	s3 =	sadd.s32 $0x4, s3;
	s5 =	sadd.s32 $0x3, s0;
	v35 =	vld.idx.msk [tilespmem:v22+s28+$0x0], $0xffff;
	[tilespmem:s2+$0x1100] =	vst v38;
	v22 =	vmov v15;
	v15 =	vmov v27  }
0x5d7: {  	v37 =	vmov v18  }
0x5d8: {  	v38 =	vmovc v16;
	v18 =	vmovc v25;
	v26 =	vmov v24;
	v24 =	vmov v21;
	v16 =	vmov v20  }
.LBB2_27:
0x5d9: {  	_ =	sdelay $0x2  }
0x5da: {  	[tilespmem:s1+$0xFFFFF980] =	vst @p0 v32  }
0x5db: {  	v21 =	vld.idx.msk @p1 [tilespmem:v37+s28+$0x0], $0xffff;
	s0 =	sadd.s32 $0x2, s0;
	[tilespmem:s1+$0xFFFFF880] =	vst @p0 v31  }
0x5dc: {  	v20 =	vadd.s32 s5, v14;
	[tilespmem:s1+$0xFFFFF900] =	vst @p0 v30;
	s3 =	sadd.s32 @p0 $0x200, s1;
	v25 =	vld.idx.msk @p0 [tilespmem:v26+s24+$0x0], $0xffff;
	v55 =	vadd.s32 s0, v14;
	s0 =	smov.u32 s12  }
0x5dd: {  	[tilespmem:s2+$0x1000] =	vst @p1 v34;
	v24 =	vld.idx.msk @p0 [tilespmem:v24+s24+$0x0], $0xffff;
	s0 =	smov.u32 @p0 s3  }
0x5de: {  	v28 =	vld.idx.msk @p0 [tilespmem:v28+s24+$0x0], $0xffff;
	[tilespmem:s0+$0xFFFFE080] =	vst v23  }
0x5df: {  	[tilespmem:s0+$0xFFFFE000] =	vst v19;
	v59 =	vld.idx.msk [tilespmem:v15+s21+$0x0], $0xffff  }
0x5e0: {  	[tilespmem:s1+$0xFFFFF800] =	vst @p0 v33;
	v19 =	vld.idx.msk [tilespmem:v17+s21+$0x0], $0xffff  }
0x5e1: {  	v56 =	vld.idx.msk [tilespmem:v20+s20+$0x0], $0xffff;
	[tilespmem:s2+$0x1900] =	vst @p1 v21  }
0x5e2: {  	v57 =	vld.idx.msk [tilespmem:v55+s20+$0x0], $0xffff;
	[tilespmem:s1+$0x180] =	vst @p0 v25  }
0x5e3: {  	v25 =	vld.idx.msk @p1 [tilespmem:v38+s28+$0x0], $0xffff;
	[tilespmem:s1+$0x80] =	vst @p0 v24  }
0x5e4: {  	v24 =	vld.idx.msk @p0 [tilespmem:v29+s24+$0x0], $0xffff;
	[tilespmem:s1+$0x100] =	vst @p0 v28  }
0x5e5: {  	v28 =	vld.idx.msk @p0 [tilespmem:v26+s25+$0x0], $0xffff;
	[tilespmem:s0+$0xFFFFE880] =	vst v59  }
0x5e6: {  	[tilespmem:s0+$0xFFFFE180] =	vst v56;
	v29 =	vld.idx.msk [tilespmem:v15+s22+$0x0], $0xffff  }
0x5e7: {  	v58 =	vld.idx.msk [tilespmem:v20+s21+$0x0], $0xffff;
	[tilespmem:s0+$0xFFFFE100] =	vst v57  }
0x5e8: {  	[tilespmem:s0+$0xFFFFE800] =	vst v19;
	v21 =	vld.idx.msk [tilespmem:v55+s21+$0x0], $0xffff  }
0x5e9: {  	v19 =	vld.idx.msk [tilespmem:v17+s22+$0x0], $0xffff;
	[tilespmem:s2+$0x1800] =	vst @p1 v25  }
0x5ea: {  	v25 =	vld.idx.msk @p0 [tilespmem:v22+s25+$0x0], $0xffff;
	[tilespmem:s1+$0x0] =	vst @p0 v24  }
0x5eb: {  	[tilespmem:s1+$0x980] =	vst @p0 v28;
	v28 =	vld.idx.msk @p0 [tilespmem:v18+s25+$0x0], $0xffff  }
0x5ec: {  	v24 =	vld.idx.msk @p0 [tilespmem:v26+s26+$0x0], $0xffff;
	[tilespmem:s0+$0xFFFFE980] =	vst v58  }
0x5ed: {  	v23 =	vld.idx.msk [tilespmem:v20+s22+$0x0], $0xffff;
	[tilespmem:s0+$0xFFFFE900] =	vst v21  }
0x5ee: {  	[tilespmem:s0+$0xFFFFF080] =	vst v29;
	v21 =	vld.idx.msk [tilespmem:v55+s22+$0x0], $0xffff  }
0x5ef: {  	[tilespmem:s1+$0x880] =	vst @p0 v25;
	v25 =	vld.idx.msk @p0 [tilespmem:v16+s25+$0x0], $0xffff  }
0x5f0: {  	[tilespmem:s0+$0xFFFFF000] =	vst v19;
	v29 =	vld.idx.msk [tilespmem:v15+s23+$0x0], $0xffff  }
0x5f1: {  	v19 =	vld.idx.msk [tilespmem:v17+s23+$0x0], $0xffff;
	[tilespmem:s1+$0x1180] =	vst @p0 v24  }
0x5f2: {  	v24 =	vld.idx.msk @p0 [tilespmem:v22+s26+$0x0], $0xffff;
	[tilespmem:s0+$0xFFFFF180] =	vst v23  }
0x5f3: {  	v23 =	vld.idx.msk [tilespmem:v20+s23+$0x0], $0xffff;
	[tilespmem:s0+$0xFFFFF100] =	vst v21  }
0x5f4: {  	[tilespmem:s1+$0x900] =	vst @p0 v28;
	v21 =	vld.idx.msk [tilespmem:v55+s23+$0x0], $0xffff  }
0x5f5: {  	v26 =	vld.idx.msk @p0 [tilespmem:v26+s28+$0x0], $0xffff;
	[tilespmem:s0+$0xFFFFF880] =	vst v29  }
0x5f6: {  	[tilespmem:s1+$0x800] =	vst @p0 v25;
	v25 =	vld.idx.msk @p0 [tilespmem:v18+s26+$0x0], $0xffff  }
0x5f7: {  	[tilespmem:s0+$0xFFFFF800] =	vst v19;
	v27 =	vld.idx.msk [tilespmem:v27+s24+$0x0], $0xffff  }
0x5f8: {  	v19 =	vld.idx.msk [tilespmem:v17+s24+$0x0], $0xffff;
	[tilespmem:s0+$0xFFFFF980] =	vst v23  }
0x5f9: {  	v23 =	vld.idx.msk [tilespmem:v20+s24+$0x0], $0xffff;
	[tilespmem:s0+$0xFFFFF900] =	vst v21  }
0x5fa: {  	[tilespmem:s1+$0x1080] =	vst @p0 v24;
	v21 =	vld.idx.msk [tilespmem:v55+s24+$0x0], $0xffff  }
0x5fb: {  	[tilespmem:s1+$0x1980] =	vst @p0 v26;
	v22 =	vld.idx.msk @p0 [tilespmem:v22+s28+$0x0], $0xffff  }
0x5fc: {  	v26 =	vld.idx.msk @p0 [tilespmem:v16+s26+$0x0], $0xffff;
	[tilespmem:s0+$0x80] =	vst v27  }
0x5fd: {  	v18 =	vpsel p0, v18, v0;
	[tilespmem:s0+$0x0] =	vst v19;
	v27 =	vld.idx.msk [tilespmem:v15+s25+$0x0], $0xffff  }
0x5fe: {  	v19 =	vld.idx.msk [tilespmem:v17+s25+$0x0], $0xffff;
	[tilespmem:s0+$0x180] =	vst v23  }
0x5ff: {  	v23 =	vld.idx.msk [tilespmem:v20+s25+$0x0], $0xffff;
	[tilespmem:s0+$0x100] =	vst v21  }
0x600: {  	[tilespmem:s1+$0x1100] =	vst @p0 v25;
	s1 =	smov.u32 @p0 s1;
	v22 =	vpsel p0, v22, v0;
	v21 =	vld.idx.msk [tilespmem:v55+s25+$0x0], $0xffff  }
0x601: {  	[tilespmem:s1+$0x1880] =	vst @p0 v22  }
0x602: {  	v16 =	vpsel p0, v16, v0;
	v18 =	vld.idx.msk @p0 [tilespmem:v18+s28+$0x0], $0xffff;
	[tilespmem:s0+$0x880] =	vst v27  }
0x603: {  	[tilespmem:s0+$0x800] =	vst v19;
	v60 =	vld.idx.msk [tilespmem:v15+s26+$0x0], $0xffff  }
0x604: {  	v62 =	vld.idx.msk [tilespmem:v17+s26+$0x0], $0xffff;
	[tilespmem:s0+$0x980] =	vst v23  }
0x605: {  	v23 =	vld.idx.msk [tilespmem:v20+s26+$0x0], $0xffff;
	[tilespmem:s0+$0x900] =	vst v21;
	v21 =	vpsel p0, v26, v0  }
0x606: {  	v61 =	vld.idx.msk [tilespmem:v55+s26+$0x0], $0xffff;
	[tilespmem:s1+$0x1000] =	vst @p0 v21  }
0x607: {  	[tilespmem:s1+$0x1900] =	vst @p0 v18;
	v16 =	vld.idx.msk @p0 [tilespmem:v16+s28+$0x0], $0xffff  }
0x608: {  	[tilespmem:s0+$0x1080] =	vst v60  }
0x609: {  	[tilespmem:s0+$0x1000] =	vst v62;
	v15 =	vld.idx.msk [tilespmem:v15+s28+$0x0], $0xffff  }
0x60a: {  	v63 =	vld.idx.msk [tilespmem:v17+s28+$0x0], $0xffff;
	[tilespmem:s0+$0x1180] =	vst v23  }
0x60b: {  	s9 =	sadd.s32 $0x1, s9;
	v20 =	vld.idx.msk [tilespmem:v20+s28+$0x0], $0xffff;
	[tilespmem:s0+$0x1100] =	vst v61  }
0x60c: {  	v19 =	vld.idx.msk [tilespmem:v55+s28+$0x0], $0xffff;
	[tilespmem:s1+$0x1800] =	vst @p0 v16;
	p0 =	sne.s32 s9, $0x8  }
.Ltmp20:
0x60d: {  	[tilespmem:s2+$0x1880] =	vst @p1 v35;
	(pc) =	sbr.rel @p0 .LBB2_17-.Ltmp20, $4  }
.Ltmp21:
0x60e: {  	[tilespmem:s0+$0x1880] =	vst v15;
	(pc) =	sbr.rel @!p0 .LBB2_28-.Ltmp21, $4  }
0x60f: {  	[tilespmem:s0+$0x1800] =	vst v63  }
0x610: {  	[tilespmem:s0+$0x1980] =	vst v20  }
0x611: {  	s11 =	sadd.s32 $0x800, s11;
	s4 =	sadd.s32 $0x800, s4;
	s12 =	sadd.s32 $0x10, s12;
	[tilespmem:s0+$0x1900] =	vst v19  }
0x612: {  	_ = 	snop  }
.LBB2_20:
.Ltmp22:
0x613: {  	(pc) =	sbr.rel .LBB2_27-.Ltmp22, $2  }
0x614: {  	_ =	sdelay $0x2  }
0x615: {  	s1 =	smov.u32 s12;
	v27 =	vmov v15;
	v17 =	vmov v16  }
.LBB2_22:
.Ltmp23:
0x616: {  	(pc) =	sbr.rel .LBB2_27-.Ltmp23, $3  }
0x617: {  	_ =	sdelay $0x1  }
0x618: {  	v24 =	vmov v15;
	v22 =	vmov v15;
	v27 =	vmov v21  }
0x619: {  	s1 =	smov.u32 s12;
	s0 =	simm.s32 $0x4;
	v28 =	vmovc v18;
	v17 =	vmovc v20;
	v29 =	vmov v16;
	v15 =	vmov v21;
	v19 =	vmov v36  }
.LBB2_24:
.Ltmp24:
0x61a: {  	(pc) =	sbr.rel .LBB2_27-.Ltmp24, $3  }
0x61b: {  	_ =	sdelay $0x1  }
0x61c: {  	v37 =	vmovc v18;
	v38 =	vmovc v16;
	v18 =	vmov v25;
	v26 =	vmov v24;
	v24 =	vmov v21  }
0x61d: {  	v28 =	vmovc v25;
	s2 =	smov.u32 s12;
	v16 =	vmovc v20;
	v29 =	vmov v20;
	v22 =	vmov v21;
	v15 =	vmov v27  }
.LBB2_30:
0x61e: {  	_ =	sfence.sel $0x180000  }
0x61f: {  	[bflag:$0x0] =	sbarrier.arrive $0xFFFF  }
0x620: {  	_ =	strace $0x90000047  }
0x621: {  	s0 =	stileid.u32;
	[bflag:$0x2] =	sbarrier.arrive $0xFFFF  }
0x622: {  	p0 =	sne.s32 s0, $0x0;
	s0 =	rddreg [dreg:$0x4]  }
0x623: {  	s0 =	sadd.s32 @!p0 $0x100000, s0  }
0x624: {  	[sflag:s0] =	ssyncadd.tile.s32 @!p0 $0x1;
	_ =	shalt  }
.Lfunc_end2:
_tile_overlayer_lowered:
.L_overlay_start_2:
0x625: {  	(tag) =	ssettag $0x2  }
0x626: {  	s0 =	rddreg [dreg:$0x0];
	s2 =	stileid.u32  }
0x627: {  	s1 =	rddreg [dreg:$0x1];
	p0 =	sne.s32 s2, $0x0  }
0x628: {  	s3 =	rddreg [dreg:$0x2];
	[bflag:$0x3] =	sbarrier.arrive $0xFFFF;
	s2 =	simm.s32 @!p0 $0x1C04  }
0x629: {  	[timem:s3], [sflag:s2] =	dma.local @!p0 [hbm:s0], s1  }
0x62a: {  	s0 =	simm.s32 @!p0 $0x4  }
0x62b: {  	_ =	swait.ge @!p0 [sflag:s0], s1  }
0x62c: {  	s1 =	ssub.s32 @!p0 $0x0, s1;
	[sflag:s0] =	ssyncset.done @!p0 $0x0  }
0x62d: {  	[sflag:s0] =	ssyncadd.s32 @!p0 s1  }
0x62e: {  	[bflag:$0x3] =	sbarrier.arrive $0xFFFF  }
0x62f: {  	_ =	shalt  }

</sc_bundles>
